<compile_context>
chip_gen: v7x
topology: tpu7x:2x2x1
jax: 0.10.2.dev20260603
libtpu: 0.0.44.dev20260713+nightly
codegen_flags: <defaults>
</compile_context>

<pallas_src>
import functools

import jax
import jax.numpy as jnp
from jax import lax
from jax.experimental import pallas as pl
from jax.experimental.pallas import tpu as pltpu
from jax.experimental.pallas import tpu_sc as plsc

N = 10000
E = 320000
ALPHA = 0.1
D = 128

N_TILES = 16
ROWS_PER_TILE = 640
N_PAD = N_TILES * ROWS_PER_TILE
DUMMY = N
CHUNK = 128
CHUNKS_PER_TILE = 80
E_PAD = 2 * N_TILES * CHUNKS_PER_TILE * CHUNK
ROW_CHUNKS = ROWS_PER_TILE // CHUNK

_MESH = plsc.VectorSubcoreMesh(core_axis_name="c", subcore_axis_name="s")



DEG_CHUNKS = 157
E_PAD_DEG = N_TILES * DEG_CHUNKS * CHUNK


@functools.partial(
    pl.kernel,
    out_type=jax.ShapeDtypeStruct((2, N_PAD, 16), jnp.float32),
    mesh=_MESH,
    scratch_types=[
        pltpu.VMEM((CHUNK,), jnp.int32),
        pltpu.VMEM((CHUNK,), jnp.int32),
        pltpu.VMEM((CHUNK, 16), jnp.float32),
        pltpu.VMEM((CHUNK, 16), jnp.float32),
        pltpu.VMEM_SHARED((N_PAD, 16), jnp.float32),
    ],
    compiler_params=pltpu.CompilerParams(use_tc_tiling_on_sc=False),
)
def _sc_degrees(ei_flat, iota_flat, ones_h, out, idx_c, iot_c, ones_v, zbuf_v,
                deg_sh):
    c = lax.axis_index("c")
    s = lax.axis_index("s")
    pltpu.sync_copy(ones_h.at[0], ones_v)
    pltpu.sync_copy(ones_h.at[1], zbuf_v)

    row0 = s * ROWS_PER_TILE
    for k in range(ROW_CHUNKS):
        pltpu.sync_copy(iota_flat.at[pl.ds(row0 + k * CHUNK, CHUNK)], iot_c)
        pltpu.sync_copy(zbuf_v, deg_sh.at[iot_c])
    plsc.subcore_barrier()

    base = (c * N_TILES + s) * (DEG_CHUNKS * CHUNK)

    def body(j, _):
        pltpu.sync_copy(ei_flat.at[pl.ds(base + j * CHUNK, CHUNK)], idx_c)
        pltpu.sync_copy(ones_v, deg_sh.at[idx_c], add=True)
        return 0
    lax.fori_loop(0, DEG_CHUNKS, body, 0)
    plsc.subcore_barrier()

    for k in range(ROW_CHUNKS):
        pltpu.sync_copy(iota_flat.at[pl.ds(row0 + k * CHUNK, CHUNK)], iot_c)
        pltpu.sync_copy(deg_sh.at[iot_c], zbuf_v)
        pltpu.sync_copy(zbuf_v, out.at[c, pl.ds(row0 + k * CHUNK, CHUNK)])



@functools.partial(
    pl.kernel,
    out_type=jax.ShapeDtypeStruct((2, N_PAD, D), jnp.float32),
    mesh=_MESH,
    scratch_types=[
        pltpu.VMEM((CHUNK,), jnp.int32),
        pltpu.VMEM((CHUNK,), jnp.int32),
        pltpu.VMEM((CHUNK,), jnp.int32),
        pltpu.VMEM((CHUNK,), jnp.int32),
        pltpu.VMEM((CHUNK,), jnp.int32),
        pltpu.VMEM((CHUNK, D), jnp.float32),
        pltpu.VMEM((CHUNK, D), jnp.float32),
        pltpu.SemaphoreType.DMA,
        pltpu.SemaphoreType.DMA,
        pltpu.VMEM_SHARED((N_PAD, D), jnp.float32),
    ],
    compiler_params=pltpu.CompilerParams(use_tc_tiling_on_sc=False),
)
def _sc_edge_pass(w_hbm, src_flat, dst_flat, iota_flat, zeros_h, out,
                  idx_s0, idx_s1, idx_d0, idx_d1, iot_c, rows0, rows1,
                  sem0, sem1, acc_sh):
    c = lax.axis_index("c")
    s = lax.axis_index("s")
    pltpu.sync_copy(zeros_h, rows0)

    row0 = s * ROWS_PER_TILE
    for k in range(ROW_CHUNKS):
        pltpu.sync_copy(iota_flat.at[pl.ds(row0 + k * CHUNK, CHUNK)], iot_c)
        pltpu.sync_copy(rows0, acc_sh.at[iot_c])
    plsc.subcore_barrier()

    base = (c * N_TILES + s) * (CHUNKS_PER_TILE * CHUNK)

    pltpu.sync_copy(src_flat.at[pl.ds(base, CHUNK)], idx_s0)
    pltpu.sync_copy(dst_flat.at[pl.ds(base, CHUNK)], idx_d0)
    pltpu.async_copy(w_hbm.at[idx_s0], rows0, sem0)

    def body(t, _):
        off1 = base + (2 * t + 1) * CHUNK
        pltpu.sync_copy(src_flat.at[pl.ds(off1, CHUNK)], idx_s1)
        pltpu.sync_copy(dst_flat.at[pl.ds(off1, CHUNK)], idx_d1)
        pltpu.async_copy(w_hbm.at[idx_s1], rows1, sem1)

        pltpu.make_async_copy(w_hbm.at[idx_s0], rows0, sem0).wait()
        pltpu.sync_copy(rows0, acc_sh.at[idx_d0], add=True)

        @pl.when(t < CHUNKS_PER_TILE // 2 - 1)
        def _prefetch():
            off2 = base + (2 * t + 2) * CHUNK
            pltpu.sync_copy(src_flat.at[pl.ds(off2, CHUNK)], idx_s0)
            pltpu.sync_copy(dst_flat.at[pl.ds(off2, CHUNK)], idx_d0)
            pltpu.async_copy(w_hbm.at[idx_s0], rows0, sem0)

        pltpu.make_async_copy(w_hbm.at[idx_s1], rows1, sem1).wait()
        pltpu.sync_copy(rows1, acc_sh.at[idx_d1], add=True)
        return 0
    lax.fori_loop(0, CHUNKS_PER_TILE // 2, body, 0)
    plsc.subcore_barrier()

    for k in range(ROW_CHUNKS):
        pltpu.sync_copy(iota_flat.at[pl.ds(row0 + k * CHUNK, CHUNK)], iot_c)
        pltpu.sync_copy(acc_sh.at[iot_c], rows0)
        pltpu.sync_copy(rows0, out.at[c, pl.ds(row0 + k * CHUNK, CHUNK)])


_TC_GRID = 8
_TC_BLK = N_PAD // _TC_GRID


def _tc_init_body(x_ref, wc_ref, g0_ref, dego_ref, out_ref):
    dof = lax.rsqrt(jnp.maximum(dego_ref[...], 1.0))
    h = jnp.dot(x_ref[...], wc_ref[...],
                preferred_element_type=jnp.float32) + g0_ref[...]
    out_ref[...] = dof * h


def _tc_init(x_pad, wc, g0, deg_out):
    return pl.pallas_call(
        _tc_init_body,
        grid=(_TC_GRID,),
        in_specs=[
            pl.BlockSpec((_TC_BLK, D), lambda i: (i, 0)),
            pl.BlockSpec((D, D), lambda i: (0, 0)),
            pl.BlockSpec((1, D), lambda i: (0, 0)),
            pl.BlockSpec((_TC_BLK, 1), lambda i: (i, 0)),
        ],
        out_specs=pl.BlockSpec((_TC_BLK, D), lambda i: (i, 0)),
        out_shape=jax.ShapeDtypeStruct((N_PAD, D), jnp.float32),
    )(x_pad, wc, g0, deg_out)


def _tc_combine_body(w_ref, acc_ref, g_ref, dego_ref, degi_ref, out_ref, *,
                     final):
    dego = jnp.maximum(dego_ref[...], 1.0)
    dof = lax.rsqrt(dego)
    q = (1.0 - ALPHA) * dof * lax.rsqrt(jnp.maximum(degi_ref[...], 1.0))
    agg = acc_ref[0] + acc_ref[1]
    n = ALPHA * w_ref[...] + q * agg + dof * g_ref[...]
    if final:
        n = jnp.sqrt(dego) * n
    out_ref[...] = n


def _tc_combine(w, acc, g, deg_out, deg_in, final):
    return pl.pallas_call(
        functools.partial(_tc_combine_body, final=final),
        grid=(_TC_GRID,),
        in_specs=[
            pl.BlockSpec((_TC_BLK, D), lambda i: (i, 0)),
            pl.BlockSpec((2, _TC_BLK, D), lambda i: (0, i, 0)),
            pl.BlockSpec((1, D), lambda i: (0, 0)),
            pl.BlockSpec((_TC_BLK, 1), lambda i: (i, 0)),
            pl.BlockSpec((_TC_BLK, 1), lambda i: (i, 0)),
        ],
        out_specs=pl.BlockSpec((_TC_BLK, D), lambda i: (i, 0)),
        out_shape=jax.ShapeDtypeStruct((N_PAD, D), jnp.float32),
    )(w, acc, g, deg_out, deg_in)



def kernel(x, edge_index, W1, b1, W2m, b2m, W2s, b2s, Wm, bm, Ws, bs):
    x = x.astype(jnp.float32)

    wc = jnp.concatenate([W1 @ W2m @ Wm, W1 @ W2s @ Ws], axis=1)
    g0 = jnp.concatenate([b1 @ W2m @ Wm, b1 @ W2s @ Ws])[None, :]
    g1 = jnp.concatenate([b2m @ Wm, b2s @ Ws])[None, :]
    g2 = jnp.concatenate([bm, bs])[None, :]
    gz = jnp.zeros((1, D), jnp.float32)

    src = edge_index[0]
    dst = edge_index[1]

    padd = E_PAD_DEG - E
    srcd = jnp.concatenate([src, jnp.full((padd,), DUMMY, jnp.int32)])
    dstd = jnp.concatenate([dst, jnp.full((padd,), DUMMY, jnp.int32)])
    ei_flat = jnp.concatenate([dstd, srcd])

    pade = E_PAD - E
    src_flat = jnp.concatenate([src, jnp.full((pade,), DUMMY, jnp.int32)])
    dst_flat = jnp.concatenate([dst, jnp.full((pade,), DUMMY, jnp.int32)])

    iota_flat = jnp.arange(N_PAD, dtype=jnp.int32)
    ones_h = jnp.stack([jnp.ones((CHUNK, 16), jnp.float32),
                        jnp.zeros((CHUNK, 16), jnp.float32)])
    zeros_h = jnp.zeros((CHUNK, D), jnp.float32)

    deg = _sc_degrees(ei_flat, iota_flat, ones_h)
    deg_in = deg[0, :, 0:1]
    deg_out = deg[1, :, 0:1]

    x_pad = jnp.pad(x, ((0, N_PAD - N), (0, 0)))
    w = _tc_init(x_pad, wc, g0, deg_out)

    for g in (g1, g2):
        acc = _sc_edge_pass(w, src_flat, dst_flat, iota_flat, zeros_h)
        w = _tc_combine(w, acc, g, deg_out, deg_in, final=False)
    acc = _sc_edge_pass(w, src_flat, dst_flat, iota_flat, zeros_h)
    out = _tc_combine(w, acc, gz, deg_out, deg_in, final=True)

    return out[:N, :64], out[:N, 64:]

# --- scband reference (transcript-rebuilt; emitter-appended) ---
"""Pipeline reference for scband-hovariational-graph-encoder-78529182040288 (READ-ONLY COPY).

The authoritative reference and input builder live on the scoring server;
editing this copy changes nothing except your own understanding.
"""

import jax, jax.numpy as jnp
import numpy as np

N = 10000
E = 320000
D_IN = 128
ALPHA = 0.1


def _glorot(key, fan_in, fan_out):
    scale = jnp.sqrt(2.0 / (fan_in + fan_out))
    return jax.random.normal(key, (fan_in, fan_out), dtype=jnp.float32) * scale


def setup_inputs(seed: int = 0) -> dict:
    key = jax.random.key(seed)
    ks = jax.random.split(key, 12)
    x = jax.random.normal(ks[0], (N, D_IN), dtype=jnp.float32)
    edge_index = jax.random.randint(ks[1], (2, E), 0, N, dtype=jnp.int32)
    W1 = _glorot(ks[2], D_IN, 256)
    b1 = jnp.zeros((256,), dtype=jnp.float32)
    W2m = _glorot(ks[3], 256, 128)
    b2m = jnp.zeros((128,), dtype=jnp.float32)
    W2s = _glorot(ks[4], 256, 128)
    b2s = jnp.zeros((128,), dtype=jnp.float32)
    Wm = _glorot(ks[5], 128, 64)
    bm = jnp.zeros((64,), dtype=jnp.float32)
    Ws = _glorot(ks[6], 128, 64)
    bs = jnp.zeros((64,), dtype=jnp.float32)
    return {"x": x, "edge_index": edge_index, "W1": W1, "b1": b1,
            "W2m": W2m, "b2m": b2m, "W2s": W2s, "b2s": b2s,
            "Wm": Wm, "bm": bm, "Ws": Ws, "bs": bs}


def _edge_norm(edge_index):
    src = edge_index[0]
    dst = edge_index[1]
    ones = jnp.ones((src.shape[0],), dtype=jnp.float32)
    deg_out = jax.ops.segment_sum(ones, src, num_segments=N)
    deg_in = jax.ops.segment_sum(ones, dst, num_segments=N)
    d_src = jnp.maximum(deg_out[src], 1.0)
    d_dst = jnp.maximum(deg_in[dst], 1.0)
    return 1.0 / jnp.sqrt(d_src * d_dst)


def _ho_conv(x, W, b, edge_index, norm, alpha):
    # GCN-style transform + one random-walk-with-restart propagation step:
    # out = alpha * h + (1 - alpha) * A_norm @ h
    h = x @ W + b
    src = edge_index[0]
    dst = edge_index[1]
    msg = h[src] * norm[:, None]
    agg = jax.ops.segment_sum(msg, dst, num_segments=N)
    return alpha * h + (1.0 - alpha) * agg


def reference(x, edge_index, W1, b1, W2m, b2m, W2s, b2s, Wm, bm, Ws, bs):
    x = x.astype(jnp.float32)
    norm = _edge_norm(edge_index)
    h1 = _ho_conv(x, W1, b1, edge_index, norm, ALPHA)
    h2m = _ho_conv(h1, W2m, b2m, edge_index, norm, ALPHA)
    h2s = _ho_conv(h1, W2s, b2s, edge_index, norm, ALPHA)
    mean = _ho_conv(h2m, Wm, bm, edge_index, norm, ALPHA)
    logstd = _ho_conv(h2s, Ws, bs, edge_index, norm, ALPHA)
    return (mean, logstd)

if __name__ == "__main__":
    import jax
    _d = setup_inputs()
    print(jax.jit(kernel)(*tuple(_d.values())))

</pallas_src>

<mosaic_0001>
#map = affine_map<(d0, d1) -> (0, 0)>
#map1 = affine_map<(d0, d1) -> (0)>
#map2 = affine_map<(d0, d1) -> (0, 0, 0)>
module attributes {stable_mosaic.version = 14 : i64} {
  func.func @_sc_edge_pass(%arg0: i32, %arg1: i32, %arg2: memref<10240x128xf32, #tpu.memory_space<hbm>>, %arg3: memref<327680xi32, #tpu.memory_space<hbm>>, %arg4: memref<327680xi32, #tpu.memory_space<hbm>>, %arg5: memref<10240xi32, #tpu.memory_space<hbm>>, %arg6: memref<128x128xf32, #tpu.memory_space<hbm>>, %arg7: memref<2x10240x128xf32, #tpu.memory_space<hbm>>, %arg8: memref<128xi32, #tpu.memory_space<vmem>>, %arg9: memref<128xi32, #tpu.memory_space<vmem>>, %arg10: memref<128xi32, #tpu.memory_space<vmem>>, %arg11: memref<128xi32, #tpu.memory_space<vmem>>, %arg12: memref<128xi32, #tpu.memory_space<vmem>>, %arg13: memref<128x128xf32, #tpu.memory_space<vmem>>, %arg14: memref<128x128xf32, #tpu.memory_space<vmem>>, %arg15: memref<!tpu.dma_semaphore, #tpu.memory_space<semaphore_mem>>, %arg16: memref<!tpu.dma_semaphore, #tpu.memory_space<semaphore_mem>>, %arg17: memref<10240x128xf32, #tpu.memory_space<vmem_shared>>) attributes {dimension_semantics = [#tpu.dimension_semantics<core_parallel>, #tpu.dimension_semantics<subcore_parallel>], iteration_bounds = array<i64: 2, 16>, scalar_prefetch = 0 : i64, scratch_operands = 10 : i64, tpu.core_type = #tpu.core_type<sc_vector_subcore>, window_params = [{transform_indices = #map}, {transform_indices = #map1}, {transform_indices = #map1}, {transform_indices = #map1}, {transform_indices = #map}, {transform_indices = #map2}]} {
    "tpu.region"() ({
      %run_scoped3A = tpu.sem_alloc : memref<!tpu.dma_semaphore, #tpu.memory_space<semaphore_mem>>
      tpu.enqueue_dma source(%arg6 : memref<128x128xf32, #tpu.memory_space<hbm>>) target(%arg13 : memref<128x128xf32, #tpu.memory_space<vmem>>) target_semaphore(%run_scoped3A : memref<!tpu.dma_semaphore, #tpu.memory_space<semaphore_mem>>)
      tpu.wait_dma2 semaphore(%run_scoped3A : memref<!tpu.dma_semaphore, #tpu.memory_space<semaphore_mem>>) src(%arg6 : memref<128x128xf32, #tpu.memory_space<hbm>>) dst(%arg13 : memref<128x128xf32, #tpu.memory_space<vmem>>)
      tpu.yield
    }) : () -> ()
    %mul3A = arith.constant 640 : i32
    %mul3A_0 = arith.muli %arg1, %mul3A : i32
    %add3A = arith.constant 0 : i32
    %add3A_1 = arith.addi %mul3A_0, %add3A : i32
    "tpu.region"() ({
      %run_scoped3A = tpu.sem_alloc : memref<!tpu.dma_semaphore, #tpu.memory_space<semaphore_mem>>
      %dma_start3A_44 = tpu.memref_slice %arg5[%add3A_1] : memref<10240xi32, #tpu.memory_space<hbm>> -> memref<128xi32, #tpu.memory_space<hbm>>
      %dma_start3A_45 = tpu.memref_slice %arg5[%add3A_1] : memref<10240xi32, #tpu.memory_space<hbm>> -> memref<128xi32, #tpu.memory_space<hbm>>
      tpu.enqueue_dma source(%dma_start3A_45 : memref<128xi32, #tpu.memory_space<hbm>>) target(%arg12 : memref<128xi32, #tpu.memory_space<vmem>>) target_semaphore(%run_scoped3A : memref<!tpu.dma_semaphore, #tpu.memory_space<semaphore_mem>>)
      %dma_wait3A = tpu.memref_slice %arg5[%add3A_1] : memref<10240xi32, #tpu.memory_space<hbm>> -> memref<128xi32, #tpu.memory_space<hbm>>
      %dma_wait3A_46 = tpu.memref_slice %arg5[%add3A_1] : memref<10240xi32, #tpu.memory_space<hbm>> -> memref<128xi32, #tpu.memory_space<hbm>>
      tpu.wait_dma2 semaphore(%run_scoped3A : memref<!tpu.dma_semaphore, #tpu.memory_space<semaphore_mem>>) src(%dma_wait3A_46 : memref<128xi32, #tpu.memory_space<hbm>>) dst(%arg12 : memref<128xi32, #tpu.memory_space<vmem>>)
      tpu.yield
    }) : () -> ()
    "tpu.region"() ({
      %run_scoped3A = tpu.sem_alloc : memref<!tpu.dma_semaphore, #tpu.memory_space<semaphore_mem>>
      %dma_start3A_44 = arith.constant 0 : i32
      %dma_start3A_45 = arith.constant 0 : i32
      %dma_start3A_46 = tpu.memref_slice %arg17[%dma_start3A_44, %dma_start3A_45] : memref<10240x128xf32, #tpu.memory_space<vmem_shared>> -> memref<10240x128xf32, #tpu.memory_space<vmem_shared>>
      tpu.enqueue_indirect_dma source(%arg13 : memref<128x128xf32, #tpu.memory_space<vmem>>) target(%dma_start3A_46 : memref<10240x128xf32, #tpu.memory_space<vmem_shared>>) offsets(%arg12 : memref<128xi32, #tpu.memory_space<vmem>>) semaphore(%run_scoped3A : memref<!tpu.dma_semaphore, #tpu.memory_space<semaphore_mem>>)
      %dma_wait3A = arith.constant 0 : i32
      %dma_wait3A_47 = arith.constant 0 : i32
      %dma_wait3A_48 = tpu.memref_slice %arg17[%dma_wait3A, %dma_wait3A_47] : memref<10240x128xf32, #tpu.memory_space<vmem_shared>> -> memref<10240x128xf32, #tpu.memory_space<vmem_shared>>
      tpu.wait_indirect_dma semaphore(%run_scoped3A : memref<!tpu.dma_semaphore, #tpu.memory_space<semaphore_mem>>) src(%arg13 : memref<128x128xf32, #tpu.memory_space<vmem>>) dst(%dma_wait3A_48 : memref<10240x128xf32, #tpu.memory_space<vmem_shared>>)
      tpu.yield
    }) : () -> ()
    %add3A_2 = arith.constant 128 : i32
    %add3A_3 = arith.addi %mul3A_0, %add3A_2 : i32
    "tpu.region"() ({
      %run_scoped3A = tpu.sem_alloc : memref<!tpu.dma_semaphore, #tpu.memory_space<semaphore_mem>>
      %dma_start3A_44 = tpu.memref_slice %arg5[%add3A_3] : memref<10240xi32, #tpu.memory_space<hbm>> -> memref<128xi32, #tpu.memory_space<hbm>>
      %dma_start3A_45 = tpu.memref_slice %arg5[%add3A_3] : memref<10240xi32, #tpu.memory_space<hbm>> -> memref<128xi32, #tpu.memory_space<hbm>>
      tpu.enqueue_dma source(%dma_start3A_45 : memref<128xi32, #tpu.memory_space<hbm>>) target(%arg12 : memref<128xi32, #tpu.memory_space<vmem>>) target_semaphore(%run_scoped3A : memref<!tpu.dma_semaphore, #tpu.memory_space<semaphore_mem>>)
      %dma_wait3A = tpu.memref_slice %arg5[%add3A_3] : memref<10240xi32, #tpu.memory_space<hbm>> -> memref<128xi32, #tpu.memory_space<hbm>>
      %dma_wait3A_46 = tpu.memref_slice %arg5[%add3A_3] : memref<10240xi32, #tpu.memory_space<hbm>> -> memref<128xi32, #tpu.memory_space<hbm>>
      tpu.wait_dma2 semaphore(%run_scoped3A : memref<!tpu.dma_semaphore, #tpu.memory_space<semaphore_mem>>) src(%dma_wait3A_46 : memref<128xi32, #tpu.memory_space<hbm>>) dst(%arg12 : memref<128xi32, #tpu.memory_space<vmem>>)
      tpu.yield
    }) : () -> ()
    "tpu.region"() ({
      %run_scoped3A = tpu.sem_alloc : memref<!tpu.dma_semaphore, #tpu.memory_space<semaphore_mem>>
      %dma_start3A_44 = arith.constant 0 : i32
      %dma_start3A_45 = arith.constant 0 : i32
      %dma_start3A_46 = tpu.memref_slice %arg17[%dma_start3A_44, %dma_start3A_45] : memref<10240x128xf32, #tpu.memory_space<vmem_shared>> -> memref<10240x128xf32, #tpu.memory_space<vmem_shared>>
      tpu.enqueue_indirect_dma source(%arg13 : memref<128x128xf32, #tpu.memory_space<vmem>>) target(%dma_start3A_46 : memref<10240x128xf32, #tpu.memory_space<vmem_shared>>) offsets(%arg12 : memref<128xi32, #tpu.memory_space<vmem>>) semaphore(%run_scoped3A : memref<!tpu.dma_semaphore, #tpu.memory_space<semaphore_mem>>)
      %dma_wait3A = arith.constant 0 : i32
      %dma_wait3A_47 = arith.constant 0 : i32
      %dma_wait3A_48 = tpu.memref_slice %arg17[%dma_wait3A, %dma_wait3A_47] : memref<10240x128xf32, #tpu.memory_space<vmem_shared>> -> memref<10240x128xf32, #tpu.memory_space<vmem_shared>>
      tpu.wait_indirect_dma semaphore(%run_scoped3A : memref<!tpu.dma_semaphore, #tpu.memory_space<semaphore_mem>>) src(%arg13 : memref<128x128xf32, #tpu.memory_space<vmem>>) dst(%dma_wait3A_48 : memref<10240x128xf32, #tpu.memory_space<vmem_shared>>)
      tpu.yield
    }) : () -> ()
    %add3A_4 = arith.constant 256 : i32
    %add3A_5 = arith.addi %mul3A_0, %add3A_4 : i32
    "tpu.region"() ({
      %run_scoped3A = tpu.sem_alloc : memref<!tpu.dma_semaphore, #tpu.memory_space<semaphore_mem>>
      %dma_start3A_44 = tpu.memref_slice %arg5[%add3A_5] : memref<10240xi32, #tpu.memory_space<hbm>> -> memref<128xi32, #tpu.memory_space<hbm>>
      %dma_start3A_45 = tpu.memref_slice %arg5[%add3A_5] : memref<10240xi32, #tpu.memory_space<hbm>> -> memref<128xi32, #tpu.memory_space<hbm>>
      tpu.enqueue_dma source(%dma_start3A_45 : memref<128xi32, #tpu.memory_space<hbm>>) target(%arg12 : memref<128xi32, #tpu.memory_space<vmem>>) target_semaphore(%run_scoped3A : memref<!tpu.dma_semaphore, #tpu.memory_space<semaphore_mem>>)
      %dma_wait3A = tpu.memref_slice %arg5[%add3A_5] : memref<10240xi32, #tpu.memory_space<hbm>> -> memref<128xi32, #tpu.memory_space<hbm>>
      %dma_wait3A_46 = tpu.memref_slice %arg5[%add3A_5] : memref<10240xi32, #tpu.memory_space<hbm>> -> memref<128xi32, #tpu.memory_space<hbm>>
      tpu.wait_dma2 semaphore(%run_scoped3A : memref<!tpu.dma_semaphore, #tpu.memory_space<semaphore_mem>>) src(%dma_wait3A_46 : memref<128xi32, #tpu.memory_space<hbm>>) dst(%arg12 : memref<128xi32, #tpu.memory_space<vmem>>)
      tpu.yield
    }) : () -> ()
    "tpu.region"() ({
      %run_scoped3A = tpu.sem_alloc : memref<!tpu.dma_semaphore, #tpu.memory_space<semaphore_mem>>
      %dma_start3A_44 = arith.constant 0 : i32
      %dma_start3A_45 = arith.constant 0 : i32
      %dma_start3A_46 = tpu.memref_slice %arg17[%dma_start3A_44, %dma_start3A_45] : memref<10240x128xf32, #tpu.memory_space<vmem_shared>> -> memref<10240x128xf32, #tpu.memory_space<vmem_shared>>
      tpu.enqueue_indirect_dma source(%arg13 : memref<128x128xf32, #tpu.memory_space<vmem>>) target(%dma_start3A_46 : memref<10240x128xf32, #tpu.memory_space<vmem_shared>>) offsets(%arg12 : memref<128xi32, #tpu.memory_space<vmem>>) semaphore(%run_scoped3A : memref<!tpu.dma_semaphore, #tpu.memory_space<semaphore_mem>>)
      %dma_wait3A = arith.constant 0 : i32
      %dma_wait3A_47 = arith.constant 0 : i32
      %dma_wait3A_48 = tpu.memref_slice %arg17[%dma_wait3A, %dma_wait3A_47] : memref<10240x128xf32, #tpu.memory_space<vmem_shared>> -> memref<10240x128xf32, #tpu.memory_space<vmem_shared>>
      tpu.wait_indirect_dma semaphore(%run_scoped3A : memref<!tpu.dma_semaphore, #tpu.memory_space<semaphore_mem>>) src(%arg13 : memref<128x128xf32, #tpu.memory_space<vmem>>) dst(%dma_wait3A_48 : memref<10240x128xf32, #tpu.memory_space<vmem_shared>>)
      tpu.yield
    }) : () -> ()
    %add3A_6 = arith.constant 384 : i32
    %add3A_7 = arith.addi %mul3A_0, %add3A_6 : i32
    "tpu.region"() ({
      %run_scoped3A = tpu.sem_alloc : memref<!tpu.dma_semaphore, #tpu.memory_space<semaphore_mem>>
      %dma_start3A_44 = tpu.memref_slice %arg5[%add3A_7] : memref<10240xi32, #tpu.memory_space<hbm>> -> memref<128xi32, #tpu.memory_space<hbm>>
      %dma_start3A_45 = tpu.memref_slice %arg5[%add3A_7] : memref<10240xi32, #tpu.memory_space<hbm>> -> memref<128xi32, #tpu.memory_space<hbm>>
      tpu.enqueue_dma source(%dma_start3A_45 : memref<128xi32, #tpu.memory_space<hbm>>) target(%arg12 : memref<128xi32, #tpu.memory_space<vmem>>) target_semaphore(%run_scoped3A : memref<!tpu.dma_semaphore, #tpu.memory_space<semaphore_mem>>)
      %dma_wait3A = tpu.memref_slice %arg5[%add3A_7] : memref<10240xi32, #tpu.memory_space<hbm>> -> memref<128xi32, #tpu.memory_space<hbm>>
      %dma_wait3A_46 = tpu.memref_slice %arg5[%add3A_7] : memref<10240xi32, #tpu.memory_space<hbm>> -> memref<128xi32, #tpu.memory_space<hbm>>
      tpu.wait_dma2 semaphore(%run_scoped3A : memref<!tpu.dma_semaphore, #tpu.memory_space<semaphore_mem>>) src(%dma_wait3A_46 : memref<128xi32, #tpu.memory_space<hbm>>) dst(%arg12 : memref<128xi32, #tpu.memory_space<vmem>>)
      tpu.yield
    }) : () -> ()
    "tpu.region"() ({
      %run_scoped3A = tpu.sem_alloc : memref<!tpu.dma_semaphore, #tpu.memory_space<semaphore_mem>>
      %dma_start3A_44 = arith.constant 0 : i32
      %dma_start3A_45 = arith.constant 0 : i32
      %dma_start3A_46 = tpu.memref_slice %arg17[%dma_start3A_44, %dma_start3A_45] : memref<10240x128xf32, #tpu.memory_space<vmem_shared>> -> memref<10240x128xf32, #tpu.memory_space<vmem_shared>>
      tpu.enqueue_indirect_dma source(%arg13 : memref<128x128xf32, #tpu.memory_space<vmem>>) target(%dma_start3A_46 : memref<10240x128xf32, #tpu.memory_space<vmem_shared>>) offsets(%arg12 : memref<128xi32, #tpu.memory_space<vmem>>) semaphore(%run_scoped3A : memref<!tpu.dma_semaphore, #tpu.memory_space<semaphore_mem>>)
      %dma_wait3A = arith.constant 0 : i32
      %dma_wait3A_47 = arith.constant 0 : i32
      %dma_wait3A_48 = tpu.memref_slice %arg17[%dma_wait3A, %dma_wait3A_47] : memref<10240x128xf32, #tpu.memory_space<vmem_shared>> -> memref<10240x128xf32, #tpu.memory_space<vmem_shared>>
      tpu.wait_indirect_dma semaphore(%run_scoped3A : memref<!tpu.dma_semaphore, #tpu.memory_space<semaphore_mem>>) src(%arg13 : memref<128x128xf32, #tpu.memory_space<vmem>>) dst(%dma_wait3A_48 : memref<10240x128xf32, #tpu.memory_space<vmem_shared>>)
      tpu.yield
    }) : () -> ()
    %add3A_8 = arith.constant 512 : i32
    %add3A_9 = arith.addi %mul3A_0, %add3A_8 : i32
    "tpu.region"() ({
      %run_scoped3A = tpu.sem_alloc : memref<!tpu.dma_semaphore, #tpu.memory_space<semaphore_mem>>
      %dma_start3A_44 = tpu.memref_slice %arg5[%add3A_9] : memref<10240xi32, #tpu.memory_space<hbm>> -> memref<128xi32, #tpu.memory_space<hbm>>
      %dma_start3A_45 = tpu.memref_slice %arg5[%add3A_9] : memref<10240xi32, #tpu.memory_space<hbm>> -> memref<128xi32, #tpu.memory_space<hbm>>
      tpu.enqueue_dma source(%dma_start3A_45 : memref<128xi32, #tpu.memory_space<hbm>>) target(%arg12 : memref<128xi32, #tpu.memory_space<vmem>>) target_semaphore(%run_scoped3A : memref<!tpu.dma_semaphore, #tpu.memory_space<semaphore_mem>>)
      %dma_wait3A = tpu.memref_slice %arg5[%add3A_9] : memref<10240xi32, #tpu.memory_space<hbm>> -> memref<128xi32, #tpu.memory_space<hbm>>
      %dma_wait3A_46 = tpu.memref_slice %arg5[%add3A_9] : memref<10240xi32, #tpu.memory_space<hbm>> -> memref<128xi32, #tpu.memory_space<hbm>>
      tpu.wait_dma2 semaphore(%run_scoped3A : memref<!tpu.dma_semaphore, #tpu.memory_space<semaphore_mem>>) src(%dma_wait3A_46 : memref<128xi32, #tpu.memory_space<hbm>>) dst(%arg12 : memref<128xi32, #tpu.memory_space<vmem>>)
      tpu.yield
    }) : () -> ()
    "tpu.region"() ({
      %run_scoped3A = tpu.sem_alloc : memref<!tpu.dma_semaphore, #tpu.memory_space<semaphore_mem>>
      %dma_start3A_44 = arith.constant 0 : i32
      %dma_start3A_45 = arith.constant 0 : i32
      %dma_start3A_46 = tpu.memref_slice %arg17[%dma_start3A_44, %dma_start3A_45] : memref<10240x128xf32, #tpu.memory_space<vmem_shared>> -> memref<10240x128xf32, #tpu.memory_space<vmem_shared>>
      tpu.enqueue_indirect_dma source(%arg13 : memref<128x128xf32, #tpu.memory_space<vmem>>) target(%dma_start3A_46 : memref<10240x128xf32, #tpu.memory_space<vmem_shared>>) offsets(%arg12 : memref<128xi32, #tpu.memory_space<vmem>>) semaphore(%run_scoped3A : memref<!tpu.dma_semaphore, #tpu.memory_space<semaphore_mem>>)
      %dma_wait3A = arith.constant 0 : i32
      %dma_wait3A_47 = arith.constant 0 : i32
      %dma_wait3A_48 = tpu.memref_slice %arg17[%dma_wait3A, %dma_wait3A_47] : memref<10240x128xf32, #tpu.memory_space<vmem_shared>> -> memref<10240x128xf32, #tpu.memory_space<vmem_shared>>
      tpu.wait_indirect_dma semaphore(%run_scoped3A : memref<!tpu.dma_semaphore, #tpu.memory_space<semaphore_mem>>) src(%arg13 : memref<128x128xf32, #tpu.memory_space<vmem>>) dst(%dma_wait3A_48 : memref<10240x128xf32, #tpu.memory_space<vmem_shared>>)
      tpu.yield
    }) : () -> ()
    %barrier3A = arith.constant 0 : index
    tpu.barrier barrier_id(%barrier3A)
    %mul3A_10 = arith.constant 16 : i32
    %mul3A_11 = arith.muli %arg0, %mul3A_10 : i32
    %add3A_12 = arith.addi %mul3A_11, %arg1 : i32
    %mul3A_13 = arith.constant 10240 : i32
    %mul3A_14 = arith.muli %add3A_12, %mul3A_13 : i32
    "tpu.region"() ({
      %run_scoped3A = tpu.sem_alloc : memref<!tpu.dma_semaphore, #tpu.memory_space<semaphore_mem>>
      %dma_start3A_44 = tpu.memref_slice %arg3[%mul3A_14] : memref<327680xi32, #tpu.memory_space<hbm>> -> memref<128xi32, #tpu.memory_space<hbm>>
      %dma_start3A_45 = tpu.memref_slice %arg3[%mul3A_14] : memref<327680xi32, #tpu.memory_space<hbm>> -> memref<128xi32, #tpu.memory_space<hbm>>
      tpu.enqueue_dma source(%dma_start3A_45 : memref<128xi32, #tpu.memory_space<hbm>>) target(%arg8 : memref<128xi32, #tpu.memory_space<vmem>>) target_semaphore(%run_scoped3A : memref<!tpu.dma_semaphore, #tpu.memory_space<semaphore_mem>>)
      %dma_wait3A = tpu.memref_slice %arg3[%mul3A_14] : memref<327680xi32, #tpu.memory_space<hbm>> -> memref<128xi32, #tpu.memory_space<hbm>>
      %dma_wait3A_46 = tpu.memref_slice %arg3[%mul3A_14] : memref<327680xi32, #tpu.memory_space<hbm>> -> memref<128xi32, #tpu.memory_space<hbm>>
      tpu.wait_dma2 semaphore(%run_scoped3A : memref<!tpu.dma_semaphore, #tpu.memory_space<semaphore_mem>>) src(%dma_wait3A_46 : memref<128xi32, #tpu.memory_space<hbm>>) dst(%arg8 : memref<128xi32, #tpu.memory_space<vmem>>)
      tpu.yield
    }) : () -> ()
    "tpu.region"() ({
      %run_scoped3A = tpu.sem_alloc : memref<!tpu.dma_semaphore, #tpu.memory_space<semaphore_mem>>
      %dma_start3A_44 = tpu.memref_slice %arg4[%mul3A_14] : memref<327680xi32, #tpu.memory_space<hbm>> -> memref<128xi32, #tpu.memory_space<hbm>>
      %dma_start3A_45 = tpu.memref_slice %arg4[%mul3A_14] : memref<327680xi32, #tpu.memory_space<hbm>> -> memref<128xi32, #tpu.memory_space<hbm>>
      tpu.enqueue_dma source(%dma_start3A_45 : memref<128xi32, #tpu.memory_space<hbm>>) target(%arg10 : memref<128xi32, #tpu.memory_space<vmem>>) target_semaphore(%run_scoped3A : memref<!tpu.dma_semaphore, #tpu.memory_space<semaphore_mem>>)
      %dma_wait3A = tpu.memref_slice %arg4[%mul3A_14] : memref<327680xi32, #tpu.memory_space<hbm>> -> memref<128xi32, #tpu.memory_space<hbm>>
      %dma_wait3A_46 = tpu.memref_slice %arg4[%mul3A_14] : memref<327680xi32, #tpu.memory_space<hbm>> -> memref<128xi32, #tpu.memory_space<hbm>>
      tpu.wait_dma2 semaphore(%run_scoped3A : memref<!tpu.dma_semaphore, #tpu.memory_space<semaphore_mem>>) src(%dma_wait3A_46 : memref<128xi32, #tpu.memory_space<hbm>>) dst(%arg10 : memref<128xi32, #tpu.memory_space<vmem>>)
      tpu.yield
    }) : () -> ()
    %dma_start3A = arith.constant 0 : i32
    %dma_start3A_15 = arith.constant 0 : i32
    %dma_start3A_16 = tpu.memref_slice %arg2[%dma_start3A, %dma_start3A_15] : memref<10240x128xf32, #tpu.memory_space<hbm>> -> memref<10240x128xf32, #tpu.memory_space<hbm>>
    tpu.enqueue_indirect_dma source(%dma_start3A_16 : memref<10240x128xf32, #tpu.memory_space<hbm>>) target(%arg13 : memref<128x128xf32, #tpu.memory_space<vmem>>) offsets(%arg8 : memref<128xi32, #tpu.memory_space<vmem>>) semaphore(%arg15 : memref<!tpu.dma_semaphore, #tpu.memory_space<semaphore_mem>>)
    %scan3A = arith.constant 0 : i32
    %scan3A_17 = arith.constant 0 : i32
    %scan3A_18 = arith.constant 40 : i32
    %scan3A_19 = arith.addi %scan3A_17, %scan3A_18 : i32
    %scan3A_20 = arith.constant 1 : i32
    %scan3A_21 = scf.for %scan3A_44 = %scan3A_17 to %scan3A_19 step %scan3A_20 iter_args(%scan3A_45 = %scan3A) -> (i32)  : i32 {
      %mul3A_46 = arith.constant 2 : i32
      %mul3A_47 = arith.muli %mul3A_46, %scan3A_44 : i32
      %add3A_48 = arith.constant 1 : i32
      %add3A_49 = arith.addi %mul3A_47, %add3A_48 : i32
      %mul3A_50 = arith.constant 128 : i32
      %mul3A_51 = arith.muli %add3A_49, %mul3A_50 : i32
      %add3A_52 = arith.addi %mul3A_14, %mul3A_51 : i32
      "tpu.region"() ({
        %run_scoped3A = tpu.sem_alloc : memref<!tpu.dma_semaphore, #tpu.memory_space<semaphore_mem>>
        %dma_start3A_64 = tpu.memref_slice %arg3[%add3A_52] : memref<327680xi32, #tpu.memory_space<hbm>> -> memref<128xi32, #tpu.memory_space<hbm>>
        %dma_start3A_65 = tpu.memref_slice %arg3[%add3A_52] : memref<327680xi32, #tpu.memory_space<hbm>> -> memref<128xi32, #tpu.memory_space<hbm>>
        tpu.enqueue_dma source(%dma_start3A_65 : memref<128xi32, #tpu.memory_space<hbm>>) target(%arg9 : memref<128xi32, #tpu.memory_space<vmem>>) target_semaphore(%run_scoped3A : memref<!tpu.dma_semaphore, #tpu.memory_space<semaphore_mem>>)
        %dma_wait3A_66 = tpu.memref_slice %arg3[%add3A_52] : memref<327680xi32, #tpu.memory_space<hbm>> -> memref<128xi32, #tpu.memory_space<hbm>>
        %dma_wait3A_67 = tpu.memref_slice %arg3[%add3A_52] : memref<327680xi32, #tpu.memory_space<hbm>> -> memref<128xi32, #tpu.memory_space<hbm>>
        tpu.wait_dma2 semaphore(%run_scoped3A : memref<!tpu.dma_semaphore, #tpu.memory_space<semaphore_mem>>) src(%dma_wait3A_67 : memref<128xi32, #tpu.memory_space<hbm>>) dst(%arg9 : memref<128xi32, #tpu.memory_space<vmem>>)
        tpu.yield
      }) : () -> ()
      "tpu.region"() ({
        %run_scoped3A = tpu.sem_alloc : memref<!tpu.dma_semaphore, #tpu.memory_space<semaphore_mem>>
        %dma_start3A_64 = tpu.memref_slice %arg4[%add3A_52] : memref<327680xi32, #tpu.memory_space<hbm>> -> memref<128xi32, #tpu.memory_space<hbm>>
        %dma_start3A_65 = tpu.memref_slice %arg4[%add3A_52] : memref<327680xi32, #tpu.memory_space<hbm>> -> memref<128xi32, #tpu.memory_space<hbm>>
        tpu.enqueue_dma source(%dma_start3A_65 : memref<128xi32, #tpu.memory_space<hbm>>) target(%arg11 : memref<128xi32, #tpu.memory_space<vmem>>) target_semaphore(%run_scoped3A : memref<!tpu.dma_semaphore, #tpu.memory_space<semaphore_mem>>)
        %dma_wait3A_66 = tpu.memref_slice %arg4[%add3A_52] : memref<327680xi32, #tpu.memory_space<hbm>> -> memref<128xi32, #tpu.memory_space<hbm>>
        %dma_wait3A_67 = tpu.memref_slice %arg4[%add3A_52] : memref<327680xi32, #tpu.memory_space<hbm>> -> memref<128xi32, #tpu.memory_space<hbm>>
        tpu.wait_dma2 semaphore(%run_scoped3A : memref<!tpu.dma_semaphore, #tpu.memory_space<semaphore_mem>>) src(%dma_wait3A_67 : memref<128xi32, #tpu.memory_space<hbm>>) dst(%arg11 : memref<128xi32, #tpu.memory_space<vmem>>)
        tpu.yield
      }) : () -> ()
      %dma_start3A_53 = arith.constant 0 : i32
      %dma_start3A_54 = arith.constant 0 : i32
      %dma_start3A_55 = tpu.memref_slice %arg2[%dma_start3A_53, %dma_start3A_54] : memref<10240x128xf32, #tpu.memory_space<hbm>> -> memref<10240x128xf32, #tpu.memory_space<hbm>>
      tpu.enqueue_indirect_dma source(%dma_start3A_55 : memref<10240x128xf32, #tpu.memory_space<hbm>>) target(%arg14 : memref<128x128xf32, #tpu.memory_space<vmem>>) offsets(%arg9 : memref<128xi32, #tpu.memory_space<vmem>>) semaphore(%arg16 : memref<!tpu.dma_semaphore, #tpu.memory_space<semaphore_mem>>)
      %dma_wait3A = arith.constant 0 : i32
      %dma_wait3A_56 = arith.constant 0 : i32
      %dma_wait3A_57 = tpu.memref_slice %arg2[%dma_wait3A, %dma_wait3A_56] : memref<10240x128xf32, #tpu.memory_space<hbm>> -> memref<10240x128xf32, #tpu.memory_space<hbm>>
      tpu.wait_indirect_dma semaphore(%arg15 : memref<!tpu.dma_semaphore, #tpu.memory_space<semaphore_mem>>) src(%dma_wait3A_57 : memref<10240x128xf32, #tpu.memory_space<hbm>>) dst(%arg13 : memref<128x128xf32, #tpu.memory_space<vmem>>)
      "tpu.region"() ({
        %run_scoped3A = tpu.sem_alloc : memref<!tpu.dma_semaphore, #tpu.memory_space<semaphore_mem>>
        %dma_start3A_64 = arith.constant 0 : i32
        %dma_start3A_65 = arith.constant 0 : i32
        %dma_start3A_66 = tpu.memref_slice %arg17[%dma_start3A_64, %dma_start3A_65] : memref<10240x128xf32, #tpu.memory_space<vmem_shared>> -> memref<10240x128xf32, #tpu.memory_space<vmem_shared>>
        tpu.enqueue_indirect_dma source(%arg13 : memref<128x128xf32, #tpu.memory_space<vmem>>) target(%dma_start3A_66 : memref<10240x128xf32, #tpu.memory_space<vmem_shared>>) offsets(%arg10 : memref<128xi32, #tpu.memory_space<vmem>>) semaphore(%run_scoped3A : memref<!tpu.dma_semaphore, #tpu.memory_space<semaphore_mem>>) {add = true}
        %dma_wait3A_67 = arith.constant 0 : i32
        %dma_wait3A_68 = arith.constant 0 : i32
        %dma_wait3A_69 = tpu.memref_slice %arg17[%dma_wait3A_67, %dma_wait3A_68] : memref<10240x128xf32, #tpu.memory_space<vmem_shared>> -> memref<10240x128xf32, #tpu.memory_space<vmem_shared>>
        tpu.wait_indirect_dma semaphore(%run_scoped3A : memref<!tpu.dma_semaphore, #tpu.memory_space<semaphore_mem>>) src(%arg13 : memref<128x128xf32, #tpu.memory_space<vmem>>) dst(%dma_wait3A_69 : memref<10240x128xf32, #tpu.memory_space<vmem_shared>>)
        tpu.yield
      }) : () -> ()
      %lt3A = arith.constant 39 : i32
      %lt3A_58 = arith.cmpi slt, %scan3A_44, %lt3A : i32
      %convert_element_type3A = arith.extui %lt3A_58 : i1 to i32
      %cond3A = arith.constant 0 : i32
      %cond3A_59 = arith.cmpi ne, %convert_element_type3A, %cond3A : i32
      scf.if %cond3A_59 {
        %mul3A_64 = arith.constant 2 : i32
        %mul3A_65 = arith.muli %mul3A_64, %scan3A_44 : i32
        %add3A_66 = arith.constant 2 : i32
        %add3A_67 = arith.addi %mul3A_65, %add3A_66 : i32
        %mul3A_68 = arith.constant 128 : i32
        %mul3A_69 = arith.muli %add3A_67, %mul3A_68 : i32
        %add3A_70 = arith.addi %mul3A_14, %mul3A_69 : i32
        "tpu.region"() ({
          %run_scoped3A = tpu.sem_alloc : memref<!tpu.dma_semaphore, #tpu.memory_space<semaphore_mem>>
          %dma_start3A_74 = tpu.memref_slice %arg3[%add3A_70] : memref<327680xi32, #tpu.memory_space<hbm>> -> memref<128xi32, #tpu.memory_space<hbm>>
          %dma_start3A_75 = tpu.memref_slice %arg3[%add3A_70] : memref<327680xi32, #tpu.memory_space<hbm>> -> memref<128xi32, #tpu.memory_space<hbm>>
          tpu.enqueue_dma source(%dma_start3A_75 : memref<128xi32, #tpu.memory_space<hbm>>) target(%arg8 : memref<128xi32, #tpu.memory_space<vmem>>) target_semaphore(%run_scoped3A : memref<!tpu.dma_semaphore, #tpu.memory_space<semaphore_mem>>)
          %dma_wait3A_76 = tpu.memref_slice %arg3[%add3A_70] : memref<327680xi32, #tpu.memory_space<hbm>> -> memref<128xi32, #tpu.memory_space<hbm>>
          %dma_wait3A_77 = tpu.memref_slice %arg3[%add3A_70] : memref<327680xi32, #tpu.memory_space<hbm>> -> memref<128xi32, #tpu.memory_space<hbm>>
          tpu.wait_dma2 semaphore(%run_scoped3A : memref<!tpu.dma_semaphore, #tpu.memory_space<semaphore_mem>>) src(%dma_wait3A_77 : memref<128xi32, #tpu.memory_space<hbm>>) dst(%arg8 : memref<128xi32, #tpu.memory_space<vmem>>)
          tpu.yield
        }) : () -> ()
        "tpu.region"() ({
          %run_scoped3A = tpu.sem_alloc : memref<!tpu.dma_semaphore, #tpu.memory_space<semaphore_mem>>
          %dma_start3A_74 = tpu.memref_slice %arg4[%add3A_70] : memref<327680xi32, #tpu.memory_space<hbm>> -> memref<128xi32, #tpu.memory_space<hbm>>
          %dma_start3A_75 = tpu.memref_slice %arg4[%add3A_70] : memref<327680xi32, #tpu.memory_space<hbm>> -> memref<128xi32, #tpu.memory_space<hbm>>
          tpu.enqueue_dma source(%dma_start3A_75 : memref<128xi32, #tpu.memory_space<hbm>>) target(%arg10 : memref<128xi32, #tpu.memory_space<vmem>>) target_semaphore(%run_scoped3A : memref<!tpu.dma_semaphore, #tpu.memory_space<semaphore_mem>>)
          %dma_wait3A_76 = tpu.memref_slice %arg4[%add3A_70] : memref<327680xi32, #tpu.memory_space<hbm>> -> memref<128xi32, #tpu.memory_space<hbm>>
          %dma_wait3A_77 = tpu.memref_slice %arg4[%add3A_70] : memref<327680xi32, #tpu.memory_space<hbm>> -> memref<128xi32, #tpu.memory_space<hbm>>
          tpu.wait_dma2 semaphore(%run_scoped3A : memref<!tpu.dma_semaphore, #tpu.memory_space<semaphore_mem>>) src(%dma_wait3A_77 : memref<128xi32, #tpu.memory_space<hbm>>) dst(%arg10 : memref<128xi32, #tpu.memory_space<vmem>>)
          tpu.yield
        }) : () -> ()
        %dma_start3A_71 = arith.constant 0 : i32
        %dma_start3A_72 = arith.constant 0 : i32
        %dma_start3A_73 = tpu.memref_slice %arg2[%dma_start3A_71, %dma_start3A_72] : memref<10240x128xf32, #tpu.memory_space<hbm>> -> memref<10240x128xf32, #tpu.memory_space<hbm>>
        tpu.enqueue_indirect_dma source(%dma_start3A_73 : memref<10240x128xf32, #tpu.memory_space<hbm>>) target(%arg13 : memref<128x128xf32, #tpu.memory_space<vmem>>) offsets(%arg8 : memref<128xi32, #tpu.memory_space<vmem>>) semaphore(%arg15 : memref<!tpu.dma_semaphore, #tpu.memory_space<semaphore_mem>>)
      } else {
      }
      %dma_wait3A_60 = arith.constant 0 : i32
      %dma_wait3A_61 = arith.constant 0 : i32
      %dma_wait3A_62 = tpu.memref_slice %arg2[%dma_wait3A_60, %dma_wait3A_61] : memref<10240x128xf32, #tpu.memory_space<hbm>> -> memref<10240x128xf32, #tpu.memory_space<hbm>>
      tpu.wait_indirect_dma semaphore(%arg16 : memref<!tpu.dma_semaphore, #tpu.memory_space<semaphore_mem>>) src(%dma_wait3A_62 : memref<10240x128xf32, #tpu.memory_space<hbm>>) dst(%arg14 : memref<128x128xf32, #tpu.memory_space<vmem>>)
      "tpu.region"() ({
        %run_scoped3A = tpu.sem_alloc : memref<!tpu.dma_semaphore, #tpu.memory_space<semaphore_mem>>
        %dma_start3A_64 = arith.constant 0 : i32
        %dma_start3A_65 = arith.constant 0 : i32
        %dma_start3A_66 = tpu.memref_slice %arg17[%dma_start3A_64, %dma_start3A_65] : memref<10240x128xf32, #tpu.memory_space<vmem_shared>> -> memref<10240x128xf32, #tpu.memory_space<vmem_shared>>
        tpu.enqueue_indirect_dma source(%arg14 : memref<128x128xf32, #tpu.memory_space<vmem>>) target(%dma_start3A_66 : memref<10240x128xf32, #tpu.memory_space<vmem_shared>>) offsets(%arg11 : memref<128xi32, #tpu.memory_space<vmem>>) semaphore(%run_scoped3A : memref<!tpu.dma_semaphore, #tpu.memory_space<semaphore_mem>>) {add = true}
        %dma_wait3A_67 = arith.constant 0 : i32
        %dma_wait3A_68 = arith.constant 0 : i32
        %dma_wait3A_69 = tpu.memref_slice %arg17[%dma_wait3A_67, %dma_wait3A_68] : memref<10240x128xf32, #tpu.memory_space<vmem_shared>> -> memref<10240x128xf32, #tpu.memory_space<vmem_shared>>
        tpu.wait_indirect_dma semaphore(%run_scoped3A : memref<!tpu.dma_semaphore, #tpu.memory_space<semaphore_mem>>) src(%arg14 : memref<128x128xf32, #tpu.memory_space<vmem>>) dst(%dma_wait3A_69 : memref<10240x128xf32, #tpu.memory_space<vmem_shared>>)
        tpu.yield
      }) : () -> ()
      %scan3A_63 = arith.constant 0 : i32
      scf.yield %scan3A_63 : i32
    }
    %scan3A_22 = arith.constant 40 : i32
    %barrier3A_23 = arith.constant 0 : index
    tpu.barrier barrier_id(%barrier3A_23)
    %add3A_24 = arith.constant 0 : i32
    %add3A_25 = arith.addi %mul3A_0, %add3A_24 : i32
    "tpu.region"() ({
      %run_scoped3A = tpu.sem_alloc : memref<!tpu.dma_semaphore, #tpu.memory_space<semaphore_mem>>
      %dma_start3A_44 = tpu.memref_slice %arg5[%add3A_25] : memref<10240xi32, #tpu.memory_space<hbm>> -> memref<128xi32, #tpu.memory_space<hbm>>
      %dma_start3A_45 = tpu.memref_slice %arg5[%add3A_25] : memref<10240xi32, #tpu.memory_space<hbm>> -> memref<128xi32, #tpu.memory_space<hbm>>
      tpu.enqueue_dma source(%dma_start3A_45 : memref<128xi32, #tpu.memory_space<hbm>>) target(%arg12 : memref<128xi32, #tpu.memory_space<vmem>>) target_semaphore(%run_scoped3A : memref<!tpu.dma_semaphore, #tpu.memory_space<semaphore_mem>>)
      %dma_wait3A = tpu.memref_slice %arg5[%add3A_25] : memref<10240xi32, #tpu.memory_space<hbm>> -> memref<128xi32, #tpu.memory_space<hbm>>
      %dma_wait3A_46 = tpu.memref_slice %arg5[%add3A_25] : memref<10240xi32, #tpu.memory_space<hbm>> -> memref<128xi32, #tpu.memory_space<hbm>>
      tpu.wait_dma2 semaphore(%run_scoped3A : memref<!tpu.dma_semaphore, #tpu.memory_space<semaphore_mem>>) src(%dma_wait3A_46 : memref<128xi32, #tpu.memory_space<hbm>>) dst(%arg12 : memref<128xi32, #tpu.memory_space<vmem>>)
      tpu.yield
    }) : () -> ()
    "tpu.region"() ({
      %run_scoped3A = tpu.sem_alloc : memref<!tpu.dma_semaphore, #tpu.memory_space<semaphore_mem>>
      %dma_start3A_44 = arith.constant 0 : i32
      %dma_start3A_45 = arith.constant 0 : i32
      %dma_start3A_46 = tpu.memref_slice %arg17[%dma_start3A_44, %dma_start3A_45] : memref<10240x128xf32, #tpu.memory_space<vmem_shared>> -> memref<10240x128xf32, #tpu.memory_space<vmem_shared>>
      tpu.enqueue_indirect_dma source(%dma_start3A_46 : memref<10240x128xf32, #tpu.memory_space<vmem_shared>>) target(%arg13 : memref<128x128xf32, #tpu.memory_space<vmem>>) offsets(%arg12 : memref<128xi32, #tpu.memory_space<vmem>>) semaphore(%run_scoped3A : memref<!tpu.dma_semaphore, #tpu.memory_space<semaphore_mem>>)
      %dma_wait3A = arith.constant 0 : i32
      %dma_wait3A_47 = arith.constant 0 : i32
      %dma_wait3A_48 = tpu.memref_slice %arg17[%dma_wait3A, %dma_wait3A_47] : memref<10240x128xf32, #tpu.memory_space<vmem_shared>> -> memref<10240x128xf32, #tpu.memory_space<vmem_shared>>
      tpu.wait_indirect_dma semaphore(%run_scoped3A : memref<!tpu.dma_semaphore, #tpu.memory_space<semaphore_mem>>) src(%dma_wait3A_48 : memref<10240x128xf32, #tpu.memory_space<vmem_shared>>) dst(%arg13 : memref<128x128xf32, #tpu.memory_space<vmem>>)
      tpu.yield
    }) : () -> ()
    %add3A_26 = arith.constant 0 : i32
    %add3A_27 = arith.addi %mul3A_0, %add3A_26 : i32
    "tpu.region"() ({
      %run_scoped3A = tpu.sem_alloc : memref<!tpu.dma_semaphore, #tpu.memory_space<semaphore_mem>>
      %dma_start3A_44 = arith.constant 0 : i32
      %dma_start3A_45 = tpu.memref_slice %arg7[%arg0, %add3A_27, %dma_start3A_44] : memref<2x10240x128xf32, #tpu.memory_space<hbm>> -> memref<1x128x128xf32, #tpu.memory_space<hbm>>
      %dma_start3A_46 = tpu.memref_squeeze %dma_start3A_45 : memref<1x128x128xf32, #tpu.memory_space<hbm>> -> memref<128x128xf32, #tpu.memory_space<hbm>>
      %dma_start3A_47 = arith.constant 0 : i32
      %dma_start3A_48 = tpu.memref_slice %arg7[%arg0, %add3A_27, %dma_start3A_47] : memref<2x10240x128xf32, #tpu.memory_space<hbm>> -> memref<1x128x128xf32, #tpu.memory_space<hbm>>
      %dma_start3A_49 = tpu.memref_squeeze %dma_start3A_48 : memref<1x128x128xf32, #tpu.memory_space<hbm>> -> memref<128x128xf32, #tpu.memory_space<hbm>>
      tpu.enqueue_dma source(%arg13 : memref<128x128xf32, #tpu.memory_space<vmem>>) target(%dma_start3A_49 : memref<128x128xf32, #tpu.memory_space<hbm>>) target_semaphore(%run_scoped3A : memref<!tpu.dma_semaphore, #tpu.memory_space<semaphore_mem>>)
      %dma_wait3A = arith.constant 0 : i32
      %dma_wait3A_50 = tpu.memref_slice %arg7[%arg0, %add3A_27, %dma_wait3A] : memref<2x10240x128xf32, #tpu.memory_space<hbm>> -> memref<1x128x128xf32, #tpu.memory_space<hbm>>
      %dma_wait3A_51 = tpu.memref_squeeze %dma_wait3A_50 : memref<1x128x128xf32, #tpu.memory_space<hbm>> -> memref<128x128xf32, #tpu.memory_space<hbm>>
      %dma_wait3A_52 = arith.constant 0 : i32
      %dma_wait3A_53 = tpu.memref_slice %arg7[%arg0, %add3A_27, %dma_wait3A_52] : memref<2x10240x128xf32, #tpu.memory_space<hbm>> -> memref<1x128x128xf32, #tpu.memory_space<hbm>>
      %dma_wait3A_54 = tpu.memref_squeeze %dma_wait3A_53 : memref<1x128x128xf32, #tpu.memory_space<hbm>> -> memref<128x128xf32, #tpu.memory_space<hbm>>
      tpu.wait_dma2 semaphore(%run_scoped3A : memref<!tpu.dma_semaphore, #tpu.memory_space<semaphore_mem>>) src(%arg13 : memref<128x128xf32, #tpu.memory_space<vmem>>) dst(%dma_wait3A_54 : memref<128x128xf32, #tpu.memory_space<hbm>>)
      tpu.yield
    }) : () -> ()
    %add3A_28 = arith.constant 128 : i32
    %add3A_29 = arith.addi %mul3A_0, %add3A_28 : i32
    "tpu.region"() ({
      %run_scoped3A = tpu.sem_alloc : memref<!tpu.dma_semaphore, #tpu.memory_space<semaphore_mem>>
      %dma_start3A_44 = tpu.memref_slice %arg5[%add3A_29] : memref<10240xi32, #tpu.memory_space<hbm>> -> memref<128xi32, #tpu.memory_space<hbm>>
      %dma_start3A_45 = tpu.memref_slice %arg5[%add3A_29] : memref<10240xi32, #tpu.memory_space<hbm>> -> memref<128xi32, #tpu.memory_space<hbm>>
      tpu.enqueue_dma source(%dma_start3A_45 : memref<128xi32, #tpu.memory_space<hbm>>) target(%arg12 : memref<128xi32, #tpu.memory_space<vmem>>) target_semaphore(%run_scoped3A : memref<!tpu.dma_semaphore, #tpu.memory_space<semaphore_mem>>)
      %dma_wait3A = tpu.memref_slice %arg5[%add3A_29] : memref<10240xi32, #tpu.memory_space<hbm>> -> memref<128xi32, #tpu.memory_space<hbm>>
      %dma_wait3A_46 = tpu.memref_slice %arg5[%add3A_29] : memref<10240xi32, #tpu.memory_space<hbm>> -> memref<128xi32, #tpu.memory_space<hbm>>
      tpu.wait_dma2 semaphore(%run_scoped3A : memref<!tpu.dma_semaphore, #tpu.memory_space<semaphore_mem>>) src(%dma_wait3A_46 : memref<128xi32, #tpu.memory_space<hbm>>) dst(%arg12 : memref<128xi32, #tpu.memory_space<vmem>>)
      tpu.yield
    }) : () -> ()
    "tpu.region"() ({
      %run_scoped3A = tpu.sem_alloc : memref<!tpu.dma_semaphore, #tpu.memory_space<semaphore_mem>>
      %dma_start3A_44 = arith.constant 0 : i32
      %dma_start3A_45 = arith.constant 0 : i32
      %dma_start3A_46 = tpu.memref_slice %arg17[%dma_start3A_44, %dma_start3A_45] : memref<10240x128xf32, #tpu.memory_space<vmem_shared>> -> memref<10240x128xf32, #tpu.memory_space<vmem_shared>>
      tpu.enqueue_indirect_dma source(%dma_start3A_46 : memref<10240x128xf32, #tpu.memory_space<vmem_shared>>) target(%arg13 : memref<128x128xf32, #tpu.memory_space<vmem>>) offsets(%arg12 : memref<128xi32, #tpu.memory_space<vmem>>) semaphore(%run_scoped3A : memref<!tpu.dma_semaphore, #tpu.memory_space<semaphore_mem>>)
      %dma_wait3A = arith.constant 0 : i32
      %dma_wait3A_47 = arith.constant 0 : i32
      %dma_wait3A_48 = tpu.memref_slice %arg17[%dma_wait3A, %dma_wait3A_47] : memref<10240x128xf32, #tpu.memory_space<vmem_shared>> -> memref<10240x128xf32, #tpu.memory_space<vmem_shared>>
      tpu.wait_indirect_dma semaphore(%run_scoped3A : memref<!tpu.dma_semaphore, #tpu.memory_space<semaphore_mem>>) src(%dma_wait3A_48 : memref<10240x128xf32, #tpu.memory_space<vmem_shared>>) dst(%arg13 : memref<128x128xf32, #tpu.memory_space<vmem>>)
      tpu.yield
    }) : () -> ()
    %add3A_30 = arith.constant 128 : i32
    %add3A_31 = arith.addi %mul3A_0, %add3A_30 : i32
    "tpu.region"() ({
      %run_scoped3A = tpu.sem_alloc : memref<!tpu.dma_semaphore, #tpu.memory_space<semaphore_mem>>
      %dma_start3A_44 = arith.constant 0 : i32
      %dma_start3A_45 = tpu.memref_slice %arg7[%arg0, %add3A_31, %dma_start3A_44] : memref<2x10240x128xf32, #tpu.memory_space<hbm>> -> memref<1x128x128xf32, #tpu.memory_space<hbm>>
      %dma_start3A_46 = tpu.memref_squeeze %dma_start3A_45 : memref<1x128x128xf32, #tpu.memory_space<hbm>> -> memref<128x128xf32, #tpu.memory_space<hbm>>
      %dma_start3A_47 = arith.constant 0 : i32
      %dma_start3A_48 = tpu.memref_slice %arg7[%arg0, %add3A_31, %dma_start3A_47] : memref<2x10240x128xf32, #tpu.memory_space<hbm>> -> memref<1x128x128xf32, #tpu.memory_space<hbm>>
      %dma_start3A_49 = tpu.memref_squeeze %dma_start3A_48 : memref<1x128x128xf32, #tpu.memory_space<hbm>> -> memref<128x128xf32, #tpu.memory_space<hbm>>
      tpu.enqueue_dma source(%arg13 : memref<128x128xf32, #tpu.memory_space<vmem>>) target(%dma_start3A_49 : memref<128x128xf32, #tpu.memory_space<hbm>>) target_semaphore(%run_scoped3A : memref<!tpu.dma_semaphore, #tpu.memory_space<semaphore_mem>>)
      %dma_wait3A = arith.constant 0 : i32
      %dma_wait3A_50 = tpu.memref_slice %arg7[%arg0, %add3A_31, %dma_wait3A] : memref<2x10240x128xf32, #tpu.memory_space<hbm>> -> memref<1x128x128xf32, #tpu.memory_space<hbm>>
      %dma_wait3A_51 = tpu.memref_squeeze %dma_wait3A_50 : memref<1x128x128xf32, #tpu.memory_space<hbm>> -> memref<128x128xf32, #tpu.memory_space<hbm>>
      %dma_wait3A_52 = arith.constant 0 : i32
      %dma_wait3A_53 = tpu.memref_slice %arg7[%arg0, %add3A_31, %dma_wait3A_52] : memref<2x10240x128xf32, #tpu.memory_space<hbm>> -> memref<1x128x128xf32, #tpu.memory_space<hbm>>
      %dma_wait3A_54 = tpu.memref_squeeze %dma_wait3A_53 : memref<1x128x128xf32, #tpu.memory_space<hbm>> -> memref<128x128xf32, #tpu.memory_space<hbm>>
      tpu.wait_dma2 semaphore(%run_scoped3A : memref<!tpu.dma_semaphore, #tpu.memory_space<semaphore_mem>>) src(%arg13 : memref<128x128xf32, #tpu.memory_space<vmem>>) dst(%dma_wait3A_54 : memref<128x128xf32, #tpu.memory_space<hbm>>)
      tpu.yield
    }) : () -> ()
    %add3A_32 = arith.constant 256 : i32
    %add3A_33 = arith.addi %mul3A_0, %add3A_32 : i32
    "tpu.region"() ({
      %run_scoped3A = tpu.sem_alloc : memref<!tpu.dma_semaphore, #tpu.memory_space<semaphore_mem>>
      %dma_start3A_44 = tpu.memref_slice %arg5[%add3A_33] : memref<10240xi32, #tpu.memory_space<hbm>> -> memref<128xi32, #tpu.memory_space<hbm>>
      %dma_start3A_45 = tpu.memref_slice %arg5[%add3A_33] : memref<10240xi32, #tpu.memory_space<hbm>> -> memref<128xi32, #tpu.memory_space<hbm>>
      tpu.enqueue_dma source(%dma_start3A_45 : memref<128xi32, #tpu.memory_space<hbm>>) target(%arg12 : memref<128xi32, #tpu.memory_space<vmem>>) target_semaphore(%run_scoped3A : memref<!tpu.dma_semaphore, #tpu.memory_space<semaphore_mem>>)
      %dma_wait3A = tpu.memref_slice %arg5[%add3A_33] : memref<10240xi32, #tpu.memory_space<hbm>> -> memref<128xi32, #tpu.memory_space<hbm>>
      %dma_wait3A_46 = tpu.memref_slice %arg5[%add3A_33] : memref<10240xi32, #tpu.memory_space<hbm>> -> memref<128xi32, #tpu.memory_space<hbm>>
      tpu.wait_dma2 semaphore(%run_scoped3A : memref<!tpu.dma_semaphore, #tpu.memory_space<semaphore_mem>>) src(%dma_wait3A_46 : memref<128xi32, #tpu.memory_space<hbm>>) dst(%arg12 : memref<128xi32, #tpu.memory_space<vmem>>)
      tpu.yield
    }) : () -> ()
    "tpu.region"() ({
      %run_scoped3A = tpu.sem_alloc : memref<!tpu.dma_semaphore, #tpu.memory_space<semaphore_mem>>
      %dma_start3A_44 = arith.constant 0 : i32
      %dma_start3A_45 = arith.constant 0 : i32
      %dma_start3A_46 = tpu.memref_slice %arg17[%dma_start3A_44, %dma_start3A_45] : memref<10240x128xf32, #tpu.memory_space<vmem_shared>> -> memref<10240x128xf32, #tpu.memory_space<vmem_shared>>
      tpu.enqueue_indirect_dma source(%dma_start3A_46 : memref<10240x128xf32, #tpu.memory_space<vmem_shared>>) target(%arg13 : memref<128x128xf32, #tpu.memory_space<vmem>>) offsets(%arg12 : memref<128xi32, #tpu.memory_space<vmem>>) semaphore(%run_scoped3A : memref<!tpu.dma_semaphore, #tpu.memory_space<semaphore_mem>>)
      %dma_wait3A = arith.constant 0 : i32
      %dma_wait3A_47 = arith.constant 0 : i32
      %dma_wait3A_48 = tpu.memref_slice %arg17[%dma_wait3A, %dma_wait3A_47] : memref<10240x128xf32, #tpu.memory_space<vmem_shared>> -> memref<10240x128xf32, #tpu.memory_space<vmem_shared>>
      tpu.wait_indirect_dma semaphore(%run_scoped3A : memref<!tpu.dma_semaphore, #tpu.memory_space<semaphore_mem>>) src(%dma_wait3A_48 : memref<10240x128xf32, #tpu.memory_space<vmem_shared>>) dst(%arg13 : memref<128x128xf32, #tpu.memory_space<vmem>>)
      tpu.yield
    }) : () -> ()
    %add3A_34 = arith.constant 256 : i32
    %add3A_35 = arith.addi %mul3A_0, %add3A_34 : i32
    "tpu.region"() ({
      %run_scoped3A = tpu.sem_alloc : memref<!tpu.dma_semaphore, #tpu.memory_space<semaphore_mem>>
      %dma_start3A_44 = arith.constant 0 : i32
      %dma_start3A_45 = tpu.memref_slice %arg7[%arg0, %add3A_35, %dma_start3A_44] : memref<2x10240x128xf32, #tpu.memory_space<hbm>> -> memref<1x128x128xf32, #tpu.memory_space<hbm>>
      %dma_start3A_46 = tpu.memref_squeeze %dma_start3A_45 : memref<1x128x128xf32, #tpu.memory_space<hbm>> -> memref<128x128xf32, #tpu.memory_space<hbm>>
      %dma_start3A_47 = arith.constant 0 : i32
      %dma_start3A_48 = tpu.memref_slice %arg7[%arg0, %add3A_35, %dma_start3A_47] : memref<2x10240x128xf32, #tpu.memory_space<hbm>> -> memref<1x128x128xf32, #tpu.memory_space<hbm>>
      %dma_start3A_49 = tpu.memref_squeeze %dma_start3A_48 : memref<1x128x128xf32, #tpu.memory_space<hbm>> -> memref<128x128xf32, #tpu.memory_space<hbm>>
      tpu.enqueue_dma source(%arg13 : memref<128x128xf32, #tpu.memory_space<vmem>>) target(%dma_start3A_49 : memref<128x128xf32, #tpu.memory_space<hbm>>) target_semaphore(%run_scoped3A : memref<!tpu.dma_semaphore, #tpu.memory_space<semaphore_mem>>)
      %dma_wait3A = arith.constant 0 : i32
      %dma_wait3A_50 = tpu.memref_slice %arg7[%arg0, %add3A_35, %dma_wait3A] : memref<2x10240x128xf32, #tpu.memory_space<hbm>> -> memref<1x128x128xf32, #tpu.memory_space<hbm>>
      %dma_wait3A_51 = tpu.memref_squeeze %dma_wait3A_50 : memref<1x128x128xf32, #tpu.memory_space<hbm>> -> memref<128x128xf32, #tpu.memory_space<hbm>>
      %dma_wait3A_52 = arith.constant 0 : i32
      %dma_wait3A_53 = tpu.memref_slice %arg7[%arg0, %add3A_35, %dma_wait3A_52] : memref<2x10240x128xf32, #tpu.memory_space<hbm>> -> memref<1x128x128xf32, #tpu.memory_space<hbm>>
      %dma_wait3A_54 = tpu.memref_squeeze %dma_wait3A_53 : memref<1x128x128xf32, #tpu.memory_space<hbm>> -> memref<128x128xf32, #tpu.memory_space<hbm>>
      tpu.wait_dma2 semaphore(%run_scoped3A : memref<!tpu.dma_semaphore, #tpu.memory_space<semaphore_mem>>) src(%arg13 : memref<128x128xf32, #tpu.memory_space<vmem>>) dst(%dma_wait3A_54 : memref<128x128xf32, #tpu.memory_space<hbm>>)
      tpu.yield
    }) : () -> ()
    %add3A_36 = arith.constant 384 : i32
    %add3A_37 = arith.addi %mul3A_0, %add3A_36 : i32
    "tpu.region"() ({
      %run_scoped3A = tpu.sem_alloc : memref<!tpu.dma_semaphore, #tpu.memory_space<semaphore_mem>>
      %dma_start3A_44 = tpu.memref_slice %arg5[%add3A_37] : memref<10240xi32, #tpu.memory_space<hbm>> -> memref<128xi32, #tpu.memory_space<hbm>>
      %dma_start3A_45 = tpu.memref_slice %arg5[%add3A_37] : memref<10240xi32, #tpu.memory_space<hbm>> -> memref<128xi32, #tpu.memory_space<hbm>>
      tpu.enqueue_dma source(%dma_start3A_45 : memref<128xi32, #tpu.memory_space<hbm>>) target(%arg12 : memref<128xi32, #tpu.memory_space<vmem>>) target_semaphore(%run_scoped3A : memref<!tpu.dma_semaphore, #tpu.memory_space<semaphore_mem>>)
      %dma_wait3A = tpu.memref_slice %arg5[%add3A_37] : memref<10240xi32, #tpu.memory_space<hbm>> -> memref<128xi32, #tpu.memory_space<hbm>>
      %dma_wait3A_46 = tpu.memref_slice %arg5[%add3A_37] : memref<10240xi32, #tpu.memory_space<hbm>> -> memref<128xi32, #tpu.memory_space<hbm>>
      tpu.wait_dma2 semaphore(%run_scoped3A : memref<!tpu.dma_semaphore, #tpu.memory_space<semaphore_mem>>) src(%dma_wait3A_46 : memref<128xi32, #tpu.memory_space<hbm>>) dst(%arg12 : memref<128xi32, #tpu.memory_space<vmem>>)
      tpu.yield
    }) : () -> ()
    "tpu.region"() ({
      %run_scoped3A = tpu.sem_alloc : memref<!tpu.dma_semaphore, #tpu.memory_space<semaphore_mem>>
      %dma_start3A_44 = arith.constant 0 : i32
      %dma_start3A_45 = arith.constant 0 : i32
      %dma_start3A_46 = tpu.memref_slice %arg17[%dma_start3A_44, %dma_start3A_45] : memref<10240x128xf32, #tpu.memory_space<vmem_shared>> -> memref<10240x128xf32, #tpu.memory_space<vmem_shared>>
      tpu.enqueue_indirect_dma source(%dma_start3A_46 : memref<10240x128xf32, #tpu.memory_space<vmem_shared>>) target(%arg13 : memref<128x128xf32, #tpu.memory_space<vmem>>) offsets(%arg12 : memref<128xi32, #tpu.memory_space<vmem>>) semaphore(%run_scoped3A : memref<!tpu.dma_semaphore, #tpu.memory_space<semaphore_mem>>)
      %dma_wait3A = arith.constant 0 : i32
      %dma_wait3A_47 = arith.constant 0 : i32
      %dma_wait3A_48 = tpu.memref_slice %arg17[%dma_wait3A, %dma_wait3A_47] : memref<10240x128xf32, #tpu.memory_space<vmem_shared>> -> memref<10240x128xf32, #tpu.memory_space<vmem_shared>>
      tpu.wait_indirect_dma semaphore(%run_scoped3A : memref<!tpu.dma_semaphore, #tpu.memory_space<semaphore_mem>>) src(%dma_wait3A_48 : memref<10240x128xf32, #tpu.memory_space<vmem_shared>>) dst(%arg13 : memref<128x128xf32, #tpu.memory_space<vmem>>)
      tpu.yield
    }) : () -> ()
    %add3A_38 = arith.constant 384 : i32
    %add3A_39 = arith.addi %mul3A_0, %add3A_38 : i32
    "tpu.region"() ({
      %run_scoped3A = tpu.sem_alloc : memref<!tpu.dma_semaphore, #tpu.memory_space<semaphore_mem>>
      %dma_start3A_44 = arith.constant 0 : i32
      %dma_start3A_45 = tpu.memref_slice %arg7[%arg0, %add3A_39, %dma_start3A_44] : memref<2x10240x128xf32, #tpu.memory_space<hbm>> -> memref<1x128x128xf32, #tpu.memory_space<hbm>>
      %dma_start3A_46 = tpu.memref_squeeze %dma_start3A_45 : memref<1x128x128xf32, #tpu.memory_space<hbm>> -> memref<128x128xf32, #tpu.memory_space<hbm>>
      %dma_start3A_47 = arith.constant 0 : i32
      %dma_start3A_48 = tpu.memref_slice %arg7[%arg0, %add3A_39, %dma_start3A_47] : memref<2x10240x128xf32, #tpu.memory_space<hbm>> -> memref<1x128x128xf32, #tpu.memory_space<hbm>>
      %dma_start3A_49 = tpu.memref_squeeze %dma_start3A_48 : memref<1x128x128xf32, #tpu.memory_space<hbm>> -> memref<128x128xf32, #tpu.memory_space<hbm>>
      tpu.enqueue_dma source(%arg13 : memref<128x128xf32, #tpu.memory_space<vmem>>) target(%dma_start3A_49 : memref<128x128xf32, #tpu.memory_space<hbm>>) target_semaphore(%run_scoped3A : memref<!tpu.dma_semaphore, #tpu.memory_space<semaphore_mem>>)
      %dma_wait3A = arith.constant 0 : i32
      %dma_wait3A_50 = tpu.memref_slice %arg7[%arg0, %add3A_39, %dma_wait3A] : memref<2x10240x128xf32, #tpu.memory_space<hbm>> -> memref<1x128x128xf32, #tpu.memory_space<hbm>>
      %dma_wait3A_51 = tpu.memref_squeeze %dma_wait3A_50 : memref<1x128x128xf32, #tpu.memory_space<hbm>> -> memref<128x128xf32, #tpu.memory_space<hbm>>
      %dma_wait3A_52 = arith.constant 0 : i32
      %dma_wait3A_53 = tpu.memref_slice %arg7[%arg0, %add3A_39, %dma_wait3A_52] : memref<2x10240x128xf32, #tpu.memory_space<hbm>> -> memref<1x128x128xf32, #tpu.memory_space<hbm>>
      %dma_wait3A_54 = tpu.memref_squeeze %dma_wait3A_53 : memref<1x128x128xf32, #tpu.memory_space<hbm>> -> memref<128x128xf32, #tpu.memory_space<hbm>>
      tpu.wait_dma2 semaphore(%run_scoped3A : memref<!tpu.dma_semaphore, #tpu.memory_space<semaphore_mem>>) src(%arg13 : memref<128x128xf32, #tpu.memory_space<vmem>>) dst(%dma_wait3A_54 : memref<128x128xf32, #tpu.memory_space<hbm>>)
      tpu.yield
    }) : () -> ()
    %add3A_40 = arith.constant 512 : i32
    %add3A_41 = arith.addi %mul3A_0, %add3A_40 : i32
    "tpu.region"() ({
      %run_scoped3A = tpu.sem_alloc : memref<!tpu.dma_semaphore, #tpu.memory_space<semaphore_mem>>
      %dma_start3A_44 = tpu.memref_slice %arg5[%add3A_41] : memref<10240xi32, #tpu.memory_space<hbm>> -> memref<128xi32, #tpu.memory_space<hbm>>
      %dma_start3A_45 = tpu.memref_slice %arg5[%add3A_41] : memref<10240xi32, #tpu.memory_space<hbm>> -> memref<128xi32, #tpu.memory_space<hbm>>
      tpu.enqueue_dma source(%dma_start3A_45 : memref<128xi32, #tpu.memory_space<hbm>>) target(%arg12 : memref<128xi32, #tpu.memory_space<vmem>>) target_semaphore(%run_scoped3A : memref<!tpu.dma_semaphore, #tpu.memory_space<semaphore_mem>>)
      %dma_wait3A = tpu.memref_slice %arg5[%add3A_41] : memref<10240xi32, #tpu.memory_space<hbm>> -> memref<128xi32, #tpu.memory_space<hbm>>
      %dma_wait3A_46 = tpu.memref_slice %arg5[%add3A_41] : memref<10240xi32, #tpu.memory_space<hbm>> -> memref<128xi32, #tpu.memory_space<hbm>>
      tpu.wait_dma2 semaphore(%run_scoped3A : memref<!tpu.dma_semaphore, #tpu.memory_space<semaphore_mem>>) src(%dma_wait3A_46 : memref<128xi32, #tpu.memory_space<hbm>>) dst(%arg12 : memref<128xi32, #tpu.memory_space<vmem>>)
      tpu.yield
    }) : () -> ()
    "tpu.region"() ({
      %run_scoped3A = tpu.sem_alloc : memref<!tpu.dma_semaphore, #tpu.memory_space<semaphore_mem>>
      %dma_start3A_44 = arith.constant 0 : i32
      %dma_start3A_45 = arith.constant 0 : i32
      %dma_start3A_46 = tpu.memref_slice %arg17[%dma_start3A_44, %dma_start3A_45] : memref<10240x128xf32, #tpu.memory_space<vmem_shared>> -> memref<10240x128xf32, #tpu.memory_space<vmem_shared>>
      tpu.enqueue_indirect_dma source(%dma_start3A_46 : memref<10240x128xf32, #tpu.memory_space<vmem_shared>>) target(%arg13 : memref<128x128xf32, #tpu.memory_space<vmem>>) offsets(%arg12 : memref<128xi32, #tpu.memory_space<vmem>>) semaphore(%run_scoped3A : memref<!tpu.dma_semaphore, #tpu.memory_space<semaphore_mem>>)
      %dma_wait3A = arith.constant 0 : i32
      %dma_wait3A_47 = arith.constant 0 : i32
      %dma_wait3A_48 = tpu.memref_slice %arg17[%dma_wait3A, %dma_wait3A_47] : memref<10240x128xf32, #tpu.memory_space<vmem_shared>> -> memref<10240x128xf32, #tpu.memory_space<vmem_shared>>
      tpu.wait_indirect_dma semaphore(%run_scoped3A : memref<!tpu.dma_semaphore, #tpu.memory_space<semaphore_mem>>) src(%dma_wait3A_48 : memref<10240x128xf32, #tpu.memory_space<vmem_shared>>) dst(%arg13 : memref<128x128xf32, #tpu.memory_space<vmem>>)
      tpu.yield
    }) : () -> ()
    %add3A_42 = arith.constant 512 : i32
    %add3A_43 = arith.addi %mul3A_0, %add3A_42 : i32
    "tpu.region"() ({
      %run_scoped3A = tpu.sem_alloc : memref<!tpu.dma_semaphore, #tpu.memory_space<semaphore_mem>>
      %dma_start3A_44 = arith.constant 0 : i32
      %dma_start3A_45 = tpu.memref_slice %arg7[%arg0, %add3A_43, %dma_start3A_44] : memref<2x10240x128xf32, #tpu.memory_space<hbm>> -> memref<1x128x128xf32, #tpu.memory_space<hbm>>
      %dma_start3A_46 = tpu.memref_squeeze %dma_start3A_45 : memref<1x128x128xf32, #tpu.memory_space<hbm>> -> memref<128x128xf32, #tpu.memory_space<hbm>>
      %dma_start3A_47 = arith.constant 0 : i32
      %dma_start3A_48 = tpu.memref_slice %arg7[%arg0, %add3A_43, %dma_start3A_47] : memref<2x10240x128xf32, #tpu.memory_space<hbm>> -> memref<1x128x128xf32, #tpu.memory_space<hbm>>
      %dma_start3A_49 = tpu.memref_squeeze %dma_start3A_48 : memref<1x128x128xf32, #tpu.memory_space<hbm>> -> memref<128x128xf32, #tpu.memory_space<hbm>>
      tpu.enqueue_dma source(%arg13 : memref<128x128xf32, #tpu.memory_space<vmem>>) target(%dma_start3A_49 : memref<128x128xf32, #tpu.memory_space<hbm>>) target_semaphore(%run_scoped3A : memref<!tpu.dma_semaphore, #tpu.memory_space<semaphore_mem>>)
      %dma_wait3A = arith.constant 0 : i32
      %dma_wait3A_50 = tpu.memref_slice %arg7[%arg0, %add3A_43, %dma_wait3A] : memref<2x10240x128xf32, #tpu.memory_space<hbm>> -> memref<1x128x128xf32, #tpu.memory_space<hbm>>
      %dma_wait3A_51 = tpu.memref_squeeze %dma_wait3A_50 : memref<1x128x128xf32, #tpu.memory_space<hbm>> -> memref<128x128xf32, #tpu.memory_space<hbm>>
      %dma_wait3A_52 = arith.constant 0 : i32
      %dma_wait3A_53 = tpu.memref_slice %arg7[%arg0, %add3A_43, %dma_wait3A_52] : memref<2x10240x128xf32, #tpu.memory_space<hbm>> -> memref<1x128x128xf32, #tpu.memory_space<hbm>>
      %dma_wait3A_54 = tpu.memref_squeeze %dma_wait3A_53 : memref<1x128x128xf32, #tpu.memory_space<hbm>> -> memref<128x128xf32, #tpu.memory_space<hbm>>
      tpu.wait_dma2 semaphore(%run_scoped3A : memref<!tpu.dma_semaphore, #tpu.memory_space<semaphore_mem>>) src(%arg13 : memref<128x128xf32, #tpu.memory_space<vmem>>) dst(%dma_wait3A_54 : memref<128x128xf32, #tpu.memory_space<hbm>>)
      tpu.yield
    }) : () -> ()
    return
  }
}

#map = affine_map<(d0, d1) -> (0)>
#map1 = affine_map<(d0, d1) -> (0, 0, 0)>
module attributes {stable_mosaic.version = 14 : i64} {
  func.func @_sc_degrees(%arg0: i32, %arg1: i32, %arg2: memref<643072xi32, #tpu.memory_space<hbm>>, %arg3: memref<10240xi32, #tpu.memory_space<hbm>>, %arg4: memref<2x128x16xf32, #tpu.memory_space<hbm>>, %arg5: memref<2x10240x16xf32, #tpu.memory_space<hbm>>, %arg6: memref<128xi32, #tpu.memory_space<vmem>>, %arg7: memref<128xi32, #tpu.memory_space<vmem>>, %arg8: memref<128x16xf32, #tpu.memory_space<vmem>>, %arg9: memref<128x16xf32, #tpu.memory_space<vmem>>, %arg10: memref<10240x16xf32, #tpu.memory_space<vmem_shared>>) attributes {dimension_semantics = [#tpu.dimension_semantics<core_parallel>, #tpu.dimension_semantics<subcore_parallel>], iteration_bounds = array<i64: 2, 16>, scalar_prefetch = 0 : i64, scratch_operands = 5 : i64, tpu.core_type = #tpu.core_type<sc_vector_subcore>, window_params = [{transform_indices = #map}, {transform_indices = #map}, {transform_indices = #map1}, {transform_indices = #map1}]} {
    %run_scoped3A = arith.constant 0 : i32
    "tpu.region"() ({
      %run_scoped3A_43 = tpu.sem_alloc : memref<!tpu.dma_semaphore, #tpu.memory_space<semaphore_mem>>
      %dma_start3A = arith.constant 0 : i32
      %dma_start3A_44 = arith.constant 0 : i32
      %dma_start3A_45 = tpu.memref_slice %arg4[%run_scoped3A, %dma_start3A, %dma_start3A_44] : memref<2x128x16xf32, #tpu.memory_space<hbm>> -> memref<1x128x16xf32, #tpu.memory_space<hbm>>
      %dma_start3A_46 = tpu.memref_squeeze %dma_start3A_45 : memref<1x128x16xf32, #tpu.memory_space<hbm>> -> memref<128x16xf32, #tpu.memory_space<hbm>>
      %dma_start3A_47 = arith.constant 0 : i32
      %dma_start3A_48 = arith.constant 0 : i32
      %dma_start3A_49 = tpu.memref_slice %arg4[%run_scoped3A, %dma_start3A_47, %dma_start3A_48] : memref<2x128x16xf32, #tpu.memory_space<hbm>> -> memref<1x128x16xf32, #tpu.memory_space<hbm>>
      %dma_start3A_50 = tpu.memref_squeeze %dma_start3A_49 : memref<1x128x16xf32, #tpu.memory_space<hbm>> -> memref<128x16xf32, #tpu.memory_space<hbm>>
      tpu.enqueue_dma source(%dma_start3A_50 : memref<128x16xf32, #tpu.memory_space<hbm>>) target(%arg8 : memref<128x16xf32, #tpu.memory_space<vmem>>) target_semaphore(%run_scoped3A_43 : memref<!tpu.dma_semaphore, #tpu.memory_space<semaphore_mem>>)
      %dma_wait3A = arith.constant 0 : i32
      %dma_wait3A_51 = arith.constant 0 : i32
      %dma_wait3A_52 = tpu.memref_slice %arg4[%run_scoped3A, %dma_wait3A, %dma_wait3A_51] : memref<2x128x16xf32, #tpu.memory_space<hbm>> -> memref<1x128x16xf32, #tpu.memory_space<hbm>>
      %dma_wait3A_53 = tpu.memref_squeeze %dma_wait3A_52 : memref<1x128x16xf32, #tpu.memory_space<hbm>> -> memref<128x16xf32, #tpu.memory_space<hbm>>
      %dma_wait3A_54 = arith.constant 0 : i32
      %dma_wait3A_55 = arith.constant 0 : i32
      %dma_wait3A_56 = tpu.memref_slice %arg4[%run_scoped3A, %dma_wait3A_54, %dma_wait3A_55] : memref<2x128x16xf32, #tpu.memory_space<hbm>> -> memref<1x128x16xf32, #tpu.memory_space<hbm>>
      %dma_wait3A_57 = tpu.memref_squeeze %dma_wait3A_56 : memref<1x128x16xf32, #tpu.memory_space<hbm>> -> memref<128x16xf32, #tpu.memory_space<hbm>>
      tpu.wait_dma2 semaphore(%run_scoped3A_43 : memref<!tpu.dma_semaphore, #tpu.memory_space<semaphore_mem>>) src(%dma_wait3A_57 : memref<128x16xf32, #tpu.memory_space<hbm>>) dst(%arg8 : memref<128x16xf32, #tpu.memory_space<vmem>>)
      tpu.yield
    }) : () -> ()
    %run_scoped3A_0 = arith.constant 1 : i32
    "tpu.region"() ({
      %run_scoped3A_43 = tpu.sem_alloc : memref<!tpu.dma_semaphore, #tpu.memory_space<semaphore_mem>>
      %dma_start3A = arith.constant 0 : i32
      %dma_start3A_44 = arith.constant 0 : i32
      %dma_start3A_45 = tpu.memref_slice %arg4[%run_scoped3A_0, %dma_start3A, %dma_start3A_44] : memref<2x128x16xf32, #tpu.memory_space<hbm>> -> memref<1x128x16xf32, #tpu.memory_space<hbm>>
      %dma_start3A_46 = tpu.memref_squeeze %dma_start3A_45 : memref<1x128x16xf32, #tpu.memory_space<hbm>> -> memref<128x16xf32, #tpu.memory_space<hbm>>
      %dma_start3A_47 = arith.constant 0 : i32
      %dma_start3A_48 = arith.constant 0 : i32
      %dma_start3A_49 = tpu.memref_slice %arg4[%run_scoped3A_0, %dma_start3A_47, %dma_start3A_48] : memref<2x128x16xf32, #tpu.memory_space<hbm>> -> memref<1x128x16xf32, #tpu.memory_space<hbm>>
      %dma_start3A_50 = tpu.memref_squeeze %dma_start3A_49 : memref<1x128x16xf32, #tpu.memory_space<hbm>> -> memref<128x16xf32, #tpu.memory_space<hbm>>
      tpu.enqueue_dma source(%dma_start3A_50 : memref<128x16xf32, #tpu.memory_space<hbm>>) target(%arg9 : memref<128x16xf32, #tpu.memory_space<vmem>>) target_semaphore(%run_scoped3A_43 : memref<!tpu.dma_semaphore, #tpu.memory_space<semaphore_mem>>)
      %dma_wait3A = arith.constant 0 : i32
      %dma_wait3A_51 = arith.constant 0 : i32
      %dma_wait3A_52 = tpu.memref_slice %arg4[%run_scoped3A_0, %dma_wait3A, %dma_wait3A_51] : memref<2x128x16xf32, #tpu.memory_space<hbm>> -> memref<1x128x16xf32, #tpu.memory_space<hbm>>
      %dma_wait3A_53 = tpu.memref_squeeze %dma_wait3A_52 : memref<1x128x16xf32, #tpu.memory_space<hbm>> -> memref<128x16xf32, #tpu.memory_space<hbm>>
      %dma_wait3A_54 = arith.constant 0 : i32
      %dma_wait3A_55 = arith.constant 0 : i32
      %dma_wait3A_56 = tpu.memref_slice %arg4[%run_scoped3A_0, %dma_wait3A_54, %dma_wait3A_55] : memref<2x128x16xf32, #tpu.memory_space<hbm>> -> memref<1x128x16xf32, #tpu.memory_space<hbm>>
      %dma_wait3A_57 = tpu.memref_squeeze %dma_wait3A_56 : memref<1x128x16xf32, #tpu.memory_space<hbm>> -> memref<128x16xf32, #tpu.memory_space<hbm>>
      tpu.wait_dma2 semaphore(%run_scoped3A_43 : memref<!tpu.dma_semaphore, #tpu.memory_space<semaphore_mem>>) src(%dma_wait3A_57 : memref<128x16xf32, #tpu.memory_space<hbm>>) dst(%arg9 : memref<128x16xf32, #tpu.memory_space<vmem>>)
      tpu.yield
    }) : () -> ()
    %mul3A = arith.constant 640 : i32
    %mul3A_1 = arith.muli %arg1, %mul3A : i32
    %add3A = arith.constant 0 : i32
    %add3A_2 = arith.addi %mul3A_1, %add3A : i32
    "tpu.region"() ({
      %run_scoped3A_43 = tpu.sem_alloc : memref<!tpu.dma_semaphore, #tpu.memory_space<semaphore_mem>>
      %dma_start3A = tpu.memref_slice %arg3[%add3A_2] : memref<10240xi32, #tpu.memory_space<hbm>> -> memref<128xi32, #tpu.memory_space<hbm>>
      %dma_start3A_44 = tpu.memref_slice %arg3[%add3A_2] : memref<10240xi32, #tpu.memory_space<hbm>> -> memref<128xi32, #tpu.memory_space<hbm>>
      tpu.enqueue_dma source(%dma_start3A_44 : memref<128xi32, #tpu.memory_space<hbm>>) target(%arg7 : memref<128xi32, #tpu.memory_space<vmem>>) target_semaphore(%run_scoped3A_43 : memref<!tpu.dma_semaphore, #tpu.memory_space<semaphore_mem>>)
      %dma_wait3A = tpu.memref_slice %arg3[%add3A_2] : memref<10240xi32, #tpu.memory_space<hbm>> -> memref<128xi32, #tpu.memory_space<hbm>>
      %dma_wait3A_45 = tpu.memref_slice %arg3[%add3A_2] : memref<10240xi32, #tpu.memory_space<hbm>> -> memref<128xi32, #tpu.memory_space<hbm>>
      tpu.wait_dma2 semaphore(%run_scoped3A_43 : memref<!tpu.dma_semaphore, #tpu.memory_space<semaphore_mem>>) src(%dma_wait3A_45 : memref<128xi32, #tpu.memory_space<hbm>>) dst(%arg7 : memref<128xi32, #tpu.memory_space<vmem>>)
      tpu.yield
    }) : () -> ()
    "tpu.region"() ({
      %run_scoped3A_43 = tpu.sem_alloc : memref<!tpu.dma_semaphore, #tpu.memory_space<semaphore_mem>>
      %dma_start3A = arith.constant 0 : i32
      %dma_start3A_44 = arith.constant 0 : i32
      %dma_start3A_45 = tpu.memref_slice %arg10[%dma_start3A, %dma_start3A_44] : memref<10240x16xf32, #tpu.memory_space<vmem_shared>> -> memref<10240x16xf32, #tpu.memory_space<vmem_shared>>
      tpu.enqueue_indirect_dma source(%arg9 : memref<128x16xf32, #tpu.memory_space<vmem>>) target(%dma_start3A_45 : memref<10240x16xf32, #tpu.memory_space<vmem_shared>>) offsets(%arg7 : memref<128xi32, #tpu.memory_space<vmem>>) semaphore(%run_scoped3A_43 : memref<!tpu.dma_semaphore, #tpu.memory_space<semaphore_mem>>)
      %dma_wait3A = arith.constant 0 : i32
      %dma_wait3A_46 = arith.constant 0 : i32
      %dma_wait3A_47 = tpu.memref_slice %arg10[%dma_wait3A, %dma_wait3A_46] : memref<10240x16xf32, #tpu.memory_space<vmem_shared>> -> memref<10240x16xf32, #tpu.memory_space<vmem_shared>>
      tpu.wait_indirect_dma semaphore(%run_scoped3A_43 : memref<!tpu.dma_semaphore, #tpu.memory_space<semaphore_mem>>) src(%arg9 : memref<128x16xf32, #tpu.memory_space<vmem>>) dst(%dma_wait3A_47 : memref<10240x16xf32, #tpu.memory_space<vmem_shared>>)
      tpu.yield
    }) : () -> ()
    %add3A_3 = arith.constant 128 : i32
    %add3A_4 = arith.addi %mul3A_1, %add3A_3 : i32
    "tpu.region"() ({
      %run_scoped3A_43 = tpu.sem_alloc : memref<!tpu.dma_semaphore, #tpu.memory_space<semaphore_mem>>
      %dma_start3A = tpu.memref_slice %arg3[%add3A_4] : memref<10240xi32, #tpu.memory_space<hbm>> -> memref<128xi32, #tpu.memory_space<hbm>>
      %dma_start3A_44 = tpu.memref_slice %arg3[%add3A_4] : memref<10240xi32, #tpu.memory_space<hbm>> -> memref<128xi32, #tpu.memory_space<hbm>>
      tpu.enqueue_dma source(%dma_start3A_44 : memref<128xi32, #tpu.memory_space<hbm>>) target(%arg7 : memref<128xi32, #tpu.memory_space<vmem>>) target_semaphore(%run_scoped3A_43 : memref<!tpu.dma_semaphore, #tpu.memory_space<semaphore_mem>>)
      %dma_wait3A = tpu.memref_slice %arg3[%add3A_4] : memref<10240xi32, #tpu.memory_space<hbm>> -> memref<128xi32, #tpu.memory_space<hbm>>
      %dma_wait3A_45 = tpu.memref_slice %arg3[%add3A_4] : memref<10240xi32, #tpu.memory_space<hbm>> -> memref<128xi32, #tpu.memory_space<hbm>>
      tpu.wait_dma2 semaphore(%run_scoped3A_43 : memref<!tpu.dma_semaphore, #tpu.memory_space<semaphore_mem>>) src(%dma_wait3A_45 : memref<128xi32, #tpu.memory_space<hbm>>) dst(%arg7 : memref<128xi32, #tpu.memory_space<vmem>>)
      tpu.yield
    }) : () -> ()
    "tpu.region"() ({
      %run_scoped3A_43 = tpu.sem_alloc : memref<!tpu.dma_semaphore, #tpu.memory_space<semaphore_mem>>
      %dma_start3A = arith.constant 0 : i32
      %dma_start3A_44 = arith.constant 0 : i32
      %dma_start3A_45 = tpu.memref_slice %arg10[%dma_start3A, %dma_start3A_44] : memref<10240x16xf32, #tpu.memory_space<vmem_shared>> -> memref<10240x16xf32, #tpu.memory_space<vmem_shared>>
      tpu.enqueue_indirect_dma source(%arg9 : memref<128x16xf32, #tpu.memory_space<vmem>>) target(%dma_start3A_45 : memref<10240x16xf32, #tpu.memory_space<vmem_shared>>) offsets(%arg7 : memref<128xi32, #tpu.memory_space<vmem>>) semaphore(%run_scoped3A_43 : memref<!tpu.dma_semaphore, #tpu.memory_space<semaphore_mem>>)
      %dma_wait3A = arith.constant 0 : i32
      %dma_wait3A_46 = arith.constant 0 : i32
      %dma_wait3A_47 = tpu.memref_slice %arg10[%dma_wait3A, %dma_wait3A_46] : memref<10240x16xf32, #tpu.memory_space<vmem_shared>> -> memref<10240x16xf32, #tpu.memory_space<vmem_shared>>
      tpu.wait_indirect_dma semaphore(%run_scoped3A_43 : memref<!tpu.dma_semaphore, #tpu.memory_space<semaphore_mem>>) src(%arg9 : memref<128x16xf32, #tpu.memory_space<vmem>>) dst(%dma_wait3A_47 : memref<10240x16xf32, #tpu.memory_space<vmem_shared>>)
      tpu.yield
    }) : () -> ()
    %add3A_5 = arith.constant 256 : i32
    %add3A_6 = arith.addi %mul3A_1, %add3A_5 : i32
    "tpu.region"() ({
      %run_scoped3A_43 = tpu.sem_alloc : memref<!tpu.dma_semaphore, #tpu.memory_space<semaphore_mem>>
      %dma_start3A = tpu.memref_slice %arg3[%add3A_6] : memref<10240xi32, #tpu.memory_space<hbm>> -> memref<128xi32, #tpu.memory_space<hbm>>
      %dma_start3A_44 = tpu.memref_slice %arg3[%add3A_6] : memref<10240xi32, #tpu.memory_space<hbm>> -> memref<128xi32, #tpu.memory_space<hbm>>
      tpu.enqueue_dma source(%dma_start3A_44 : memref<128xi32, #tpu.memory_space<hbm>>) target(%arg7 : memref<128xi32, #tpu.memory_space<vmem>>) target_semaphore(%run_scoped3A_43 : memref<!tpu.dma_semaphore, #tpu.memory_space<semaphore_mem>>)
      %dma_wait3A = tpu.memref_slice %arg3[%add3A_6] : memref<10240xi32, #tpu.memory_space<hbm>> -> memref<128xi32, #tpu.memory_space<hbm>>
      %dma_wait3A_45 = tpu.memref_slice %arg3[%add3A_6] : memref<10240xi32, #tpu.memory_space<hbm>> -> memref<128xi32, #tpu.memory_space<hbm>>
      tpu.wait_dma2 semaphore(%run_scoped3A_43 : memref<!tpu.dma_semaphore, #tpu.memory_space<semaphore_mem>>) src(%dma_wait3A_45 : memref<128xi32, #tpu.memory_space<hbm>>) dst(%arg7 : memref<128xi32, #tpu.memory_space<vmem>>)
      tpu.yield
    }) : () -> ()
    "tpu.region"() ({
      %run_scoped3A_43 = tpu.sem_alloc : memref<!tpu.dma_semaphore, #tpu.memory_space<semaphore_mem>>
      %dma_start3A = arith.constant 0 : i32
      %dma_start3A_44 = arith.constant 0 : i32
      %dma_start3A_45 = tpu.memref_slice %arg10[%dma_start3A, %dma_start3A_44] : memref<10240x16xf32, #tpu.memory_space<vmem_shared>> -> memref<10240x16xf32, #tpu.memory_space<vmem_shared>>
      tpu.enqueue_indirect_dma source(%arg9 : memref<128x16xf32, #tpu.memory_space<vmem>>) target(%dma_start3A_45 : memref<10240x16xf32, #tpu.memory_space<vmem_shared>>) offsets(%arg7 : memref<128xi32, #tpu.memory_space<vmem>>) semaphore(%run_scoped3A_43 : memref<!tpu.dma_semaphore, #tpu.memory_space<semaphore_mem>>)
      %dma_wait3A = arith.constant 0 : i32
      %dma_wait3A_46 = arith.constant 0 : i32
      %dma_wait3A_47 = tpu.memref_slice %arg10[%dma_wait3A, %dma_wait3A_46] : memref<10240x16xf32, #tpu.memory_space<vmem_shared>> -> memref<10240x16xf32, #tpu.memory_space<vmem_shared>>
      tpu.wait_indirect_dma semaphore(%run_scoped3A_43 : memref<!tpu.dma_semaphore, #tpu.memory_space<semaphore_mem>>) src(%arg9 : memref<128x16xf32, #tpu.memory_space<vmem>>) dst(%dma_wait3A_47 : memref<10240x16xf32, #tpu.memory_space<vmem_shared>>)
      tpu.yield
    }) : () -> ()
    %add3A_7 = arith.constant 384 : i32
    %add3A_8 = arith.addi %mul3A_1, %add3A_7 : i32
    "tpu.region"() ({
      %run_scoped3A_43 = tpu.sem_alloc : memref<!tpu.dma_semaphore, #tpu.memory_space<semaphore_mem>>
      %dma_start3A = tpu.memref_slice %arg3[%add3A_8] : memref<10240xi32, #tpu.memory_space<hbm>> -> memref<128xi32, #tpu.memory_space<hbm>>
      %dma_start3A_44 = tpu.memref_slice %arg3[%add3A_8] : memref<10240xi32, #tpu.memory_space<hbm>> -> memref<128xi32, #tpu.memory_space<hbm>>
      tpu.enqueue_dma source(%dma_start3A_44 : memref<128xi32, #tpu.memory_space<hbm>>) target(%arg7 : memref<128xi32, #tpu.memory_space<vmem>>) target_semaphore(%run_scoped3A_43 : memref<!tpu.dma_semaphore, #tpu.memory_space<semaphore_mem>>)
      %dma_wait3A = tpu.memref_slice %arg3[%add3A_8] : memref<10240xi32, #tpu.memory_space<hbm>> -> memref<128xi32, #tpu.memory_space<hbm>>
      %dma_wait3A_45 = tpu.memref_slice %arg3[%add3A_8] : memref<10240xi32, #tpu.memory_space<hbm>> -> memref<128xi32, #tpu.memory_space<hbm>>
      tpu.wait_dma2 semaphore(%run_scoped3A_43 : memref<!tpu.dma_semaphore, #tpu.memory_space<semaphore_mem>>) src(%dma_wait3A_45 : memref<128xi32, #tpu.memory_space<hbm>>) dst(%arg7 : memref<128xi32, #tpu.memory_space<vmem>>)
      tpu.yield
    }) : () -> ()
    "tpu.region"() ({
      %run_scoped3A_43 = tpu.sem_alloc : memref<!tpu.dma_semaphore, #tpu.memory_space<semaphore_mem>>
      %dma_start3A = arith.constant 0 : i32
      %dma_start3A_44 = arith.constant 0 : i32
      %dma_start3A_45 = tpu.memref_slice %arg10[%dma_start3A, %dma_start3A_44] : memref<10240x16xf32, #tpu.memory_space<vmem_shared>> -> memref<10240x16xf32, #tpu.memory_space<vmem_shared>>
      tpu.enqueue_indirect_dma source(%arg9 : memref<128x16xf32, #tpu.memory_space<vmem>>) target(%dma_start3A_45 : memref<10240x16xf32, #tpu.memory_space<vmem_shared>>) offsets(%arg7 : memref<128xi32, #tpu.memory_space<vmem>>) semaphore(%run_scoped3A_43 : memref<!tpu.dma_semaphore, #tpu.memory_space<semaphore_mem>>)
      %dma_wait3A = arith.constant 0 : i32
      %dma_wait3A_46 = arith.constant 0 : i32
      %dma_wait3A_47 = tpu.memref_slice %arg10[%dma_wait3A, %dma_wait3A_46] : memref<10240x16xf32, #tpu.memory_space<vmem_shared>> -> memref<10240x16xf32, #tpu.memory_space<vmem_shared>>
      tpu.wait_indirect_dma semaphore(%run_scoped3A_43 : memref<!tpu.dma_semaphore, #tpu.memory_space<semaphore_mem>>) src(%arg9 : memref<128x16xf32, #tpu.memory_space<vmem>>) dst(%dma_wait3A_47 : memref<10240x16xf32, #tpu.memory_space<vmem_shared>>)
      tpu.yield
    }) : () -> ()
    %add3A_9 = arith.constant 512 : i32
    %add3A_10 = arith.addi %mul3A_1, %add3A_9 : i32
    "tpu.region"() ({
      %run_scoped3A_43 = tpu.sem_alloc : memref<!tpu.dma_semaphore, #tpu.memory_space<semaphore_mem>>
      %dma_start3A = tpu.memref_slice %arg3[%add3A_10] : memref<10240xi32, #tpu.memory_space<hbm>> -> memref<128xi32, #tpu.memory_space<hbm>>
      %dma_start3A_44 = tpu.memref_slice %arg3[%add3A_10] : memref<10240xi32, #tpu.memory_space<hbm>> -> memref<128xi32, #tpu.memory_space<hbm>>
      tpu.enqueue_dma source(%dma_start3A_44 : memref<128xi32, #tpu.memory_space<hbm>>) target(%arg7 : memref<128xi32, #tpu.memory_space<vmem>>) target_semaphore(%run_scoped3A_43 : memref<!tpu.dma_semaphore, #tpu.memory_space<semaphore_mem>>)
      %dma_wait3A = tpu.memref_slice %arg3[%add3A_10] : memref<10240xi32, #tpu.memory_space<hbm>> -> memref<128xi32, #tpu.memory_space<hbm>>
      %dma_wait3A_45 = tpu.memref_slice %arg3[%add3A_10] : memref<10240xi32, #tpu.memory_space<hbm>> -> memref<128xi32, #tpu.memory_space<hbm>>
      tpu.wait_dma2 semaphore(%run_scoped3A_43 : memref<!tpu.dma_semaphore, #tpu.memory_space<semaphore_mem>>) src(%dma_wait3A_45 : memref<128xi32, #tpu.memory_space<hbm>>) dst(%arg7 : memref<128xi32, #tpu.memory_space<vmem>>)
      tpu.yield
    }) : () -> ()
    "tpu.region"() ({
      %run_scoped3A_43 = tpu.sem_alloc : memref<!tpu.dma_semaphore, #tpu.memory_space<semaphore_mem>>
      %dma_start3A = arith.constant 0 : i32
      %dma_start3A_44 = arith.constant 0 : i32
      %dma_start3A_45 = tpu.memref_slice %arg10[%dma_start3A, %dma_start3A_44] : memref<10240x16xf32, #tpu.memory_space<vmem_shared>> -> memref<10240x16xf32, #tpu.memory_space<vmem_shared>>
      tpu.enqueue_indirect_dma source(%arg9 : memref<128x16xf32, #tpu.memory_space<vmem>>) target(%dma_start3A_45 : memref<10240x16xf32, #tpu.memory_space<vmem_shared>>) offsets(%arg7 : memref<128xi32, #tpu.memory_space<vmem>>) semaphore(%run_scoped3A_43 : memref<!tpu.dma_semaphore, #tpu.memory_space<semaphore_mem>>)
      %dma_wait3A = arith.constant 0 : i32
      %dma_wait3A_46 = arith.constant 0 : i32
      %dma_wait3A_47 = tpu.memref_slice %arg10[%dma_wait3A, %dma_wait3A_46] : memref<10240x16xf32, #tpu.memory_space<vmem_shared>> -> memref<10240x16xf32, #tpu.memory_space<vmem_shared>>
      tpu.wait_indirect_dma semaphore(%run_scoped3A_43 : memref<!tpu.dma_semaphore, #tpu.memory_space<semaphore_mem>>) src(%arg9 : memref<128x16xf32, #tpu.memory_space<vmem>>) dst(%dma_wait3A_47 : memref<10240x16xf32, #tpu.memory_space<vmem_shared>>)
      tpu.yield
    }) : () -> ()
    %barrier3A = arith.constant 0 : index
    tpu.barrier barrier_id(%barrier3A)
    %mul3A_11 = arith.constant 16 : i32
    %mul3A_12 = arith.muli %arg0, %mul3A_11 : i32
    %add3A_13 = arith.addi %mul3A_12, %arg1 : i32
    %mul3A_14 = arith.constant 20096 : i32
    %mul3A_15 = arith.muli %add3A_13, %mul3A_14 : i32
    %scan3A = arith.constant 0 : i32
    %scan3A_16 = arith.constant 0 : i32
    %scan3A_17 = arith.constant 157 : i32
    %scan3A_18 = arith.addi %scan3A_16, %scan3A_17 : i32
    %scan3A_19 = arith.constant 1 : i32
    %scan3A_20 = scf.for %scan3A_43 = %scan3A_16 to %scan3A_18 step %scan3A_19 iter_args(%scan3A_44 = %scan3A) -> (i32)  : i32 {
      %mul3A_45 = arith.constant 128 : i32
      %mul3A_46 = arith.muli %scan3A_43, %mul3A_45 : i32
      %add3A_47 = arith.addi %mul3A_15, %mul3A_46 : i32
      "tpu.region"() ({
        %run_scoped3A_49 = tpu.sem_alloc : memref<!tpu.dma_semaphore, #tpu.memory_space<semaphore_mem>>
        %dma_start3A = tpu.memref_slice %arg2[%add3A_47] : memref<643072xi32, #tpu.memory_space<hbm>> -> memref<128xi32, #tpu.memory_space<hbm>>
        %dma_start3A_50 = tpu.memref_slice %arg2[%add3A_47] : memref<643072xi32, #tpu.memory_space<hbm>> -> memref<128xi32, #tpu.memory_space<hbm>>
        tpu.enqueue_dma source(%dma_start3A_50 : memref<128xi32, #tpu.memory_space<hbm>>) target(%arg6 : memref<128xi32, #tpu.memory_space<vmem>>) target_semaphore(%run_scoped3A_49 : memref<!tpu.dma_semaphore, #tpu.memory_space<semaphore_mem>>)
        %dma_wait3A = tpu.memref_slice %arg2[%add3A_47] : memref<643072xi32, #tpu.memory_space<hbm>> -> memref<128xi32, #tpu.memory_space<hbm>>
        %dma_wait3A_51 = tpu.memref_slice %arg2[%add3A_47] : memref<643072xi32, #tpu.memory_space<hbm>> -> memref<128xi32, #tpu.memory_space<hbm>>
        tpu.wait_dma2 semaphore(%run_scoped3A_49 : memref<!tpu.dma_semaphore, #tpu.memory_space<semaphore_mem>>) src(%dma_wait3A_51 : memref<128xi32, #tpu.memory_space<hbm>>) dst(%arg6 : memref<128xi32, #tpu.memory_space<vmem>>)
        tpu.yield
      }) : () -> ()
      "tpu.region"() ({
        %run_scoped3A_49 = tpu.sem_alloc : memref<!tpu.dma_semaphore, #tpu.memory_space<semaphore_mem>>
        %dma_start3A = arith.constant 0 : i32
        %dma_start3A_50 = arith.constant 0 : i32
        %dma_start3A_51 = tpu.memref_slice %arg10[%dma_start3A, %dma_start3A_50] : memref<10240x16xf32, #tpu.memory_space<vmem_shared>> -> memref<10240x16xf32, #tpu.memory_space<vmem_shared>>
        tpu.enqueue_indirect_dma source(%arg8 : memref<128x16xf32, #tpu.memory_space<vmem>>) target(%dma_start3A_51 : memref<10240x16xf32, #tpu.memory_space<vmem_shared>>) offsets(%arg6 : memref<128xi32, #tpu.memory_space<vmem>>) semaphore(%run_scoped3A_49 : memref<!tpu.dma_semaphore, #tpu.memory_space<semaphore_mem>>) {add = true}
        %dma_wait3A = arith.constant 0 : i32
        %dma_wait3A_52 = arith.constant 0 : i32
        %dma_wait3A_53 = tpu.memref_slice %arg10[%dma_wait3A, %dma_wait3A_52] : memref<10240x16xf32, #tpu.memory_space<vmem_shared>> -> memref<10240x16xf32, #tpu.memory_space<vmem_shared>>
        tpu.wait_indirect_dma semaphore(%run_scoped3A_49 : memref<!tpu.dma_semaphore, #tpu.memory_space<semaphore_mem>>) src(%arg8 : memref<128x16xf32, #tpu.memory_space<vmem>>) dst(%dma_wait3A_53 : memref<10240x16xf32, #tpu.memory_space<vmem_shared>>)
        tpu.yield
      }) : () -> ()
      %scan3A_48 = arith.constant 0 : i32
      scf.yield %scan3A_48 : i32
    }
    %scan3A_21 = arith.constant 157 : i32
    %barrier3A_22 = arith.constant 0 : index
    tpu.barrier barrier_id(%barrier3A_22)
    %add3A_23 = arith.constant 0 : i32
    %add3A_24 = arith.addi %mul3A_1, %add3A_23 : i32
    "tpu.region"() ({
      %run_scoped3A_43 = tpu.sem_alloc : memref<!tpu.dma_semaphore, #tpu.memory_space<semaphore_mem>>
      %dma_start3A = tpu.memref_slice %arg3[%add3A_24] : memref<10240xi32, #tpu.memory_space<hbm>> -> memref<128xi32, #tpu.memory_space<hbm>>
      %dma_start3A_44 = tpu.memref_slice %arg3[%add3A_24] : memref<10240xi32, #tpu.memory_space<hbm>> -> memref<128xi32, #tpu.memory_space<hbm>>
      tpu.enqueue_dma source(%dma_start3A_44 : memref<128xi32, #tpu.memory_space<hbm>>) target(%arg7 : memref<128xi32, #tpu.memory_space<vmem>>) target_semaphore(%run_scoped3A_43 : memref<!tpu.dma_semaphore, #tpu.memory_space<semaphore_mem>>)
      %dma_wait3A = tpu.memref_slice %arg3[%add3A_24] : memref<10240xi32, #tpu.memory_space<hbm>> -> memref<128xi32, #tpu.memory_space<hbm>>
      %dma_wait3A_45 = tpu.memref_slice %arg3[%add3A_24] : memref<10240xi32, #tpu.memory_space<hbm>> -> memref<128xi32, #tpu.memory_space<hbm>>
      tpu.wait_dma2 semaphore(%run_scoped3A_43 : memref<!tpu.dma_semaphore, #tpu.memory_space<semaphore_mem>>) src(%dma_wait3A_45 : memref<128xi32, #tpu.memory_space<hbm>>) dst(%arg7 : memref<128xi32, #tpu.memory_space<vmem>>)
      tpu.yield
    }) : () -> ()
    "tpu.region"() ({
      %run_scoped3A_43 = tpu.sem_alloc : memref<!tpu.dma_semaphore, #tpu.memory_space<semaphore_mem>>
      %dma_start3A = arith.constant 0 : i32
      %dma_start3A_44 = arith.constant 0 : i32
      %dma_start3A_45 = tpu.memref_slice %arg10[%dma_start3A, %dma_start3A_44] : memref<10240x16xf32, #tpu.memory_space<vmem_shared>> -> memref<10240x16xf32, #tpu.memory_space<vmem_shared>>
      tpu.enqueue_indirect_dma source(%dma_start3A_45 : memref<10240x16xf32, #tpu.memory_space<vmem_shared>>) target(%arg9 : memref<128x16xf32, #tpu.memory_space<vmem>>) offsets(%arg7 : memref<128xi32, #tpu.memory_space<vmem>>) semaphore(%run_scoped3A_43 : memref<!tpu.dma_semaphore, #tpu.memory_space<semaphore_mem>>)
      %dma_wait3A = arith.constant 0 : i32
      %dma_wait3A_46 = arith.constant 0 : i32
      %dma_wait3A_47 = tpu.memref_slice %arg10[%dma_wait3A, %dma_wait3A_46] : memref<10240x16xf32, #tpu.memory_space<vmem_shared>> -> memref<10240x16xf32, #tpu.memory_space<vmem_shared>>
      tpu.wait_indirect_dma semaphore(%run_scoped3A_43 : memref<!tpu.dma_semaphore, #tpu.memory_space<semaphore_mem>>) src(%dma_wait3A_47 : memref<10240x16xf32, #tpu.memory_space<vmem_shared>>) dst(%arg9 : memref<128x16xf32, #tpu.memory_space<vmem>>)
      tpu.yield
    }) : () -> ()
    %add3A_25 = arith.constant 0 : i32
    %add3A_26 = arith.addi %mul3A_1, %add3A_25 : i32
    "tpu.region"() ({
      %run_scoped3A_43 = tpu.sem_alloc : memref<!tpu.dma_semaphore, #tpu.memory_space<semaphore_mem>>
      %dma_start3A = arith.constant 0 : i32
      %dma_start3A_44 = tpu.memref_slice %arg5[%arg0, %add3A_26, %dma_start3A] : memref<2x10240x16xf32, #tpu.memory_space<hbm>> -> memref<1x128x16xf32, #tpu.memory_space<hbm>>
      %dma_start3A_45 = tpu.memref_squeeze %dma_start3A_44 : memref<1x128x16xf32, #tpu.memory_space<hbm>> -> memref<128x16xf32, #tpu.memory_space<hbm>>
      %dma_start3A_46 = arith.constant 0 : i32
      %dma_start3A_47 = tpu.memref_slice %arg5[%arg0, %add3A_26, %dma_start3A_46] : memref<2x10240x16xf32, #tpu.memory_space<hbm>> -> memref<1x128x16xf32, #tpu.memory_space<hbm>>
      %dma_start3A_48 = tpu.memref_squeeze %dma_start3A_47 : memref<1x128x16xf32, #tpu.memory_space<hbm>> -> memref<128x16xf32, #tpu.memory_space<hbm>>
      tpu.enqueue_dma source(%arg9 : memref<128x16xf32, #tpu.memory_space<vmem>>) target(%dma_start3A_48 : memref<128x16xf32, #tpu.memory_space<hbm>>) target_semaphore(%run_scoped3A_43 : memref<!tpu.dma_semaphore, #tpu.memory_space<semaphore_mem>>)
      %dma_wait3A = arith.constant 0 : i32
      %dma_wait3A_49 = tpu.memref_slice %arg5[%arg0, %add3A_26, %dma_wait3A] : memref<2x10240x16xf32, #tpu.memory_space<hbm>> -> memref<1x128x16xf32, #tpu.memory_space<hbm>>
      %dma_wait3A_50 = tpu.memref_squeeze %dma_wait3A_49 : memref<1x128x16xf32, #tpu.memory_space<hbm>> -> memref<128x16xf32, #tpu.memory_space<hbm>>
      %dma_wait3A_51 = arith.constant 0 : i32
      %dma_wait3A_52 = tpu.memref_slice %arg5[%arg0, %add3A_26, %dma_wait3A_51] : memref<2x10240x16xf32, #tpu.memory_space<hbm>> -> memref<1x128x16xf32, #tpu.memory_space<hbm>>
      %dma_wait3A_53 = tpu.memref_squeeze %dma_wait3A_52 : memref<1x128x16xf32, #tpu.memory_space<hbm>> -> memref<128x16xf32, #tpu.memory_space<hbm>>
      tpu.wait_dma2 semaphore(%run_scoped3A_43 : memref<!tpu.dma_semaphore, #tpu.memory_space<semaphore_mem>>) src(%arg9 : memref<128x16xf32, #tpu.memory_space<vmem>>) dst(%dma_wait3A_53 : memref<128x16xf32, #tpu.memory_space<hbm>>)
      tpu.yield
    }) : () -> ()
    %add3A_27 = arith.constant 128 : i32
    %add3A_28 = arith.addi %mul3A_1, %add3A_27 : i32
    "tpu.region"() ({
      %run_scoped3A_43 = tpu.sem_alloc : memref<!tpu.dma_semaphore, #tpu.memory_space<semaphore_mem>>
      %dma_start3A = tpu.memref_slice %arg3[%add3A_28] : memref<10240xi32, #tpu.memory_space<hbm>> -> memref<128xi32, #tpu.memory_space<hbm>>
      %dma_start3A_44 = tpu.memref_slice %arg3[%add3A_28] : memref<10240xi32, #tpu.memory_space<hbm>> -> memref<128xi32, #tpu.memory_space<hbm>>
      tpu.enqueue_dma source(%dma_start3A_44 : memref<128xi32, #tpu.memory_space<hbm>>) target(%arg7 : memref<128xi32, #tpu.memory_space<vmem>>) target_semaphore(%run_scoped3A_43 : memref<!tpu.dma_semaphore, #tpu.memory_space<semaphore_mem>>)
      %dma_wait3A = tpu.memref_slice %arg3[%add3A_28] : memref<10240xi32, #tpu.memory_space<hbm>> -> memref<128xi32, #tpu.memory_space<hbm>>
      %dma_wait3A_45 = tpu.memref_slice %arg3[%add3A_28] : memref<10240xi32, #tpu.memory_space<hbm>> -> memref<128xi32, #tpu.memory_space<hbm>>
      tpu.wait_dma2 semaphore(%run_scoped3A_43 : memref<!tpu.dma_semaphore, #tpu.memory_space<semaphore_mem>>) src(%dma_wait3A_45 : memref<128xi32, #tpu.memory_space<hbm>>) dst(%arg7 : memref<128xi32, #tpu.memory_space<vmem>>)
      tpu.yield
    }) : () -> ()
    "tpu.region"() ({
      %run_scoped3A_43 = tpu.sem_alloc : memref<!tpu.dma_semaphore, #tpu.memory_space<semaphore_mem>>
      %dma_start3A = arith.constant 0 : i32
      %dma_start3A_44 = arith.constant 0 : i32
      %dma_start3A_45 = tpu.memref_slice %arg10[%dma_start3A, %dma_start3A_44] : memref<10240x16xf32, #tpu.memory_space<vmem_shared>> -> memref<10240x16xf32, #tpu.memory_space<vmem_shared>>
      tpu.enqueue_indirect_dma source(%dma_start3A_45 : memref<10240x16xf32, #tpu.memory_space<vmem_shared>>) target(%arg9 : memref<128x16xf32, #tpu.memory_space<vmem>>) offsets(%arg7 : memref<128xi32, #tpu.memory_space<vmem>>) semaphore(%run_scoped3A_43 : memref<!tpu.dma_semaphore, #tpu.memory_space<semaphore_mem>>)
      %dma_wait3A = arith.constant 0 : i32
      %dma_wait3A_46 = arith.constant 0 : i32
      %dma_wait3A_47 = tpu.memref_slice %arg10[%dma_wait3A, %dma_wait3A_46] : memref<10240x16xf32, #tpu.memory_space<vmem_shared>> -> memref<10240x16xf32, #tpu.memory_space<vmem_shared>>
      tpu.wait_indirect_dma semaphore(%run_scoped3A_43 : memref<!tpu.dma_semaphore, #tpu.memory_space<semaphore_mem>>) src(%dma_wait3A_47 : memref<10240x16xf32, #tpu.memory_space<vmem_shared>>) dst(%arg9 : memref<128x16xf32, #tpu.memory_space<vmem>>)
      tpu.yield
    }) : () -> ()
    %add3A_29 = arith.constant 128 : i32
    %add3A_30 = arith.addi %mul3A_1, %add3A_29 : i32
    "tpu.region"() ({
      %run_scoped3A_43 = tpu.sem_alloc : memref<!tpu.dma_semaphore, #tpu.memory_space<semaphore_mem>>
      %dma_start3A = arith.constant 0 : i32
      %dma_start3A_44 = tpu.memref_slice %arg5[%arg0, %add3A_30, %dma_start3A] : memref<2x10240x16xf32, #tpu.memory_space<hbm>> -> memref<1x128x16xf32, #tpu.memory_space<hbm>>
      %dma_start3A_45 = tpu.memref_squeeze %dma_start3A_44 : memref<1x128x16xf32, #tpu.memory_space<hbm>> -> memref<128x16xf32, #tpu.memory_space<hbm>>
      %dma_start3A_46 = arith.constant 0 : i32
      %dma_start3A_47 = tpu.memref_slice %arg5[%arg0, %add3A_30, %dma_start3A_46] : memref<2x10240x16xf32, #tpu.memory_space<hbm>> -> memref<1x128x16xf32, #tpu.memory_space<hbm>>
      %dma_start3A_48 = tpu.memref_squeeze %dma_start3A_47 : memref<1x128x16xf32, #tpu.memory_space<hbm>> -> memref<128x16xf32, #tpu.memory_space<hbm>>
      tpu.enqueue_dma source(%arg9 : memref<128x16xf32, #tpu.memory_space<vmem>>) target(%dma_start3A_48 : memref<128x16xf32, #tpu.memory_space<hbm>>) target_semaphore(%run_scoped3A_43 : memref<!tpu.dma_semaphore, #tpu.memory_space<semaphore_mem>>)
      %dma_wait3A = arith.constant 0 : i32
      %dma_wait3A_49 = tpu.memref_slice %arg5[%arg0, %add3A_30, %dma_wait3A] : memref<2x10240x16xf32, #tpu.memory_space<hbm>> -> memref<1x128x16xf32, #tpu.memory_space<hbm>>
      %dma_wait3A_50 = tpu.memref_squeeze %dma_wait3A_49 : memref<1x128x16xf32, #tpu.memory_space<hbm>> -> memref<128x16xf32, #tpu.memory_space<hbm>>
      %dma_wait3A_51 = arith.constant 0 : i32
      %dma_wait3A_52 = tpu.memref_slice %arg5[%arg0, %add3A_30, %dma_wait3A_51] : memref<2x10240x16xf32, #tpu.memory_space<hbm>> -> memref<1x128x16xf32, #tpu.memory_space<hbm>>
      %dma_wait3A_53 = tpu.memref_squeeze %dma_wait3A_52 : memref<1x128x16xf32, #tpu.memory_space<hbm>> -> memref<128x16xf32, #tpu.memory_space<hbm>>
      tpu.wait_dma2 semaphore(%run_scoped3A_43 : memref<!tpu.dma_semaphore, #tpu.memory_space<semaphore_mem>>) src(%arg9 : memref<128x16xf32, #tpu.memory_space<vmem>>) dst(%dma_wait3A_53 : memref<128x16xf32, #tpu.memory_space<hbm>>)
      tpu.yield
    }) : () -> ()
    %add3A_31 = arith.constant 256 : i32
    %add3A_32 = arith.addi %mul3A_1, %add3A_31 : i32
    "tpu.region"() ({
      %run_scoped3A_43 = tpu.sem_alloc : memref<!tpu.dma_semaphore, #tpu.memory_space<semaphore_mem>>
      %dma_start3A = tpu.memref_slice %arg3[%add3A_32] : memref<10240xi32, #tpu.memory_space<hbm>> -> memref<128xi32, #tpu.memory_space<hbm>>
      %dma_start3A_44 = tpu.memref_slice %arg3[%add3A_32] : memref<10240xi32, #tpu.memory_space<hbm>> -> memref<128xi32, #tpu.memory_space<hbm>>
      tpu.enqueue_dma source(%dma_start3A_44 : memref<128xi32, #tpu.memory_space<hbm>>) target(%arg7 : memref<128xi32, #tpu.memory_space<vmem>>) target_semaphore(%run_scoped3A_43 : memref<!tpu.dma_semaphore, #tpu.memory_space<semaphore_mem>>)
      %dma_wait3A = tpu.memref_slice %arg3[%add3A_32] : memref<10240xi32, #tpu.memory_space<hbm>> -> memref<128xi32, #tpu.memory_space<hbm>>
      %dma_wait3A_45 = tpu.memref_slice %arg3[%add3A_32] : memref<10240xi32, #tpu.memory_space<hbm>> -> memref<128xi32, #tpu.memory_space<hbm>>
      tpu.wait_dma2 semaphore(%run_scoped3A_43 : memref<!tpu.dma_semaphore, #tpu.memory_space<semaphore_mem>>) src(%dma_wait3A_45 : memref<128xi32, #tpu.memory_space<hbm>>) dst(%arg7 : memref<128xi32, #tpu.memory_space<vmem>>)
      tpu.yield
    }) : () -> ()
    "tpu.region"() ({
      %run_scoped3A_43 = tpu.sem_alloc : memref<!tpu.dma_semaphore, #tpu.memory_space<semaphore_mem>>
      %dma_start3A = arith.constant 0 : i32
      %dma_start3A_44 = arith.constant 0 : i32
      %dma_start3A_45 = tpu.memref_slice %arg10[%dma_start3A, %dma_start3A_44] : memref<10240x16xf32, #tpu.memory_space<vmem_shared>> -> memref<10240x16xf32, #tpu.memory_space<vmem_shared>>
      tpu.enqueue_indirect_dma source(%dma_start3A_45 : memref<10240x16xf32, #tpu.memory_space<vmem_shared>>) target(%arg9 : memref<128x16xf32, #tpu.memory_space<vmem>>) offsets(%arg7 : memref<128xi32, #tpu.memory_space<vmem>>) semaphore(%run_scoped3A_43 : memref<!tpu.dma_semaphore, #tpu.memory_space<semaphore_mem>>)
      %dma_wait3A = arith.constant 0 : i32
      %dma_wait3A_46 = arith.constant 0 : i32
      %dma_wait3A_47 = tpu.memref_slice %arg10[%dma_wait3A, %dma_wait3A_46] : memref<10240x16xf32, #tpu.memory_space<vmem_shared>> -> memref<10240x16xf32, #tpu.memory_space<vmem_shared>>
      tpu.wait_indirect_dma semaphore(%run_scoped3A_43 : memref<!tpu.dma_semaphore, #tpu.memory_space<semaphore_mem>>) src(%dma_wait3A_47 : memref<10240x16xf32, #tpu.memory_space<vmem_shared>>) dst(%arg9 : memref<128x16xf32, #tpu.memory_space<vmem>>)
      tpu.yield
    }) : () -> ()
    %add3A_33 = arith.constant 256 : i32
    %add3A_34 = arith.addi %mul3A_1, %add3A_33 : i32
    "tpu.region"() ({
      %run_scoped3A_43 = tpu.sem_alloc : memref<!tpu.dma_semaphore, #tpu.memory_space<semaphore_mem>>
      %dma_start3A = arith.constant 0 : i32
      %dma_start3A_44 = tpu.memref_slice %arg5[%arg0, %add3A_34, %dma_start3A] : memref<2x10240x16xf32, #tpu.memory_space<hbm>> -> memref<1x128x16xf32, #tpu.memory_space<hbm>>
      %dma_start3A_45 = tpu.memref_squeeze %dma_start3A_44 : memref<1x128x16xf32, #tpu.memory_space<hbm>> -> memref<128x16xf32, #tpu.memory_space<hbm>>
      %dma_start3A_46 = arith.constant 0 : i32
      %dma_start3A_47 = tpu.memref_slice %arg5[%arg0, %add3A_34, %dma_start3A_46] : memref<2x10240x16xf32, #tpu.memory_space<hbm>> -> memref<1x128x16xf32, #tpu.memory_space<hbm>>
      %dma_start3A_48 = tpu.memref_squeeze %dma_start3A_47 : memref<1x128x16xf32, #tpu.memory_space<hbm>> -> memref<128x16xf32, #tpu.memory_space<hbm>>
      tpu.enqueue_dma source(%arg9 : memref<128x16xf32, #tpu.memory_space<vmem>>) target(%dma_start3A_48 : memref<128x16xf32, #tpu.memory_space<hbm>>) target_semaphore(%run_scoped3A_43 : memref<!tpu.dma_semaphore, #tpu.memory_space<semaphore_mem>>)
      %dma_wait3A = arith.constant 0 : i32
      %dma_wait3A_49 = tpu.memref_slice %arg5[%arg0, %add3A_34, %dma_wait3A] : memref<2x10240x16xf32, #tpu.memory_space<hbm>> -> memref<1x128x16xf32, #tpu.memory_space<hbm>>
      %dma_wait3A_50 = tpu.memref_squeeze %dma_wait3A_49 : memref<1x128x16xf32, #tpu.memory_space<hbm>> -> memref<128x16xf32, #tpu.memory_space<hbm>>
      %dma_wait3A_51 = arith.constant 0 : i32
      %dma_wait3A_52 = tpu.memref_slice %arg5[%arg0, %add3A_34, %dma_wait3A_51] : memref<2x10240x16xf32, #tpu.memory_space<hbm>> -> memref<1x128x16xf32, #tpu.memory_space<hbm>>
      %dma_wait3A_53 = tpu.memref_squeeze %dma_wait3A_52 : memref<1x128x16xf32, #tpu.memory_space<hbm>> -> memref<128x16xf32, #tpu.memory_space<hbm>>
      tpu.wait_dma2 semaphore(%run_scoped3A_43 : memref<!tpu.dma_semaphore, #tpu.memory_space<semaphore_mem>>) src(%arg9 : memref<128x16xf32, #tpu.memory_space<vmem>>) dst(%dma_wait3A_53 : memref<128x16xf32, #tpu.memory_space<hbm>>)
      tpu.yield
    }) : () -> ()
    %add3A_35 = arith.constant 384 : i32
    %add3A_36 = arith.addi %mul3A_1, %add3A_35 : i32
    "tpu.region"() ({
      %run_scoped3A_43 = tpu.sem_alloc : memref<!tpu.dma_semaphore, #tpu.memory_space<semaphore_mem>>
      %dma_start3A = tpu.memref_slice %arg3[%add3A_36] : memref<10240xi32, #tpu.memory_space<hbm>> -> memref<128xi32, #tpu.memory_space<hbm>>
      %dma_start3A_44 = tpu.memref_slice %arg3[%add3A_36] : memref<10240xi32, #tpu.memory_space<hbm>> -> memref<128xi32, #tpu.memory_space<hbm>>
      tpu.enqueue_dma source(%dma_start3A_44 : memref<128xi32, #tpu.memory_space<hbm>>) target(%arg7 : memref<128xi32, #tpu.memory_space<vmem>>) target_semaphore(%run_scoped3A_43 : memref<!tpu.dma_semaphore, #tpu.memory_space<semaphore_mem>>)
      %dma_wait3A = tpu.memref_slice %arg3[%add3A_36] : memref<10240xi32, #tpu.memory_space<hbm>> -> memref<128xi32, #tpu.memory_space<hbm>>
      %dma_wait3A_45 = tpu.memref_slice %arg3[%add3A_36] : memref<10240xi32, #tpu.memory_space<hbm>> -> memref<128xi32, #tpu.memory_space<hbm>>
      tpu.wait_dma2 semaphore(%run_scoped3A_43 : memref<!tpu.dma_semaphore, #tpu.memory_space<semaphore_mem>>) src(%dma_wait3A_45 : memref<128xi32, #tpu.memory_space<hbm>>) dst(%arg7 : memref<128xi32, #tpu.memory_space<vmem>>)
      tpu.yield
    }) : () -> ()
    "tpu.region"() ({
      %run_scoped3A_43 = tpu.sem_alloc : memref<!tpu.dma_semaphore, #tpu.memory_space<semaphore_mem>>
      %dma_start3A = arith.constant 0 : i32
      %dma_start3A_44 = arith.constant 0 : i32
      %dma_start3A_45 = tpu.memref_slice %arg10[%dma_start3A, %dma_start3A_44] : memref<10240x16xf32, #tpu.memory_space<vmem_shared>> -> memref<10240x16xf32, #tpu.memory_space<vmem_shared>>
      tpu.enqueue_indirect_dma source(%dma_start3A_45 : memref<10240x16xf32, #tpu.memory_space<vmem_shared>>) target(%arg9 : memref<128x16xf32, #tpu.memory_space<vmem>>) offsets(%arg7 : memref<128xi32, #tpu.memory_space<vmem>>) semaphore(%run_scoped3A_43 : memref<!tpu.dma_semaphore, #tpu.memory_space<semaphore_mem>>)
      %dma_wait3A = arith.constant 0 : i32
      %dma_wait3A_46 = arith.constant 0 : i32
      %dma_wait3A_47 = tpu.memref_slice %arg10[%dma_wait3A, %dma_wait3A_46] : memref<10240x16xf32, #tpu.memory_space<vmem_shared>> -> memref<10240x16xf32, #tpu.memory_space<vmem_shared>>
      tpu.wait_indirect_dma semaphore(%run_scoped3A_43 : memref<!tpu.dma_semaphore, #tpu.memory_space<semaphore_mem>>) src(%dma_wait3A_47 : memref<10240x16xf32, #tpu.memory_space<vmem_shared>>) dst(%arg9 : memref<128x16xf32, #tpu.memory_space<vmem>>)
      tpu.yield
    }) : () -> ()
    %add3A_37 = arith.constant 384 : i32
    %add3A_38 = arith.addi %mul3A_1, %add3A_37 : i32
    "tpu.region"() ({
      %run_scoped3A_43 = tpu.sem_alloc : memref<!tpu.dma_semaphore, #tpu.memory_space<semaphore_mem>>
      %dma_start3A = arith.constant 0 : i32
      %dma_start3A_44 = tpu.memref_slice %arg5[%arg0, %add3A_38, %dma_start3A] : memref<2x10240x16xf32, #tpu.memory_space<hbm>> -> memref<1x128x16xf32, #tpu.memory_space<hbm>>
      %dma_start3A_45 = tpu.memref_squeeze %dma_start3A_44 : memref<1x128x16xf32, #tpu.memory_space<hbm>> -> memref<128x16xf32, #tpu.memory_space<hbm>>
      %dma_start3A_46 = arith.constant 0 : i32
      %dma_start3A_47 = tpu.memref_slice %arg5[%arg0, %add3A_38, %dma_start3A_46] : memref<2x10240x16xf32, #tpu.memory_space<hbm>> -> memref<1x128x16xf32, #tpu.memory_space<hbm>>
      %dma_start3A_48 = tpu.memref_squeeze %dma_start3A_47 : memref<1x128x16xf32, #tpu.memory_space<hbm>> -> memref<128x16xf32, #tpu.memory_space<hbm>>
      tpu.enqueue_dma source(%arg9 : memref<128x16xf32, #tpu.memory_space<vmem>>) target(%dma_start3A_48 : memref<128x16xf32, #tpu.memory_space<hbm>>) target_semaphore(%run_scoped3A_43 : memref<!tpu.dma_semaphore, #tpu.memory_space<semaphore_mem>>)
      %dma_wait3A = arith.constant 0 : i32
      %dma_wait3A_49 = tpu.memref_slice %arg5[%arg0, %add3A_38, %dma_wait3A] : memref<2x10240x16xf32, #tpu.memory_space<hbm>> -> memref<1x128x16xf32, #tpu.memory_space<hbm>>
      %dma_wait3A_50 = tpu.memref_squeeze %dma_wait3A_49 : memref<1x128x16xf32, #tpu.memory_space<hbm>> -> memref<128x16xf32, #tpu.memory_space<hbm>>
      %dma_wait3A_51 = arith.constant 0 : i32
      %dma_wait3A_52 = tpu.memref_slice %arg5[%arg0, %add3A_38, %dma_wait3A_51] : memref<2x10240x16xf32, #tpu.memory_space<hbm>> -> memref<1x128x16xf32, #tpu.memory_space<hbm>>
      %dma_wait3A_53 = tpu.memref_squeeze %dma_wait3A_52 : memref<1x128x16xf32, #tpu.memory_space<hbm>> -> memref<128x16xf32, #tpu.memory_space<hbm>>
      tpu.wait_dma2 semaphore(%run_scoped3A_43 : memref<!tpu.dma_semaphore, #tpu.memory_space<semaphore_mem>>) src(%arg9 : memref<128x16xf32, #tpu.memory_space<vmem>>) dst(%dma_wait3A_53 : memref<128x16xf32, #tpu.memory_space<hbm>>)
      tpu.yield
    }) : () -> ()
    %add3A_39 = arith.constant 512 : i32
    %add3A_40 = arith.addi %mul3A_1, %add3A_39 : i32
    "tpu.region"() ({
      %run_scoped3A_43 = tpu.sem_alloc : memref<!tpu.dma_semaphore, #tpu.memory_space<semaphore_mem>>
      %dma_start3A = tpu.memref_slice %arg3[%add3A_40] : memref<10240xi32, #tpu.memory_space<hbm>> -> memref<128xi32, #tpu.memory_space<hbm>>
      %dma_start3A_44 = tpu.memref_slice %arg3[%add3A_40] : memref<10240xi32, #tpu.memory_space<hbm>> -> memref<128xi32, #tpu.memory_space<hbm>>
      tpu.enqueue_dma source(%dma_start3A_44 : memref<128xi32, #tpu.memory_space<hbm>>) target(%arg7 : memref<128xi32, #tpu.memory_space<vmem>>) target_semaphore(%run_scoped3A_43 : memref<!tpu.dma_semaphore, #tpu.memory_space<semaphore_mem>>)
      %dma_wait3A = tpu.memref_slice %arg3[%add3A_40] : memref<10240xi32, #tpu.memory_space<hbm>> -> memref<128xi32, #tpu.memory_space<hbm>>
      %dma_wait3A_45 = tpu.memref_slice %arg3[%add3A_40] : memref<10240xi32, #tpu.memory_space<hbm>> -> memref<128xi32, #tpu.memory_space<hbm>>
      tpu.wait_dma2 semaphore(%run_scoped3A_43 : memref<!tpu.dma_semaphore, #tpu.memory_space<semaphore_mem>>) src(%dma_wait3A_45 : memref<128xi32, #tpu.memory_space<hbm>>) dst(%arg7 : memref<128xi32, #tpu.memory_space<vmem>>)
      tpu.yield
    }) : () -> ()
    "tpu.region"() ({
      %run_scoped3A_43 = tpu.sem_alloc : memref<!tpu.dma_semaphore, #tpu.memory_space<semaphore_mem>>
      %dma_start3A = arith.constant 0 : i32
      %dma_start3A_44 = arith.constant 0 : i32
      %dma_start3A_45 = tpu.memref_slice %arg10[%dma_start3A, %dma_start3A_44] : memref<10240x16xf32, #tpu.memory_space<vmem_shared>> -> memref<10240x16xf32, #tpu.memory_space<vmem_shared>>
      tpu.enqueue_indirect_dma source(%dma_start3A_45 : memref<10240x16xf32, #tpu.memory_space<vmem_shared>>) target(%arg9 : memref<128x16xf32, #tpu.memory_space<vmem>>) offsets(%arg7 : memref<128xi32, #tpu.memory_space<vmem>>) semaphore(%run_scoped3A_43 : memref<!tpu.dma_semaphore, #tpu.memory_space<semaphore_mem>>)
      %dma_wait3A = arith.constant 0 : i32
      %dma_wait3A_46 = arith.constant 0 : i32
      %dma_wait3A_47 = tpu.memref_slice %arg10[%dma_wait3A, %dma_wait3A_46] : memref<10240x16xf32, #tpu.memory_space<vmem_shared>> -> memref<10240x16xf32, #tpu.memory_space<vmem_shared>>
      tpu.wait_indirect_dma semaphore(%run_scoped3A_43 : memref<!tpu.dma_semaphore, #tpu.memory_space<semaphore_mem>>) src(%dma_wait3A_47 : memref<10240x16xf32, #tpu.memory_space<vmem_shared>>) dst(%arg9 : memref<128x16xf32, #tpu.memory_space<vmem>>)
      tpu.yield
    }) : () -> ()
    %add3A_41 = arith.constant 512 : i32
    %add3A_42 = arith.addi %mul3A_1, %add3A_41 : i32
    "tpu.region"() ({
      %run_scoped3A_43 = tpu.sem_alloc : memref<!tpu.dma_semaphore, #tpu.memory_space<semaphore_mem>>
      %dma_start3A = arith.constant 0 : i32
      %dma_start3A_44 = tpu.memref_slice %arg5[%arg0, %add3A_42, %dma_start3A] : memref<2x10240x16xf32, #tpu.memory_space<hbm>> -> memref<1x128x16xf32, #tpu.memory_space<hbm>>
      %dma_start3A_45 = tpu.memref_squeeze %dma_start3A_44 : memref<1x128x16xf32, #tpu.memory_space<hbm>> -> memref<128x16xf32, #tpu.memory_space<hbm>>
      %dma_start3A_46 = arith.constant 0 : i32
      %dma_start3A_47 = tpu.memref_slice %arg5[%arg0, %add3A_42, %dma_start3A_46] : memref<2x10240x16xf32, #tpu.memory_space<hbm>> -> memref<1x128x16xf32, #tpu.memory_space<hbm>>
      %dma_start3A_48 = tpu.memref_squeeze %dma_start3A_47 : memref<1x128x16xf32, #tpu.memory_space<hbm>> -> memref<128x16xf32, #tpu.memory_space<hbm>>
      tpu.enqueue_dma source(%arg9 : memref<128x16xf32, #tpu.memory_space<vmem>>) target(%dma_start3A_48 : memref<128x16xf32, #tpu.memory_space<hbm>>) target_semaphore(%run_scoped3A_43 : memref<!tpu.dma_semaphore, #tpu.memory_space<semaphore_mem>>)
      %dma_wait3A = arith.constant 0 : i32
      %dma_wait3A_49 = tpu.memref_slice %arg5[%arg0, %add3A_42, %dma_wait3A] : memref<2x10240x16xf32, #tpu.memory_space<hbm>> -> memref<1x128x16xf32, #tpu.memory_space<hbm>>
      %dma_wait3A_50 = tpu.memref_squeeze %dma_wait3A_49 : memref<1x128x16xf32, #tpu.memory_space<hbm>> -> memref<128x16xf32, #tpu.memory_space<hbm>>
      %dma_wait3A_51 = arith.constant 0 : i32
      %dma_wait3A_52 = tpu.memref_slice %arg5[%arg0, %add3A_42, %dma_wait3A_51] : memref<2x10240x16xf32, #tpu.memory_space<hbm>> -> memref<1x128x16xf32, #tpu.memory_space<hbm>>
      %dma_wait3A_53 = tpu.memref_squeeze %dma_wait3A_52 : memref<1x128x16xf32, #tpu.memory_space<hbm>> -> memref<128x16xf32, #tpu.memory_space<hbm>>
      tpu.wait_dma2 semaphore(%run_scoped3A_43 : memref<!tpu.dma_semaphore, #tpu.memory_space<semaphore_mem>>) src(%arg9 : memref<128x16xf32, #tpu.memory_space<vmem>>) dst(%dma_wait3A_53 : memref<128x16xf32, #tpu.memory_space<hbm>>)
      tpu.yield
    }) : () -> ()
    return
  }
}

#map = affine_map<(d0, d1) -> (0, 0)>
#map1 = affine_map<(d0, d1) -> (0)>
#map2 = affine_map<(d0, d1) -> (0, 0, 0)>
module attributes {stable_mosaic.version = 14 : i64} {
  func.func @_sc_edge_pass(%arg0: i32, %arg1: i32, %arg2: memref<10240x128xf32, #tpu.memory_space<hbm>>, %arg3: memref<327680xi32, #tpu.memory_space<hbm>>, %arg4: memref<327680xi32, #tpu.memory_space<hbm>>, %arg5: memref<10240xi32, #tpu.memory_space<hbm>>, %arg6: memref<128x128xf32, #tpu.memory_space<hbm>>, %arg7: memref<2x10240x128xf32, #tpu.memory_space<hbm>>, %arg8: memref<128xi32, #tpu.memory_space<vmem>>, %arg9: memref<128xi32, #tpu.memory_space<vmem>>, %arg10: memref<128xi32, #tpu.memory_space<vmem>>, %arg11: memref<128xi32, #tpu.memory_space<vmem>>, %arg12: memref<128xi32, #tpu.memory_space<vmem>>, %arg13: memref<128x128xf32, #tpu.memory_space<vmem>>, %arg14: memref<128x128xf32, #tpu.memory_space<vmem>>, %arg15: memref<!tpu.dma_semaphore, #tpu.memory_space<semaphore_mem>>, %arg16: memref<!tpu.dma_semaphore, #tpu.memory_space<semaphore_mem>>, %arg17: memref<10240x128xf32, #tpu.memory_space<vmem_shared>>) attributes {dimension_semantics = [#tpu.dimension_semantics<core_parallel>, #tpu.dimension_semantics<subcore_parallel>], iteration_bounds = array<i64: 2, 16>, scalar_prefetch = 0 : i64, scratch_operands = 10 : i64, tpu.core_type = #tpu.core_type<sc_vector_subcore>, window_params = [{transform_indices = #map}, {transform_indices = #map1}, {transform_indices = #map1}, {transform_indices = #map1}, {transform_indices = #map}, {transform_indices = #map2}]} {
    "tpu.region"() ({
      %run_scoped3A = tpu.sem_alloc : memref<!tpu.dma_semaphore, #tpu.memory_space<semaphore_mem>>
      tpu.enqueue_dma source(%arg6 : memref<128x128xf32, #tpu.memory_space<hbm>>) target(%arg13 : memref<128x128xf32, #tpu.memory_space<vmem>>) target_semaphore(%run_scoped3A : memref<!tpu.dma_semaphore, #tpu.memory_space<semaphore_mem>>)
      tpu.wait_dma2 semaphore(%run_scoped3A : memref<!tpu.dma_semaphore, #tpu.memory_space<semaphore_mem>>) src(%arg6 : memref<128x128xf32, #tpu.memory_space<hbm>>) dst(%arg13 : memref<128x128xf32, #tpu.memory_space<vmem>>)
      tpu.yield
    }) : () -> ()
    %mul3A = arith.constant 640 : i32
    %mul3A_0 = arith.muli %arg1, %mul3A : i32
    %add3A = arith.constant 0 : i32
    %add3A_1 = arith.addi %mul3A_0, %add3A : i32
    "tpu.region"() ({
      %run_scoped3A = tpu.sem_alloc : memref<!tpu.dma_semaphore, #tpu.memory_space<semaphore_mem>>
      %dma_start3A_44 = tpu.memref_slice %arg5[%add3A_1] : memref<10240xi32, #tpu.memory_space<hbm>> -> memref<128xi32, #tpu.memory_space<hbm>>
      %dma_start3A_45 = tpu.memref_slice %arg5[%add3A_1] : memref<10240xi32, #tpu.memory_space<hbm>> -> memref<128xi32, #tpu.memory_space<hbm>>
      tpu.enqueue_dma source(%dma_start3A_45 : memref<128xi32, #tpu.memory_space<hbm>>) target(%arg12 : memref<128xi32, #tpu.memory_space<vmem>>) target_semaphore(%run_scoped3A : memref<!tpu.dma_semaphore, #tpu.memory_space<semaphore_mem>>)
      %dma_wait3A = tpu.memref_slice %arg5[%add3A_1] : memref<10240xi32, #tpu.memory_space<hbm>> -> memref<128xi32, #tpu.memory_space<hbm>>
      %dma_wait3A_46 = tpu.memref_slice %arg5[%add3A_1] : memref<10240xi32, #tpu.memory_space<hbm>> -> memref<128xi32, #tpu.memory_space<hbm>>
      tpu.wait_dma2 semaphore(%run_scoped3A : memref<!tpu.dma_semaphore, #tpu.memory_space<semaphore_mem>>) src(%dma_wait3A_46 : memref<128xi32, #tpu.memory_space<hbm>>) dst(%arg12 : memref<128xi32, #tpu.memory_space<vmem>>)
      tpu.yield
    }) : () -> ()
    "tpu.region"() ({
      %run_scoped3A = tpu.sem_alloc : memref<!tpu.dma_semaphore, #tpu.memory_space<semaphore_mem>>
      %dma_start3A_44 = arith.constant 0 : i32
      %dma_start3A_45 = arith.constant 0 : i32
      %dma_start3A_46 = tpu.memref_slice %arg17[%dma_start3A_44, %dma_start3A_45] : memref<10240x128xf32, #tpu.memory_space<vmem_shared>> -> memref<10240x128xf32, #tpu.memory_space<vmem_shared>>
      tpu.enqueue_indirect_dma source(%arg13 : memref<128x128xf32, #tpu.memory_space<vmem>>) target(%dma_start3A_46 : memref<10240x128xf32, #tpu.memory_space<vmem_shared>>) offsets(%arg12 : memref<128xi32, #tpu.memory_space<vmem>>) semaphore(%run_scoped3A : memref<!tpu.dma_semaphore, #tpu.memory_space<semaphore_mem>>)
      %dma_wait3A = arith.constant 0 : i32
      %dma_wait3A_47 = arith.constant 0 : i32
      %dma_wait3A_48 = tpu.memref_slice %arg17[%dma_wait3A, %dma_wait3A_47] : memref<10240x128xf32, #tpu.memory_space<vmem_shared>> -> memref<10240x128xf32, #tpu.memory_space<vmem_shared>>
      tpu.wait_indirect_dma semaphore(%run_scoped3A : memref<!tpu.dma_semaphore, #tpu.memory_space<semaphore_mem>>) src(%arg13 : memref<128x128xf32, #tpu.memory_space<vmem>>) dst(%dma_wait3A_48 : memref<10240x128xf32, #tpu.memory_space<vmem_shared>>)
      tpu.yield
    }) : () -> ()
    %add3A_2 = arith.constant 128 : i32
    %add3A_3 = arith.addi %mul3A_0, %add3A_2 : i32
    "tpu.region"() ({
      %run_scoped3A = tpu.sem_alloc : memref<!tpu.dma_semaphore, #tpu.memory_space<semaphore_mem>>
      %dma_start3A_44 = tpu.memref_slice %arg5[%add3A_3] : memref<10240xi32, #tpu.memory_space<hbm>> -> memref<128xi32, #tpu.memory_space<hbm>>
      %dma_start3A_45 = tpu.memref_slice %arg5[%add3A_3] : memref<10240xi32, #tpu.memory_space<hbm>> -> memref<128xi32, #tpu.memory_space<hbm>>
      tpu.enqueue_dma source(%dma_start3A_45 : memref<128xi32, #tpu.memory_space<hbm>>) target(%arg12 : memref<128xi32, #tpu.memory_space<vmem>>) target_semaphore(%run_scoped3A : memref<!tpu.dma_semaphore, #tpu.memory_space<semaphore_mem>>)
      %dma_wait3A = tpu.memref_slice %arg5[%add3A_3] : memref<10240xi32, #tpu.memory_space<hbm>> -> memref<128xi32, #tpu.memory_space<hbm>>
      %dma_wait3A_46 = tpu.memref_slice %arg5[%add3A_3] : memref<10240xi32, #tpu.memory_space<hbm>> -> memref<128xi32, #tpu.memory_space<hbm>>
      tpu.wait_dma2 semaphore(%run_scoped3A : memref<!tpu.dma_semaphore, #tpu.memory_space<semaphore_mem>>) src(%dma_wait3A_46 : memref<128xi32, #tpu.memory_space<hbm>>) dst(%arg12 : memref<128xi32, #tpu.memory_space<vmem>>)
      tpu.yield
    }) : () -> ()
    "tpu.region"() ({
      %run_scoped3A = tpu.sem_alloc : memref<!tpu.dma_semaphore, #tpu.memory_space<semaphore_mem>>
      %dma_start3A_44 = arith.constant 0 : i32
      %dma_start3A_45 = arith.constant 0 : i32
      %dma_start3A_46 = tpu.memref_slice %arg17[%dma_start3A_44, %dma_start3A_45] : memref<10240x128xf32, #tpu.memory_space<vmem_shared>> -> memref<10240x128xf32, #tpu.memory_space<vmem_shared>>
      tpu.enqueue_indirect_dma source(%arg13 : memref<128x128xf32, #tpu.memory_space<vmem>>) target(%dma_start3A_46 : memref<10240x128xf32, #tpu.memory_space<vmem_shared>>) offsets(%arg12 : memref<128xi32, #tpu.memory_space<vmem>>) semaphore(%run_scoped3A : memref<!tpu.dma_semaphore, #tpu.memory_space<semaphore_mem>>)
      %dma_wait3A = arith.constant 0 : i32
      %dma_wait3A_47 = arith.constant 0 : i32
      %dma_wait3A_48 = tpu.memref_slice %arg17[%dma_wait3A, %dma_wait3A_47] : memref<10240x128xf32, #tpu.memory_space<vmem_shared>> -> memref<10240x128xf32, #tpu.memory_space<vmem_shared>>
      tpu.wait_indirect_dma semaphore(%run_scoped3A : memref<!tpu.dma_semaphore, #tpu.memory_space<semaphore_mem>>) src(%arg13 : memref<128x128xf32, #tpu.memory_space<vmem>>) dst(%dma_wait3A_48 : memref<10240x128xf32, #tpu.memory_space<vmem_shared>>)
      tpu.yield
    }) : () -> ()
    %add3A_4 = arith.constant 256 : i32
    %add3A_5 = arith.addi %mul3A_0, %add3A_4 : i32
    "tpu.region"() ({
      %run_scoped3A = tpu.sem_alloc : memref<!tpu.dma_semaphore, #tpu.memory_space<semaphore_mem>>
      %dma_start3A_44 = tpu.memref_slice %arg5[%add3A_5] : memref<10240xi32, #tpu.memory_space<hbm>> -> memref<128xi32, #tpu.memory_space<hbm>>
      %dma_start3A_45 = tpu.memref_slice %arg5[%add3A_5] : memref<10240xi32, #tpu.memory_space<hbm>> -> memref<128xi32, #tpu.memory_space<hbm>>
      tpu.enqueue_dma source(%dma_start3A_45 : memref<128xi32, #tpu.memory_space<hbm>>) target(%arg12 : memref<128xi32, #tpu.memory_space<vmem>>) target_semaphore(%run_scoped3A : memref<!tpu.dma_semaphore, #tpu.memory_space<semaphore_mem>>)
      %dma_wait3A = tpu.memref_slice %arg5[%add3A_5] : memref<10240xi32, #tpu.memory_space<hbm>> -> memref<128xi32, #tpu.memory_space<hbm>>
      %dma_wait3A_46 = tpu.memref_slice %arg5[%add3A_5] : memref<10240xi32, #tpu.memory_space<hbm>> -> memref<128xi32, #tpu.memory_space<hbm>>
      tpu.wait_dma2 semaphore(%run_scoped3A : memref<!tpu.dma_semaphore, #tpu.memory_space<semaphore_mem>>) src(%dma_wait3A_46 : memref<128xi32, #tpu.memory_space<hbm>>) dst(%arg12 : memref<128xi32, #tpu.memory_space<vmem>>)
      tpu.yield
    }) : () -> ()
    "tpu.region"() ({
      %run_scoped3A = tpu.sem_alloc : memref<!tpu.dma_semaphore, #tpu.memory_space<semaphore_mem>>
      %dma_start3A_44 = arith.constant 0 : i32
      %dma_start3A_45 = arith.constant 0 : i32
      %dma_start3A_46 = tpu.memref_slice %arg17[%dma_start3A_44, %dma_start3A_45] : memref<10240x128xf32, #tpu.memory_space<vmem_shared>> -> memref<10240x128xf32, #tpu.memory_space<vmem_shared>>
      tpu.enqueue_indirect_dma source(%arg13 : memref<128x128xf32, #tpu.memory_space<vmem>>) target(%dma_start3A_46 : memref<10240x128xf32, #tpu.memory_space<vmem_shared>>) offsets(%arg12 : memref<128xi32, #tpu.memory_space<vmem>>) semaphore(%run_scoped3A : memref<!tpu.dma_semaphore, #tpu.memory_space<semaphore_mem>>)
      %dma_wait3A = arith.constant 0 : i32
      %dma_wait3A_47 = arith.constant 0 : i32
      %dma_wait3A_48 = tpu.memref_slice %arg17[%dma_wait3A, %dma_wait3A_47] : memref<10240x128xf32, #tpu.memory_space<vmem_shared>> -> memref<10240x128xf32, #tpu.memory_space<vmem_shared>>
      tpu.wait_indirect_dma semaphore(%run_scoped3A : memref<!tpu.dma_semaphore, #tpu.memory_space<semaphore_mem>>) src(%arg13 : memref<128x128xf32, #tpu.memory_space<vmem>>) dst(%dma_wait3A_48 : memref<10240x128xf32, #tpu.memory_space<vmem_shared>>)
      tpu.yield
    }) : () -> ()
    %add3A_6 = arith.constant 384 : i32
    %add3A_7 = arith.addi %mul3A_0, %add3A_6 : i32
    "tpu.region"() ({
      %run_scoped3A = tpu.sem_alloc : memref<!tpu.dma_semaphore, #tpu.memory_space<semaphore_mem>>
      %dma_start3A_44 = tpu.memref_slice %arg5[%add3A_7] : memref<10240xi32, #tpu.memory_space<hbm>> -> memref<128xi32, #tpu.memory_space<hbm>>
      %dma_start3A_45 = tpu.memref_slice %arg5[%add3A_7] : memref<10240xi32, #tpu.memory_space<hbm>> -> memref<128xi32, #tpu.memory_space<hbm>>
      tpu.enqueue_dma source(%dma_start3A_45 : memref<128xi32, #tpu.memory_space<hbm>>) target(%arg12 : memref<128xi32, #tpu.memory_space<vmem>>) target_semaphore(%run_scoped3A : memref<!tpu.dma_semaphore, #tpu.memory_space<semaphore_mem>>)
      %dma_wait3A = tpu.memref_slice %arg5[%add3A_7] : memref<10240xi32, #tpu.memory_space<hbm>> -> memref<128xi32, #tpu.memory_space<hbm>>
      %dma_wait3A_46 = tpu.memref_slice %arg5[%add3A_7] : memref<10240xi32, #tpu.memory_space<hbm>> -> memref<128xi32, #tpu.memory_space<hbm>>
      tpu.wait_dma2 semaphore(%run_scoped3A : memref<!tpu.dma_semaphore, #tpu.memory_space<semaphore_mem>>) src(%dma_wait3A_46 : memref<128xi32, #tpu.memory_space<hbm>>) dst(%arg12 : memref<128xi32, #tpu.memory_space<vmem>>)
      tpu.yield
    }) : () -> ()
    "tpu.region"() ({
      %run_scoped3A = tpu.sem_alloc : memref<!tpu.dma_semaphore, #tpu.memory_space<semaphore_mem>>
      %dma_start3A_44 = arith.constant 0 : i32
      %dma_start3A_45 = arith.constant 0 : i32
      %dma_start3A_46 = tpu.memref_slice %arg17[%dma_start3A_44, %dma_start3A_45] : memref<10240x128xf32, #tpu.memory_space<vmem_shared>> -> memref<10240x128xf32, #tpu.memory_space<vmem_shared>>
      tpu.enqueue_indirect_dma source(%arg13 : memref<128x128xf32, #tpu.memory_space<vmem>>) target(%dma_start3A_46 : memref<10240x128xf32, #tpu.memory_space<vmem_shared>>) offsets(%arg12 : memref<128xi32, #tpu.memory_space<vmem>>) semaphore(%run_scoped3A : memref<!tpu.dma_semaphore, #tpu.memory_space<semaphore_mem>>)
      %dma_wait3A = arith.constant 0 : i32
      %dma_wait3A_47 = arith.constant 0 : i32
      %dma_wait3A_48 = tpu.memref_slice %arg17[%dma_wait3A, %dma_wait3A_47] : memref<10240x128xf32, #tpu.memory_space<vmem_shared>> -> memref<10240x128xf32, #tpu.memory_space<vmem_shared>>
      tpu.wait_indirect_dma semaphore(%run_scoped3A : memref<!tpu.dma_semaphore, #tpu.memory_space<semaphore_mem>>) src(%arg13 : memref<128x128xf32, #tpu.memory_space<vmem>>) dst(%dma_wait3A_48 : memref<10240x128xf32, #tpu.memory_space<vmem_shared>>)
      tpu.yield
    }) : () -> ()
    %add3A_8 = arith.constant 512 : i32
    %add3A_9 = arith.addi %mul3A_0, %add3A_8 : i32
    "tpu.region"() ({
      %run_scoped3A = tpu.sem_alloc : memref<!tpu.dma_semaphore, #tpu.memory_space<semaphore_mem>>
      %dma_start3A_44 = tpu.memref_slice %arg5[%add3A_9] : memref<10240xi32, #tpu.memory_space<hbm>> -> memref<128xi32, #tpu.memory_space<hbm>>
      %dma_start3A_45 = tpu.memref_slice %arg5[%add3A_9] : memref<10240xi32, #tpu.memory_space<hbm>> -> memref<128xi32, #tpu.memory_space<hbm>>
      tpu.enqueue_dma source(%dma_start3A_45 : memref<128xi32, #tpu.memory_space<hbm>>) target(%arg12 : memref<128xi32, #tpu.memory_space<vmem>>) target_semaphore(%run_scoped3A : memref<!tpu.dma_semaphore, #tpu.memory_space<semaphore_mem>>)
      %dma_wait3A = tpu.memref_slice %arg5[%add3A_9] : memref<10240xi32, #tpu.memory_space<hbm>> -> memref<128xi32, #tpu.memory_space<hbm>>
      %dma_wait3A_46 = tpu.memref_slice %arg5[%add3A_9] : memref<10240xi32, #tpu.memory_space<hbm>> -> memref<128xi32, #tpu.memory_space<hbm>>
      tpu.wait_dma2 semaphore(%run_scoped3A : memref<!tpu.dma_semaphore, #tpu.memory_space<semaphore_mem>>) src(%dma_wait3A_46 : memref<128xi32, #tpu.memory_space<hbm>>) dst(%arg12 : memref<128xi32, #tpu.memory_space<vmem>>)
      tpu.yield
    }) : () -> ()
    "tpu.region"() ({
      %run_scoped3A = tpu.sem_alloc : memref<!tpu.dma_semaphore, #tpu.memory_space<semaphore_mem>>
      %dma_start3A_44 = arith.constant 0 : i32
      %dma_start3A_45 = arith.constant 0 : i32
      %dma_start3A_46 = tpu.memref_slice %arg17[%dma_start3A_44, %dma_start3A_45] : memref<10240x128xf32, #tpu.memory_space<vmem_shared>> -> memref<10240x128xf32, #tpu.memory_space<vmem_shared>>
      tpu.enqueue_indirect_dma source(%arg13 : memref<128x128xf32, #tpu.memory_space<vmem>>) target(%dma_start3A_46 : memref<10240x128xf32, #tpu.memory_space<vmem_shared>>) offsets(%arg12 : memref<128xi32, #tpu.memory_space<vmem>>) semaphore(%run_scoped3A : memref<!tpu.dma_semaphore, #tpu.memory_space<semaphore_mem>>)
      %dma_wait3A = arith.constant 0 : i32
      %dma_wait3A_47 = arith.constant 0 : i32
      %dma_wait3A_48 = tpu.memref_slice %arg17[%dma_wait3A, %dma_wait3A_47] : memref<10240x128xf32, #tpu.memory_space<vmem_shared>> -> memref<10240x128xf32, #tpu.memory_space<vmem_shared>>
      tpu.wait_indirect_dma semaphore(%run_scoped3A : memref<!tpu.dma_semaphore, #tpu.memory_space<semaphore_mem>>) src(%arg13 : memref<128x128xf32, #tpu.memory_space<vmem>>) dst(%dma_wait3A_48 : memref<10240x128xf32, #tpu.memory_space<vmem_shared>>)
      tpu.yield
    }) : () -> ()
    %barrier3A = arith.constant 0 : index
    tpu.barrier barrier_id(%barrier3A)
    %mul3A_10 = arith.constant 16 : i32
    %mul3A_11 = arith.muli %arg0, %mul3A_10 : i32
    %add3A_12 = arith.addi %mul3A_11, %arg1 : i32
    %mul3A_13 = arith.constant 10240 : i32
    %mul3A_14 = arith.muli %add3A_12, %mul3A_13 : i32
    "tpu.region"() ({
      %run_scoped3A = tpu.sem_alloc : memref<!tpu.dma_semaphore, #tpu.memory_space<semaphore_mem>>
      %dma_start3A_44 = tpu.memref_slice %arg3[%mul3A_14] : memref<327680xi32, #tpu.memory_space<hbm>> -> memref<128xi32, #tpu.memory_space<hbm>>
      %dma_start3A_45 = tpu.memref_slice %arg3[%mul3A_14] : memref<327680xi32, #tpu.memory_space<hbm>> -> memref<128xi32, #tpu.memory_space<hbm>>
      tpu.enqueue_dma source(%dma_start3A_45 : memref<128xi32, #tpu.memory_space<hbm>>) target(%arg8 : memref<128xi32, #tpu.memory_space<vmem>>) target_semaphore(%run_scoped3A : memref<!tpu.dma_semaphore, #tpu.memory_space<semaphore_mem>>)
      %dma_wait3A = tpu.memref_slice %arg3[%mul3A_14] : memref<327680xi32, #tpu.memory_space<hbm>> -> memref<128xi32, #tpu.memory_space<hbm>>
      %dma_wait3A_46 = tpu.memref_slice %arg3[%mul3A_14] : memref<327680xi32, #tpu.memory_space<hbm>> -> memref<128xi32, #tpu.memory_space<hbm>>
      tpu.wait_dma2 semaphore(%run_scoped3A : memref<!tpu.dma_semaphore, #tpu.memory_space<semaphore_mem>>) src(%dma_wait3A_46 : memref<128xi32, #tpu.memory_space<hbm>>) dst(%arg8 : memref<128xi32, #tpu.memory_space<vmem>>)
      tpu.yield
    }) : () -> ()
    "tpu.region"() ({
      %run_scoped3A = tpu.sem_alloc : memref<!tpu.dma_semaphore, #tpu.memory_space<semaphore_mem>>
      %dma_start3A_44 = tpu.memref_slice %arg4[%mul3A_14] : memref<327680xi32, #tpu.memory_space<hbm>> -> memref<128xi32, #tpu.memory_space<hbm>>
      %dma_start3A_45 = tpu.memref_slice %arg4[%mul3A_14] : memref<327680xi32, #tpu.memory_space<hbm>> -> memref<128xi32, #tpu.memory_space<hbm>>
      tpu.enqueue_dma source(%dma_start3A_45 : memref<128xi32, #tpu.memory_space<hbm>>) target(%arg10 : memref<128xi32, #tpu.memory_space<vmem>>) target_semaphore(%run_scoped3A : memref<!tpu.dma_semaphore, #tpu.memory_space<semaphore_mem>>)
      %dma_wait3A = tpu.memref_slice %arg4[%mul3A_14] : memref<327680xi32, #tpu.memory_space<hbm>> -> memref<128xi32, #tpu.memory_space<hbm>>
      %dma_wait3A_46 = tpu.memref_slice %arg4[%mul3A_14] : memref<327680xi32, #tpu.memory_space<hbm>> -> memref<128xi32, #tpu.memory_space<hbm>>
      tpu.wait_dma2 semaphore(%run_scoped3A : memref<!tpu.dma_semaphore, #tpu.memory_space<semaphore_mem>>) src(%dma_wait3A_46 : memref<128xi32, #tpu.memory_space<hbm>>) dst(%arg10 : memref<128xi32, #tpu.memory_space<vmem>>)
      tpu.yield
    }) : () -> ()
    %dma_start3A = arith.constant 0 : i32
    %dma_start3A_15 = arith.constant 0 : i32
    %dma_start3A_16 = tpu.memref_slice %arg2[%dma_start3A, %dma_start3A_15] : memref<10240x128xf32, #tpu.memory_space<hbm>> -> memref<10240x128xf32, #tpu.memory_space<hbm>>
    tpu.enqueue_indirect_dma source(%dma_start3A_16 : memref<10240x128xf32, #tpu.memory_space<hbm>>) target(%arg13 : memref<128x128xf32, #tpu.memory_space<vmem>>) offsets(%arg8 : memref<128xi32, #tpu.memory_space<vmem>>) semaphore(%arg15 : memref<!tpu.dma_semaphore, #tpu.memory_space<semaphore_mem>>)
    %scan3A = arith.constant 0 : i32
    %scan3A_17 = arith.constant 0 : i32
    %scan3A_18 = arith.constant 40 : i32
    %scan3A_19 = arith.addi %scan3A_17, %scan3A_18 : i32
    %scan3A_20 = arith.constant 1 : i32
    %scan3A_21 = scf.for %scan3A_44 = %scan3A_17 to %scan3A_19 step %scan3A_20 iter_args(%scan3A_45 = %scan3A) -> (i32)  : i32 {
      %mul3A_46 = arith.constant 2 : i32
      %mul3A_47 = arith.muli %mul3A_46, %scan3A_44 : i32
      %add3A_48 = arith.constant 1 : i32
      %add3A_49 = arith.addi %mul3A_47, %add3A_48 : i32
      %mul3A_50 = arith.constant 128 : i32
      %mul3A_51 = arith.muli %add3A_49, %mul3A_50 : i32
      %add3A_52 = arith.addi %mul3A_14, %mul3A_51 : i32
      "tpu.region"() ({
        %run_scoped3A = tpu.sem_alloc : memref<!tpu.dma_semaphore, #tpu.memory_space<semaphore_mem>>
        %dma_start3A_64 = tpu.memref_slice %arg3[%add3A_52] : memref<327680xi32, #tpu.memory_space<hbm>> -> memref<128xi32, #tpu.memory_space<hbm>>
        %dma_start3A_65 = tpu.memref_slice %arg3[%add3A_52] : memref<327680xi32, #tpu.memory_space<hbm>> -> memref<128xi32, #tpu.memory_space<hbm>>
        tpu.enqueue_dma source(%dma_start3A_65 : memref<128xi32, #tpu.memory_space<hbm>>) target(%arg9 : memref<128xi32, #tpu.memory_space<vmem>>) target_semaphore(%run_scoped3A : memref<!tpu.dma_semaphore, #tpu.memory_space<semaphore_mem>>)
        %dma_wait3A_66 = tpu.memref_slice %arg3[%add3A_52] : memref<327680xi32, #tpu.memory_space<hbm>> -> memref<128xi32, #tpu.memory_space<hbm>>
        %dma_wait3A_67 = tpu.memref_slice %arg3[%add3A_52] : memref<327680xi32, #tpu.memory_space<hbm>> -> memref<128xi32, #tpu.memory_space<hbm>>
        tpu.wait_dma2 semaphore(%run_scoped3A : memref<!tpu.dma_semaphore, #tpu.memory_space<semaphore_mem>>) src(%dma_wait3A_67 : memref<128xi32, #tpu.memory_space<hbm>>) dst(%arg9 : memref<128xi32, #tpu.memory_space<vmem>>)
        tpu.yield
      }) : () -> ()
      "tpu.region"() ({
        %run_scoped3A = tpu.sem_alloc : memref<!tpu.dma_semaphore, #tpu.memory_space<semaphore_mem>>
        %dma_start3A_64 = tpu.memref_slice %arg4[%add3A_52] : memref<327680xi32, #tpu.memory_space<hbm>> -> memref<128xi32, #tpu.memory_space<hbm>>
        %dma_start3A_65 = tpu.memref_slice %arg4[%add3A_52] : memref<327680xi32, #tpu.memory_space<hbm>> -> memref<128xi32, #tpu.memory_space<hbm>>
        tpu.enqueue_dma source(%dma_start3A_65 : memref<128xi32, #tpu.memory_space<hbm>>) target(%arg11 : memref<128xi32, #tpu.memory_space<vmem>>) target_semaphore(%run_scoped3A : memref<!tpu.dma_semaphore, #tpu.memory_space<semaphore_mem>>)
        %dma_wait3A_66 = tpu.memref_slice %arg4[%add3A_52] : memref<327680xi32, #tpu.memory_space<hbm>> -> memref<128xi32, #tpu.memory_space<hbm>>
        %dma_wait3A_67 = tpu.memref_slice %arg4[%add3A_52] : memref<327680xi32, #tpu.memory_space<hbm>> -> memref<128xi32, #tpu.memory_space<hbm>>
        tpu.wait_dma2 semaphore(%run_scoped3A : memref<!tpu.dma_semaphore, #tpu.memory_space<semaphore_mem>>) src(%dma_wait3A_67 : memref<128xi32, #tpu.memory_space<hbm>>) dst(%arg11 : memref<128xi32, #tpu.memory_space<vmem>>)
        tpu.yield
      }) : () -> ()
      %dma_start3A_53 = arith.constant 0 : i32
      %dma_start3A_54 = arith.constant 0 : i32
      %dma_start3A_55 = tpu.memref_slice %arg2[%dma_start3A_53, %dma_start3A_54] : memref<10240x128xf32, #tpu.memory_space<hbm>> -> memref<10240x128xf32, #tpu.memory_space<hbm>>
      tpu.enqueue_indirect_dma source(%dma_start3A_55 : memref<10240x128xf32, #tpu.memory_space<hbm>>) target(%arg14 : memref<128x128xf32, #tpu.memory_space<vmem>>) offsets(%arg9 : memref<128xi32, #tpu.memory_space<vmem>>) semaphore(%arg16 : memref<!tpu.dma_semaphore, #tpu.memory_space<semaphore_mem>>)
      %dma_wait3A = arith.constant 0 : i32
      %dma_wait3A_56 = arith.constant 0 : i32
      %dma_wait3A_57 = tpu.memref_slice %arg2[%dma_wait3A, %dma_wait3A_56] : memref<10240x128xf32, #tpu.memory_space<hbm>> -> memref<10240x128xf32, #tpu.memory_space<hbm>>
      tpu.wait_indirect_dma semaphore(%arg15 : memref<!tpu.dma_semaphore, #tpu.memory_space<semaphore_mem>>) src(%dma_wait3A_57 : memref<10240x128xf32, #tpu.memory_space<hbm>>) dst(%arg13 : memref<128x128xf32, #tpu.memory_space<vmem>>)
      "tpu.region"() ({
        %run_scoped3A = tpu.sem_alloc : memref<!tpu.dma_semaphore, #tpu.memory_space<semaphore_mem>>
        %dma_start3A_64 = arith.constant 0 : i32
        %dma_start3A_65 = arith.constant 0 : i32
        %dma_start3A_66 = tpu.memref_slice %arg17[%dma_start3A_64, %dma_start3A_65] : memref<10240x128xf32, #tpu.memory_space<vmem_shared>> -> memref<10240x128xf32, #tpu.memory_space<vmem_shared>>
        tpu.enqueue_indirect_dma source(%arg13 : memref<128x128xf32, #tpu.memory_space<vmem>>) target(%dma_start3A_66 : memref<10240x128xf32, #tpu.memory_space<vmem_shared>>) offsets(%arg10 : memref<128xi32, #tpu.memory_space<vmem>>) semaphore(%run_scoped3A : memref<!tpu.dma_semaphore, #tpu.memory_space<semaphore_mem>>) {add = true}
        %dma_wait3A_67 = arith.constant 0 : i32
        %dma_wait3A_68 = arith.constant 0 : i32
        %dma_wait3A_69 = tpu.memref_slice %arg17[%dma_wait3A_67, %dma_wait3A_68] : memref<10240x128xf32, #tpu.memory_space<vmem_shared>> -> memref<10240x128xf32, #tpu.memory_space<vmem_shared>>
        tpu.wait_indirect_dma semaphore(%run_scoped3A : memref<!tpu.dma_semaphore, #tpu.memory_space<semaphore_mem>>) src(%arg13 : memref<128x128xf32, #tpu.memory_space<vmem>>) dst(%dma_wait3A_69 : memref<10240x128xf32, #tpu.memory_space<vmem_shared>>)
        tpu.yield
      }) : () -> ()
      %lt3A = arith.constant 39 : i32
      %lt3A_58 = arith.cmpi slt, %scan3A_44, %lt3A : i32
      %convert_element_type3A = arith.extui %lt3A_58 : i1 to i32
      %cond3A = arith.constant 0 : i32
      %cond3A_59 = arith.cmpi ne, %convert_element_type3A, %cond3A : i32
      scf.if %cond3A_59 {
        %mul3A_64 = arith.constant 2 : i32
        %mul3A_65 = arith.muli %mul3A_64, %scan3A_44 : i32
        %add3A_66 = arith.constant 2 : i32
        %add3A_67 = arith.addi %mul3A_65, %add3A_66 : i32
        %mul3A_68 = arith.constant 128 : i32
        %mul3A_69 = arith.muli %add3A_67, %mul3A_68 : i32
        %add3A_70 = arith.addi %mul3A_14, %mul3A_69 : i32
        "tpu.region"() ({
          %run_scoped3A = tpu.sem_alloc : memref<!tpu.dma_semaphore, #tpu.memory_space<semaphore_mem>>
          %dma_start3A_74 = tpu.memref_slice %arg3[%add3A_70] : memref<327680xi32, #tpu.memory_space<hbm>> -> memref<128xi32, #tpu.memory_space<hbm>>
          %dma_start3A_75 = tpu.memref_slice %arg3[%add3A_70] : memref<327680xi32, #tpu.memory_space<hbm>> -> memref<128xi32, #tpu.memory_space<hbm>>
          tpu.enqueue_dma source(%dma_start3A_75 : memref<128xi32, #tpu.memory_space<hbm>>) target(%arg8 : memref<128xi32, #tpu.memory_space<vmem>>) target_semaphore(%run_scoped3A : memref<!tpu.dma_semaphore, #tpu.memory_space<semaphore_mem>>)
          %dma_wait3A_76 = tpu.memref_slice %arg3[%add3A_70] : memref<327680xi32, #tpu.memory_space<hbm>> -> memref<128xi32, #tpu.memory_space<hbm>>
          %dma_wait3A_77 = tpu.memref_slice %arg3[%add3A_70] : memref<327680xi32, #tpu.memory_space<hbm>> -> memref<128xi32, #tpu.memory_space<hbm>>
          tpu.wait_dma2 semaphore(%run_scoped3A : memref<!tpu.dma_semaphore, #tpu.memory_space<semaphore_mem>>) src(%dma_wait3A_77 : memref<128xi32, #tpu.memory_space<hbm>>) dst(%arg8 : memref<128xi32, #tpu.memory_space<vmem>>)
          tpu.yield
        }) : () -> ()
        "tpu.region"() ({
          %run_scoped3A = tpu.sem_alloc : memref<!tpu.dma_semaphore, #tpu.memory_space<semaphore_mem>>
          %dma_start3A_74 = tpu.memref_slice %arg4[%add3A_70] : memref<327680xi32, #tpu.memory_space<hbm>> -> memref<128xi32, #tpu.memory_space<hbm>>
          %dma_start3A_75 = tpu.memref_slice %arg4[%add3A_70] : memref<327680xi32, #tpu.memory_space<hbm>> -> memref<128xi32, #tpu.memory_space<hbm>>
          tpu.enqueue_dma source(%dma_start3A_75 : memref<128xi32, #tpu.memory_space<hbm>>) target(%arg10 : memref<128xi32, #tpu.memory_space<vmem>>) target_semaphore(%run_scoped3A : memref<!tpu.dma_semaphore, #tpu.memory_space<semaphore_mem>>)
          %dma_wait3A_76 = tpu.memref_slice %arg4[%add3A_70] : memref<327680xi32, #tpu.memory_space<hbm>> -> memref<128xi32, #tpu.memory_space<hbm>>
          %dma_wait3A_77 = tpu.memref_slice %arg4[%add3A_70] : memref<327680xi32, #tpu.memory_space<hbm>> -> memref<128xi32, #tpu.memory_space<hbm>>
          tpu.wait_dma2 semaphore(%run_scoped3A : memref<!tpu.dma_semaphore, #tpu.memory_space<semaphore_mem>>) src(%dma_wait3A_77 : memref<128xi32, #tpu.memory_space<hbm>>) dst(%arg10 : memref<128xi32, #tpu.memory_space<vmem>>)
          tpu.yield
        }) : () -> ()
        %dma_start3A_71 = arith.constant 0 : i32
        %dma_start3A_72 = arith.constant 0 : i32
        %dma_start3A_73 = tpu.memref_slice %arg2[%dma_start3A_71, %dma_start3A_72] : memref<10240x128xf32, #tpu.memory_space<hbm>> -> memref<10240x128xf32, #tpu.memory_space<hbm>>
        tpu.enqueue_indirect_dma source(%dma_start3A_73 : memref<10240x128xf32, #tpu.memory_space<hbm>>) target(%arg13 : memref<128x128xf32, #tpu.memory_space<vmem>>) offsets(%arg8 : memref<128xi32, #tpu.memory_space<vmem>>) semaphore(%arg15 : memref<!tpu.dma_semaphore, #tpu.memory_space<semaphore_mem>>)
      } else {
      }
      %dma_wait3A_60 = arith.constant 0 : i32
      %dma_wait3A_61 = arith.constant 0 : i32
      %dma_wait3A_62 = tpu.memref_slice %arg2[%dma_wait3A_60, %dma_wait3A_61] : memref<10240x128xf32, #tpu.memory_space<hbm>> -> memref<10240x128xf32, #tpu.memory_space<hbm>>
      tpu.wait_indirect_dma semaphore(%arg16 : memref<!tpu.dma_semaphore, #tpu.memory_space<semaphore_mem>>) src(%dma_wait3A_62 : memref<10240x128xf32, #tpu.memory_space<hbm>>) dst(%arg14 : memref<128x128xf32, #tpu.memory_space<vmem>>)
      "tpu.region"() ({
        %run_scoped3A = tpu.sem_alloc : memref<!tpu.dma_semaphore, #tpu.memory_space<semaphore_mem>>
        %dma_start3A_64 = arith.constant 0 : i32
        %dma_start3A_65 = arith.constant 0 : i32
        %dma_start3A_66 = tpu.memref_slice %arg17[%dma_start3A_64, %dma_start3A_65] : memref<10240x128xf32, #tpu.memory_space<vmem_shared>> -> memref<10240x128xf32, #tpu.memory_space<vmem_shared>>
        tpu.enqueue_indirect_dma source(%arg14 : memref<128x128xf32, #tpu.memory_space<vmem>>) target(%dma_start3A_66 : memref<10240x128xf32, #tpu.memory_space<vmem_shared>>) offsets(%arg11 : memref<128xi32, #tpu.memory_space<vmem>>) semaphore(%run_scoped3A : memref<!tpu.dma_semaphore, #tpu.memory_space<semaphore_mem>>) {add = true}
        %dma_wait3A_67 = arith.constant 0 : i32
        %dma_wait3A_68 = arith.constant 0 : i32
        %dma_wait3A_69 = tpu.memref_slice %arg17[%dma_wait3A_67, %dma_wait3A_68] : memref<10240x128xf32, #tpu.memory_space<vmem_shared>> -> memref<10240x128xf32, #tpu.memory_space<vmem_shared>>
        tpu.wait_indirect_dma semaphore(%run_scoped3A : memref<!tpu.dma_semaphore, #tpu.memory_space<semaphore_mem>>) src(%arg14 : memref<128x128xf32, #tpu.memory_space<vmem>>) dst(%dma_wait3A_69 : memref<10240x128xf32, #tpu.memory_space<vmem_shared>>)
        tpu.yield
      }) : () -> ()
      %scan3A_63 = arith.constant 0 : i32
      scf.yield %scan3A_63 : i32
    }
    %scan3A_22 = arith.constant 40 : i32
    %barrier3A_23 = arith.constant 0 : index
    tpu.barrier barrier_id(%barrier3A_23)
    %add3A_24 = arith.constant 0 : i32
    %add3A_25 = arith.addi %mul3A_0, %add3A_24 : i32
    "tpu.region"() ({
      %run_scoped3A = tpu.sem_alloc : memref<!tpu.dma_semaphore, #tpu.memory_space<semaphore_mem>>
      %dma_start3A_44 = tpu.memref_slice %arg5[%add3A_25] : memref<10240xi32, #tpu.memory_space<hbm>> -> memref<128xi32, #tpu.memory_space<hbm>>
      %dma_start3A_45 = tpu.memref_slice %arg5[%add3A_25] : memref<10240xi32, #tpu.memory_space<hbm>> -> memref<128xi32, #tpu.memory_space<hbm>>
      tpu.enqueue_dma source(%dma_start3A_45 : memref<128xi32, #tpu.memory_space<hbm>>) target(%arg12 : memref<128xi32, #tpu.memory_space<vmem>>) target_semaphore(%run_scoped3A : memref<!tpu.dma_semaphore, #tpu.memory_space<semaphore_mem>>)
      %dma_wait3A = tpu.memref_slice %arg5[%add3A_25] : memref<10240xi32, #tpu.memory_space<hbm>> -> memref<128xi32, #tpu.memory_space<hbm>>
      %dma_wait3A_46 = tpu.memref_slice %arg5[%add3A_25] : memref<10240xi32, #tpu.memory_space<hbm>> -> memref<128xi32, #tpu.memory_space<hbm>>
      tpu.wait_dma2 semaphore(%run_scoped3A : memref<!tpu.dma_semaphore, #tpu.memory_space<semaphore_mem>>) src(%dma_wait3A_46 : memref<128xi32, #tpu.memory_space<hbm>>) dst(%arg12 : memref<128xi32, #tpu.memory_space<vmem>>)
      tpu.yield
    }) : () -> ()
    "tpu.region"() ({
      %run_scoped3A = tpu.sem_alloc : memref<!tpu.dma_semaphore, #tpu.memory_space<semaphore_mem>>
      %dma_start3A_44 = arith.constant 0 : i32
      %dma_start3A_45 = arith.constant 0 : i32
      %dma_start3A_46 = tpu.memref_slice %arg17[%dma_start3A_44, %dma_start3A_45] : memref<10240x128xf32, #tpu.memory_space<vmem_shared>> -> memref<10240x128xf32, #tpu.memory_space<vmem_shared>>
      tpu.enqueue_indirect_dma source(%dma_start3A_46 : memref<10240x128xf32, #tpu.memory_space<vmem_shared>>) target(%arg13 : memref<128x128xf32, #tpu.memory_space<vmem>>) offsets(%arg12 : memref<128xi32, #tpu.memory_space<vmem>>) semaphore(%run_scoped3A : memref<!tpu.dma_semaphore, #tpu.memory_space<semaphore_mem>>)
      %dma_wait3A = arith.constant 0 : i32
      %dma_wait3A_47 = arith.constant 0 : i32
      %dma_wait3A_48 = tpu.memref_slice %arg17[%dma_wait3A, %dma_wait3A_47] : memref<10240x128xf32, #tpu.memory_space<vmem_shared>> -> memref<10240x128xf32, #tpu.memory_space<vmem_shared>>
      tpu.wait_indirect_dma semaphore(%run_scoped3A : memref<!tpu.dma_semaphore, #tpu.memory_space<semaphore_mem>>) src(%dma_wait3A_48 : memref<10240x128xf32, #tpu.memory_space<vmem_shared>>) dst(%arg13 : memref<128x128xf32, #tpu.memory_space<vmem>>)
      tpu.yield
    }) : () -> ()
    %add3A_26 = arith.constant 0 : i32
    %add3A_27 = arith.addi %mul3A_0, %add3A_26 : i32
    "tpu.region"() ({
      %run_scoped3A = tpu.sem_alloc : memref<!tpu.dma_semaphore, #tpu.memory_space<semaphore_mem>>
      %dma_start3A_44 = arith.constant 0 : i32
      %dma_start3A_45 = tpu.memref_slice %arg7[%arg0, %add3A_27, %dma_start3A_44] : memref<2x10240x128xf32, #tpu.memory_space<hbm>> -> memref<1x128x128xf32, #tpu.memory_space<hbm>>
      %dma_start3A_46 = tpu.memref_squeeze %dma_start3A_45 : memref<1x128x128xf32, #tpu.memory_space<hbm>> -> memref<128x128xf32, #tpu.memory_space<hbm>>
      %dma_start3A_47 = arith.constant 0 : i32
      %dma_start3A_48 = tpu.memref_slice %arg7[%arg0, %add3A_27, %dma_start3A_47] : memref<2x10240x128xf32, #tpu.memory_space<hbm>> -> memref<1x128x128xf32, #tpu.memory_space<hbm>>
      %dma_start3A_49 = tpu.memref_squeeze %dma_start3A_48 : memref<1x128x128xf32, #tpu.memory_space<hbm>> -> memref<128x128xf32, #tpu.memory_space<hbm>>
      tpu.enqueue_dma source(%arg13 : memref<128x128xf32, #tpu.memory_space<vmem>>) target(%dma_start3A_49 : memref<128x128xf32, #tpu.memory_space<hbm>>) target_semaphore(%run_scoped3A : memref<!tpu.dma_semaphore, #tpu.memory_space<semaphore_mem>>)
      %dma_wait3A = arith.constant 0 : i32
      %dma_wait3A_50 = tpu.memref_slice %arg7[%arg0, %add3A_27, %dma_wait3A] : memref<2x10240x128xf32, #tpu.memory_space<hbm>> -> memref<1x128x128xf32, #tpu.memory_space<hbm>>
      %dma_wait3A_51 = tpu.memref_squeeze %dma_wait3A_50 : memref<1x128x128xf32, #tpu.memory_space<hbm>> -> memref<128x128xf32, #tpu.memory_space<hbm>>
      %dma_wait3A_52 = arith.constant 0 : i32
      %dma_wait3A_53 = tpu.memref_slice %arg7[%arg0, %add3A_27, %dma_wait3A_52] : memref<2x10240x128xf32, #tpu.memory_space<hbm>> -> memref<1x128x128xf32, #tpu.memory_space<hbm>>
      %dma_wait3A_54 = tpu.memref_squeeze %dma_wait3A_53 : memref<1x128x128xf32, #tpu.memory_space<hbm>> -> memref<128x128xf32, #tpu.memory_space<hbm>>
      tpu.wait_dma2 semaphore(%run_scoped3A : memref<!tpu.dma_semaphore, #tpu.memory_space<semaphore_mem>>) src(%arg13 : memref<128x128xf32, #tpu.memory_space<vmem>>) dst(%dma_wait3A_54 : memref<128x128xf32, #tpu.memory_space<hbm>>)
      tpu.yield
    }) : () -> ()
    %add3A_28 = arith.constant 128 : i32
    %add3A_29 = arith.addi %mul3A_0, %add3A_28 : i32
    "tpu.region"() ({
      %run_scoped3A = tpu.sem_alloc : memref<!tpu.dma_semaphore, #tpu.memory_space<semaphore_mem>>
      %dma_start3A_44 = tpu.memref_slice %arg5[%add3A_29] : memref<10240xi32, #tpu.memory_space<hbm>> -> memref<128xi32, #tpu.memory_space<hbm>>
      %dma_start3A_45 = tpu.memref_slice %arg5[%add3A_29] : memref<10240xi32, #tpu.memory_space<hbm>> -> memref<128xi32, #tpu.memory_space<hbm>>
      tpu.enqueue_dma source(%dma_start3A_45 : memref<128xi32, #tpu.memory_space<hbm>>) target(%arg12 : memref<128xi32, #tpu.memory_space<vmem>>) target_semaphore(%run_scoped3A : memref<!tpu.dma_semaphore, #tpu.memory_space<semaphore_mem>>)
      %dma_wait3A = tpu.memref_slice %arg5[%add3A_29] : memref<10240xi32, #tpu.memory_space<hbm>> -> memref<128xi32, #tpu.memory_space<hbm>>
      %dma_wait3A_46 = tpu.memref_slice %arg5[%add3A_29] : memref<10240xi32, #tpu.memory_space<hbm>> -> memref<128xi32, #tpu.memory_space<hbm>>
      tpu.wait_dma2 semaphore(%run_scoped3A : memref<!tpu.dma_semaphore, #tpu.memory_space<semaphore_mem>>) src(%dma_wait3A_46 : memref<128xi32, #tpu.memory_space<hbm>>) dst(%arg12 : memref<128xi32, #tpu.memory_space<vmem>>)
      tpu.yield
    }) : () -> ()
    "tpu.region"() ({
      %run_scoped3A = tpu.sem_alloc : memref<!tpu.dma_semaphore, #tpu.memory_space<semaphore_mem>>
      %dma_start3A_44 = arith.constant 0 : i32
      %dma_start3A_45 = arith.constant 0 : i32
      %dma_start3A_46 = tpu.memref_slice %arg17[%dma_start3A_44, %dma_start3A_45] : memref<10240x128xf32, #tpu.memory_space<vmem_shared>> -> memref<10240x128xf32, #tpu.memory_space<vmem_shared>>
      tpu.enqueue_indirect_dma source(%dma_start3A_46 : memref<10240x128xf32, #tpu.memory_space<vmem_shared>>) target(%arg13 : memref<128x128xf32, #tpu.memory_space<vmem>>) offsets(%arg12 : memref<128xi32, #tpu.memory_space<vmem>>) semaphore(%run_scoped3A : memref<!tpu.dma_semaphore, #tpu.memory_space<semaphore_mem>>)
      %dma_wait3A = arith.constant 0 : i32
      %dma_wait3A_47 = arith.constant 0 : i32
      %dma_wait3A_48 = tpu.memref_slice %arg17[%dma_wait3A, %dma_wait3A_47] : memref<10240x128xf32, #tpu.memory_space<vmem_shared>> -> memref<10240x128xf32, #tpu.memory_space<vmem_shared>>
      tpu.wait_indirect_dma semaphore(%run_scoped3A : memref<!tpu.dma_semaphore, #tpu.memory_space<semaphore_mem>>) src(%dma_wait3A_48 : memref<10240x128xf32, #tpu.memory_space<vmem_shared>>) dst(%arg13 : memref<128x128xf32, #tpu.memory_space<vmem>>)
      tpu.yield
    }) : () -> ()
    %add3A_30 = arith.constant 128 : i32
    %add3A_31 = arith.addi %mul3A_0, %add3A_30 : i32
    "tpu.region"() ({
      %run_scoped3A = tpu.sem_alloc : memref<!tpu.dma_semaphore, #tpu.memory_space<semaphore_mem>>
      %dma_start3A_44 = arith.constant 0 : i32
      %dma_start3A_45 = tpu.memref_slice %arg7[%arg0, %add3A_31, %dma_start3A_44] : memref<2x10240x128xf32, #tpu.memory_space<hbm>> -> memref<1x128x128xf32, #tpu.memory_space<hbm>>
      %dma_start3A_46 = tpu.memref_squeeze %dma_start3A_45 : memref<1x128x128xf32, #tpu.memory_space<hbm>> -> memref<128x128xf32, #tpu.memory_space<hbm>>
      %dma_start3A_47 = arith.constant 0 : i32
      %dma_start3A_48 = tpu.memref_slice %arg7[%arg0, %add3A_31, %dma_start3A_47] : memref<2x10240x128xf32, #tpu.memory_space<hbm>> -> memref<1x128x128xf32, #tpu.memory_space<hbm>>
      %dma_start3A_49 = tpu.memref_squeeze %dma_start3A_48 : memref<1x128x128xf32, #tpu.memory_space<hbm>> -> memref<128x128xf32, #tpu.memory_space<hbm>>
      tpu.enqueue_dma source(%arg13 : memref<128x128xf32, #tpu.memory_space<vmem>>) target(%dma_start3A_49 : memref<128x128xf32, #tpu.memory_space<hbm>>) target_semaphore(%run_scoped3A : memref<!tpu.dma_semaphore, #tpu.memory_space<semaphore_mem>>)
      %dma_wait3A = arith.constant 0 : i32
      %dma_wait3A_50 = tpu.memref_slice %arg7[%arg0, %add3A_31, %dma_wait3A] : memref<2x10240x128xf32, #tpu.memory_space<hbm>> -> memref<1x128x128xf32, #tpu.memory_space<hbm>>
      %dma_wait3A_51 = tpu.memref_squeeze %dma_wait3A_50 : memref<1x128x128xf32, #tpu.memory_space<hbm>> -> memref<128x128xf32, #tpu.memory_space<hbm>>
      %dma_wait3A_52 = arith.constant 0 : i32
      %dma_wait3A_53 = tpu.memref_slice %arg7[%arg0, %add3A_31, %dma_wait3A_52] : memref<2x10240x128xf32, #tpu.memory_space<hbm>> -> memref<1x128x128xf32, #tpu.memory_space<hbm>>
      %dma_wait3A_54 = tpu.memref_squeeze %dma_wait3A_53 : memref<1x128x128xf32, #tpu.memory_space<hbm>> -> memref<128x128xf32, #tpu.memory_space<hbm>>
      tpu.wait_dma2 semaphore(%run_scoped3A : memref<!tpu.dma_semaphore, #tpu.memory_space<semaphore_mem>>) src(%arg13 : memref<128x128xf32, #tpu.memory_space<vmem>>) dst(%dma_wait3A_54 : memref<128x128xf32, #tpu.memory_space<hbm>>)
      tpu.yield
    }) : () -> ()
    %add3A_32 = arith.constant 256 : i32
    %add3A_33 = arith.addi %mul3A_0, %add3A_32 : i32
    "tpu.region"() ({
      %run_scoped3A = tpu.sem_alloc : memref<!tpu.dma_semaphore, #tpu.memory_space<semaphore_mem>>
      %dma_start3A_44 = tpu.memref_slice %arg5[%add3A_33] : memref<10240xi32, #tpu.memory_space<hbm>> -> memref<128xi32, #tpu.memory_space<hbm>>
      %dma_start3A_45 = tpu.memref_slice %arg5[%add3A_33] : memref<10240xi32, #tpu.memory_space<hbm>> -> memref<128xi32, #tpu.memory_space<hbm>>
      tpu.enqueue_dma source(%dma_start3A_45 : memref<128xi32, #tpu.memory_space<hbm>>) target(%arg12 : memref<128xi32, #tpu.memory_space<vmem>>) target_semaphore(%run_scoped3A : memref<!tpu.dma_semaphore, #tpu.memory_space<semaphore_mem>>)
      %dma_wait3A = tpu.memref_slice %arg5[%add3A_33] : memref<10240xi32, #tpu.memory_space<hbm>> -> memref<128xi32, #tpu.memory_space<hbm>>
      %dma_wait3A_46 = tpu.memref_slice %arg5[%add3A_33] : memref<10240xi32, #tpu.memory_space<hbm>> -> memref<128xi32, #tpu.memory_space<hbm>>
      tpu.wait_dma2 semaphore(%run_scoped3A : memref<!tpu.dma_semaphore, #tpu.memory_space<semaphore_mem>>) src(%dma_wait3A_46 : memref<128xi32, #tpu.memory_space<hbm>>) dst(%arg12 : memref<128xi32, #tpu.memory_space<vmem>>)
      tpu.yield
    }) : () -> ()
    "tpu.region"() ({
      %run_scoped3A = tpu.sem_alloc : memref<!tpu.dma_semaphore, #tpu.memory_space<semaphore_mem>>
      %dma_start3A_44 = arith.constant 0 : i32
      %dma_start3A_45 = arith.constant 0 : i32
      %dma_start3A_46 = tpu.memref_slice %arg17[%dma_start3A_44, %dma_start3A_45] : memref<10240x128xf32, #tpu.memory_space<vmem_shared>> -> memref<10240x128xf32, #tpu.memory_space<vmem_shared>>
      tpu.enqueue_indirect_dma source(%dma_start3A_46 : memref<10240x128xf32, #tpu.memory_space<vmem_shared>>) target(%arg13 : memref<128x128xf32, #tpu.memory_space<vmem>>) offsets(%arg12 : memref<128xi32, #tpu.memory_space<vmem>>) semaphore(%run_scoped3A : memref<!tpu.dma_semaphore, #tpu.memory_space<semaphore_mem>>)
      %dma_wait3A = arith.constant 0 : i32
      %dma_wait3A_47 = arith.constant 0 : i32
      %dma_wait3A_48 = tpu.memref_slice %arg17[%dma_wait3A, %dma_wait3A_47] : memref<10240x128xf32, #tpu.memory_space<vmem_shared>> -> memref<10240x128xf32, #tpu.memory_space<vmem_shared>>
      tpu.wait_indirect_dma semaphore(%run_scoped3A : memref<!tpu.dma_semaphore, #tpu.memory_space<semaphore_mem>>) src(%dma_wait3A_48 : memref<10240x128xf32, #tpu.memory_space<vmem_shared>>) dst(%arg13 : memref<128x128xf32, #tpu.memory_space<vmem>>)
      tpu.yield
    }) : () -> ()
    %add3A_34 = arith.constant 256 : i32
    %add3A_35 = arith.addi %mul3A_0, %add3A_34 : i32
    "tpu.region"() ({
      %run_scoped3A = tpu.sem_alloc : memref<!tpu.dma_semaphore, #tpu.memory_space<semaphore_mem>>
      %dma_start3A_44 = arith.constant 0 : i32
      %dma_start3A_45 = tpu.memref_slice %arg7[%arg0, %add3A_35, %dma_start3A_44] : memref<2x10240x128xf32, #tpu.memory_space<hbm>> -> memref<1x128x128xf32, #tpu.memory_space<hbm>>
      %dma_start3A_46 = tpu.memref_squeeze %dma_start3A_45 : memref<1x128x128xf32, #tpu.memory_space<hbm>> -> memref<128x128xf32, #tpu.memory_space<hbm>>
      %dma_start3A_47 = arith.constant 0 : i32
      %dma_start3A_48 = tpu.memref_slice %arg7[%arg0, %add3A_35, %dma_start3A_47] : memref<2x10240x128xf32, #tpu.memory_space<hbm>> -> memref<1x128x128xf32, #tpu.memory_space<hbm>>
      %dma_start3A_49 = tpu.memref_squeeze %dma_start3A_48 : memref<1x128x128xf32, #tpu.memory_space<hbm>> -> memref<128x128xf32, #tpu.memory_space<hbm>>
      tpu.enqueue_dma source(%arg13 : memref<128x128xf32, #tpu.memory_space<vmem>>) target(%dma_start3A_49 : memref<128x128xf32, #tpu.memory_space<hbm>>) target_semaphore(%run_scoped3A : memref<!tpu.dma_semaphore, #tpu.memory_space<semaphore_mem>>)
      %dma_wait3A = arith.constant 0 : i32
      %dma_wait3A_50 = tpu.memref_slice %arg7[%arg0, %add3A_35, %dma_wait3A] : memref<2x10240x128xf32, #tpu.memory_space<hbm>> -> memref<1x128x128xf32, #tpu.memory_space<hbm>>
      %dma_wait3A_51 = tpu.memref_squeeze %dma_wait3A_50 : memref<1x128x128xf32, #tpu.memory_space<hbm>> -> memref<128x128xf32, #tpu.memory_space<hbm>>
      %dma_wait3A_52 = arith.constant 0 : i32
      %dma_wait3A_53 = tpu.memref_slice %arg7[%arg0, %add3A_35, %dma_wait3A_52] : memref<2x10240x128xf32, #tpu.memory_space<hbm>> -> memref<1x128x128xf32, #tpu.memory_space<hbm>>
      %dma_wait3A_54 = tpu.memref_squeeze %dma_wait3A_53 : memref<1x128x128xf32, #tpu.memory_space<hbm>> -> memref<128x128xf32, #tpu.memory_space<hbm>>
      tpu.wait_dma2 semaphore(%run_scoped3A : memref<!tpu.dma_semaphore, #tpu.memory_space<semaphore_mem>>) src(%arg13 : memref<128x128xf32, #tpu.memory_space<vmem>>) dst(%dma_wait3A_54 : memref<128x128xf32, #tpu.memory_space<hbm>>)
      tpu.yield
    }) : () -> ()
    %add3A_36 = arith.constant 384 : i32
    %add3A_37 = arith.addi %mul3A_0, %add3A_36 : i32
    "tpu.region"() ({
      %run_scoped3A = tpu.sem_alloc : memref<!tpu.dma_semaphore, #tpu.memory_space<semaphore_mem>>
      %dma_start3A_44 = tpu.memref_slice %arg5[%add3A_37] : memref<10240xi32, #tpu.memory_space<hbm>> -> memref<128xi32, #tpu.memory_space<hbm>>
      %dma_start3A_45 = tpu.memref_slice %arg5[%add3A_37] : memref<10240xi32, #tpu.memory_space<hbm>> -> memref<128xi32, #tpu.memory_space<hbm>>
      tpu.enqueue_dma source(%dma_start3A_45 : memref<128xi32, #tpu.memory_space<hbm>>) target(%arg12 : memref<128xi32, #tpu.memory_space<vmem>>) target_semaphore(%run_scoped3A : memref<!tpu.dma_semaphore, #tpu.memory_space<semaphore_mem>>)
      %dma_wait3A = tpu.memref_slice %arg5[%add3A_37] : memref<10240xi32, #tpu.memory_space<hbm>> -> memref<128xi32, #tpu.memory_space<hbm>>
      %dma_wait3A_46 = tpu.memref_slice %arg5[%add3A_37] : memref<10240xi32, #tpu.memory_space<hbm>> -> memref<128xi32, #tpu.memory_space<hbm>>
      tpu.wait_dma2 semaphore(%run_scoped3A : memref<!tpu.dma_semaphore, #tpu.memory_space<semaphore_mem>>) src(%dma_wait3A_46 : memref<128xi32, #tpu.memory_space<hbm>>) dst(%arg12 : memref<128xi32, #tpu.memory_space<vmem>>)
      tpu.yield
    }) : () -> ()
    "tpu.region"() ({
      %run_scoped3A = tpu.sem_alloc : memref<!tpu.dma_semaphore, #tpu.memory_space<semaphore_mem>>
      %dma_start3A_44 = arith.constant 0 : i32
      %dma_start3A_45 = arith.constant 0 : i32
      %dma_start3A_46 = tpu.memref_slice %arg17[%dma_start3A_44, %dma_start3A_45] : memref<10240x128xf32, #tpu.memory_space<vmem_shared>> -> memref<10240x128xf32, #tpu.memory_space<vmem_shared>>
      tpu.enqueue_indirect_dma source(%dma_start3A_46 : memref<10240x128xf32, #tpu.memory_space<vmem_shared>>) target(%arg13 : memref<128x128xf32, #tpu.memory_space<vmem>>) offsets(%arg12 : memref<128xi32, #tpu.memory_space<vmem>>) semaphore(%run_scoped3A : memref<!tpu.dma_semaphore, #tpu.memory_space<semaphore_mem>>)
      %dma_wait3A = arith.constant 0 : i32
      %dma_wait3A_47 = arith.constant 0 : i32
      %dma_wait3A_48 = tpu.memref_slice %arg17[%dma_wait3A, %dma_wait3A_47] : memref<10240x128xf32, #tpu.memory_space<vmem_shared>> -> memref<10240x128xf32, #tpu.memory_space<vmem_shared>>
      tpu.wait_indirect_dma semaphore(%run_scoped3A : memref<!tpu.dma_semaphore, #tpu.memory_space<semaphore_mem>>) src(%dma_wait3A_48 : memref<10240x128xf32, #tpu.memory_space<vmem_shared>>) dst(%arg13 : memref<128x128xf32, #tpu.memory_space<vmem>>)
      tpu.yield
    }) : () -> ()
    %add3A_38 = arith.constant 384 : i32
    %add3A_39 = arith.addi %mul3A_0, %add3A_38 : i32
    "tpu.region"() ({
      %run_scoped3A = tpu.sem_alloc : memref<!tpu.dma_semaphore, #tpu.memory_space<semaphore_mem>>
      %dma_start3A_44 = arith.constant 0 : i32
      %dma_start3A_45 = tpu.memref_slice %arg7[%arg0, %add3A_39, %dma_start3A_44] : memref<2x10240x128xf32, #tpu.memory_space<hbm>> -> memref<1x128x128xf32, #tpu.memory_space<hbm>>
      %dma_start3A_46 = tpu.memref_squeeze %dma_start3A_45 : memref<1x128x128xf32, #tpu.memory_space<hbm>> -> memref<128x128xf32, #tpu.memory_space<hbm>>
      %dma_start3A_47 = arith.constant 0 : i32
      %dma_start3A_48 = tpu.memref_slice %arg7[%arg0, %add3A_39, %dma_start3A_47] : memref<2x10240x128xf32, #tpu.memory_space<hbm>> -> memref<1x128x128xf32, #tpu.memory_space<hbm>>
      %dma_start3A_49 = tpu.memref_squeeze %dma_start3A_48 : memref<1x128x128xf32, #tpu.memory_space<hbm>> -> memref<128x128xf32, #tpu.memory_space<hbm>>
      tpu.enqueue_dma source(%arg13 : memref<128x128xf32, #tpu.memory_space<vmem>>) target(%dma_start3A_49 : memref<128x128xf32, #tpu.memory_space<hbm>>) target_semaphore(%run_scoped3A : memref<!tpu.dma_semaphore, #tpu.memory_space<semaphore_mem>>)
      %dma_wait3A = arith.constant 0 : i32
      %dma_wait3A_50 = tpu.memref_slice %arg7[%arg0, %add3A_39, %dma_wait3A] : memref<2x10240x128xf32, #tpu.memory_space<hbm>> -> memref<1x128x128xf32, #tpu.memory_space<hbm>>
      %dma_wait3A_51 = tpu.memref_squeeze %dma_wait3A_50 : memref<1x128x128xf32, #tpu.memory_space<hbm>> -> memref<128x128xf32, #tpu.memory_space<hbm>>
      %dma_wait3A_52 = arith.constant 0 : i32
      %dma_wait3A_53 = tpu.memref_slice %arg7[%arg0, %add3A_39, %dma_wait3A_52] : memref<2x10240x128xf32, #tpu.memory_space<hbm>> -> memref<1x128x128xf32, #tpu.memory_space<hbm>>
      %dma_wait3A_54 = tpu.memref_squeeze %dma_wait3A_53 : memref<1x128x128xf32, #tpu.memory_space<hbm>> -> memref<128x128xf32, #tpu.memory_space<hbm>>
      tpu.wait_dma2 semaphore(%run_scoped3A : memref<!tpu.dma_semaphore, #tpu.memory_space<semaphore_mem>>) src(%arg13 : memref<128x128xf32, #tpu.memory_space<vmem>>) dst(%dma_wait3A_54 : memref<128x128xf32, #tpu.memory_space<hbm>>)
      tpu.yield
    }) : () -> ()
    %add3A_40 = arith.constant 512 : i32
    %add3A_41 = arith.addi %mul3A_0, %add3A_40 : i32
    "tpu.region"() ({
      %run_scoped3A = tpu.sem_alloc : memref<!tpu.dma_semaphore, #tpu.memory_space<semaphore_mem>>
      %dma_start3A_44 = tpu.memref_slice %arg5[%add3A_41] : memref<10240xi32, #tpu.memory_space<hbm>> -> memref<128xi32, #tpu.memory_space<hbm>>
      %dma_start3A_45 = tpu.memref_slice %arg5[%add3A_41] : memref<10240xi32, #tpu.memory_space<hbm>> -> memref<128xi32, #tpu.memory_space<hbm>>
      tpu.enqueue_dma source(%dma_start3A_45 : memref<128xi32, #tpu.memory_space<hbm>>) target(%arg12 : memref<128xi32, #tpu.memory_space<vmem>>) target_semaphore(%run_scoped3A : memref<!tpu.dma_semaphore, #tpu.memory_space<semaphore_mem>>)
      %dma_wait3A = tpu.memref_slice %arg5[%add3A_41] : memref<10240xi32, #tpu.memory_space<hbm>> -> memref<128xi32, #tpu.memory_space<hbm>>
      %dma_wait3A_46 = tpu.memref_slice %arg5[%add3A_41] : memref<10240xi32, #tpu.memory_space<hbm>> -> memref<128xi32, #tpu.memory_space<hbm>>
      tpu.wait_dma2 semaphore(%run_scoped3A : memref<!tpu.dma_semaphore, #tpu.memory_space<semaphore_mem>>) src(%dma_wait3A_46 : memref<128xi32, #tpu.memory_space<hbm>>) dst(%arg12 : memref<128xi32, #tpu.memory_space<vmem>>)
      tpu.yield
    }) : () -> ()
    "tpu.region"() ({
      %run_scoped3A = tpu.sem_alloc : memref<!tpu.dma_semaphore, #tpu.memory_space<semaphore_mem>>
      %dma_start3A_44 = arith.constant 0 : i32
      %dma_start3A_45 = arith.constant 0 : i32
      %dma_start3A_46 = tpu.memref_slice %arg17[%dma_start3A_44, %dma_start3A_45] : memref<10240x128xf32, #tpu.memory_space<vmem_shared>> -> memref<10240x128xf32, #tpu.memory_space<vmem_shared>>
      tpu.enqueue_indirect_dma source(%dma_start3A_46 : memref<10240x128xf32, #tpu.memory_space<vmem_shared>>) target(%arg13 : memref<128x128xf32, #tpu.memory_space<vmem>>) offsets(%arg12 : memref<128xi32, #tpu.memory_space<vmem>>) semaphore(%run_scoped3A : memref<!tpu.dma_semaphore, #tpu.memory_space<semaphore_mem>>)
      %dma_wait3A = arith.constant 0 : i32
      %dma_wait3A_47 = arith.constant 0 : i32
      %dma_wait3A_48 = tpu.memref_slice %arg17[%dma_wait3A, %dma_wait3A_47] : memref<10240x128xf32, #tpu.memory_space<vmem_shared>> -> memref<10240x128xf32, #tpu.memory_space<vmem_shared>>
      tpu.wait_indirect_dma semaphore(%run_scoped3A : memref<!tpu.dma_semaphore, #tpu.memory_space<semaphore_mem>>) src(%dma_wait3A_48 : memref<10240x128xf32, #tpu.memory_space<vmem_shared>>) dst(%arg13 : memref<128x128xf32, #tpu.memory_space<vmem>>)
      tpu.yield
    }) : () -> ()
    %add3A_42 = arith.constant 512 : i32
    %add3A_43 = arith.addi %mul3A_0, %add3A_42 : i32
    "tpu.region"() ({
      %run_scoped3A = tpu.sem_alloc : memref<!tpu.dma_semaphore, #tpu.memory_space<semaphore_mem>>
      %dma_start3A_44 = arith.constant 0 : i32
      %dma_start3A_45 = tpu.memref_slice %arg7[%arg0, %add3A_43, %dma_start3A_44] : memref<2x10240x128xf32, #tpu.memory_space<hbm>> -> memref<1x128x128xf32, #tpu.memory_space<hbm>>
      %dma_start3A_46 = tpu.memref_squeeze %dma_start3A_45 : memref<1x128x128xf32, #tpu.memory_space<hbm>> -> memref<128x128xf32, #tpu.memory_space<hbm>>
      %dma_start3A_47 = arith.constant 0 : i32
      %dma_start3A_48 = tpu.memref_slice %arg7[%arg0, %add3A_43, %dma_start3A_47] : memref<2x10240x128xf32, #tpu.memory_space<hbm>> -> memref<1x128x128xf32, #tpu.memory_space<hbm>>
      %dma_start3A_49 = tpu.memref_squeeze %dma_start3A_48 : memref<1x128x128xf32, #tpu.memory_space<hbm>> -> memref<128x128xf32, #tpu.memory_space<hbm>>
      tpu.enqueue_dma source(%arg13 : memref<128x128xf32, #tpu.memory_space<vmem>>) target(%dma_start3A_49 : memref<128x128xf32, #tpu.memory_space<hbm>>) target_semaphore(%run_scoped3A : memref<!tpu.dma_semaphore, #tpu.memory_space<semaphore_mem>>)
      %dma_wait3A = arith.constant 0 : i32
      %dma_wait3A_50 = tpu.memref_slice %arg7[%arg0, %add3A_43, %dma_wait3A] : memref<2x10240x128xf32, #tpu.memory_space<hbm>> -> memref<1x128x128xf32, #tpu.memory_space<hbm>>
      %dma_wait3A_51 = tpu.memref_squeeze %dma_wait3A_50 : memref<1x128x128xf32, #tpu.memory_space<hbm>> -> memref<128x128xf32, #tpu.memory_space<hbm>>
      %dma_wait3A_52 = arith.constant 0 : i32
      %dma_wait3A_53 = tpu.memref_slice %arg7[%arg0, %add3A_43, %dma_wait3A_52] : memref<2x10240x128xf32, #tpu.memory_space<hbm>> -> memref<1x128x128xf32, #tpu.memory_space<hbm>>
      %dma_wait3A_54 = tpu.memref_squeeze %dma_wait3A_53 : memref<1x128x128xf32, #tpu.memory_space<hbm>> -> memref<128x128xf32, #tpu.memory_space<hbm>>
      tpu.wait_dma2 semaphore(%run_scoped3A : memref<!tpu.dma_semaphore, #tpu.memory_space<semaphore_mem>>) src(%arg13 : memref<128x128xf32, #tpu.memory_space<vmem>>) dst(%dma_wait3A_54 : memref<128x128xf32, #tpu.memory_space<hbm>>)
      tpu.yield
    }) : () -> ()
    return
  }
}

#map = affine_map<(d0, d1) -> (0, 0)>
#map1 = affine_map<(d0, d1) -> (0)>
#map2 = affine_map<(d0, d1) -> (0, 0, 0)>
module attributes {stable_mosaic.version = 14 : i64} {
  func.func @_sc_edge_pass(%arg0: i32, %arg1: i32, %arg2: memref<10240x128xf32, #tpu.memory_space<hbm>>, %arg3: memref<327680xi32, #tpu.memory_space<hbm>>, %arg4: memref<327680xi32, #tpu.memory_space<hbm>>, %arg5: memref<10240xi32, #tpu.memory_space<hbm>>, %arg6: memref<128x128xf32, #tpu.memory_space<hbm>>, %arg7: memref<2x10240x128xf32, #tpu.memory_space<hbm>>, %arg8: memref<128xi32, #tpu.memory_space<vmem>>, %arg9: memref<128xi32, #tpu.memory_space<vmem>>, %arg10: memref<128xi32, #tpu.memory_space<vmem>>, %arg11: memref<128xi32, #tpu.memory_space<vmem>>, %arg12: memref<128xi32, #tpu.memory_space<vmem>>, %arg13: memref<128x128xf32, #tpu.memory_space<vmem>>, %arg14: memref<128x128xf32, #tpu.memory_space<vmem>>, %arg15: memref<!tpu.dma_semaphore, #tpu.memory_space<semaphore_mem>>, %arg16: memref<!tpu.dma_semaphore, #tpu.memory_space<semaphore_mem>>, %arg17: memref<10240x128xf32, #tpu.memory_space<vmem_shared>>) attributes {dimension_semantics = [#tpu.dimension_semantics<core_parallel>, #tpu.dimension_semantics<subcore_parallel>], iteration_bounds = array<i64: 2, 16>, scalar_prefetch = 0 : i64, scratch_operands = 10 : i64, tpu.core_type = #tpu.core_type<sc_vector_subcore>, window_params = [{transform_indices = #map}, {transform_indices = #map1}, {transform_indices = #map1}, {transform_indices = #map1}, {transform_indices = #map}, {transform_indices = #map2}]} {
    "tpu.region"() ({
      %run_scoped3A = tpu.sem_alloc : memref<!tpu.dma_semaphore, #tpu.memory_space<semaphore_mem>>
      tpu.enqueue_dma source(%arg6 : memref<128x128xf32, #tpu.memory_space<hbm>>) target(%arg13 : memref<128x128xf32, #tpu.memory_space<vmem>>) target_semaphore(%run_scoped3A : memref<!tpu.dma_semaphore, #tpu.memory_space<semaphore_mem>>)
      tpu.wait_dma2 semaphore(%run_scoped3A : memref<!tpu.dma_semaphore, #tpu.memory_space<semaphore_mem>>) src(%arg6 : memref<128x128xf32, #tpu.memory_space<hbm>>) dst(%arg13 : memref<128x128xf32, #tpu.memory_space<vmem>>)
      tpu.yield
    }) : () -> ()
    %mul3A = arith.constant 640 : i32
    %mul3A_0 = arith.muli %arg1, %mul3A : i32
    %add3A = arith.constant 0 : i32
    %add3A_1 = arith.addi %mul3A_0, %add3A : i32
    "tpu.region"() ({
      %run_scoped3A = tpu.sem_alloc : memref<!tpu.dma_semaphore, #tpu.memory_space<semaphore_mem>>
      %dma_start3A_44 = tpu.memref_slice %arg5[%add3A_1] : memref<10240xi32, #tpu.memory_space<hbm>> -> memref<128xi32, #tpu.memory_space<hbm>>
      %dma_start3A_45 = tpu.memref_slice %arg5[%add3A_1] : memref<10240xi32, #tpu.memory_space<hbm>> -> memref<128xi32, #tpu.memory_space<hbm>>
      tpu.enqueue_dma source(%dma_start3A_45 : memref<128xi32, #tpu.memory_space<hbm>>) target(%arg12 : memref<128xi32, #tpu.memory_space<vmem>>) target_semaphore(%run_scoped3A : memref<!tpu.dma_semaphore, #tpu.memory_space<semaphore_mem>>)
      %dma_wait3A = tpu.memref_slice %arg5[%add3A_1] : memref<10240xi32, #tpu.memory_space<hbm>> -> memref<128xi32, #tpu.memory_space<hbm>>
      %dma_wait3A_46 = tpu.memref_slice %arg5[%add3A_1] : memref<10240xi32, #tpu.memory_space<hbm>> -> memref<128xi32, #tpu.memory_space<hbm>>
      tpu.wait_dma2 semaphore(%run_scoped3A : memref<!tpu.dma_semaphore, #tpu.memory_space<semaphore_mem>>) src(%dma_wait3A_46 : memref<128xi32, #tpu.memory_space<hbm>>) dst(%arg12 : memref<128xi32, #tpu.memory_space<vmem>>)
      tpu.yield
    }) : () -> ()
    "tpu.region"() ({
      %run_scoped3A = tpu.sem_alloc : memref<!tpu.dma_semaphore, #tpu.memory_space<semaphore_mem>>
      %dma_start3A_44 = arith.constant 0 : i32
      %dma_start3A_45 = arith.constant 0 : i32
      %dma_start3A_46 = tpu.memref_slice %arg17[%dma_start3A_44, %dma_start3A_45] : memref<10240x128xf32, #tpu.memory_space<vmem_shared>> -> memref<10240x128xf32, #tpu.memory_space<vmem_shared>>
      tpu.enqueue_indirect_dma source(%arg13 : memref<128x128xf32, #tpu.memory_space<vmem>>) target(%dma_start3A_46 : memref<10240x128xf32, #tpu.memory_space<vmem_shared>>) offsets(%arg12 : memref<128xi32, #tpu.memory_space<vmem>>) semaphore(%run_scoped3A : memref<!tpu.dma_semaphore, #tpu.memory_space<semaphore_mem>>)
      %dma_wait3A = arith.constant 0 : i32
      %dma_wait3A_47 = arith.constant 0 : i32
      %dma_wait3A_48 = tpu.memref_slice %arg17[%dma_wait3A, %dma_wait3A_47] : memref<10240x128xf32, #tpu.memory_space<vmem_shared>> -> memref<10240x128xf32, #tpu.memory_space<vmem_shared>>
      tpu.wait_indirect_dma semaphore(%run_scoped3A : memref<!tpu.dma_semaphore, #tpu.memory_space<semaphore_mem>>) src(%arg13 : memref<128x128xf32, #tpu.memory_space<vmem>>) dst(%dma_wait3A_48 : memref<10240x128xf32, #tpu.memory_space<vmem_shared>>)
      tpu.yield
    }) : () -> ()
    %add3A_2 = arith.constant 128 : i32
    %add3A_3 = arith.addi %mul3A_0, %add3A_2 : i32
    "tpu.region"() ({
      %run_scoped3A = tpu.sem_alloc : memref<!tpu.dma_semaphore, #tpu.memory_space<semaphore_mem>>
      %dma_start3A_44 = tpu.memref_slice %arg5[%add3A_3] : memref<10240xi32, #tpu.memory_space<hbm>> -> memref<128xi32, #tpu.memory_space<hbm>>
      %dma_start3A_45 = tpu.memref_slice %arg5[%add3A_3] : memref<10240xi32, #tpu.memory_space<hbm>> -> memref<128xi32, #tpu.memory_space<hbm>>
      tpu.enqueue_dma source(%dma_start3A_45 : memref<128xi32, #tpu.memory_space<hbm>>) target(%arg12 : memref<128xi32, #tpu.memory_space<vmem>>) target_semaphore(%run_scoped3A : memref<!tpu.dma_semaphore, #tpu.memory_space<semaphore_mem>>)
      %dma_wait3A = tpu.memref_slice %arg5[%add3A_3] : memref<10240xi32, #tpu.memory_space<hbm>> -> memref<128xi32, #tpu.memory_space<hbm>>
      %dma_wait3A_46 = tpu.memref_slice %arg5[%add3A_3] : memref<10240xi32, #tpu.memory_space<hbm>> -> memref<128xi32, #tpu.memory_space<hbm>>
      tpu.wait_dma2 semaphore(%run_scoped3A : memref<!tpu.dma_semaphore, #tpu.memory_space<semaphore_mem>>) src(%dma_wait3A_46 : memref<128xi32, #tpu.memory_space<hbm>>) dst(%arg12 : memref<128xi32, #tpu.memory_space<vmem>>)
      tpu.yield
    }) : () -> ()
    "tpu.region"() ({
      %run_scoped3A = tpu.sem_alloc : memref<!tpu.dma_semaphore, #tpu.memory_space<semaphore_mem>>
      %dma_start3A_44 = arith.constant 0 : i32
      %dma_start3A_45 = arith.constant 0 : i32
      %dma_start3A_46 = tpu.memref_slice %arg17[%dma_start3A_44, %dma_start3A_45] : memref<10240x128xf32, #tpu.memory_space<vmem_shared>> -> memref<10240x128xf32, #tpu.memory_space<vmem_shared>>
      tpu.enqueue_indirect_dma source(%arg13 : memref<128x128xf32, #tpu.memory_space<vmem>>) target(%dma_start3A_46 : memref<10240x128xf32, #tpu.memory_space<vmem_shared>>) offsets(%arg12 : memref<128xi32, #tpu.memory_space<vmem>>) semaphore(%run_scoped3A : memref<!tpu.dma_semaphore, #tpu.memory_space<semaphore_mem>>)
      %dma_wait3A = arith.constant 0 : i32
      %dma_wait3A_47 = arith.constant 0 : i32
      %dma_wait3A_48 = tpu.memref_slice %arg17[%dma_wait3A, %dma_wait3A_47] : memref<10240x128xf32, #tpu.memory_space<vmem_shared>> -> memref<10240x128xf32, #tpu.memory_space<vmem_shared>>
      tpu.wait_indirect_dma semaphore(%run_scoped3A : memref<!tpu.dma_semaphore, #tpu.memory_space<semaphore_mem>>) src(%arg13 : memref<128x128xf32, #tpu.memory_space<vmem>>) dst(%dma_wait3A_48 : memref<10240x128xf32, #tpu.memory_space<vmem_shared>>)
      tpu.yield
    }) : () -> ()
    %add3A_4 = arith.constant 256 : i32
    %add3A_5 = arith.addi %mul3A_0, %add3A_4 : i32
    "tpu.region"() ({
      %run_scoped3A = tpu.sem_alloc : memref<!tpu.dma_semaphore, #tpu.memory_space<semaphore_mem>>
      %dma_start3A_44 = tpu.memref_slice %arg5[%add3A_5] : memref<10240xi32, #tpu.memory_space<hbm>> -> memref<128xi32, #tpu.memory_space<hbm>>
      %dma_start3A_45 = tpu.memref_slice %arg5[%add3A_5] : memref<10240xi32, #tpu.memory_space<hbm>> -> memref<128xi32, #tpu.memory_space<hbm>>
      tpu.enqueue_dma source(%dma_start3A_45 : memref<128xi32, #tpu.memory_space<hbm>>) target(%arg12 : memref<128xi32, #tpu.memory_space<vmem>>) target_semaphore(%run_scoped3A : memref<!tpu.dma_semaphore, #tpu.memory_space<semaphore_mem>>)
      %dma_wait3A = tpu.memref_slice %arg5[%add3A_5] : memref<10240xi32, #tpu.memory_space<hbm>> -> memref<128xi32, #tpu.memory_space<hbm>>
      %dma_wait3A_46 = tpu.memref_slice %arg5[%add3A_5] : memref<10240xi32, #tpu.memory_space<hbm>> -> memref<128xi32, #tpu.memory_space<hbm>>
      tpu.wait_dma2 semaphore(%run_scoped3A : memref<!tpu.dma_semaphore, #tpu.memory_space<semaphore_mem>>) src(%dma_wait3A_46 : memref<128xi32, #tpu.memory_space<hbm>>) dst(%arg12 : memref<128xi32, #tpu.memory_space<vmem>>)
      tpu.yield
    }) : () -> ()
    "tpu.region"() ({
      %run_scoped3A = tpu.sem_alloc : memref<!tpu.dma_semaphore, #tpu.memory_space<semaphore_mem>>
      %dma_start3A_44 = arith.constant 0 : i32
      %dma_start3A_45 = arith.constant 0 : i32
      %dma_start3A_46 = tpu.memref_slice %arg17[%dma_start3A_44, %dma_start3A_45] : memref<10240x128xf32, #tpu.memory_space<vmem_shared>> -> memref<10240x128xf32, #tpu.memory_space<vmem_shared>>
      tpu.enqueue_indirect_dma source(%arg13 : memref<128x128xf32, #tpu.memory_space<vmem>>) target(%dma_start3A_46 : memref<10240x128xf32, #tpu.memory_space<vmem_shared>>) offsets(%arg12 : memref<128xi32, #tpu.memory_space<vmem>>) semaphore(%run_scoped3A : memref<!tpu.dma_semaphore, #tpu.memory_space<semaphore_mem>>)
      %dma_wait3A = arith.constant 0 : i32
      %dma_wait3A_47 = arith.constant 0 : i32
      %dma_wait3A_48 = tpu.memref_slice %arg17[%dma_wait3A, %dma_wait3A_47] : memref<10240x128xf32, #tpu.memory_space<vmem_shared>> -> memref<10240x128xf32, #tpu.memory_space<vmem_shared>>
      tpu.wait_indirect_dma semaphore(%run_scoped3A : memref<!tpu.dma_semaphore, #tpu.memory_space<semaphore_mem>>) src(%arg13 : memref<128x128xf32, #tpu.memory_space<vmem>>) dst(%dma_wait3A_48 : memref<10240x128xf32, #tpu.memory_space<vmem_shared>>)
      tpu.yield
    }) : () -> ()
    %add3A_6 = arith.constant 384 : i32
    %add3A_7 = arith.addi %mul3A_0, %add3A_6 : i32
    "tpu.region"() ({
      %run_scoped3A = tpu.sem_alloc : memref<!tpu.dma_semaphore, #tpu.memory_space<semaphore_mem>>
      %dma_start3A_44 = tpu.memref_slice %arg5[%add3A_7] : memref<10240xi32, #tpu.memory_space<hbm>> -> memref<128xi32, #tpu.memory_space<hbm>>
      %dma_start3A_45 = tpu.memref_slice %arg5[%add3A_7] : memref<10240xi32, #tpu.memory_space<hbm>> -> memref<128xi32, #tpu.memory_space<hbm>>
      tpu.enqueue_dma source(%dma_start3A_45 : memref<128xi32, #tpu.memory_space<hbm>>) target(%arg12 : memref<128xi32, #tpu.memory_space<vmem>>) target_semaphore(%run_scoped3A : memref<!tpu.dma_semaphore, #tpu.memory_space<semaphore_mem>>)
      %dma_wait3A = tpu.memref_slice %arg5[%add3A_7] : memref<10240xi32, #tpu.memory_space<hbm>> -> memref<128xi32, #tpu.memory_space<hbm>>
      %dma_wait3A_46 = tpu.memref_slice %arg5[%add3A_7] : memref<10240xi32, #tpu.memory_space<hbm>> -> memref<128xi32, #tpu.memory_space<hbm>>
      tpu.wait_dma2 semaphore(%run_scoped3A : memref<!tpu.dma_semaphore, #tpu.memory_space<semaphore_mem>>) src(%dma_wait3A_46 : memref<128xi32, #tpu.memory_space<hbm>>) dst(%arg12 : memref<128xi32, #tpu.memory_space<vmem>>)
      tpu.yield
    }) : () -> ()
    "tpu.region"() ({
      %run_scoped3A = tpu.sem_alloc : memref<!tpu.dma_semaphore, #tpu.memory_space<semaphore_mem>>
      %dma_start3A_44 = arith.constant 0 : i32
      %dma_start3A_45 = arith.constant 0 : i32
      %dma_start3A_46 = tpu.memref_slice %arg17[%dma_start3A_44, %dma_start3A_45] : memref<10240x128xf32, #tpu.memory_space<vmem_shared>> -> memref<10240x128xf32, #tpu.memory_space<vmem_shared>>
      tpu.enqueue_indirect_dma source(%arg13 : memref<128x128xf32, #tpu.memory_space<vmem>>) target(%dma_start3A_46 : memref<10240x128xf32, #tpu.memory_space<vmem_shared>>) offsets(%arg12 : memref<128xi32, #tpu.memory_space<vmem>>) semaphore(%run_scoped3A : memref<!tpu.dma_semaphore, #tpu.memory_space<semaphore_mem>>)
      %dma_wait3A = arith.constant 0 : i32
      %dma_wait3A_47 = arith.constant 0 : i32
      %dma_wait3A_48 = tpu.memref_slice %arg17[%dma_wait3A, %dma_wait3A_47] : memref<10240x128xf32, #tpu.memory_space<vmem_shared>> -> memref<10240x128xf32, #tpu.memory_space<vmem_shared>>
      tpu.wait_indirect_dma semaphore(%run_scoped3A : memref<!tpu.dma_semaphore, #tpu.memory_space<semaphore_mem>>) src(%arg13 : memref<128x128xf32, #tpu.memory_space<vmem>>) dst(%dma_wait3A_48 : memref<10240x128xf32, #tpu.memory_space<vmem_shared>>)
      tpu.yield
    }) : () -> ()
    %add3A_8 = arith.constant 512 : i32
    %add3A_9 = arith.addi %mul3A_0, %add3A_8 : i32
    "tpu.region"() ({
      %run_scoped3A = tpu.sem_alloc : memref<!tpu.dma_semaphore, #tpu.memory_space<semaphore_mem>>
      %dma_start3A_44 = tpu.memref_slice %arg5[%add3A_9] : memref<10240xi32, #tpu.memory_space<hbm>> -> memref<128xi32, #tpu.memory_space<hbm>>
      %dma_start3A_45 = tpu.memref_slice %arg5[%add3A_9] : memref<10240xi32, #tpu.memory_space<hbm>> -> memref<128xi32, #tpu.memory_space<hbm>>
      tpu.enqueue_dma source(%dma_start3A_45 : memref<128xi32, #tpu.memory_space<hbm>>) target(%arg12 : memref<128xi32, #tpu.memory_space<vmem>>) target_semaphore(%run_scoped3A : memref<!tpu.dma_semaphore, #tpu.memory_space<semaphore_mem>>)
      %dma_wait3A = tpu.memref_slice %arg5[%add3A_9] : memref<10240xi32, #tpu.memory_space<hbm>> -> memref<128xi32, #tpu.memory_space<hbm>>
      %dma_wait3A_46 = tpu.memref_slice %arg5[%add3A_9] : memref<10240xi32, #tpu.memory_space<hbm>> -> memref<128xi32, #tpu.memory_space<hbm>>
      tpu.wait_dma2 semaphore(%run_scoped3A : memref<!tpu.dma_semaphore, #tpu.memory_space<semaphore_mem>>) src(%dma_wait3A_46 : memref<128xi32, #tpu.memory_space<hbm>>) dst(%arg12 : memref<128xi32, #tpu.memory_space<vmem>>)
      tpu.yield
    }) : () -> ()
    "tpu.region"() ({
      %run_scoped3A = tpu.sem_alloc : memref<!tpu.dma_semaphore, #tpu.memory_space<semaphore_mem>>
      %dma_start3A_44 = arith.constant 0 : i32
      %dma_start3A_45 = arith.constant 0 : i32
      %dma_start3A_46 = tpu.memref_slice %arg17[%dma_start3A_44, %dma_start3A_45] : memref<10240x128xf32, #tpu.memory_space<vmem_shared>> -> memref<10240x128xf32, #tpu.memory_space<vmem_shared>>
      tpu.enqueue_indirect_dma source(%arg13 : memref<128x128xf32, #tpu.memory_space<vmem>>) target(%dma_start3A_46 : memref<10240x128xf32, #tpu.memory_space<vmem_shared>>) offsets(%arg12 : memref<128xi32, #tpu.memory_space<vmem>>) semaphore(%run_scoped3A : memref<!tpu.dma_semaphore, #tpu.memory_space<semaphore_mem>>)
      %dma_wait3A = arith.constant 0 : i32
      %dma_wait3A_47 = arith.constant 0 : i32
      %dma_wait3A_48 = tpu.memref_slice %arg17[%dma_wait3A, %dma_wait3A_47] : memref<10240x128xf32, #tpu.memory_space<vmem_shared>> -> memref<10240x128xf32, #tpu.memory_space<vmem_shared>>
      tpu.wait_indirect_dma semaphore(%run_scoped3A : memref<!tpu.dma_semaphore, #tpu.memory_space<semaphore_mem>>) src(%arg13 : memref<128x128xf32, #tpu.memory_space<vmem>>) dst(%dma_wait3A_48 : memref<10240x128xf32, #tpu.memory_space<vmem_shared>>)
      tpu.yield
    }) : () -> ()
    %barrier3A = arith.constant 0 : index
    tpu.barrier barrier_id(%barrier3A)
    %mul3A_10 = arith.constant 16 : i32
    %mul3A_11 = arith.muli %arg0, %mul3A_10 : i32
    %add3A_12 = arith.addi %mul3A_11, %arg1 : i32
    %mul3A_13 = arith.constant 10240 : i32
    %mul3A_14 = arith.muli %add3A_12, %mul3A_13 : i32
    "tpu.region"() ({
      %run_scoped3A = tpu.sem_alloc : memref<!tpu.dma_semaphore, #tpu.memory_space<semaphore_mem>>
      %dma_start3A_44 = tpu.memref_slice %arg3[%mul3A_14] : memref<327680xi32, #tpu.memory_space<hbm>> -> memref<128xi32, #tpu.memory_space<hbm>>
      %dma_start3A_45 = tpu.memref_slice %arg3[%mul3A_14] : memref<327680xi32, #tpu.memory_space<hbm>> -> memref<128xi32, #tpu.memory_space<hbm>>
      tpu.enqueue_dma source(%dma_start3A_45 : memref<128xi32, #tpu.memory_space<hbm>>) target(%arg8 : memref<128xi32, #tpu.memory_space<vmem>>) target_semaphore(%run_scoped3A : memref<!tpu.dma_semaphore, #tpu.memory_space<semaphore_mem>>)
      %dma_wait3A = tpu.memref_slice %arg3[%mul3A_14] : memref<327680xi32, #tpu.memory_space<hbm>> -> memref<128xi32, #tpu.memory_space<hbm>>
      %dma_wait3A_46 = tpu.memref_slice %arg3[%mul3A_14] : memref<327680xi32, #tpu.memory_space<hbm>> -> memref<128xi32, #tpu.memory_space<hbm>>
      tpu.wait_dma2 semaphore(%run_scoped3A : memref<!tpu.dma_semaphore, #tpu.memory_space<semaphore_mem>>) src(%dma_wait3A_46 : memref<128xi32, #tpu.memory_space<hbm>>) dst(%arg8 : memref<128xi32, #tpu.memory_space<vmem>>)
      tpu.yield
    }) : () -> ()
    "tpu.region"() ({
      %run_scoped3A = tpu.sem_alloc : memref<!tpu.dma_semaphore, #tpu.memory_space<semaphore_mem>>
      %dma_start3A_44 = tpu.memref_slice %arg4[%mul3A_14] : memref<327680xi32, #tpu.memory_space<hbm>> -> memref<128xi32, #tpu.memory_space<hbm>>
      %dma_start3A_45 = tpu.memref_slice %arg4[%mul3A_14] : memref<327680xi32, #tpu.memory_space<hbm>> -> memref<128xi32, #tpu.memory_space<hbm>>
      tpu.enqueue_dma source(%dma_start3A_45 : memref<128xi32, #tpu.memory_space<hbm>>) target(%arg10 : memref<128xi32, #tpu.memory_space<vmem>>) target_semaphore(%run_scoped3A : memref<!tpu.dma_semaphore, #tpu.memory_space<semaphore_mem>>)
      %dma_wait3A = tpu.memref_slice %arg4[%mul3A_14] : memref<327680xi32, #tpu.memory_space<hbm>> -> memref<128xi32, #tpu.memory_space<hbm>>
      %dma_wait3A_46 = tpu.memref_slice %arg4[%mul3A_14] : memref<327680xi32, #tpu.memory_space<hbm>> -> memref<128xi32, #tpu.memory_space<hbm>>
      tpu.wait_dma2 semaphore(%run_scoped3A : memref<!tpu.dma_semaphore, #tpu.memory_space<semaphore_mem>>) src(%dma_wait3A_46 : memref<128xi32, #tpu.memory_space<hbm>>) dst(%arg10 : memref<128xi32, #tpu.memory_space<vmem>>)
      tpu.yield
    }) : () -> ()
    %dma_start3A = arith.constant 0 : i32
    %dma_start3A_15 = arith.constant 0 : i32
    %dma_start3A_16 = tpu.memref_slice %arg2[%dma_start3A, %dma_start3A_15] : memref<10240x128xf32, #tpu.memory_space<hbm>> -> memref<10240x128xf32, #tpu.memory_space<hbm>>
    tpu.enqueue_indirect_dma source(%dma_start3A_16 : memref<10240x128xf32, #tpu.memory_space<hbm>>) target(%arg13 : memref<128x128xf32, #tpu.memory_space<vmem>>) offsets(%arg8 : memref<128xi32, #tpu.memory_space<vmem>>) semaphore(%arg15 : memref<!tpu.dma_semaphore, #tpu.memory_space<semaphore_mem>>)
    %scan3A = arith.constant 0 : i32
    %scan3A_17 = arith.constant 0 : i32
    %scan3A_18 = arith.constant 40 : i32
    %scan3A_19 = arith.addi %scan3A_17, %scan3A_18 : i32
    %scan3A_20 = arith.constant 1 : i32
    %scan3A_21 = scf.for %scan3A_44 = %scan3A_17 to %scan3A_19 step %scan3A_20 iter_args(%scan3A_45 = %scan3A) -> (i32)  : i32 {
      %mul3A_46 = arith.constant 2 : i32
      %mul3A_47 = arith.muli %mul3A_46, %scan3A_44 : i32
      %add3A_48 = arith.constant 1 : i32
      %add3A_49 = arith.addi %mul3A_47, %add3A_48 : i32
      %mul3A_50 = arith.constant 128 : i32
      %mul3A_51 = arith.muli %add3A_49, %mul3A_50 : i32
      %add3A_52 = arith.addi %mul3A_14, %mul3A_51 : i32
      "tpu.region"() ({
        %run_scoped3A = tpu.sem_alloc : memref<!tpu.dma_semaphore, #tpu.memory_space<semaphore_mem>>
        %dma_start3A_64 = tpu.memref_slice %arg3[%add3A_52] : memref<327680xi32, #tpu.memory_space<hbm>> -> memref<128xi32, #tpu.memory_space<hbm>>
        %dma_start3A_65 = tpu.memref_slice %arg3[%add3A_52] : memref<327680xi32, #tpu.memory_space<hbm>> -> memref<128xi32, #tpu.memory_space<hbm>>
        tpu.enqueue_dma source(%dma_start3A_65 : memref<128xi32, #tpu.memory_space<hbm>>) target(%arg9 : memref<128xi32, #tpu.memory_space<vmem>>) target_semaphore(%run_scoped3A : memref<!tpu.dma_semaphore, #tpu.memory_space<semaphore_mem>>)
        %dma_wait3A_66 = tpu.memref_slice %arg3[%add3A_52] : memref<327680xi32, #tpu.memory_space<hbm>> -> memref<128xi32, #tpu.memory_space<hbm>>
        %dma_wait3A_67 = tpu.memref_slice %arg3[%add3A_52] : memref<327680xi32, #tpu.memory_space<hbm>> -> memref<128xi32, #tpu.memory_space<hbm>>
        tpu.wait_dma2 semaphore(%run_scoped3A : memref<!tpu.dma_semaphore, #tpu.memory_space<semaphore_mem>>) src(%dma_wait3A_67 : memref<128xi32, #tpu.memory_space<hbm>>) dst(%arg9 : memref<128xi32, #tpu.memory_space<vmem>>)
        tpu.yield
      }) : () -> ()
      "tpu.region"() ({
        %run_scoped3A = tpu.sem_alloc : memref<!tpu.dma_semaphore, #tpu.memory_space<semaphore_mem>>
        %dma_start3A_64 = tpu.memref_slice %arg4[%add3A_52] : memref<327680xi32, #tpu.memory_space<hbm>> -> memref<128xi32, #tpu.memory_space<hbm>>
        %dma_start3A_65 = tpu.memref_slice %arg4[%add3A_52] : memref<327680xi32, #tpu.memory_space<hbm>> -> memref<128xi32, #tpu.memory_space<hbm>>
        tpu.enqueue_dma source(%dma_start3A_65 : memref<128xi32, #tpu.memory_space<hbm>>) target(%arg11 : memref<128xi32, #tpu.memory_space<vmem>>) target_semaphore(%run_scoped3A : memref<!tpu.dma_semaphore, #tpu.memory_space<semaphore_mem>>)
        %dma_wait3A_66 = tpu.memref_slice %arg4[%add3A_52] : memref<327680xi32, #tpu.memory_space<hbm>> -> memref<128xi32, #tpu.memory_space<hbm>>
        %dma_wait3A_67 = tpu.memref_slice %arg4[%add3A_52] : memref<327680xi32, #tpu.memory_space<hbm>> -> memref<128xi32, #tpu.memory_space<hbm>>
        tpu.wait_dma2 semaphore(%run_scoped3A : memref<!tpu.dma_semaphore, #tpu.memory_space<semaphore_mem>>) src(%dma_wait3A_67 : memref<128xi32, #tpu.memory_space<hbm>>) dst(%arg11 : memref<128xi32, #tpu.memory_space<vmem>>)
        tpu.yield
      }) : () -> ()
      %dma_start3A_53 = arith.constant 0 : i32
      %dma_start3A_54 = arith.constant 0 : i32
      %dma_start3A_55 = tpu.memref_slice %arg2[%dma_start3A_53, %dma_start3A_54] : memref<10240x128xf32, #tpu.memory_space<hbm>> -> memref<10240x128xf32, #tpu.memory_space<hbm>>
      tpu.enqueue_indirect_dma source(%dma_start3A_55 : memref<10240x128xf32, #tpu.memory_space<hbm>>) target(%arg14 : memref<128x128xf32, #tpu.memory_space<vmem>>) offsets(%arg9 : memref<128xi32, #tpu.memory_space<vmem>>) semaphore(%arg16 : memref<!tpu.dma_semaphore, #tpu.memory_space<semaphore_mem>>)
      %dma_wait3A = arith.constant 0 : i32
      %dma_wait3A_56 = arith.constant 0 : i32
      %dma_wait3A_57 = tpu.memref_slice %arg2[%dma_wait3A, %dma_wait3A_56] : memref<10240x128xf32, #tpu.memory_space<hbm>> -> memref<10240x128xf32, #tpu.memory_space<hbm>>
      tpu.wait_indirect_dma semaphore(%arg15 : memref<!tpu.dma_semaphore, #tpu.memory_space<semaphore_mem>>) src(%dma_wait3A_57 : memref<10240x128xf32, #tpu.memory_space<hbm>>) dst(%arg13 : memref<128x128xf32, #tpu.memory_space<vmem>>)
      "tpu.region"() ({
        %run_scoped3A = tpu.sem_alloc : memref<!tpu.dma_semaphore, #tpu.memory_space<semaphore_mem>>
        %dma_start3A_64 = arith.constant 0 : i32
        %dma_start3A_65 = arith.constant 0 : i32
        %dma_start3A_66 = tpu.memref_slice %arg17[%dma_start3A_64, %dma_start3A_65] : memref<10240x128xf32, #tpu.memory_space<vmem_shared>> -> memref<10240x128xf32, #tpu.memory_space<vmem_shared>>
        tpu.enqueue_indirect_dma source(%arg13 : memref<128x128xf32, #tpu.memory_space<vmem>>) target(%dma_start3A_66 : memref<10240x128xf32, #tpu.memory_space<vmem_shared>>) offsets(%arg10 : memref<128xi32, #tpu.memory_space<vmem>>) semaphore(%run_scoped3A : memref<!tpu.dma_semaphore, #tpu.memory_space<semaphore_mem>>) {add = true}
        %dma_wait3A_67 = arith.constant 0 : i32
        %dma_wait3A_68 = arith.constant 0 : i32
        %dma_wait3A_69 = tpu.memref_slice %arg17[%dma_wait3A_67, %dma_wait3A_68] : memref<10240x128xf32, #tpu.memory_space<vmem_shared>> -> memref<10240x128xf32, #tpu.memory_space<vmem_shared>>
        tpu.wait_indirect_dma semaphore(%run_scoped3A : memref<!tpu.dma_semaphore, #tpu.memory_space<semaphore_mem>>) src(%arg13 : memref<128x128xf32, #tpu.memory_space<vmem>>) dst(%dma_wait3A_69 : memref<10240x128xf32, #tpu.memory_space<vmem_shared>>)
        tpu.yield
      }) : () -> ()
      %lt3A = arith.constant 39 : i32
      %lt3A_58 = arith.cmpi slt, %scan3A_44, %lt3A : i32
      %convert_element_type3A = arith.extui %lt3A_58 : i1 to i32
      %cond3A = arith.constant 0 : i32
      %cond3A_59 = arith.cmpi ne, %convert_element_type3A, %cond3A : i32
      scf.if %cond3A_59 {
        %mul3A_64 = arith.constant 2 : i32
        %mul3A_65 = arith.muli %mul3A_64, %scan3A_44 : i32
        %add3A_66 = arith.constant 2 : i32
        %add3A_67 = arith.addi %mul3A_65, %add3A_66 : i32
        %mul3A_68 = arith.constant 128 : i32
        %mul3A_69 = arith.muli %add3A_67, %mul3A_68 : i32
        %add3A_70 = arith.addi %mul3A_14, %mul3A_69 : i32
        "tpu.region"() ({
          %run_scoped3A = tpu.sem_alloc : memref<!tpu.dma_semaphore, #tpu.memory_space<semaphore_mem>>
          %dma_start3A_74 = tpu.memref_slice %arg3[%add3A_70] : memref<327680xi32, #tpu.memory_space<hbm>> -> memref<128xi32, #tpu.memory_space<hbm>>
          %dma_start3A_75 = tpu.memref_slice %arg3[%add3A_70] : memref<327680xi32, #tpu.memory_space<hbm>> -> memref<128xi32, #tpu.memory_space<hbm>>
          tpu.enqueue_dma source(%dma_start3A_75 : memref<128xi32, #tpu.memory_space<hbm>>) target(%arg8 : memref<128xi32, #tpu.memory_space<vmem>>) target_semaphore(%run_scoped3A : memref<!tpu.dma_semaphore, #tpu.memory_space<semaphore_mem>>)
          %dma_wait3A_76 = tpu.memref_slice %arg3[%add3A_70] : memref<327680xi32, #tpu.memory_space<hbm>> -> memref<128xi32, #tpu.memory_space<hbm>>
          %dma_wait3A_77 = tpu.memref_slice %arg3[%add3A_70] : memref<327680xi32, #tpu.memory_space<hbm>> -> memref<128xi32, #tpu.memory_space<hbm>>
          tpu.wait_dma2 semaphore(%run_scoped3A : memref<!tpu.dma_semaphore, #tpu.memory_space<semaphore_mem>>) src(%dma_wait3A_77 : memref<128xi32, #tpu.memory_space<hbm>>) dst(%arg8 : memref<128xi32, #tpu.memory_space<vmem>>)
          tpu.yield
        }) : () -> ()
        "tpu.region"() ({
          %run_scoped3A = tpu.sem_alloc : memref<!tpu.dma_semaphore, #tpu.memory_space<semaphore_mem>>
          %dma_start3A_74 = tpu.memref_slice %arg4[%add3A_70] : memref<327680xi32, #tpu.memory_space<hbm>> -> memref<128xi32, #tpu.memory_space<hbm>>
          %dma_start3A_75 = tpu.memref_slice %arg4[%add3A_70] : memref<327680xi32, #tpu.memory_space<hbm>> -> memref<128xi32, #tpu.memory_space<hbm>>
          tpu.enqueue_dma source(%dma_start3A_75 : memref<128xi32, #tpu.memory_space<hbm>>) target(%arg10 : memref<128xi32, #tpu.memory_space<vmem>>) target_semaphore(%run_scoped3A : memref<!tpu.dma_semaphore, #tpu.memory_space<semaphore_mem>>)
          %dma_wait3A_76 = tpu.memref_slice %arg4[%add3A_70] : memref<327680xi32, #tpu.memory_space<hbm>> -> memref<128xi32, #tpu.memory_space<hbm>>
          %dma_wait3A_77 = tpu.memref_slice %arg4[%add3A_70] : memref<327680xi32, #tpu.memory_space<hbm>> -> memref<128xi32, #tpu.memory_space<hbm>>
          tpu.wait_dma2 semaphore(%run_scoped3A : memref<!tpu.dma_semaphore, #tpu.memory_space<semaphore_mem>>) src(%dma_wait3A_77 : memref<128xi32, #tpu.memory_space<hbm>>) dst(%arg10 : memref<128xi32, #tpu.memory_space<vmem>>)
          tpu.yield
        }) : () -> ()
        %dma_start3A_71 = arith.constant 0 : i32
        %dma_start3A_72 = arith.constant 0 : i32
        %dma_start3A_73 = tpu.memref_slice %arg2[%dma_start3A_71, %dma_start3A_72] : memref<10240x128xf32, #tpu.memory_space<hbm>> -> memref<10240x128xf32, #tpu.memory_space<hbm>>
        tpu.enqueue_indirect_dma source(%dma_start3A_73 : memref<10240x128xf32, #tpu.memory_space<hbm>>) target(%arg13 : memref<128x128xf32, #tpu.memory_space<vmem>>) offsets(%arg8 : memref<128xi32, #tpu.memory_space<vmem>>) semaphore(%arg15 : memref<!tpu.dma_semaphore, #tpu.memory_space<semaphore_mem>>)
      } else {
      }
      %dma_wait3A_60 = arith.constant 0 : i32
      %dma_wait3A_61 = arith.constant 0 : i32
      %dma_wait3A_62 = tpu.memref_slice %arg2[%dma_wait3A_60, %dma_wait3A_61] : memref<10240x128xf32, #tpu.memory_space<hbm>> -> memref<10240x128xf32, #tpu.memory_space<hbm>>
      tpu.wait_indirect_dma semaphore(%arg16 : memref<!tpu.dma_semaphore, #tpu.memory_space<semaphore_mem>>) src(%dma_wait3A_62 : memref<10240x128xf32, #tpu.memory_space<hbm>>) dst(%arg14 : memref<128x128xf32, #tpu.memory_space<vmem>>)
      "tpu.region"() ({
        %run_scoped3A = tpu.sem_alloc : memref<!tpu.dma_semaphore, #tpu.memory_space<semaphore_mem>>
        %dma_start3A_64 = arith.constant 0 : i32
        %dma_start3A_65 = arith.constant 0 : i32
        %dma_start3A_66 = tpu.memref_slice %arg17[%dma_start3A_64, %dma_start3A_65] : memref<10240x128xf32, #tpu.memory_space<vmem_shared>> -> memref<10240x128xf32, #tpu.memory_space<vmem_shared>>
        tpu.enqueue_indirect_dma source(%arg14 : memref<128x128xf32, #tpu.memory_space<vmem>>) target(%dma_start3A_66 : memref<10240x128xf32, #tpu.memory_space<vmem_shared>>) offsets(%arg11 : memref<128xi32, #tpu.memory_space<vmem>>) semaphore(%run_scoped3A : memref<!tpu.dma_semaphore, #tpu.memory_space<semaphore_mem>>) {add = true}
        %dma_wait3A_67 = arith.constant 0 : i32
        %dma_wait3A_68 = arith.constant 0 : i32
        %dma_wait3A_69 = tpu.memref_slice %arg17[%dma_wait3A_67, %dma_wait3A_68] : memref<10240x128xf32, #tpu.memory_space<vmem_shared>> -> memref<10240x128xf32, #tpu.memory_space<vmem_shared>>
        tpu.wait_indirect_dma semaphore(%run_scoped3A : memref<!tpu.dma_semaphore, #tpu.memory_space<semaphore_mem>>) src(%arg14 : memref<128x128xf32, #tpu.memory_space<vmem>>) dst(%dma_wait3A_69 : memref<10240x128xf32, #tpu.memory_space<vmem_shared>>)
        tpu.yield
      }) : () -> ()
      %scan3A_63 = arith.constant 0 : i32
      scf.yield %scan3A_63 : i32
    }
    %scan3A_22 = arith.constant 40 : i32
    %barrier3A_23 = arith.constant 0 : index
    tpu.barrier barrier_id(%barrier3A_23)
    %add3A_24 = arith.constant 0 : i32
    %add3A_25 = arith.addi %mul3A_0, %add3A_24 : i32
    "tpu.region"() ({
      %run_scoped3A = tpu.sem_alloc : memref<!tpu.dma_semaphore, #tpu.memory_space<semaphore_mem>>
      %dma_start3A_44 = tpu.memref_slice %arg5[%add3A_25] : memref<10240xi32, #tpu.memory_space<hbm>> -> memref<128xi32, #tpu.memory_space<hbm>>
      %dma_start3A_45 = tpu.memref_slice %arg5[%add3A_25] : memref<10240xi32, #tpu.memory_space<hbm>> -> memref<128xi32, #tpu.memory_space<hbm>>
      tpu.enqueue_dma source(%dma_start3A_45 : memref<128xi32, #tpu.memory_space<hbm>>) target(%arg12 : memref<128xi32, #tpu.memory_space<vmem>>) target_semaphore(%run_scoped3A : memref<!tpu.dma_semaphore, #tpu.memory_space<semaphore_mem>>)
      %dma_wait3A = tpu.memref_slice %arg5[%add3A_25] : memref<10240xi32, #tpu.memory_space<hbm>> -> memref<128xi32, #tpu.memory_space<hbm>>
      %dma_wait3A_46 = tpu.memref_slice %arg5[%add3A_25] : memref<10240xi32, #tpu.memory_space<hbm>> -> memref<128xi32, #tpu.memory_space<hbm>>
      tpu.wait_dma2 semaphore(%run_scoped3A : memref<!tpu.dma_semaphore, #tpu.memory_space<semaphore_mem>>) src(%dma_wait3A_46 : memref<128xi32, #tpu.memory_space<hbm>>) dst(%arg12 : memref<128xi32, #tpu.memory_space<vmem>>)
      tpu.yield
    }) : () -> ()
    "tpu.region"() ({
      %run_scoped3A = tpu.sem_alloc : memref<!tpu.dma_semaphore, #tpu.memory_space<semaphore_mem>>
      %dma_start3A_44 = arith.constant 0 : i32
      %dma_start3A_45 = arith.constant 0 : i32
      %dma_start3A_46 = tpu.memref_slice %arg17[%dma_start3A_44, %dma_start3A_45] : memref<10240x128xf32, #tpu.memory_space<vmem_shared>> -> memref<10240x128xf32, #tpu.memory_space<vmem_shared>>
      tpu.enqueue_indirect_dma source(%dma_start3A_46 : memref<10240x128xf32, #tpu.memory_space<vmem_shared>>) target(%arg13 : memref<128x128xf32, #tpu.memory_space<vmem>>) offsets(%arg12 : memref<128xi32, #tpu.memory_space<vmem>>) semaphore(%run_scoped3A : memref<!tpu.dma_semaphore, #tpu.memory_space<semaphore_mem>>)
      %dma_wait3A = arith.constant 0 : i32
      %dma_wait3A_47 = arith.constant 0 : i32
      %dma_wait3A_48 = tpu.memref_slice %arg17[%dma_wait3A, %dma_wait3A_47] : memref<10240x128xf32, #tpu.memory_space<vmem_shared>> -> memref<10240x128xf32, #tpu.memory_space<vmem_shared>>
      tpu.wait_indirect_dma semaphore(%run_scoped3A : memref<!tpu.dma_semaphore, #tpu.memory_space<semaphore_mem>>) src(%dma_wait3A_48 : memref<10240x128xf32, #tpu.memory_space<vmem_shared>>) dst(%arg13 : memref<128x128xf32, #tpu.memory_space<vmem>>)
      tpu.yield
    }) : () -> ()
    %add3A_26 = arith.constant 0 : i32
    %add3A_27 = arith.addi %mul3A_0, %add3A_26 : i32
    "tpu.region"() ({
      %run_scoped3A = tpu.sem_alloc : memref<!tpu.dma_semaphore, #tpu.memory_space<semaphore_mem>>
      %dma_start3A_44 = arith.constant 0 : i32
      %dma_start3A_45 = tpu.memref_slice %arg7[%arg0, %add3A_27, %dma_start3A_44] : memref<2x10240x128xf32, #tpu.memory_space<hbm>> -> memref<1x128x128xf32, #tpu.memory_space<hbm>>
      %dma_start3A_46 = tpu.memref_squeeze %dma_start3A_45 : memref<1x128x128xf32, #tpu.memory_space<hbm>> -> memref<128x128xf32, #tpu.memory_space<hbm>>
      %dma_start3A_47 = arith.constant 0 : i32
      %dma_start3A_48 = tpu.memref_slice %arg7[%arg0, %add3A_27, %dma_start3A_47] : memref<2x10240x128xf32, #tpu.memory_space<hbm>> -> memref<1x128x128xf32, #tpu.memory_space<hbm>>
      %dma_start3A_49 = tpu.memref_squeeze %dma_start3A_48 : memref<1x128x128xf32, #tpu.memory_space<hbm>> -> memref<128x128xf32, #tpu.memory_space<hbm>>
      tpu.enqueue_dma source(%arg13 : memref<128x128xf32, #tpu.memory_space<vmem>>) target(%dma_start3A_49 : memref<128x128xf32, #tpu.memory_space<hbm>>) target_semaphore(%run_scoped3A : memref<!tpu.dma_semaphore, #tpu.memory_space<semaphore_mem>>)
      %dma_wait3A = arith.constant 0 : i32
      %dma_wait3A_50 = tpu.memref_slice %arg7[%arg0, %add3A_27, %dma_wait3A] : memref<2x10240x128xf32, #tpu.memory_space<hbm>> -> memref<1x128x128xf32, #tpu.memory_space<hbm>>
      %dma_wait3A_51 = tpu.memref_squeeze %dma_wait3A_50 : memref<1x128x128xf32, #tpu.memory_space<hbm>> -> memref<128x128xf32, #tpu.memory_space<hbm>>
      %dma_wait3A_52 = arith.constant 0 : i32
      %dma_wait3A_53 = tpu.memref_slice %arg7[%arg0, %add3A_27, %dma_wait3A_52] : memref<2x10240x128xf32, #tpu.memory_space<hbm>> -> memref<1x128x128xf32, #tpu.memory_space<hbm>>
      %dma_wait3A_54 = tpu.memref_squeeze %dma_wait3A_53 : memref<1x128x128xf32, #tpu.memory_space<hbm>> -> memref<128x128xf32, #tpu.memory_space<hbm>>
      tpu.wait_dma2 semaphore(%run_scoped3A : memref<!tpu.dma_semaphore, #tpu.memory_space<semaphore_mem>>) src(%arg13 : memref<128x128xf32, #tpu.memory_space<vmem>>) dst(%dma_wait3A_54 : memref<128x128xf32, #tpu.memory_space<hbm>>)
      tpu.yield
    }) : () -> ()
    %add3A_28 = arith.constant 128 : i32
    %add3A_29 = arith.addi %mul3A_0, %add3A_28 : i32
    "tpu.region"() ({
      %run_scoped3A = tpu.sem_alloc : memref<!tpu.dma_semaphore, #tpu.memory_space<semaphore_mem>>
      %dma_start3A_44 = tpu.memref_slice %arg5[%add3A_29] : memref<10240xi32, #tpu.memory_space<hbm>> -> memref<128xi32, #tpu.memory_space<hbm>>
      %dma_start3A_45 = tpu.memref_slice %arg5[%add3A_29] : memref<10240xi32, #tpu.memory_space<hbm>> -> memref<128xi32, #tpu.memory_space<hbm>>
      tpu.enqueue_dma source(%dma_start3A_45 : memref<128xi32, #tpu.memory_space<hbm>>) target(%arg12 : memref<128xi32, #tpu.memory_space<vmem>>) target_semaphore(%run_scoped3A : memref<!tpu.dma_semaphore, #tpu.memory_space<semaphore_mem>>)
      %dma_wait3A = tpu.memref_slice %arg5[%add3A_29] : memref<10240xi32, #tpu.memory_space<hbm>> -> memref<128xi32, #tpu.memory_space<hbm>>
      %dma_wait3A_46 = tpu.memref_slice %arg5[%add3A_29] : memref<10240xi32, #tpu.memory_space<hbm>> -> memref<128xi32, #tpu.memory_space<hbm>>
      tpu.wait_dma2 semaphore(%run_scoped3A : memref<!tpu.dma_semaphore, #tpu.memory_space<semaphore_mem>>) src(%dma_wait3A_46 : memref<128xi32, #tpu.memory_space<hbm>>) dst(%arg12 : memref<128xi32, #tpu.memory_space<vmem>>)
      tpu.yield
    }) : () -> ()
    "tpu.region"() ({
      %run_scoped3A = tpu.sem_alloc : memref<!tpu.dma_semaphore, #tpu.memory_space<semaphore_mem>>
      %dma_start3A_44 = arith.constant 0 : i32
      %dma_start3A_45 = arith.constant 0 : i32
      %dma_start3A_46 = tpu.memref_slice %arg17[%dma_start3A_44, %dma_start3A_45] : memref<10240x128xf32, #tpu.memory_space<vmem_shared>> -> memref<10240x128xf32, #tpu.memory_space<vmem_shared>>
      tpu.enqueue_indirect_dma source(%dma_start3A_46 : memref<10240x128xf32, #tpu.memory_space<vmem_shared>>) target(%arg13 : memref<128x128xf32, #tpu.memory_space<vmem>>) offsets(%arg12 : memref<128xi32, #tpu.memory_space<vmem>>) semaphore(%run_scoped3A : memref<!tpu.dma_semaphore, #tpu.memory_space<semaphore_mem>>)
      %dma_wait3A = arith.constant 0 : i32
      %dma_wait3A_47 = arith.constant 0 : i32
      %dma_wait3A_48 = tpu.memref_slice %arg17[%dma_wait3A, %dma_wait3A_47] : memref<10240x128xf32, #tpu.memory_space<vmem_shared>> -> memref<10240x128xf32, #tpu.memory_space<vmem_shared>>
      tpu.wait_indirect_dma semaphore(%run_scoped3A : memref<!tpu.dma_semaphore, #tpu.memory_space<semaphore_mem>>) src(%dma_wait3A_48 : memref<10240x128xf32, #tpu.memory_space<vmem_shared>>) dst(%arg13 : memref<128x128xf32, #tpu.memory_space<vmem>>)
      tpu.yield
    }) : () -> ()
    %add3A_30 = arith.constant 128 : i32
    %add3A_31 = arith.addi %mul3A_0, %add3A_30 : i32
    "tpu.region"() ({
      %run_scoped3A = tpu.sem_alloc : memref<!tpu.dma_semaphore, #tpu.memory_space<semaphore_mem>>
      %dma_start3A_44 = arith.constant 0 : i32
      %dma_start3A_45 = tpu.memref_slice %arg7[%arg0, %add3A_31, %dma_start3A_44] : memref<2x10240x128xf32, #tpu.memory_space<hbm>> -> memref<1x128x128xf32, #tpu.memory_space<hbm>>
      %dma_start3A_46 = tpu.memref_squeeze %dma_start3A_45 : memref<1x128x128xf32, #tpu.memory_space<hbm>> -> memref<128x128xf32, #tpu.memory_space<hbm>>
      %dma_start3A_47 = arith.constant 0 : i32
      %dma_start3A_48 = tpu.memref_slice %arg7[%arg0, %add3A_31, %dma_start3A_47] : memref<2x10240x128xf32, #tpu.memory_space<hbm>> -> memref<1x128x128xf32, #tpu.memory_space<hbm>>
      %dma_start3A_49 = tpu.memref_squeeze %dma_start3A_48 : memref<1x128x128xf32, #tpu.memory_space<hbm>> -> memref<128x128xf32, #tpu.memory_space<hbm>>
      tpu.enqueue_dma source(%arg13 : memref<128x128xf32, #tpu.memory_space<vmem>>) target(%dma_start3A_49 : memref<128x128xf32, #tpu.memory_space<hbm>>) target_semaphore(%run_scoped3A : memref<!tpu.dma_semaphore, #tpu.memory_space<semaphore_mem>>)
      %dma_wait3A = arith.constant 0 : i32
      %dma_wait3A_50 = tpu.memref_slice %arg7[%arg0, %add3A_31, %dma_wait3A] : memref<2x10240x128xf32, #tpu.memory_space<hbm>> -> memref<1x128x128xf32, #tpu.memory_space<hbm>>
      %dma_wait3A_51 = tpu.memref_squeeze %dma_wait3A_50 : memref<1x128x128xf32, #tpu.memory_space<hbm>> -> memref<128x128xf32, #tpu.memory_space<hbm>>
      %dma_wait3A_52 = arith.constant 0 : i32
      %dma_wait3A_53 = tpu.memref_slice %arg7[%arg0, %add3A_31, %dma_wait3A_52] : memref<2x10240x128xf32, #tpu.memory_space<hbm>> -> memref<1x128x128xf32, #tpu.memory_space<hbm>>
      %dma_wait3A_54 = tpu.memref_squeeze %dma_wait3A_53 : memref<1x128x128xf32, #tpu.memory_space<hbm>> -> memref<128x128xf32, #tpu.memory_space<hbm>>
      tpu.wait_dma2 semaphore(%run_scoped3A : memref<!tpu.dma_semaphore, #tpu.memory_space<semaphore_mem>>) src(%arg13 : memref<128x128xf32, #tpu.memory_space<vmem>>) dst(%dma_wait3A_54 : memref<128x128xf32, #tpu.memory_space<hbm>>)
      tpu.yield
    }) : () -> ()
    %add3A_32 = arith.constant 256 : i32
    %add3A_33 = arith.addi %mul3A_0, %add3A_32 : i32
    "tpu.region"() ({
      %run_scoped3A = tpu.sem_alloc : memref<!tpu.dma_semaphore, #tpu.memory_space<semaphore_mem>>
      %dma_start3A_44 = tpu.memref_slice %arg5[%add3A_33] : memref<10240xi32, #tpu.memory_space<hbm>> -> memref<128xi32, #tpu.memory_space<hbm>>
      %dma_start3A_45 = tpu.memref_slice %arg5[%add3A_33] : memref<10240xi32, #tpu.memory_space<hbm>> -> memref<128xi32, #tpu.memory_space<hbm>>
      tpu.enqueue_dma source(%dma_start3A_45 : memref<128xi32, #tpu.memory_space<hbm>>) target(%arg12 : memref<128xi32, #tpu.memory_space<vmem>>) target_semaphore(%run_scoped3A : memref<!tpu.dma_semaphore, #tpu.memory_space<semaphore_mem>>)
      %dma_wait3A = tpu.memref_slice %arg5[%add3A_33] : memref<10240xi32, #tpu.memory_space<hbm>> -> memref<128xi32, #tpu.memory_space<hbm>>
      %dma_wait3A_46 = tpu.memref_slice %arg5[%add3A_33] : memref<10240xi32, #tpu.memory_space<hbm>> -> memref<128xi32, #tpu.memory_space<hbm>>
      tpu.wait_dma2 semaphore(%run_scoped3A : memref<!tpu.dma_semaphore, #tpu.memory_space<semaphore_mem>>) src(%dma_wait3A_46 : memref<128xi32, #tpu.memory_space<hbm>>) dst(%arg12 : memref<128xi32, #tpu.memory_space<vmem>>)
      tpu.yield
    }) : () -> ()
    "tpu.region"() ({
      %run_scoped3A = tpu.sem_alloc : memref<!tpu.dma_semaphore, #tpu.memory_space<semaphore_mem>>
      %dma_start3A_44 = arith.constant 0 : i32
      %dma_start3A_45 = arith.constant 0 : i32
      %dma_start3A_46 = tpu.memref_slice %arg17[%dma_start3A_44, %dma_start3A_45] : memref<10240x128xf32, #tpu.memory_space<vmem_shared>> -> memref<10240x128xf32, #tpu.memory_space<vmem_shared>>
      tpu.enqueue_indirect_dma source(%dma_start3A_46 : memref<10240x128xf32, #tpu.memory_space<vmem_shared>>) target(%arg13 : memref<128x128xf32, #tpu.memory_space<vmem>>) offsets(%arg12 : memref<128xi32, #tpu.memory_space<vmem>>) semaphore(%run_scoped3A : memref<!tpu.dma_semaphore, #tpu.memory_space<semaphore_mem>>)
      %dma_wait3A = arith.constant 0 : i32
      %dma_wait3A_47 = arith.constant 0 : i32
      %dma_wait3A_48 = tpu.memref_slice %arg17[%dma_wait3A, %dma_wait3A_47] : memref<10240x128xf32, #tpu.memory_space<vmem_shared>> -> memref<10240x128xf32, #tpu.memory_space<vmem_shared>>
      tpu.wait_indirect_dma semaphore(%run_scoped3A : memref<!tpu.dma_semaphore, #tpu.memory_space<semaphore_mem>>) src(%dma_wait3A_48 : memref<10240x128xf32, #tpu.memory_space<vmem_shared>>) dst(%arg13 : memref<128x128xf32, #tpu.memory_space<vmem>>)
      tpu.yield
    }) : () -> ()
    %add3A_34 = arith.constant 256 : i32
    %add3A_35 = arith.addi %mul3A_0, %add3A_34 : i32
    "tpu.region"() ({
      %run_scoped3A = tpu.sem_alloc : memref<!tpu.dma_semaphore, #tpu.memory_space<semaphore_mem>>
      %dma_start3A_44 = arith.constant 0 : i32
      %dma_start3A_45 = tpu.memref_slice %arg7[%arg0, %add3A_35, %dma_start3A_44] : memref<2x10240x128xf32, #tpu.memory_space<hbm>> -> memref<1x128x128xf32, #tpu.memory_space<hbm>>
      %dma_start3A_46 = tpu.memref_squeeze %dma_start3A_45 : memref<1x128x128xf32, #tpu.memory_space<hbm>> -> memref<128x128xf32, #tpu.memory_space<hbm>>
      %dma_start3A_47 = arith.constant 0 : i32
      %dma_start3A_48 = tpu.memref_slice %arg7[%arg0, %add3A_35, %dma_start3A_47] : memref<2x10240x128xf32, #tpu.memory_space<hbm>> -> memref<1x128x128xf32, #tpu.memory_space<hbm>>
      %dma_start3A_49 = tpu.memref_squeeze %dma_start3A_48 : memref<1x128x128xf32, #tpu.memory_space<hbm>> -> memref<128x128xf32, #tpu.memory_space<hbm>>
      tpu.enqueue_dma source(%arg13 : memref<128x128xf32, #tpu.memory_space<vmem>>) target(%dma_start3A_49 : memref<128x128xf32, #tpu.memory_space<hbm>>) target_semaphore(%run_scoped3A : memref<!tpu.dma_semaphore, #tpu.memory_space<semaphore_mem>>)
      %dma_wait3A = arith.constant 0 : i32
      %dma_wait3A_50 = tpu.memref_slice %arg7[%arg0, %add3A_35, %dma_wait3A] : memref<2x10240x128xf32, #tpu.memory_space<hbm>> -> memref<1x128x128xf32, #tpu.memory_space<hbm>>
      %dma_wait3A_51 = tpu.memref_squeeze %dma_wait3A_50 : memref<1x128x128xf32, #tpu.memory_space<hbm>> -> memref<128x128xf32, #tpu.memory_space<hbm>>
      %dma_wait3A_52 = arith.constant 0 : i32
      %dma_wait3A_53 = tpu.memref_slice %arg7[%arg0, %add3A_35, %dma_wait3A_52] : memref<2x10240x128xf32, #tpu.memory_space<hbm>> -> memref<1x128x128xf32, #tpu.memory_space<hbm>>
      %dma_wait3A_54 = tpu.memref_squeeze %dma_wait3A_53 : memref<1x128x128xf32, #tpu.memory_space<hbm>> -> memref<128x128xf32, #tpu.memory_space<hbm>>
      tpu.wait_dma2 semaphore(%run_scoped3A : memref<!tpu.dma_semaphore, #tpu.memory_space<semaphore_mem>>) src(%arg13 : memref<128x128xf32, #tpu.memory_space<vmem>>) dst(%dma_wait3A_54 : memref<128x128xf32, #tpu.memory_space<hbm>>)
      tpu.yield
    }) : () -> ()
    %add3A_36 = arith.constant 384 : i32
    %add3A_37 = arith.addi %mul3A_0, %add3A_36 : i32
    "tpu.region"() ({
      %run_scoped3A = tpu.sem_alloc : memref<!tpu.dma_semaphore, #tpu.memory_space<semaphore_mem>>
      %dma_start3A_44 = tpu.memref_slice %arg5[%add3A_37] : memref<10240xi32, #tpu.memory_space<hbm>> -> memref<128xi32, #tpu.memory_space<hbm>>
      %dma_start3A_45 = tpu.memref_slice %arg5[%add3A_37] : memref<10240xi32, #tpu.memory_space<hbm>> -> memref<128xi32, #tpu.memory_space<hbm>>
      tpu.enqueue_dma source(%dma_start3A_45 : memref<128xi32, #tpu.memory_space<hbm>>) target(%arg12 : memref<128xi32, #tpu.memory_space<vmem>>) target_semaphore(%run_scoped3A : memref<!tpu.dma_semaphore, #tpu.memory_space<semaphore_mem>>)
      %dma_wait3A = tpu.memref_slice %arg5[%add3A_37] : memref<10240xi32, #tpu.memory_space<hbm>> -> memref<128xi32, #tpu.memory_space<hbm>>
      %dma_wait3A_46 = tpu.memref_slice %arg5[%add3A_37] : memref<10240xi32, #tpu.memory_space<hbm>> -> memref<128xi32, #tpu.memory_space<hbm>>
      tpu.wait_dma2 semaphore(%run_scoped3A : memref<!tpu.dma_semaphore, #tpu.memory_space<semaphore_mem>>) src(%dma_wait3A_46 : memref<128xi32, #tpu.memory_space<hbm>>) dst(%arg12 : memref<128xi32, #tpu.memory_space<vmem>>)
      tpu.yield
    }) : () -> ()
    "tpu.region"() ({
      %run_scoped3A = tpu.sem_alloc : memref<!tpu.dma_semaphore, #tpu.memory_space<semaphore_mem>>
      %dma_start3A_44 = arith.constant 0 : i32
      %dma_start3A_45 = arith.constant 0 : i32
      %dma_start3A_46 = tpu.memref_slice %arg17[%dma_start3A_44, %dma_start3A_45] : memref<10240x128xf32, #tpu.memory_space<vmem_shared>> -> memref<10240x128xf32, #tpu.memory_space<vmem_shared>>
      tpu.enqueue_indirect_dma source(%dma_start3A_46 : memref<10240x128xf32, #tpu.memory_space<vmem_shared>>) target(%arg13 : memref<128x128xf32, #tpu.memory_space<vmem>>) offsets(%arg12 : memref<128xi32, #tpu.memory_space<vmem>>) semaphore(%run_scoped3A : memref<!tpu.dma_semaphore, #tpu.memory_space<semaphore_mem>>)
      %dma_wait3A = arith.constant 0 : i32
      %dma_wait3A_47 = arith.constant 0 : i32
      %dma_wait3A_48 = tpu.memref_slice %arg17[%dma_wait3A, %dma_wait3A_47] : memref<10240x128xf32, #tpu.memory_space<vmem_shared>> -> memref<10240x128xf32, #tpu.memory_space<vmem_shared>>
      tpu.wait_indirect_dma semaphore(%run_scoped3A : memref<!tpu.dma_semaphore, #tpu.memory_space<semaphore_mem>>) src(%dma_wait3A_48 : memref<10240x128xf32, #tpu.memory_space<vmem_shared>>) dst(%arg13 : memref<128x128xf32, #tpu.memory_space<vmem>>)
      tpu.yield
    }) : () -> ()
    %add3A_38 = arith.constant 384 : i32
    %add3A_39 = arith.addi %mul3A_0, %add3A_38 : i32
    "tpu.region"() ({
      %run_scoped3A = tpu.sem_alloc : memref<!tpu.dma_semaphore, #tpu.memory_space<semaphore_mem>>
      %dma_start3A_44 = arith.constant 0 : i32
      %dma_start3A_45 = tpu.memref_slice %arg7[%arg0, %add3A_39, %dma_start3A_44] : memref<2x10240x128xf32, #tpu.memory_space<hbm>> -> memref<1x128x128xf32, #tpu.memory_space<hbm>>
      %dma_start3A_46 = tpu.memref_squeeze %dma_start3A_45 : memref<1x128x128xf32, #tpu.memory_space<hbm>> -> memref<128x128xf32, #tpu.memory_space<hbm>>
      %dma_start3A_47 = arith.constant 0 : i32
      %dma_start3A_48 = tpu.memref_slice %arg7[%arg0, %add3A_39, %dma_start3A_47] : memref<2x10240x128xf32, #tpu.memory_space<hbm>> -> memref<1x128x128xf32, #tpu.memory_space<hbm>>
      %dma_start3A_49 = tpu.memref_squeeze %dma_start3A_48 : memref<1x128x128xf32, #tpu.memory_space<hbm>> -> memref<128x128xf32, #tpu.memory_space<hbm>>
      tpu.enqueue_dma source(%arg13 : memref<128x128xf32, #tpu.memory_space<vmem>>) target(%dma_start3A_49 : memref<128x128xf32, #tpu.memory_space<hbm>>) target_semaphore(%run_scoped3A : memref<!tpu.dma_semaphore, #tpu.memory_space<semaphore_mem>>)
      %dma_wait3A = arith.constant 0 : i32
      %dma_wait3A_50 = tpu.memref_slice %arg7[%arg0, %add3A_39, %dma_wait3A] : memref<2x10240x128xf32, #tpu.memory_space<hbm>> -> memref<1x128x128xf32, #tpu.memory_space<hbm>>
      %dma_wait3A_51 = tpu.memref_squeeze %dma_wait3A_50 : memref<1x128x128xf32, #tpu.memory_space<hbm>> -> memref<128x128xf32, #tpu.memory_space<hbm>>
      %dma_wait3A_52 = arith.constant 0 : i32
      %dma_wait3A_53 = tpu.memref_slice %arg7[%arg0, %add3A_39, %dma_wait3A_52] : memref<2x10240x128xf32, #tpu.memory_space<hbm>> -> memref<1x128x128xf32, #tpu.memory_space<hbm>>
      %dma_wait3A_54 = tpu.memref_squeeze %dma_wait3A_53 : memref<1x128x128xf32, #tpu.memory_space<hbm>> -> memref<128x128xf32, #tpu.memory_space<hbm>>
      tpu.wait_dma2 semaphore(%run_scoped3A : memref<!tpu.dma_semaphore, #tpu.memory_space<semaphore_mem>>) src(%arg13 : memref<128x128xf32, #tpu.memory_space<vmem>>) dst(%dma_wait3A_54 : memref<128x128xf32, #tpu.memory_space<hbm>>)
      tpu.yield
    }) : () -> ()
    %add3A_40 = arith.constant 512 : i32
    %add3A_41 = arith.addi %mul3A_0, %add3A_40 : i32
    "tpu.region"() ({
      %run_scoped3A = tpu.sem_alloc : memref<!tpu.dma_semaphore, #tpu.memory_space<semaphore_mem>>
      %dma_start3A_44 = tpu.memref_slice %arg5[%add3A_41] : memref<10240xi32, #tpu.memory_space<hbm>> -> memref<128xi32, #tpu.memory_space<hbm>>
      %dma_start3A_45 = tpu.memref_slice %arg5[%add3A_41] : memref<10240xi32, #tpu.memory_space<hbm>> -> memref<128xi32, #tpu.memory_space<hbm>>
      tpu.enqueue_dma source(%dma_start3A_45 : memref<128xi32, #tpu.memory_space<hbm>>) target(%arg12 : memref<128xi32, #tpu.memory_space<vmem>>) target_semaphore(%run_scoped3A : memref<!tpu.dma_semaphore, #tpu.memory_space<semaphore_mem>>)
      %dma_wait3A = tpu.memref_slice %arg5[%add3A_41] : memref<10240xi32, #tpu.memory_space<hbm>> -> memref<128xi32, #tpu.memory_space<hbm>>
      %dma_wait3A_46 = tpu.memref_slice %arg5[%add3A_41] : memref<10240xi32, #tpu.memory_space<hbm>> -> memref<128xi32, #tpu.memory_space<hbm>>
      tpu.wait_dma2 semaphore(%run_scoped3A : memref<!tpu.dma_semaphore, #tpu.memory_space<semaphore_mem>>) src(%dma_wait3A_46 : memref<128xi32, #tpu.memory_space<hbm>>) dst(%arg12 : memref<128xi32, #tpu.memory_space<vmem>>)
      tpu.yield
    }) : () -> ()
    "tpu.region"() ({
      %run_scoped3A = tpu.sem_alloc : memref<!tpu.dma_semaphore, #tpu.memory_space<semaphore_mem>>
      %dma_start3A_44 = arith.constant 0 : i32
      %dma_start3A_45 = arith.constant 0 : i32
      %dma_start3A_46 = tpu.memref_slice %arg17[%dma_start3A_44, %dma_start3A_45] : memref<10240x128xf32, #tpu.memory_space<vmem_shared>> -> memref<10240x128xf32, #tpu.memory_space<vmem_shared>>
      tpu.enqueue_indirect_dma source(%dma_start3A_46 : memref<10240x128xf32, #tpu.memory_space<vmem_shared>>) target(%arg13 : memref<128x128xf32, #tpu.memory_space<vmem>>) offsets(%arg12 : memref<128xi32, #tpu.memory_space<vmem>>) semaphore(%run_scoped3A : memref<!tpu.dma_semaphore, #tpu.memory_space<semaphore_mem>>)
      %dma_wait3A = arith.constant 0 : i32
      %dma_wait3A_47 = arith.constant 0 : i32
      %dma_wait3A_48 = tpu.memref_slice %arg17[%dma_wait3A, %dma_wait3A_47] : memref<10240x128xf32, #tpu.memory_space<vmem_shared>> -> memref<10240x128xf32, #tpu.memory_space<vmem_shared>>
      tpu.wait_indirect_dma semaphore(%run_scoped3A : memref<!tpu.dma_semaphore, #tpu.memory_space<semaphore_mem>>) src(%dma_wait3A_48 : memref<10240x128xf32, #tpu.memory_space<vmem_shared>>) dst(%arg13 : memref<128x128xf32, #tpu.memory_space<vmem>>)
      tpu.yield
    }) : () -> ()
    %add3A_42 = arith.constant 512 : i32
    %add3A_43 = arith.addi %mul3A_0, %add3A_42 : i32
    "tpu.region"() ({
      %run_scoped3A = tpu.sem_alloc : memref<!tpu.dma_semaphore, #tpu.memory_space<semaphore_mem>>
      %dma_start3A_44 = arith.constant 0 : i32
      %dma_start3A_45 = tpu.memref_slice %arg7[%arg0, %add3A_43, %dma_start3A_44] : memref<2x10240x128xf32, #tpu.memory_space<hbm>> -> memref<1x128x128xf32, #tpu.memory_space<hbm>>
      %dma_start3A_46 = tpu.memref_squeeze %dma_start3A_45 : memref<1x128x128xf32, #tpu.memory_space<hbm>> -> memref<128x128xf32, #tpu.memory_space<hbm>>
      %dma_start3A_47 = arith.constant 0 : i32
      %dma_start3A_48 = tpu.memref_slice %arg7[%arg0, %add3A_43, %dma_start3A_47] : memref<2x10240x128xf32, #tpu.memory_space<hbm>> -> memref<1x128x128xf32, #tpu.memory_space<hbm>>
      %dma_start3A_49 = tpu.memref_squeeze %dma_start3A_48 : memref<1x128x128xf32, #tpu.memory_space<hbm>> -> memref<128x128xf32, #tpu.memory_space<hbm>>
      tpu.enqueue_dma source(%arg13 : memref<128x128xf32, #tpu.memory_space<vmem>>) target(%dma_start3A_49 : memref<128x128xf32, #tpu.memory_space<hbm>>) target_semaphore(%run_scoped3A : memref<!tpu.dma_semaphore, #tpu.memory_space<semaphore_mem>>)
      %dma_wait3A = arith.constant 0 : i32
      %dma_wait3A_50 = tpu.memref_slice %arg7[%arg0, %add3A_43, %dma_wait3A] : memref<2x10240x128xf32, #tpu.memory_space<hbm>> -> memref<1x128x128xf32, #tpu.memory_space<hbm>>
      %dma_wait3A_51 = tpu.memref_squeeze %dma_wait3A_50 : memref<1x128x128xf32, #tpu.memory_space<hbm>> -> memref<128x128xf32, #tpu.memory_space<hbm>>
      %dma_wait3A_52 = arith.constant 0 : i32
      %dma_wait3A_53 = tpu.memref_slice %arg7[%arg0, %add3A_43, %dma_wait3A_52] : memref<2x10240x128xf32, #tpu.memory_space<hbm>> -> memref<1x128x128xf32, #tpu.memory_space<hbm>>
      %dma_wait3A_54 = tpu.memref_squeeze %dma_wait3A_53 : memref<1x128x128xf32, #tpu.memory_space<hbm>> -> memref<128x128xf32, #tpu.memory_space<hbm>>
      tpu.wait_dma2 semaphore(%run_scoped3A : memref<!tpu.dma_semaphore, #tpu.memory_space<semaphore_mem>>) src(%arg13 : memref<128x128xf32, #tpu.memory_space<vmem>>) dst(%dma_wait3A_54 : memref<128x128xf32, #tpu.memory_space<hbm>>)
      tpu.yield
    }) : () -> ()
    return
  }
}

module attributes {stable_mosaic.version = 14 : i64} {
  func.func @_tc_init_body(%arg0: i32, %arg1: memref<1280x128xf32, #tpu.memory_space<vmem>>, %arg2: memref<128x128xf32, #tpu.memory_space<vmem>>, %arg3: memref<1x128xf32, #tpu.memory_space<vmem>>, %arg4: memref<1280x1xf32, #tpu.memory_space<vmem>>, %arg5: memref<1280x128xf32, #tpu.memory_space<vmem>>) attributes {dimension_semantics = [#tpu.dimension_semantics<arbitrary>], iteration_bounds = array<i64: 8>, scalar_prefetch = 0 : i64, scratch_operands = 0 : i64, tpu.core_type = #tpu.core_type<tc>, window_params = [{transform_indices = @transform_0, window_bounds = array<i64: 1280, 128>}, {pipeline_mode = #tpu.pipeline_mode<synchronous>, transform_indices = @transform_1, window_bounds = array<i64: 128, 128>}, {pipeline_mode = #tpu.pipeline_mode<synchronous>, transform_indices = @transform_2, window_bounds = array<i64: 1, 128>}, {transform_indices = @transform_3, window_bounds = array<i64: 1280, 1>}, {transform_indices = @transform_4, window_bounds = array<i64: 1280, 128>}]} {
    %get3A = arith.constant 0 : index
    %get3A_0 = arith.constant 0 : index
    %get3A_1 = vector.load %arg4[%get3A, %get3A_0] : memref<1280x1xf32, #tpu.memory_space<vmem>>, vector<1280x1xf32>
    %max3A = arith.constant 1.000000e+00 : f32
    %max3A_2 = vector.broadcast %max3A : f32 to vector<1280x1xf32>
    %max3A_3 = arith.maximumf %get3A_1, %max3A_2 : vector<1280x1xf32>
    %rsqrt3A = math.rsqrt %max3A_3 : vector<1280x1xf32>
    %get3A_4 = arith.constant 0 : index
    %get3A_5 = arith.constant 0 : index
    %get3A_6 = vector.load %arg1[%get3A_4, %get3A_5] : memref<1280x128xf32, #tpu.memory_space<vmem>>, vector<1280x128xf32>
    %get3A_7 = arith.constant 0 : index
    %get3A_8 = arith.constant 0 : index
    %get3A_9 = vector.load %arg2[%get3A_7, %get3A_8] : memref<128x128xf32, #tpu.memory_space<vmem>>, vector<128x128xf32>
    %dot_general3A = arith.constant dense<0.000000e+00> : vector<1280x128xf32>
    %dot_general3A_10 = tpu.matmul %get3A_6, %get3A_9, %dot_general3A {dimension_numbers = #tpu.dot_dimension_numbers<[1], [0], [0], [1], [0, 0, 1, 1], [], []>, transpose_lhs_hint = false} : vector<1280x128xf32>, vector<128x128xf32>, vector<1280x128xf32> -> vector<1280x128xf32>
    %get3A_11 = arith.constant 0 : index
    %get3A_12 = arith.constant 0 : index
    %get3A_13 = vector.load %arg3[%get3A_11, %get3A_12] : memref<1x128xf32, #tpu.memory_space<vmem>>, vector<1x128xf32>
    %add3A = vector.broadcast %get3A_13 : vector<1x128xf32> to vector<1280x128xf32>
    %add3A_14 = arith.addf %dot_general3A_10, %add3A : vector<1280x128xf32>
    %mul3A = vector.broadcast %rsqrt3A : vector<1280x1xf32> to vector<1280x128xf32>
    %mul3A_15 = arith.mulf %mul3A, %add3A_14 : vector<1280x128xf32>
    %swap3A = arith.constant 0 : index
    %swap3A_16 = arith.constant 0 : index
    %swap3A_17 = vector.load %arg5[%swap3A, %swap3A_16] : memref<1280x128xf32, #tpu.memory_space<vmem>>, vector<1280x128xf32>
    tpu.vector_store %arg5[%swap3A, %swap3A_16], %mul3A_15 {strides = array<i32>} : memref<1280x128xf32, #tpu.memory_space<vmem>>, vector<1280x128xf32>,
    return
  }
  func.func @transform_0(%arg0: i32) -> (i32, i32) {
    %c0_i32 = arith.constant 0 : i32
    %c0_i32_0 = arith.constant 0 : i32
    return %arg0, %c0_i32 : i32, i32
  }
  func.func @transform_1(%arg0: i32) -> (i32, i32) {
    %c0_i32 = arith.constant 0 : i32
    %c0_i32_0 = arith.constant 0 : i32
    %c0_i32_1 = arith.constant 0 : i32
    return %c0_i32, %c0_i32_0 : i32, i32
  }
  func.func @transform_2(%arg0: i32) -> (i32, i32) {
    %c0_i32 = arith.constant 0 : i32
    %c0_i32_0 = arith.constant 0 : i32
    %c0_i32_1 = arith.constant 0 : i32
    return %c0_i32, %c0_i32_0 : i32, i32
  }
  func.func @transform_3(%arg0: i32) -> (i32, i32) {
    %c0_i32 = arith.constant 0 : i32
    %c0_i32_0 = arith.constant 0 : i32
    return %arg0, %c0_i32 : i32, i32
  }
  func.func @transform_4(%arg0: i32) -> (i32, i32) {
    %c0_i32 = arith.constant 0 : i32
    %c0_i32_0 = arith.constant 0 : i32
    return %arg0, %c0_i32 : i32, i32
  }
}

module attributes {stable_mosaic.version = 14 : i64} {
  func.func @_tc_combine_body(%arg0: i32, %arg1: memref<1280x128xf32, #tpu.memory_space<vmem>>, %arg2: memref<2x1280x128xf32, #tpu.memory_space<vmem>>, %arg3: memref<1x128xf32, #tpu.memory_space<vmem>>, %arg4: memref<1280x1xf32, #tpu.memory_space<vmem>>, %arg5: memref<1280x1xf32, #tpu.memory_space<vmem>>, %arg6: memref<1280x128xf32, #tpu.memory_space<vmem>>) attributes {dimension_semantics = [#tpu.dimension_semantics<arbitrary>], iteration_bounds = array<i64: 8>, scalar_prefetch = 0 : i64, scratch_operands = 0 : i64, tpu.core_type = #tpu.core_type<tc>, window_params = [{transform_indices = @transform_0, window_bounds = array<i64: 1280, 128>}, {transform_indices = @transform_1, window_bounds = array<i64: 2, 1280, 128>}, {pipeline_mode = #tpu.pipeline_mode<synchronous>, transform_indices = @transform_2, window_bounds = array<i64: 1, 128>}, {transform_indices = @transform_3, window_bounds = array<i64: 1280, 1>}, {transform_indices = @transform_4, window_bounds = array<i64: 1280, 1>}, {transform_indices = @transform_5, window_bounds = array<i64: 1280, 128>}]} {
    %get3A = arith.constant 0 : index
    %get3A_0 = arith.constant 0 : index
    %get3A_1 = vector.load %arg4[%get3A, %get3A_0] : memref<1280x1xf32, #tpu.memory_space<vmem>>, vector<1280x1xf32>
    %max3A = arith.constant 1.000000e+00 : f32
    %max3A_2 = vector.broadcast %max3A : f32 to vector<1280x1xf32>
    %max3A_3 = arith.maximumf %get3A_1, %max3A_2 : vector<1280x1xf32>
    %rsqrt3A = math.rsqrt %max3A_3 : vector<1280x1xf32>
    %mul3A = arith.constant 0.899999976 : f32
    %mul3A_4 = vector.broadcast %mul3A : f32 to vector<1280x1xf32>
    %mul3A_5 = arith.mulf %mul3A_4, %rsqrt3A : vector<1280x1xf32>
    %get3A_6 = arith.constant 0 : index
    %get3A_7 = arith.constant 0 : index
    %get3A_8 = vector.load %arg5[%get3A_6, %get3A_7] : memref<1280x1xf32, #tpu.memory_space<vmem>>, vector<1280x1xf32>
    %max3A_9 = arith.constant 1.000000e+00 : f32
    %max3A_10 = vector.broadcast %max3A_9 : f32 to vector<1280x1xf32>
    %max3A_11 = arith.maximumf %get3A_8, %max3A_10 : vector<1280x1xf32>
    %rsqrt3A_12 = math.rsqrt %max3A_11 : vector<1280x1xf32>
    %mul3A_13 = arith.mulf %mul3A_5, %rsqrt3A_12 : vector<1280x1xf32>
    %get3A_14 = arith.constant 0 : index
    %get3A_15 = arith.constant 0 : index
    %get3A_16 = arith.constant 0 : index
    %get3A_17 = vector.load %arg2[%get3A_14, %get3A_15, %get3A_16] : memref<2x1280x128xf32, #tpu.memory_space<vmem>>, vector<1x1280x128xf32>
    %get3A_18 = vector.shape_cast %get3A_17 : vector<1x1280x128xf32> to vector<1280x128xf32>
    %get3A_19 = arith.constant 1 : index
    %get3A_20 = arith.constant 0 : index
    %get3A_21 = arith.constant 0 : index
    %get3A_22 = vector.load %arg2[%get3A_19, %get3A_20, %get3A_21] : memref<2x1280x128xf32, #tpu.memory_space<vmem>>, vector<1x1280x128xf32>
    %get3A_23 = vector.shape_cast %get3A_22 : vector<1x1280x128xf32> to vector<1280x128xf32>
    %add3A = arith.addf %get3A_18, %get3A_23 : vector<1280x128xf32>
    %get3A_24 = arith.constant 0 : index
    %get3A_25 = arith.constant 0 : index
    %get3A_26 = vector.load %arg1[%get3A_24, %get3A_25] : memref<1280x128xf32, #tpu.memory_space<vmem>>, vector<1280x128xf32>
    %mul3A_27 = arith.constant 1.000000e-01 : f32
    %mul3A_28 = vector.broadcast %mul3A_27 : f32 to vector<1280x128xf32>
    %mul3A_29 = arith.mulf %mul3A_28, %get3A_26 : vector<1280x128xf32>
    %mul3A_30 = vector.broadcast %mul3A_13 : vector<1280x1xf32> to vector<1280x128xf32>
    %mul3A_31 = arith.mulf %mul3A_30, %add3A : vector<1280x128xf32>
    %add3A_32 = arith.addf %mul3A_29, %mul3A_31 : vector<1280x128xf32>
    %get3A_33 = arith.constant 0 : index
    %get3A_34 = arith.constant 0 : index
    %get3A_35 = vector.load %arg3[%get3A_33, %get3A_34] : memref<1x128xf32, #tpu.memory_space<vmem>>, vector<1x128xf32>
    %mul3A_36 = vector.broadcast %rsqrt3A : vector<1280x1xf32> to vector<1280x128xf32>
    %mul3A_37 = vector.broadcast %get3A_35 : vector<1x128xf32> to vector<1280x128xf32>
    %mul3A_38 = arith.mulf %mul3A_36, %mul3A_37 : vector<1280x128xf32>
    %add3A_39 = arith.addf %add3A_32, %mul3A_38 : vector<1280x128xf32>
    %swap3A = arith.constant 0 : index
    %swap3A_40 = arith.constant 0 : index
    %swap3A_41 = vector.load %arg6[%swap3A, %swap3A_40] : memref<1280x128xf32, #tpu.memory_space<vmem>>, vector<1280x128xf32>
    tpu.vector_store %arg6[%swap3A, %swap3A_40], %add3A_39 {strides = array<i32>} : memref<1280x128xf32, #tpu.memory_space<vmem>>, vector<1280x128xf32>,
    return
  }
  func.func @transform_0(%arg0: i32) -> (i32, i32) {
    %c0_i32 = arith.constant 0 : i32
    %c0_i32_0 = arith.constant 0 : i32
    return %arg0, %c0_i32 : i32, i32
  }
  func.func @transform_1(%arg0: i32) -> (i32, i32, i32) {
    %c0_i32 = arith.constant 0 : i32
    %c0_i32_0 = arith.constant 0 : i32
    %c0_i32_1 = arith.constant 0 : i32
    return %c0_i32, %arg0, %c0_i32_0 : i32, i32, i32
  }
  func.func @transform_2(%arg0: i32) -> (i32, i32) {
    %c0_i32 = arith.constant 0 : i32
    %c0_i32_0 = arith.constant 0 : i32
    %c0_i32_1 = arith.constant 0 : i32
    return %c0_i32, %c0_i32_0 : i32, i32
  }
  func.func @transform_3(%arg0: i32) -> (i32, i32) {
    %c0_i32 = arith.constant 0 : i32
    %c0_i32_0 = arith.constant 0 : i32
    return %arg0, %c0_i32 : i32, i32
  }
  func.func @transform_4(%arg0: i32) -> (i32, i32) {
    %c0_i32 = arith.constant 0 : i32
    %c0_i32_0 = arith.constant 0 : i32
    return %arg0, %c0_i32 : i32, i32
  }
  func.func @transform_5(%arg0: i32) -> (i32, i32) {
    %c0_i32 = arith.constant 0 : i32
    %c0_i32_0 = arith.constant 0 : i32
    return %arg0, %c0_i32 : i32, i32
  }
}

module attributes {stable_mosaic.version = 14 : i64} {
  func.func @_tc_combine_body(%arg0: i32, %arg1: memref<1280x128xf32, #tpu.memory_space<vmem>>, %arg2: memref<2x1280x128xf32, #tpu.memory_space<vmem>>, %arg3: memref<1x128xf32, #tpu.memory_space<vmem>>, %arg4: memref<1280x1xf32, #tpu.memory_space<vmem>>, %arg5: memref<1280x1xf32, #tpu.memory_space<vmem>>, %arg6: memref<1280x128xf32, #tpu.memory_space<vmem>>) attributes {dimension_semantics = [#tpu.dimension_semantics<arbitrary>], iteration_bounds = array<i64: 8>, scalar_prefetch = 0 : i64, scratch_operands = 0 : i64, tpu.core_type = #tpu.core_type<tc>, window_params = [{transform_indices = @transform_0, window_bounds = array<i64: 1280, 128>}, {transform_indices = @transform_1, window_bounds = array<i64: 2, 1280, 128>}, {pipeline_mode = #tpu.pipeline_mode<synchronous>, transform_indices = @transform_2, window_bounds = array<i64: 1, 128>}, {transform_indices = @transform_3, window_bounds = array<i64: 1280, 1>}, {transform_indices = @transform_4, window_bounds = array<i64: 1280, 1>}, {transform_indices = @transform_5, window_bounds = array<i64: 1280, 128>}]} {
    %get3A = arith.constant 0 : index
    %get3A_0 = arith.constant 0 : index
    %get3A_1 = vector.load %arg4[%get3A, %get3A_0] : memref<1280x1xf32, #tpu.memory_space<vmem>>, vector<1280x1xf32>
    %max3A = arith.constant 1.000000e+00 : f32
    %max3A_2 = vector.broadcast %max3A : f32 to vector<1280x1xf32>
    %max3A_3 = arith.maximumf %get3A_1, %max3A_2 : vector<1280x1xf32>
    %rsqrt3A = math.rsqrt %max3A_3 : vector<1280x1xf32>
    %mul3A = arith.constant 0.899999976 : f32
    %mul3A_4 = vector.broadcast %mul3A : f32 to vector<1280x1xf32>
    %mul3A_5 = arith.mulf %mul3A_4, %rsqrt3A : vector<1280x1xf32>
    %get3A_6 = arith.constant 0 : index
    %get3A_7 = arith.constant 0 : index
    %get3A_8 = vector.load %arg5[%get3A_6, %get3A_7] : memref<1280x1xf32, #tpu.memory_space<vmem>>, vector<1280x1xf32>
    %max3A_9 = arith.constant 1.000000e+00 : f32
    %max3A_10 = vector.broadcast %max3A_9 : f32 to vector<1280x1xf32>
    %max3A_11 = arith.maximumf %get3A_8, %max3A_10 : vector<1280x1xf32>
    %rsqrt3A_12 = math.rsqrt %max3A_11 : vector<1280x1xf32>
    %mul3A_13 = arith.mulf %mul3A_5, %rsqrt3A_12 : vector<1280x1xf32>
    %get3A_14 = arith.constant 0 : index
    %get3A_15 = arith.constant 0 : index
    %get3A_16 = arith.constant 0 : index
    %get3A_17 = vector.load %arg2[%get3A_14, %get3A_15, %get3A_16] : memref<2x1280x128xf32, #tpu.memory_space<vmem>>, vector<1x1280x128xf32>
    %get3A_18 = vector.shape_cast %get3A_17 : vector<1x1280x128xf32> to vector<1280x128xf32>
    %get3A_19 = arith.constant 1 : index
    %get3A_20 = arith.constant 0 : index
    %get3A_21 = arith.constant 0 : index
    %get3A_22 = vector.load %arg2[%get3A_19, %get3A_20, %get3A_21] : memref<2x1280x128xf32, #tpu.memory_space<vmem>>, vector<1x1280x128xf32>
    %get3A_23 = vector.shape_cast %get3A_22 : vector<1x1280x128xf32> to vector<1280x128xf32>
    %add3A = arith.addf %get3A_18, %get3A_23 : vector<1280x128xf32>
    %get3A_24 = arith.constant 0 : index
    %get3A_25 = arith.constant 0 : index
    %get3A_26 = vector.load %arg1[%get3A_24, %get3A_25] : memref<1280x128xf32, #tpu.memory_space<vmem>>, vector<1280x128xf32>
    %mul3A_27 = arith.constant 1.000000e-01 : f32
    %mul3A_28 = vector.broadcast %mul3A_27 : f32 to vector<1280x128xf32>
    %mul3A_29 = arith.mulf %mul3A_28, %get3A_26 : vector<1280x128xf32>
    %mul3A_30 = vector.broadcast %mul3A_13 : vector<1280x1xf32> to vector<1280x128xf32>
    %mul3A_31 = arith.mulf %mul3A_30, %add3A : vector<1280x128xf32>
    %add3A_32 = arith.addf %mul3A_29, %mul3A_31 : vector<1280x128xf32>
    %get3A_33 = arith.constant 0 : index
    %get3A_34 = arith.constant 0 : index
    %get3A_35 = vector.load %arg3[%get3A_33, %get3A_34] : memref<1x128xf32, #tpu.memory_space<vmem>>, vector<1x128xf32>
    %mul3A_36 = vector.broadcast %rsqrt3A : vector<1280x1xf32> to vector<1280x128xf32>
    %mul3A_37 = vector.broadcast %get3A_35 : vector<1x128xf32> to vector<1280x128xf32>
    %mul3A_38 = arith.mulf %mul3A_36, %mul3A_37 : vector<1280x128xf32>
    %add3A_39 = arith.addf %add3A_32, %mul3A_38 : vector<1280x128xf32>
    %sqrt3A = math.sqrt %max3A_3 : vector<1280x1xf32>
    %mul3A_40 = vector.broadcast %sqrt3A : vector<1280x1xf32> to vector<1280x128xf32>
    %mul3A_41 = arith.mulf %mul3A_40, %add3A_39 : vector<1280x128xf32>
    %swap3A = arith.constant 0 : index
    %swap3A_42 = arith.constant 0 : index
    %swap3A_43 = vector.load %arg6[%swap3A, %swap3A_42] : memref<1280x128xf32, #tpu.memory_space<vmem>>, vector<1280x128xf32>
    tpu.vector_store %arg6[%swap3A, %swap3A_42], %mul3A_41 {strides = array<i32>} : memref<1280x128xf32, #tpu.memory_space<vmem>>, vector<1280x128xf32>,
    return
  }
  func.func @transform_0(%arg0: i32) -> (i32, i32) {
    %c0_i32 = arith.constant 0 : i32
    %c0_i32_0 = arith.constant 0 : i32
    return %arg0, %c0_i32 : i32, i32
  }
  func.func @transform_1(%arg0: i32) -> (i32, i32, i32) {
    %c0_i32 = arith.constant 0 : i32
    %c0_i32_0 = arith.constant 0 : i32
    %c0_i32_1 = arith.constant 0 : i32
    return %c0_i32, %arg0, %c0_i32_0 : i32, i32, i32
  }
  func.func @transform_2(%arg0: i32) -> (i32, i32) {
    %c0_i32 = arith.constant 0 : i32
    %c0_i32_0 = arith.constant 0 : i32
    %c0_i32_1 = arith.constant 0 : i32
    return %c0_i32, %c0_i32_0 : i32, i32
  }
  func.func @transform_3(%arg0: i32) -> (i32, i32) {
    %c0_i32 = arith.constant 0 : i32
    %c0_i32_0 = arith.constant 0 : i32
    return %arg0, %c0_i32 : i32, i32
  }
  func.func @transform_4(%arg0: i32) -> (i32, i32) {
    %c0_i32 = arith.constant 0 : i32
    %c0_i32_0 = arith.constant 0 : i32
    return %arg0, %c0_i32 : i32, i32
  }
  func.func @transform_5(%arg0: i32) -> (i32, i32) {
    %c0_i32 = arith.constant 0 : i32
    %c0_i32_0 = arith.constant 0 : i32
    return %arg0, %c0_i32 : i32, i32
  }
}

</mosaic_0001>

<sc_bundles>
// kernel: kernel.10.cloned.1.call-start
scs
__scs_entry_jumppad:
0x0: {  	(pc) =	sbr.rel $0x88, $3  }
0x1: {  	(tag) =	ssettag $0x0;
	lr =	simm.s32 $0x1  }
0x2: {  	[smem:$0x3F95] =	sst lr;
	_ =	strace $0xD0000000  }
0x3: {  	_ = 	snop  }
0x4: {  	_ = 	snop  }
0x5: {  	_ = 	snop  }
0x6: {  	_ = 	snop  }
0x7: {  	_ = 	snop  }
__scs_overlays_trampoline_lowered:
0x8: {  	[smem:$0x3FA4] =	sst s0  }
0x9: {  	[smem:$0x3FA5] =	sst s1  }
0xa: {  	[smem:$0x3FA6] =	sst s2  }
0xb: {  	[smem:$0x3FA7] =	sst s3  }
0xc: {  	[smem:$0x3FA8] =	sst s4  }
0xd: {  	[smem:$0x3FA9] =	sst s5  }
0xe: {  	[smem:$0x3FAA] =	sst s6  }
0xf: {  	[smem:$0x3FAB] =	sst s7  }
0x10: {  	[smem:$0x3FAC] =	sst s8  }
0x11: {  	[smem:$0x3FAD] =	sst s9;
	s0 =	simm.s32 @!p0 $0x0  }
0x12: {  	s1 =	sld [smem:$0x3F93];
	s0 =	simm.s32 @p0 $0x1  }
0x13: {  	[smem:$0x3FAE] =	sst s0;
	s0 =	simm.s32 @!p1 $0x0  }
0x14: {  	s2 =	sld [smem:$0x3F92];
	s0 =	simm.s32 @p1 $0x1  }
0x15: {  	[smem:$0x3FAF] =	sst s0;
	s0 =	simm.s32 @!p2 $0x0  }
0x16: {  	s3 =	sld [smem:$0x3FDB];
	s0 =	simm.s32 @p2 $0x1  }
0x17: {  	s4 =	simm.s32 $0x1BF5;
	[smem:$0x3FB1] =	sst s0  }
0x18: {  	s0 =	sld [smem:$0x3F94];
	_ =	swait.ge [sflag:s4], $0x0  }
0x19: {  	s7 =	sld [smem:$0x3F95]  }
0x1a: {  	s8 =	sadd.s32 $0xFFFFE003, lr  }
0x1b: {  	s9 =	sadd.s32 $0xFFFFFEF7, lr;
	s5 =	simm.s32 $0xFFFFFFFF;
	p2 =	slt.u32 s8, $0xFFFFF086  }
0x1c: {  	p1 =	slt.u32 s9, $0xF7A;
	s5 =	simm.s32 @!p2 $0x0  }
0x1d: {  	s5 =	simm.s32 @p1 $0x1;
	p0 =	seq.s32 s7, s2  }
0x1e: {  	s7 =	smul.u32 @!p0 $0xF7A, s2;
	p2 =	seq.s32 @!p0 s5, $0x0  }
0x1f: {  	s9 =	smul.u32 $0xF7A, s1;
	s8 =	simm.s32 @!p0 $0x1BF5;
	p2 =	por !p2, p0  }
0x20: {  	[sflag:s8] =	ssyncset.s32 @!p0 $0xFFFFF086;
	s6 =	sadd.s32 @!p0 s3, s7;
	s7 =	simm.s32 @!p0 $0x108  }
0x21: {  	s3 =	sadd.s32 s3, s9;
	s6 =	sadd.s32 @!p0 $0x88, s6;
	s7 =	simm.s32 @p2 $0x1082  }
0x22: {  	[simem:s7], [sflag:s8] =	dma.local @!p0 [hbm:s6], $0xF7A  }
0x23: {  	s9 =	sor.u32 $0xD0000000, s2;
	s6 =	simm.s32 $0x108;
	_ =	swait.ge @!p0 [sflag:s8], $0x0  }
0x24: {  	s3 =	sadd.s32 $0x88, s3;
	s6 =	simm.s32 @!p1 $0x1082;
	[sflag:s4] =	ssyncset.s32 $0xFFFFF086  }
0x25: {  	[simem:s6], [sflag:s4] =	dma.local [hbm:s3], $0xF7A  }
0x26: {  	[smem:$0x3F95] =	sst s1;
	(tag) =	ssettag s2;
	_ =	strace s9  }
0x27: {  	s1 =	sld [smem:$0x3FA5]  }
0x28: {  	s2 =	sld [smem:$0x3FA6]  }
0x29: {  	s4 =	sld [smem:$0x3FA8]  }
0x2a: {  	p0 =	seq.s32 s5, $0x0;
	s5 =	sld [smem:$0x3FA9]  }
0x2b: {  	s6 =	sld [smem:$0x3FAA]  }
0x2c: {  	s7 =	sld [smem:$0x3FAB]  }
0x2d: {  	s3 =	simm.s32 $0x108;
	s8 =	sld [smem:$0x3FAC]  }
0x2e: {  	s3 =	simm.s32 @!p0 $0x1082;
	s9 =	sld [smem:$0x3FAD]  }
0x2f: {  	lr =	sadd.s32 s0, s3;
	s0 =	sld [smem:$0x3FA4]  }
0x30: {  	s3 =	sld [smem:$0x3FA7]  }
0x31: {  	[smem:$0x3FB0] =	sst s10  }
0x32: {  	s10 =	sld [smem:$0x3FAE];
	_ =	sdelay $0x3  }
0x33: {  	p0 =	seq.s32 s10, $0x1;
	s10 =	sld [smem:$0x3FB0];
	_ =	sdelay $0x3  }
0x34: {  	[smem:$0x3FB0] =	sst s10  }
0x35: {  	s10 =	sld [smem:$0x3FAF];
	_ =	sdelay $0x3  }
0x36: {  	p1 =	seq.s32 s10, $0x1;
	s10 =	sld [smem:$0x3FB0];
	_ =	sdelay $0x3  }
0x37: {  	[smem:$0x3FB0] =	sst s10  }
0x38: {  	s10 =	sld [smem:$0x3FB1]  }
0x39: {  	_ = 	snop;
	(pc) =	sbr.ind lr, $3  }
0x3a: {  	_ = 	snop  }
0x3b: {  	_ = 	snop  }
0x3c: {  	p2 =	seq.s32 s10, $0x1;
	s10 =	sld [smem:$0x3FB0]  }
0x3d: {  	_ =	shalt  }
0x3e: {  	_ =	shalt  }
0x3f: {  	_ =	shalt  }
0x40: {  	_ =	shalt  }
0x41: {  	_ =	shalt  }
0x42: {  	_ =	shalt  }
0x43: {  	_ =	shalt  }
0x44: {  	_ =	shalt  }
0x45: {  	_ =	shalt  }
0x46: {  	_ =	shalt  }
0x47: {  	_ =	shalt  }
0x48: {  	_ =	shalt  }
0x49: {  	_ =	shalt  }
0x4a: {  	_ =	shalt  }
0x4b: {  	_ =	shalt  }
0x4c: {  	_ =	shalt  }
0x4d: {  	_ =	shalt  }
0x4e: {  	_ =	shalt  }
0x4f: {  	_ =	shalt  }
0x50: {  	_ =	shalt  }
0x51: {  	_ =	shalt  }
0x52: {  	_ =	shalt  }
0x53: {  	_ =	shalt  }
0x54: {  	_ =	shalt  }
0x55: {  	_ =	shalt  }
0x56: {  	_ =	shalt  }
0x57: {  	_ =	shalt  }
0x58: {  	_ =	shalt  }
0x59: {  	_ =	shalt  }
0x5a: {  	_ =	shalt  }
0x5b: {  	_ =	shalt  }
0x5c: {  	_ =	shalt  }
0x5d: {  	_ =	shalt  }
0x5e: {  	_ =	shalt  }
0x5f: {  	_ =	shalt  }
0x60: {  	_ =	shalt  }
0x61: {  	_ =	shalt  }
0x62: {  	_ =	shalt  }
0x63: {  	_ =	shalt  }
0x64: {  	_ =	shalt  }
0x65: {  	_ =	shalt  }
0x66: {  	_ =	shalt  }
0x67: {  	_ =	shalt  }
0x68: {  	_ =	shalt  }
0x69: {  	_ =	shalt  }
0x6a: {  	_ =	shalt  }
0x6b: {  	_ =	shalt  }
0x6c: {  	_ =	shalt  }
0x6d: {  	_ =	shalt  }
0x6e: {  	_ =	shalt  }
0x6f: {  	_ =	shalt  }
0x70: {  	_ =	shalt  }
0x71: {  	_ =	shalt  }
0x72: {  	_ =	shalt  }
0x73: {  	_ =	shalt  }
0x74: {  	_ =	shalt  }
0x75: {  	_ =	shalt  }
0x76: {  	_ =	shalt  }
0x77: {  	_ =	shalt  }
0x78: {  	_ =	shalt  }
0x79: {  	_ =	shalt  }
0x7a: {  	_ =	shalt  }
0x7b: {  	_ =	shalt  }
0x7c: {  	_ =	shalt  }
0x7d: {  	_ =	shalt  }
0x7e: {  	_ =	shalt  }
0x7f: {  	_ =	shalt  }
0x80: {  	_ =	shalt  }
0x81: {  	_ =	shalt  }
0x82: {  	_ =	shalt  }
0x83: {  	_ =	shalt  }
0x84: {  	_ =	shalt  }
0x85: {  	_ =	shalt  }
0x86: {  	_ =	shalt  }
0x87: {  	_ =	shalt  }
.Lfunc_end0:
.L_simem_size_0:
called_computation_lowered:
.L_overlay_start_0:
0x88: {  	s2 =	sld [smem:$0x3FD9]  }
0x89: {  	s3 =	sld [smem:$0x3FFE];
	_ =	sdelay $0x1  }
0x8a: {  	s1 =	srdreg.scid  }
0x8b: {  	s0 =	sand.u32 $0x1, s1  }
0x8c: {  	s14 =	sshll.u32 s0, $0xA;
	s2 =	sadd.s32 s3, s2  }
0x8d: {  	s2 =	sadd.s32 s2, s14  }
0x8e: {  	[smem:$0x3FBC] =	sst s2  }
0x8f: {  	_ = 	snop  }
0x90: {  	s2 =	sld [smem:$0x3FD0];
	_ =	sdelay $0x2  }
0x91: {  	s15 =	simm.s32 $0xA;
	s4 =	simm.s32 $0x10  }
0x92: {  	[smem:s4], [sflag:s15] =	dma.local [hbm:s2], $0x1  }
0x93: {  	_ =	swait.eq [sflag:s15], $0x1  }
0x94: {  	[sflag:s15] =	ssyncset.done $0x0  }
0x95: {  	[sflag:s15] =	ssyncadd.s32 $0xFFFFFFFF  }
0x96: {  	s16 =	sld [smem:$0x11];
	(tm) =	ssettm $0x1  }
0x97: {  	s17 =	sld [smem:$0x3FFB];
	_ =	sdelay $0x3  }
0x98: {  	_ =	strace s17  }
0x99: {  	s3 =	sld [smem:$0x3FFC];
	_ =	sdelay $0x3  }
0x9a: {  	_ =	strace s3  }
0x9b: {  	s3 =	sld [smem:$0x3FFD];
	_ =	sdelay $0x3  }
0x9c: {  	_ =	strace s3  }
0x9d: {  	_ =	strace $0x8FFFFFFF  }
0x9e: {  	s18 =	sld [smem:$0x3FDB];
	_ =	sdelay $0x1  }
0x9f: {  	s19 =	simm.s32 $_scs_section_size  }
0xa0: {  	s5 =	simm.s32 $_size__tile_overlayer_lowered;
	s6 =	simm.s32 $_tile_overlayer_lowered  }
0xa1: {  	s22 =	simm.s32 $0x1BFF;
	s21 =	sshll.u32 s6, $0x1;
	s3 =	sadd.s32 s19, s18  }
0xa2: {  	s7 =	simm.s32 $0x0;
	s20 =	sshll.u32 s5, $0x1;
	s5 =	sadd.s32 s21, s3  }
0xa3: {  	[timem:s7], [sflag:s22] =	dma.local [hbm:s5], s20  }
0xa4: {  	_ =	swait.ge [sflag:s22], s20  }
0xa5: {  	s4 =	ssub.s32 $0x0, s20;
	[sflag:s22] =	ssyncset.done $0x0  }
0xa6: {  	[sflag:s22] =	ssyncadd.s32 s4;
	_ =	sdelay $0x1  }
0xa7: {  	s23 =	simm.s32 $0x1B8B  }
0xa8: {  	_ =	swait.ge [sflag:s23], $0x1  }
0xa9: {  	[sflag:s23] =	ssyncset.done $0x0  }
0xaa: {  	s25 =	simm.s32 $0x1B8E;
	s24 =	sld [smem:$0x3FFE];
	[sflag:s23] =	ssyncadd.s32 $0xFFFFFFFF  }
0xab: {  	s26 =	simm.s32 $execute0_lowered;
	[smem:$0x3FD2] =	sst s25  }
0xac: {  	s5 =	sshll.u32 s26, $0x1;
	_ =	strace $0x80000046;
	[dreg:$0x1] =	wrdreg $0xFFFFFFFF  }
0xad: {  	s28 =	simm.s32 $_size_execute0_lowered;
	s3 =	sadd.s32 s3, s5;
	[dreg:$0x0] =	wrdreg $0x0  }
0xae: {  	s5 =	sshll.u32 s28, $0x1;
	[dreg:$0x2] =	wrdreg s3  }
0xaf: {  	[dreg:$0x3] =	wrdreg s5  }
0xb0: {  	[dreg:$0x4] =	wrdreg $0xC0  }
0xb1: {  	_ =	task [dreg:s7], $0x5FFFF  }
0xb2: {  	[dreg:$0x1] =	wrdreg $0xFFFFFFFF  }
0xb3: {  	[dreg:$0x0] =	wrdreg $0x60  }
0xb4: {  	[dreg:$0x2] =	wrdreg s16  }
0xb5: {  	[dreg:$0x3] =	wrdreg s24  }
0xb6: {  	[dreg:$0x4] =	wrdreg $0x11000  }
0xb7: {  	[dreg:$0x5] =	wrdreg $0x9  }
0xb8: {  	_ =	task.clear_ibuf [dreg:s7], $0x6FFFF;
	_ =	strace $0x90000046  }
0xb9: {  	s29 =	simm.s32 $0x9;
	_ =	strace $0x80000048  }
0xba: {  	_ =	swait.ge [sflag:s29], $0x1  }
0xbb: {  	[sflag:s29] =	ssyncadd.s32 $0xFFFFFFFF  }
0xbc: {  	_ =	strace $0x90000048  }
0xbd: {  	_ =	sfence  }
0xbe: {  	s30 =	sld [smem:$0x0];
	_ =	sdelay $0x2  }
0xbf: {  	s31 =	sshll.u32 s1, $0xD;
	s1 =	sshrl.u32 s1, $0x2  }
0xc0: {  	s3 =	sand.u32 $0x4000, s31;
	s1 =	sadd.s32 s1, s30  }
0xc1: {  	s0 =	sor.u32 s3, s0;
	s1 =	sshll.u32 s1, $0x11  }
0xc2: {  	s0 =	sor.u32 s1, s0  }
0xc3: {  	s0 =	sadd.s32 $0x8F2B, s0  }
0xc4: {  	[sflag:s0] =	ssyncadd.remote.s32 $0x1  }
0xc5: {  	_ =	sfence.sel $0xFFFF  }
0xc6: {  	[dreg:$0x0] =	wrdreg $0xFFFFFFFF;
	(pc) =	sbr.abs _section_cstart, $3  }
0xc7: {  	[dreg:$0x1] =	wrdreg $0xFFFFFFFF  }
0xc8: {  	_ =	task.clear_ibuf [dreg:s7], $0x2FFFF;
	_ =	strace $0x9FFFFFFF  }
0xc9: {  	(tm) =	ssettm $0x7FFFFFFF  }
tec
execute0_lowered:
.L_overlay_start_1:
0x0: {  	(tag) =	ssettag $0x1  }
0x1: {  	s17 =	rddreg [dreg:$0x0]  }
0x2: {  	s5 =	rddreg [dreg:$0x1]  }
0x3: {  	s1 =	rddreg [dreg:$0x2]  }
0x4: {  	s0 =	rddreg [dreg:$0x3]  }
0x5: {  	s3 =	simm.s32 $0x0;
	s4 =	srdreg.scid;
	s2 =	stileid.u32  }
0x6: {  	[smem:$0x7FF] =	sst s3;
	s13 =	sand.u32 $0x1, s4;
	s9 =	smul.u32 $0x280, s2  }
0x7: {  	s10 =	sadd.s32 $0x4C00, s5;
	s4 =	sadd.s32 $0x4A00, s5;
	s29 =	smul.u32 $0x4E80, s2  }
0x8: {  	s15 =	sadd.s32 $0x5200, s5;
	s5 =	sadd.s32 $0x4B00, s5;
	s18 =	smul.u32 $0x28000, s13  }
0x9: {  	_ =	strace $0x80000047;
	s6 =	ssub.s32 $0x2, s13;
	s28 =	smul.u32 $0x4E800, s13  }
0xa: {  	s7 =	sshrl.u32 s6, $0x1;
	s11 =	sadd.s32 $0x80, s9;
	s21 =	sshrl.u32 s9, $0x3  }
0xb: {  	s12 =	sadd.s32 $0x100, s9;
	s14 =	sadd.s32 $0x180, s9;
	s20 =	sadd.s32 $0x200, s9  }
0xc: {  	s16 =	ssub.s32 s6, s7;
	s22 =	sshrl.u32 s11, $0x3;
	s6 =	sadd.s32 s10, s21  }
0xd: {  	s8 =	sshrl.u32 s12, $0x3;
	s19 =	sshrl.u32 s14, $0x3;
	s21 =	smul.u32 $0x2800, s2  }
0xe: {  	s23 =	sshrl.u32 s20, $0x3;
	s11 =	sshll.u32 s11, $0x4;
	s14 =	sshll.u32 s14, $0x4  }
0xf: {  	s20 =	sshll.u32 s20, $0x4;
	s30 =	sadd.s32 s29, s28;
	s7 =	sadd.s32 s10, s22  }
0x10: {  	s8 =	sadd.s32 s10, s8;
	s9 =	sadd.s32 s10, s19;
	s10 =	sadd.s32 s10, s23  }
0x11: {  	s11 =	sadd.s32 s18, s11;
	s22 =	sshll.u32 s12, $0x4;
	s14 =	sadd.s32 s18, s14  }
0x12: {  	s16 =	smax.u32 s16, $0x1;
	s31 =	sshrl.u32 s30, $0x3;
	s24 =	sadd.s32 s21, s18  }
0x13: {  	s25 =	sshrl.u32 s11, $0x3;
	s26 =	sadd.s32 s18, s22;
	s14 =	sshrl.u32 s14, $0x3  }
0x14: {  	s18 =	sadd.s32 s18, s20;
	s17 =	sadd.s32 s31, s17;
	s20 =	simm.s32 $0x900  }
0x15: {  	s21 =	simm.s32 $0x80;
	s22 =	simm.s32 $0x0;
	s19 =	sshrl.u32 s24, $0x3  }
0x16: {  	s12 =	sadd.s32 s15, s25;
	s11 =	sadd.s32 s15, s19;
	s19 =	sshrl.u32 s26, $0x3  }
0x17: {  	s14 =	sadd.s32 s15, s14;
	s18 =	sshrl.u32 s18, $0x3;
	s13 =	sadd.s32 s15, s19  }
0x18: {  	s15 =	sadd.s32 s15, s18;
	s18 =	simm.s32 $0x100;
	s19 =	simm.s32 $0x1  }
.LBB2_1:
0x19: {  	[tilespmem:s18], [sflag:$0x1] =	stream.linear.gather [hbm4b:s4+s3], $0x800, $0x38;
	[tilespmem:$0x3900] =	vst v63  }
0x1a: {  	_ =	swait.ge [sflag:s19], $0x800  }
0x1b: {  	[sflag:s19] =	ssyncset.done $0x0  }
0x1c: {  	[sflag:s19] =	ssyncadd.s32 $0xFFFFF800  }
0x1d: {  	[tilespmem:s20], [sflag:$0x1] =	stream.linear.gather [hbm4b:s5+s3], $0x800, $0x38;
	[tilespmem:$0x3900] =	vst v63  }
0x1e: {  	_ =	swait.ge [sflag:s19], $0x800  }
0x1f: {  	[sflag:s19] =	ssyncset.done $0x0  }
0x20: {  	[sflag:s19] =	ssyncadd.s32 $0xFFFFF800  }
0x21: {  	[tilespmem:s21], [sflag:$0x1] =	stream.linear.gather [hbm4b:s6+s3], $0x80, $0x38;
	[tilespmem:$0x3900] =	vst v63  }
0x22: {  	_ =	swait.ge [sflag:s19], $0x80  }
0x23: {  	[sflag:s19] =	ssyncset.done $0x0  }
0x24: {  	[sflag:s19] =	ssyncadd.s32 $0xFFFFFF80  }
0x25: {  	[spmem:s1] =	stream.indirect.scatter [tilespmem:s20], [sflag:$0x1], $0x10, s21, s21, $0xb8;
	[tilespmem:$0x3900] =	vst v63  }
0x26: {  	_ =	swait.ge [sflag:s19], $0x800  }
0x27: {  	[sflag:s19] =	ssyncset.done $0x0  }
0x28: {  	[sflag:s19] =	ssyncadd.s32 $0xFFFFF800  }
0x29: {  	[tilespmem:s21], [sflag:$0x1] =	stream.linear.gather [hbm4b:s7+s3], $0x80, $0x38;
	[tilespmem:$0x3900] =	vst v63  }
0x2a: {  	_ =	swait.ge [sflag:s19], $0x80  }
0x2b: {  	[sflag:s19] =	ssyncset.done $0x0  }
0x2c: {  	[sflag:s19] =	ssyncadd.s32 $0xFFFFFF80  }
0x2d: {  	[spmem:s1] =	stream.indirect.scatter [tilespmem:s20], [sflag:$0x1], $0x10, s21, s21, $0xb8;
	[tilespmem:$0x3900] =	vst v63  }
0x2e: {  	_ =	swait.ge [sflag:s19], $0x800  }
0x2f: {  	[sflag:s19] =	ssyncset.done $0x0  }
0x30: {  	[sflag:s19] =	ssyncadd.s32 $0xFFFFF800  }
0x31: {  	[tilespmem:s21], [sflag:$0x1] =	stream.linear.gather [hbm4b:s8+s3], $0x80, $0x38;
	[tilespmem:$0x3900] =	vst v63  }
0x32: {  	_ =	swait.ge [sflag:s19], $0x80  }
0x33: {  	[sflag:s19] =	ssyncset.done $0x0  }
0x34: {  	[sflag:s19] =	ssyncadd.s32 $0xFFFFFF80  }
0x35: {  	[spmem:s1] =	stream.indirect.scatter [tilespmem:s20], [sflag:$0x1], $0x10, s21, s21, $0xb8;
	[tilespmem:$0x3900] =	vst v63  }
0x36: {  	_ =	swait.ge [sflag:s19], $0x800  }
0x37: {  	[sflag:s19] =	ssyncset.done $0x0  }
0x38: {  	[sflag:s19] =	ssyncadd.s32 $0xFFFFF800  }
0x39: {  	[tilespmem:s21], [sflag:$0x1] =	stream.linear.gather [hbm4b:s9+s3], $0x80, $0x38;
	[tilespmem:$0x3900] =	vst v63  }
0x3a: {  	_ =	swait.ge [sflag:s19], $0x80  }
0x3b: {  	[sflag:s19] =	ssyncset.done $0x0  }
0x3c: {  	[sflag:s19] =	ssyncadd.s32 $0xFFFFFF80  }
0x3d: {  	[spmem:s1] =	stream.indirect.scatter [tilespmem:s20], [sflag:$0x1], $0x10, s21, s21, $0xb8;
	[tilespmem:$0x3900] =	vst v63  }
0x3e: {  	_ =	swait.ge [sflag:s19], $0x800  }
0x3f: {  	[sflag:s19] =	ssyncset.done $0x0  }
0x40: {  	[sflag:s19] =	ssyncadd.s32 $0xFFFFF800  }
0x41: {  	[tilespmem:s21], [sflag:$0x1] =	stream.linear.gather [hbm4b:s10+s3], $0x80, $0x38;
	[tilespmem:$0x3900] =	vst v63  }
0x42: {  	_ =	swait.ge [sflag:s19], $0x80  }
0x43: {  	[sflag:s19] =	ssyncset.done $0x0  }
0x44: {  	[sflag:s19] =	ssyncadd.s32 $0xFFFFFF80  }
0x45: {  	[spmem:s1] =	stream.indirect.scatter [tilespmem:s20], [sflag:$0x1], $0x10, s21, s21, $0xb8;
	[tilespmem:$0x3900] =	vst v63  }
0x46: {  	_ =	swait.ge [sflag:s19], $0x800  }
0x47: {  	[sflag:s19] =	ssyncset.done $0x0  }
0x48: {  	[sflag:s19] =	ssyncadd.s32 $0xFFFFF800  }
0x49: {  	s23 =	sadd.s32 $0x0, s17;
	[bflag:$0x0] =	sbarrier.arrive $0xFFFF  }
0x4a: {  	[tilespmem:s3], [sflag:$0x1] =	stream.linear.gather [hbm4b:s23+s3], $0x80, $0x38;
	[tilespmem:$0x3900] =	vst v63  }
0x4b: {  	_ =	swait.ge [sflag:s19], $0x80  }
0x4c: {  	[sflag:s19] =	ssyncset.done $0x0  }
0x4d: {  	[sflag:s19] =	ssyncadd.s32 $0xFFFFFF80  }
0x4e: {  	[spmem:s1] =	stream.indirect.scatter.add.f32 [tilespmem:s18], [sflag:$0x1], $0x10, s3, s21, $0xb8;
	[tilespmem:$0x3900] =	vst v63  }
0x4f: {  	_ =	swait.ge [sflag:s19], $0x800  }
0x50: {  	s24 =	simm.s32 $0x20;
	s23 =	simm.s32 $0x10;
	[sflag:s19] =	ssyncset.done $0x0  }
.LBB2_2:
0x51: {  	s25 =	sadd.s32 s23, s17  }
0x52: {  	[sflag:s19] =	ssyncadd.s32 $0xFFFFF800;
	s23 =	smov.u32 s24;
	s26 =	sadd.s32 $0x10, s24  }
0x53: {  	[tilespmem:s3], [sflag:$0x1] =	stream.linear.gather [hbm4b:s25+s3], $0x80, $0x38;
	[tilespmem:$0x3900] =	vst v63  }
0x54: {  	p0 =	sne.s32 s24, $0x9C0;
	_ =	swait.ge [sflag:s19], $0x80  }
.Ltmp0:
0x55: {  	[sflag:s19] =	ssyncset.done $0x0;
	(pc) =	sbr.rel @p0 .LBB2_2-.Ltmp0, $4  }
0x56: {  	[sflag:s19] =	ssyncadd.s32 $0xFFFFFF80  }
0x57: {  	[spmem:s1] =	stream.indirect.scatter.add.f32 [tilespmem:s18], [sflag:$0x1], $0x10, s3, s21, $0xb8;
	[tilespmem:$0x3900] =	vst v63  }
0x58: {  	_ =	swait.ge [sflag:s19], $0x800  }
0x59: {  	s24 =	smov.u32 s26;
	[sflag:s19] =	ssyncset.done $0x0  }
0x5a: {  	s23 =	sadd.s32 s23, s17;
	[sflag:s19] =	ssyncadd.s32 $0xFFFFF800  }
0x5b: {  	[tilespmem:s3], [sflag:$0x1] =	stream.linear.gather [hbm4b:s23+s3], $0x80, $0x38;
	[tilespmem:$0x3900] =	vst v63  }
0x5c: {  	_ =	swait.ge [sflag:s19], $0x80  }
0x5d: {  	[sflag:s19] =	ssyncset.done $0x0  }
0x5e: {  	[sflag:s19] =	ssyncadd.s32 $0xFFFFFF80  }
0x5f: {  	[spmem:s1] =	stream.indirect.scatter.add.f32 [tilespmem:s18], [sflag:$0x1], $0x10, s3, s21, $0xb8;
	[tilespmem:$0x3900] =	vst v63  }
0x60: {  	_ =	swait.ge [sflag:s19], $0x800  }
0x61: {  	[sflag:s19] =	ssyncset.done $0x0  }
0x62: {  	[sflag:s19] =	ssyncadd.s32 $0xFFFFF800  }
0x63: {  	[bflag:$0x0] =	sbarrier.arrive $0xFFFF  }
0x64: {  	[tilespmem:s21], [sflag:$0x1] =	stream.linear.gather [hbm4b:s6+s3], $0x80, $0x38;
	[tilespmem:$0x3900] =	vst v63  }
0x65: {  	_ =	swait.ge [sflag:s19], $0x80  }
0x66: {  	[sflag:s19] =	ssyncset.done $0x0  }
0x67: {  	[sflag:s19] =	ssyncadd.s32 $0xFFFFFF80  }
0x68: {  	[tilespmem:s20], [sflag:$0x1] =	stream.indirect.gather [spmem:s1], $0x10, s21, s21, $0xb8;
	[tilespmem:$0x3900] =	vst v63  }
0x69: {  	_ =	swait.ge [sflag:s19], $0x800  }
0x6a: {  	[sflag:s19] =	ssyncset.done $0x0  }
0x6b: {  	[sflag:s19] =	ssyncadd.s32 $0xFFFFF800  }
0x6c: {  	[hbm4b:s11+s3] =	stream.linear.scatter [tilespmem:s20], [sflag:$0x1], $0x800, $0x38;
	[tilespmem:$0x3900] =	vst v63  }
0x6d: {  	_ =	swait.ge [sflag:s19], $0x800  }
0x6e: {  	[sflag:s19] =	ssyncset.done $0x0  }
0x6f: {  	[sflag:s19] =	ssyncadd.s32 $0xFFFFF800  }
0x70: {  	[tilespmem:s21], [sflag:$0x1] =	stream.linear.gather [hbm4b:s7+s3], $0x80, $0x38;
	[tilespmem:$0x3900] =	vst v63  }
0x71: {  	_ =	swait.ge [sflag:s19], $0x80  }
0x72: {  	[sflag:s19] =	ssyncset.done $0x0  }
0x73: {  	[sflag:s19] =	ssyncadd.s32 $0xFFFFFF80  }
0x74: {  	[tilespmem:s20], [sflag:$0x1] =	stream.indirect.gather [spmem:s1], $0x10, s21, s21, $0xb8;
	[tilespmem:$0x3900] =	vst v63  }
0x75: {  	_ =	swait.ge [sflag:s19], $0x800  }
0x76: {  	[sflag:s19] =	ssyncset.done $0x0  }
0x77: {  	[sflag:s19] =	ssyncadd.s32 $0xFFFFF800  }
0x78: {  	[hbm4b:s12+s3] =	stream.linear.scatter [tilespmem:s20], [sflag:$0x1], $0x800, $0x38;
	[tilespmem:$0x3900] =	vst v63  }
0x79: {  	_ =	swait.ge [sflag:s19], $0x800  }
0x7a: {  	[sflag:s19] =	ssyncset.done $0x0  }
0x7b: {  	[sflag:s19] =	ssyncadd.s32 $0xFFFFF800  }
0x7c: {  	[tilespmem:s21], [sflag:$0x1] =	stream.linear.gather [hbm4b:s8+s3], $0x80, $0x38;
	[tilespmem:$0x3900] =	vst v63  }
0x7d: {  	_ =	swait.ge [sflag:s19], $0x80  }
0x7e: {  	[sflag:s19] =	ssyncset.done $0x0  }
0x7f: {  	[sflag:s19] =	ssyncadd.s32 $0xFFFFFF80  }
0x80: {  	[tilespmem:s20], [sflag:$0x1] =	stream.indirect.gather [spmem:s1], $0x10, s21, s21, $0xb8;
	[tilespmem:$0x3900] =	vst v63  }
0x81: {  	_ =	swait.ge [sflag:s19], $0x800  }
0x82: {  	[sflag:s19] =	ssyncset.done $0x0  }
0x83: {  	[sflag:s19] =	ssyncadd.s32 $0xFFFFF800  }
0x84: {  	[hbm4b:s13+s3] =	stream.linear.scatter [tilespmem:s20], [sflag:$0x1], $0x800, $0x38;
	[tilespmem:$0x3900] =	vst v63  }
0x85: {  	_ =	swait.ge [sflag:s19], $0x800  }
0x86: {  	[sflag:s19] =	ssyncset.done $0x0  }
0x87: {  	[sflag:s19] =	ssyncadd.s32 $0xFFFFF800  }
0x88: {  	[tilespmem:s21], [sflag:$0x1] =	stream.linear.gather [hbm4b:s9+s3], $0x80, $0x38;
	[tilespmem:$0x3900] =	vst v63  }
0x89: {  	_ =	swait.ge [sflag:s19], $0x80  }
0x8a: {  	[sflag:s19] =	ssyncset.done $0x0  }
0x8b: {  	[sflag:s19] =	ssyncadd.s32 $0xFFFFFF80  }
0x8c: {  	[tilespmem:s20], [sflag:$0x1] =	stream.indirect.gather [spmem:s1], $0x10, s21, s21, $0xb8;
	[tilespmem:$0x3900] =	vst v63  }
0x8d: {  	_ =	swait.ge [sflag:s19], $0x800  }
0x8e: {  	[sflag:s19] =	ssyncset.done $0x0  }
0x8f: {  	[sflag:s19] =	ssyncadd.s32 $0xFFFFF800  }
0x90: {  	[hbm4b:s14+s3] =	stream.linear.scatter [tilespmem:s20], [sflag:$0x1], $0x800, $0x38;
	[tilespmem:$0x3900] =	vst v63  }
0x91: {  	_ =	swait.ge [sflag:s19], $0x800  }
0x92: {  	[sflag:s19] =	ssyncset.done $0x0  }
0x93: {  	[sflag:s19] =	ssyncadd.s32 $0xFFFFF800  }
0x94: {  	[tilespmem:s21], [sflag:$0x1] =	stream.linear.gather [hbm4b:s10+s3], $0x80, $0x38;
	[tilespmem:$0x3900] =	vst v63  }
0x95: {  	_ =	swait.ge [sflag:s19], $0x80  }
0x96: {  	[sflag:s19] =	ssyncset.done $0x0  }
0x97: {  	[sflag:s19] =	ssyncadd.s32 $0xFFFFFF80  }
0x98: {  	[tilespmem:s20], [sflag:$0x1] =	stream.indirect.gather [spmem:s1], $0x10, s21, s21, $0xb8;
	[tilespmem:$0x3900] =	vst v63  }
0x99: {  	s22 =	sadd.s32 $0x1, s22;
	_ =	swait.ge [sflag:s19], $0x800  }
0x9a: {  	p0 =	sne.s32 s22, s16;
	[sflag:s19] =	ssyncset.done $0x0  }
.Ltmp1:
0x9b: {  	[sflag:s19] =	ssyncadd.s32 $0xFFFFF800;
	(pc) =	sbr.rel @p0 .LBB2_1-.Ltmp1, $4  }
0x9c: {  	[hbm4b:s15+s3] =	stream.linear.scatter [tilespmem:s20], [sflag:$0x1], $0x800, $0x38;
	[tilespmem:$0x3900] =	vst v63  }
0x9d: {  	_ =	swait.ge [sflag:s19], $0x800  }
0x9e: {  	[sflag:s19] =	ssyncset.done $0x0  }
0x9f: {  	[sflag:s19] =	ssyncadd.s32 $0xFFFFF800  }
0xa0: {  	_ =	sfence.sel $0x180000  }
0xa1: {  	[bflag:$0x0] =	sbarrier.arrive $0xFFFF  }
0xa2: {  	p0 =	sne.s32 s2, $0x0;
	_ =	strace $0x90000047  }
0xa3: {  	s0 =	sadd.s32 @!p0 $0x100000, s0;
	[bflag:$0x2] =	sbarrier.arrive $0xFFFF  }
0xa4: {  	[sflag:s0] =	ssyncadd.tile.s32 @!p0 $0x1;
	_ =	shalt  }
.Lfunc_end2:
_tile_overlayer_lowered:
.L_overlay_start_2:
0xa5: {  	(tag) =	ssettag $0x2  }
0xa6: {  	s0 =	rddreg [dreg:$0x0];
	s2 =	stileid.u32  }
0xa7: {  	s1 =	rddreg [dreg:$0x1];
	p0 =	sne.s32 s2, $0x0  }
0xa8: {  	s3 =	rddreg [dreg:$0x2];
	[bflag:$0x3] =	sbarrier.arrive $0xFFFF;
	s2 =	simm.s32 @!p0 $0x1C01  }
0xa9: {  	[timem:s3], [sflag:s2] =	dma.local @!p0 [hbm:s0], s1  }
0xaa: {  	s0 =	simm.s32 @!p0 $0x1  }
0xab: {  	_ =	swait.ge @!p0 [sflag:s0], s1  }
0xac: {  	s1 =	ssub.s32 @!p0 $0x0, s1;
	[sflag:s0] =	ssyncset.done @!p0 $0x0  }
0xad: {  	[sflag:s0] =	ssyncadd.s32 @!p0 s1  }
0xae: {  	[bflag:$0x3] =	sbarrier.arrive $0xFFFF  }
0xaf: {  	_ =	shalt  }

// kernel: kernel.13.cloned.1.call-start
scs
__scs_entry_jumppad:
0x0: {  	(pc) =	sbr.rel $0x88, $3  }
0x1: {  	(tag) =	ssettag $0x0;
	lr =	simm.s32 $0x1  }
0x2: {  	[smem:$0x3F95] =	sst lr;
	_ =	strace $0xD0000000  }
0x3: {  	_ = 	snop  }
0x4: {  	_ = 	snop  }
0x5: {  	_ = 	snop  }
0x6: {  	_ = 	snop  }
0x7: {  	_ = 	snop  }
__scs_overlays_trampoline_lowered:
0x8: {  	[smem:$0x3FA4] =	sst s0  }
0x9: {  	[smem:$0x3FA5] =	sst s1  }
0xa: {  	[smem:$0x3FA6] =	sst s2  }
0xb: {  	[smem:$0x3FA7] =	sst s3  }
0xc: {  	[smem:$0x3FA8] =	sst s4  }
0xd: {  	[smem:$0x3FA9] =	sst s5  }
0xe: {  	[smem:$0x3FAA] =	sst s6  }
0xf: {  	[smem:$0x3FAB] =	sst s7  }
0x10: {  	[smem:$0x3FAC] =	sst s8  }
0x11: {  	[smem:$0x3FAD] =	sst s9;
	s0 =	simm.s32 @!p0 $0x0  }
0x12: {  	s1 =	sld [smem:$0x3F93];
	s0 =	simm.s32 @p0 $0x1  }
0x13: {  	[smem:$0x3FAE] =	sst s0;
	s0 =	simm.s32 @!p1 $0x0  }
0x14: {  	s2 =	sld [smem:$0x3F92];
	s0 =	simm.s32 @p1 $0x1  }
0x15: {  	[smem:$0x3FAF] =	sst s0;
	s0 =	simm.s32 @!p2 $0x0  }
0x16: {  	s3 =	sld [smem:$0x3FDB];
	s0 =	simm.s32 @p2 $0x1  }
0x17: {  	s4 =	simm.s32 $0x1BF5;
	[smem:$0x3FB1] =	sst s0  }
0x18: {  	s0 =	sld [smem:$0x3F94];
	_ =	swait.ge [sflag:s4], $0x0  }
0x19: {  	s7 =	sld [smem:$0x3F95]  }
0x1a: {  	s8 =	sadd.s32 $0xFFFFE003, lr  }
0x1b: {  	s9 =	sadd.s32 $0xFFFFFEF7, lr;
	s5 =	simm.s32 $0xFFFFFFFF;
	p2 =	slt.u32 s8, $0xFFFFF086  }
0x1c: {  	p1 =	slt.u32 s9, $0xF7A;
	s5 =	simm.s32 @!p2 $0x0  }
0x1d: {  	s5 =	simm.s32 @p1 $0x1;
	p0 =	seq.s32 s7, s2  }
0x1e: {  	s7 =	smul.u32 @!p0 $0xF7A, s2;
	p2 =	seq.s32 @!p0 s5, $0x0  }
0x1f: {  	s9 =	smul.u32 $0xF7A, s1;
	s8 =	simm.s32 @!p0 $0x1BF5;
	p2 =	por !p2, p0  }
0x20: {  	[sflag:s8] =	ssyncset.s32 @!p0 $0xFFFFF086;
	s6 =	sadd.s32 @!p0 s3, s7;
	s7 =	simm.s32 @!p0 $0x108  }
0x21: {  	s3 =	sadd.s32 s3, s9;
	s6 =	sadd.s32 @!p0 $0x88, s6;
	s7 =	simm.s32 @p2 $0x1082  }
0x22: {  	[simem:s7], [sflag:s8] =	dma.local @!p0 [hbm:s6], $0xF7A  }
0x23: {  	s9 =	sor.u32 $0xD0000000, s2;
	s6 =	simm.s32 $0x108;
	_ =	swait.ge @!p0 [sflag:s8], $0x0  }
0x24: {  	s3 =	sadd.s32 $0x88, s3;
	s6 =	simm.s32 @!p1 $0x1082;
	[sflag:s4] =	ssyncset.s32 $0xFFFFF086  }
0x25: {  	[simem:s6], [sflag:s4] =	dma.local [hbm:s3], $0xF7A  }
0x26: {  	[smem:$0x3F95] =	sst s1;
	(tag) =	ssettag s2;
	_ =	strace s9  }
0x27: {  	s1 =	sld [smem:$0x3FA5]  }
0x28: {  	s2 =	sld [smem:$0x3FA6]  }
0x29: {  	s4 =	sld [smem:$0x3FA8]  }
0x2a: {  	p0 =	seq.s32 s5, $0x0;
	s5 =	sld [smem:$0x3FA9]  }
0x2b: {  	s6 =	sld [smem:$0x3FAA]  }
0x2c: {  	s7 =	sld [smem:$0x3FAB]  }
0x2d: {  	s3 =	simm.s32 $0x108;
	s8 =	sld [smem:$0x3FAC]  }
0x2e: {  	s3 =	simm.s32 @!p0 $0x1082;
	s9 =	sld [smem:$0x3FAD]  }
0x2f: {  	lr =	sadd.s32 s0, s3;
	s0 =	sld [smem:$0x3FA4]  }
0x30: {  	s3 =	sld [smem:$0x3FA7]  }
0x31: {  	[smem:$0x3FB0] =	sst s10  }
0x32: {  	s10 =	sld [smem:$0x3FAE];
	_ =	sdelay $0x3  }
0x33: {  	p0 =	seq.s32 s10, $0x1;
	s10 =	sld [smem:$0x3FB0];
	_ =	sdelay $0x3  }
0x34: {  	[smem:$0x3FB0] =	sst s10  }
0x35: {  	s10 =	sld [smem:$0x3FAF];
	_ =	sdelay $0x3  }
0x36: {  	p1 =	seq.s32 s10, $0x1;
	s10 =	sld [smem:$0x3FB0];
	_ =	sdelay $0x3  }
0x37: {  	[smem:$0x3FB0] =	sst s10  }
0x38: {  	s10 =	sld [smem:$0x3FB1]  }
0x39: {  	_ = 	snop;
	(pc) =	sbr.ind lr, $3  }
0x3a: {  	_ = 	snop  }
0x3b: {  	_ = 	snop  }
0x3c: {  	p2 =	seq.s32 s10, $0x1;
	s10 =	sld [smem:$0x3FB0]  }
0x3d: {  	_ =	shalt  }
0x3e: {  	_ =	shalt  }
0x3f: {  	_ =	shalt  }
0x40: {  	_ =	shalt  }
0x41: {  	_ =	shalt  }
0x42: {  	_ =	shalt  }
0x43: {  	_ =	shalt  }
0x44: {  	_ =	shalt  }
0x45: {  	_ =	shalt  }
0x46: {  	_ =	shalt  }
0x47: {  	_ =	shalt  }
0x48: {  	_ =	shalt  }
0x49: {  	_ =	shalt  }
0x4a: {  	_ =	shalt  }
0x4b: {  	_ =	shalt  }
0x4c: {  	_ =	shalt  }
0x4d: {  	_ =	shalt  }
0x4e: {  	_ =	shalt  }
0x4f: {  	_ =	shalt  }
0x50: {  	_ =	shalt  }
0x51: {  	_ =	shalt  }
0x52: {  	_ =	shalt  }
0x53: {  	_ =	shalt  }
0x54: {  	_ =	shalt  }
0x55: {  	_ =	shalt  }
0x56: {  	_ =	shalt  }
0x57: {  	_ =	shalt  }
0x58: {  	_ =	shalt  }
0x59: {  	_ =	shalt  }
0x5a: {  	_ =	shalt  }
0x5b: {  	_ =	shalt  }
0x5c: {  	_ =	shalt  }
0x5d: {  	_ =	shalt  }
0x5e: {  	_ =	shalt  }
0x5f: {  	_ =	shalt  }
0x60: {  	_ =	shalt  }
0x61: {  	_ =	shalt  }
0x62: {  	_ =	shalt  }
0x63: {  	_ =	shalt  }
0x64: {  	_ =	shalt  }
0x65: {  	_ =	shalt  }
0x66: {  	_ =	shalt  }
0x67: {  	_ =	shalt  }
0x68: {  	_ =	shalt  }
0x69: {  	_ =	shalt  }
0x6a: {  	_ =	shalt  }
0x6b: {  	_ =	shalt  }
0x6c: {  	_ =	shalt  }
0x6d: {  	_ =	shalt  }
0x6e: {  	_ =	shalt  }
0x6f: {  	_ =	shalt  }
0x70: {  	_ =	shalt  }
0x71: {  	_ =	shalt  }
0x72: {  	_ =	shalt  }
0x73: {  	_ =	shalt  }
0x74: {  	_ =	shalt  }
0x75: {  	_ =	shalt  }
0x76: {  	_ =	shalt  }
0x77: {  	_ =	shalt  }
0x78: {  	_ =	shalt  }
0x79: {  	_ =	shalt  }
0x7a: {  	_ =	shalt  }
0x7b: {  	_ =	shalt  }
0x7c: {  	_ =	shalt  }
0x7d: {  	_ =	shalt  }
0x7e: {  	_ =	shalt  }
0x7f: {  	_ =	shalt  }
0x80: {  	_ =	shalt  }
0x81: {  	_ =	shalt  }
0x82: {  	_ =	shalt  }
0x83: {  	_ =	shalt  }
0x84: {  	_ =	shalt  }
0x85: {  	_ =	shalt  }
0x86: {  	_ =	shalt  }
0x87: {  	_ =	shalt  }
.Lfunc_end0:
.L_simem_size_0:
called_computation.1_lowered:
.L_overlay_start_0:
0x88: {  	s2 =	sld [smem:$0x3FD9]  }
0x89: {  	s3 =	sld [smem:$0x3FFE];
	_ =	sdelay $0x1  }
0x8a: {  	s1 =	srdreg.scid  }
0x8b: {  	s0 =	sand.u32 $0x1, s1  }
0x8c: {  	s14 =	sshll.u32 s0, $0xA;
	s2 =	sadd.s32 s3, s2  }
0x8d: {  	s2 =	sadd.s32 s2, s14  }
0x8e: {  	[smem:$0x3FBC] =	sst s2  }
0x8f: {  	_ = 	snop  }
0x90: {  	s2 =	sld [smem:$0x3FD0];
	_ =	sdelay $0x2  }
0x91: {  	s15 =	simm.s32 $0xA;
	s4 =	simm.s32 $0x10  }
0x92: {  	[smem:s4], [sflag:s15] =	dma.local [hbm:s2], $0x1  }
0x93: {  	_ =	swait.eq [sflag:s15], $0x1  }
0x94: {  	[sflag:s15] =	ssyncset.done $0x0  }
0x95: {  	s16 =	sld [smem:$0x10];
	[sflag:s15] =	ssyncadd.s32 $0xFFFFFFFF  }
0x96: {  	s17 =	sld [smem:$0x11];
	(tm) =	ssettm $0x1  }
0x97: {  	s18 =	sld [smem:$0x3FFB];
	_ =	sdelay $0x3  }
0x98: {  	_ =	strace s18  }
0x99: {  	s4 =	sld [smem:$0x3FFC];
	_ =	sdelay $0x3  }
0x9a: {  	_ =	strace s4  }
0x9b: {  	s4 =	sld [smem:$0x3FFD];
	_ =	sdelay $0x3  }
0x9c: {  	_ =	strace s4  }
0x9d: {  	_ =	strace $0x8FFFFFFF  }
0x9e: {  	s19 =	sld [smem:$0x3FDB];
	_ =	sdelay $0x1  }
0x9f: {  	s5 =	simm.s32 $_scs_section_size  }
0xa0: {  	s6 =	simm.s32 $_size__tile_overlayer_lowered;
	s7 =	simm.s32 $_tile_overlayer_lowered  }
0xa1: {  	s22 =	simm.s32 $0x1BFF;
	s21 =	sshll.u32 s7, $0x1;
	s4 =	sadd.s32 s5, s19  }
0xa2: {  	s8 =	simm.s32 $0x0;
	s20 =	sshll.u32 s6, $0x1;
	s6 =	sadd.s32 s21, s4  }
0xa3: {  	[timem:s8], [sflag:s22] =	dma.local [hbm:s6], s20  }
0xa4: {  	_ =	swait.ge [sflag:s22], s20  }
0xa5: {  	s5 =	ssub.s32 $0x0, s20;
	[sflag:s22] =	ssyncset.done $0x0  }
0xa6: {  	[sflag:s22] =	ssyncadd.s32 s5;
	_ =	sdelay $0x1  }
0xa7: {  	s23 =	simm.s32 $0x1B8B  }
0xa8: {  	_ =	swait.ge [sflag:s23], $0x1  }
0xa9: {  	[sflag:s23] =	ssyncset.done $0x0  }
0xaa: {  	s25 =	simm.s32 $0x1B8E;
	s24 =	sld [smem:$0x3FFE];
	[sflag:s23] =	ssyncadd.s32 $0xFFFFFFFF  }
0xab: {  	s26 =	simm.s32 $execute0_lowered;
	[smem:$0x3FD2] =	sst s25  }
0xac: {  	s6 =	sshll.u32 s26, $0x1;
	_ =	strace $0x80000049;
	[dreg:$0x1] =	wrdreg $0xFFFFFFFF  }
0xad: {  	s28 =	simm.s32 $_size_execute0_lowered;
	s4 =	sadd.s32 s4, s6;
	[dreg:$0x0] =	wrdreg $0x0  }
0xae: {  	s6 =	sshll.u32 s28, $0x1;
	[dreg:$0x2] =	wrdreg s4  }
0xaf: {  	[dreg:$0x3] =	wrdreg s6  }
0xb0: {  	[dreg:$0x4] =	wrdreg $0xC0  }
0xb1: {  	_ =	task [dreg:s8], $0x5FFFF  }
0xb2: {  	[dreg:$0x1] =	wrdreg $0xFFFFFFFF  }
0xb3: {  	[dreg:$0x0] =	wrdreg $0x60  }
0xb4: {  	[dreg:$0x2] =	wrdreg s24  }
0xb5: {  	[dreg:$0x3] =	wrdreg s16  }
0xb6: {  	[dreg:$0x4] =	wrdreg s17  }
0xb7: {  	[dreg:$0x5] =	wrdreg $0x82800  }
0xb8: {  	[dreg:$0x6] =	wrdreg $0x9  }
0xb9: {  	_ =	task.clear_ibuf [dreg:s8], $0x7FFFF;
	_ =	strace $0x90000049  }
0xba: {  	s29 =	simm.s32 $0x9;
	_ =	strace $0x8000004B  }
0xbb: {  	_ =	swait.ge [sflag:s29], $0x1  }
0xbc: {  	[sflag:s29] =	ssyncadd.s32 $0xFFFFFFFF  }
0xbd: {  	_ =	strace $0x9000004B  }
0xbe: {  	_ =	sfence  }
0xbf: {  	s30 =	sld [smem:$0x0];
	_ =	sdelay $0x2  }
0xc0: {  	s31 =	sshll.u32 s1, $0xD;
	s1 =	sshrl.u32 s1, $0x2  }
0xc1: {  	s3 =	sand.u32 $0x4000, s31;
	s1 =	sadd.s32 s1, s30  }
0xc2: {  	s0 =	sor.u32 s3, s0;
	s1 =	sshll.u32 s1, $0x11  }
0xc3: {  	s0 =	sor.u32 s1, s0  }
0xc4: {  	s0 =	sadd.s32 $0x8F2B, s0  }
0xc5: {  	[sflag:s0] =	ssyncadd.remote.s32 $0x1  }
0xc6: {  	_ =	sfence.sel $0xFFFF  }
0xc7: {  	[dreg:$0x0] =	wrdreg $0xFFFFFFFF;
	(pc) =	sbr.abs _section_cstart, $3  }
0xc8: {  	[dreg:$0x1] =	wrdreg $0xFFFFFFFF  }
0xc9: {  	_ =	task.clear_ibuf [dreg:s8], $0x2FFFF;
	_ =	strace $0x9FFFFFFF  }
0xca: {  	(tm) =	ssettm $0x7FFFFFFF  }
0xcb: {  	_ =	shalt  }
tec
execute0_lowered:
.L_overlay_start_1:
0x0: {  	(tag) =	ssettag $0x1  }
0x1: {  	s1 =	rddreg [dreg:$0x0]  }
0x2: {  	s0 =	rddreg [dreg:$0x1]  }
0x3: {  	s2 =	rddreg [dreg:$0x3];
	s4 =	simm.s32 $0x0;
	s3 =	srdreg.scid  }
0x4: {  	s22 =	stileid.u32;
	s28 =	simm.s32 $0x200;
	s29 =	simm.s32 $0x80  }
0x5: {  	s30 =	simm.s32 $0x100;
	s31 =	simm.s32 $0x180;
	[smem:$0x7FF] =	sst s4  }
0x6: {  	s5 =	sadd.s32 $0x19200, s1;
	s3 =	sand.u32 $0x1, s3;
	s9 =	smul.u32 $0x280, s22  }
0x7: {  	s11 =	sadd.s32 $0xF200, s1;
	s10 =	sadd.s32 $0x4C00, s1;
	s23 =	smul.u32 $0x14000, s22  }
0x8: {  	s1 =	sadd.s32 $0x41200, s1;
	_ =	strace $0x8000004A;
	s19 =	smul.u32 $0x140000, s3  }
0x9: {  	s6 =	ssub.s32 $0x2, s3;
	s21 =	sshll.u32 s3, $0x4;
	s3 =	smul.u32 $0x28000, s3  }
0xa: {  	s7 =	sshrl.u32 s6, $0x1;
	s8 =	sshrl.u32 s9, $0x3;
	s13 =	sadd.s32 $0x80, s9  }
0xb: {  	s14 =	sadd.s32 $0x100, s9;
	s16 =	sor.u32 s22, s21;
	s18 =	sadd.s32 $0x200, s9  }
0xc: {  	s12 =	ssub.s32 s6, s7;
	s6 =	sadd.s32 s10, s8;
	s20 =	sshrl.u32 s13, $0x3  }
0xd: {  	s15 =	sshrl.u32 s14, $0x3;
	s16 =	smul.u32 $0x2800, s16;
	s13 =	sshll.u32 s13, $0x7  }
0xe: {  	s14 =	sshll.u32 s14, $0x7;
	s7 =	sadd.s32 s10, s20;
	s8 =	sadd.s32 s10, s15  }
0xf: {  	s15 =	sadd.s32 $0x180, s9;
	s20 =	sshrl.u32 s18, $0x3;
	s13 =	sadd.s32 s19, s13  }
0x10: {  	s14 =	sadd.s32 s19, s14;
	s17 =	sshrl.u32 s15, $0x3;
	s21 =	sshrl.u32 s16, $0x3  }
0x11: {  	s16 =	sadd.s32 s23, s19;
	s13 =	sshrl.u32 s13, $0x3;
	s26 =	sshrl.u32 s14, $0x3  }
0x12: {  	s9 =	sadd.s32 s10, s17;
	s10 =	sadd.s32 s10, s20;
	s24 =	sadd.s32 s0, s21  }
0x13: {  	s25 =	sadd.s32 s11, s21;
	s16 =	sshrl.u32 s16, $0x3;
	[dreg:$0x5] =	wrdreg s24  }
0x14: {  	s13 =	sadd.s32 s1, s13;
	s17 =	sshll.u32 s18, $0x7;
	[dreg:$0x6] =	wrdreg s25  }
0x15: {  	s23 =	sadd.s32 $0x4F0, s21;
	s16 =	sadd.s32 s1, s16;
	[dreg:$0x8] =	wrdreg s13  }
0x16: {  	s13 =	sadd.s32 s1, s26;
	[dreg:$0x7] =	wrdreg s16;
	s16 =	sshll.u32 s15, $0x7  }
0x17: {  	s18 =	sadd.s32 s19, s17;
	[dreg:$0x9] =	wrdreg s13;
	s14 =	sadd.s32 s19, s16  }
0x18: {  	s19 =	smul.u32 $0x2800, s22;
	s22 =	sshrl.u32 s18, $0x3;
	s14 =	sshrl.u32 s14, $0x3  }
0x19: {  	s18 =	smax.u32 s12, $0x1;
	s17 =	sadd.s32 s1, s22;
	s20 =	sadd.s32 s1, s14  }
0x1a: {  	s3 =	sadd.s32 s19, s3;
	s19 =	sadd.s32 s0, s23;
	s1 =	simm.s32 $0x2  }
0x1b: {  	[dreg:$0xa] =	wrdreg s20;
	s24 =	sor.u32 $0x100, s3;
	s3 =	sor.u32 $0x80, s3  }
0x1c: {  	s20 =	sadd.s32 s11, s23;
	s25 =	sshrl.u32 s24, $0x3;
	s26 =	sshrl.u32 s3, $0x3  }
0x1d: {  	s3 =	simm.s32 $0x1;
	s21 =	sadd.s32 s25, s11;
	s22 =	sadd.s32 s25, s0  }
0x1e: {  	s23 =	sadd.s32 s26, s11;
	s24 =	sadd.s32 s26, s0;
	s25 =	simm.s32 $0x280  }
0x1f: {  	s26 =	simm.s32 $0x3;
	s0 =	simm.s32 $0x4280;
	s11 =	simm.s32 $0x0  }
.LBB2_1:
0x20: {  	s12 =	rddreg [dreg:$0x2]  }
0x21: {  	[tilespmem:s25], [sflag:$0x3] =	stream.linear.gather [hbm4b:s12+s4], $0x4000, $0x38;
	[tilespmem:$0x1C280] =	vst v63  }
0x22: {  	_ =	swait.ge [sflag:s26], $0x4000  }
0x23: {  	[sflag:s26] =	ssyncset.done $0x0  }
0x24: {  	[sflag:s26] =	ssyncadd.s32 $0xFFFFC000  }
0x25: {  	[tilespmem:s28], [sflag:$0x3] =	stream.linear.gather [hbm4b:s6+s4], $0x80, $0x38;
	[tilespmem:$0x1C280] =	vst v63  }
0x26: {  	_ =	swait.ge [sflag:s26], $0x80  }
0x27: {  	[sflag:s26] =	ssyncset.done $0x0  }
0x28: {  	[sflag:s26] =	ssyncadd.s32 $0xFFFFFF80  }
0x29: {  	[spmem:s2] =	stream.indirect.scatter [tilespmem:s25], [sflag:$0x3], $0x80, s28, s29, $0xb8;
	[tilespmem:$0x1C280] =	vst v63  }
0x2a: {  	_ =	swait.ge [sflag:s26], $0x4000  }
0x2b: {  	[sflag:s26] =	ssyncset.done $0x0  }
0x2c: {  	[sflag:s26] =	ssyncadd.s32 $0xFFFFC000  }
0x2d: {  	[tilespmem:s28], [sflag:$0x3] =	stream.linear.gather [hbm4b:s7+s4], $0x80, $0x38;
	[tilespmem:$0x1C280] =	vst v63  }
0x2e: {  	_ =	swait.ge [sflag:s26], $0x80  }
0x2f: {  	[sflag:s26] =	ssyncset.done $0x0  }
0x30: {  	[sflag:s26] =	ssyncadd.s32 $0xFFFFFF80  }
0x31: {  	[spmem:s2] =	stream.indirect.scatter [tilespmem:s25], [sflag:$0x3], $0x80, s28, s29, $0xb8;
	[tilespmem:$0x1C280] =	vst v63  }
0x32: {  	_ =	swait.ge [sflag:s26], $0x4000  }
0x33: {  	[sflag:s26] =	ssyncset.done $0x0  }
0x34: {  	[sflag:s26] =	ssyncadd.s32 $0xFFFFC000  }
0x35: {  	[tilespmem:s28], [sflag:$0x3] =	stream.linear.gather [hbm4b:s8+s4], $0x80, $0x38;
	[tilespmem:$0x1C280] =	vst v63  }
0x36: {  	_ =	swait.ge [sflag:s26], $0x80  }
0x37: {  	[sflag:s26] =	ssyncset.done $0x0  }
0x38: {  	[sflag:s26] =	ssyncadd.s32 $0xFFFFFF80  }
0x39: {  	[spmem:s2] =	stream.indirect.scatter [tilespmem:s25], [sflag:$0x3], $0x80, s28, s29, $0xb8;
	[tilespmem:$0x1C280] =	vst v63  }
0x3a: {  	_ =	swait.ge [sflag:s26], $0x4000  }
0x3b: {  	[sflag:s26] =	ssyncset.done $0x0  }
0x3c: {  	[sflag:s26] =	ssyncadd.s32 $0xFFFFC000  }
0x3d: {  	[tilespmem:s28], [sflag:$0x3] =	stream.linear.gather [hbm4b:s9+s4], $0x80, $0x38;
	[tilespmem:$0x1C280] =	vst v63  }
0x3e: {  	_ =	swait.ge [sflag:s26], $0x80  }
0x3f: {  	[sflag:s26] =	ssyncset.done $0x0  }
0x40: {  	[sflag:s26] =	ssyncadd.s32 $0xFFFFFF80  }
0x41: {  	[spmem:s2] =	stream.indirect.scatter [tilespmem:s25], [sflag:$0x3], $0x80, s28, s29, $0xb8;
	[tilespmem:$0x1C280] =	vst v63  }
0x42: {  	_ =	swait.ge [sflag:s26], $0x4000  }
0x43: {  	[sflag:s26] =	ssyncset.done $0x0  }
0x44: {  	[sflag:s26] =	ssyncadd.s32 $0xFFFFC000  }
0x45: {  	[tilespmem:s28], [sflag:$0x3] =	stream.linear.gather [hbm4b:s10+s4], $0x80, $0x38;
	[tilespmem:$0x1C280] =	vst v63  }
0x46: {  	_ =	swait.ge [sflag:s26], $0x80  }
0x47: {  	[sflag:s26] =	ssyncset.done $0x0  }
0x48: {  	[sflag:s26] =	ssyncadd.s32 $0xFFFFFF80  }
0x49: {  	[spmem:s2] =	stream.indirect.scatter [tilespmem:s25], [sflag:$0x3], $0x80, s28, s29, $0xb8;
	[tilespmem:$0x1C280] =	vst v63  }
0x4a: {  	_ =	swait.ge [sflag:s26], $0x4000  }
0x4b: {  	[sflag:s26] =	ssyncset.done $0x0  }
0x4c: {  	[sflag:s26] =	ssyncadd.s32 $0xFFFFC000  }
0x4d: {  	[bflag:$0x0] =	sbarrier.arrive $0xFFFF  }
0x4e: {  	s15 =	rddreg [dreg:$0x5]  }
0x4f: {  	[tilespmem:s4], [sflag:$0x3] =	stream.linear.gather [hbm4b:s15+s4], $0x80, $0x38;
	[tilespmem:$0x1C280] =	vst v63  }
0x50: {  	_ =	swait.ge [sflag:s26], $0x80  }
0x51: {  	[sflag:s26] =	ssyncset.done $0x0  }
0x52: {  	s16 =	rddreg [dreg:$0x6];
	[sflag:s26] =	ssyncadd.s32 $0xFFFFFF80  }
0x53: {  	[tilespmem:s30], [sflag:$0x3] =	stream.linear.gather [hbm4b:s16+s4], $0x80, $0x38;
	[tilespmem:$0x1C280] =	vst v63  }
0x54: {  	_ =	swait.ge [sflag:s26], $0x80  }
0x55: {  	[sflag:s26] =	ssyncset.done $0x0  }
0x56: {  	[sflag:s26] =	ssyncadd.s32 $0xFFFFFF80  }
0x57: {  	[tilespmem:s25], [sflag:$0x1] =	stream.indirect.gather [hbm4b:s5+s29], $0x80, s4, s29, $0xb8;
	[tilespmem:$0x1C280] =	vst v63  }
0x58: {  	s13 =	sadd.s32 $0x0, s24  }
0x59: {  	[tilespmem:s29], [sflag:$0x3] =	stream.linear.gather [hbm4b:s13+s4], $0x80, $0x38;
	[tilespmem:$0x1C280] =	vst v63  }
0x5a: {  	_ =	swait.ge [sflag:s26], $0x80  }
0x5b: {  	[sflag:s26] =	ssyncset.done $0x0  }
0x5c: {  	s14 =	sadd.s32 $0x0, s23;
	[sflag:s26] =	ssyncadd.s32 $0xFFFFFF80  }
0x5d: {  	[tilespmem:s31], [sflag:$0x3] =	stream.linear.gather [hbm4b:s14+s4], $0x80, $0x38;
	[tilespmem:$0x1C280] =	vst v63  }
0x5e: {  	_ =	swait.ge [sflag:s26], $0x80  }
0x5f: {  	[sflag:s26] =	ssyncset.done $0x0  }
0x60: {  	[sflag:s26] =	ssyncadd.s32 $0xFFFFFF80  }
0x61: {  	[tilespmem:s0], [sflag:$0x2] =	stream.indirect.gather [hbm4b:s5+s29], $0x80, s29, s29, $0xb8;
	[tilespmem:$0x1C280] =	vst v63  }
0x62: {  	_ =	swait.ge [sflag:s3], $0x4000  }
0x63: {  	[sflag:s3] =	ssyncset.done $0x0  }
0x64: {  	[sflag:s3] =	ssyncadd.s32 $0xFFFFC000  }
0x65: {  	[spmem:s2] =	stream.indirect.scatter.add.f32 [tilespmem:s25], [sflag:$0x3], $0x80, s30, s29, $0xb8;
	[tilespmem:$0x1C280] =	vst v63  }
0x66: {  	_ =	swait.ge [sflag:s26], $0x4000  }
0x67: {  	[sflag:s26] =	ssyncset.done $0x0  }
0x68: {  	s15 =	sadd.s32 $0x0, s22;
	[sflag:s26] =	ssyncadd.s32 $0xFFFFC000  }
0x69: {  	[tilespmem:s4], [sflag:$0x3] =	stream.linear.gather [hbm4b:s15+s4], $0x80, $0x38;
	[tilespmem:$0x1C280] =	vst v63  }
0x6a: {  	_ =	swait.ge [sflag:s26], $0x80  }
0x6b: {  	[sflag:s26] =	ssyncset.done $0x0  }
0x6c: {  	s16 =	sadd.s32 $0x0, s21;
	[sflag:s26] =	ssyncadd.s32 $0xFFFFFF80  }
0x6d: {  	[tilespmem:s30], [sflag:$0x3] =	stream.linear.gather [hbm4b:s16+s4], $0x80, $0x38;
	[tilespmem:$0x1C280] =	vst v63  }
0x6e: {  	_ =	swait.ge [sflag:s26], $0x80  }
0x6f: {  	[sflag:s26] =	ssyncset.done $0x0  }
0x70: {  	[sflag:s26] =	ssyncadd.s32 $0xFFFFFF80  }
0x71: {  	[tilespmem:s25], [sflag:$0x1] =	stream.indirect.gather [hbm4b:s5+s29], $0x80, s4, s29, $0xb8;
	[tilespmem:$0x1C280] =	vst v63  }
0x72: {  	_ =	swait.ge [sflag:s1], $0x4000  }
0x73: {  	[sflag:s1] =	ssyncset.done $0x0  }
0x74: {  	[sflag:s1] =	ssyncadd.s32 $0xFFFFC000  }
0x75: {  	[spmem:s2] =	stream.indirect.scatter.add.f32 [tilespmem:s0], [sflag:$0x3], $0x80, s31, s29, $0xb8;
	[tilespmem:$0x1C280] =	vst v63  }
0x76: {  	_ =	swait.ge [sflag:s26], $0x4000  }
0x77: {  	s12 =	simm.s32 $0x20;
	s13 =	simm.s32 $0x40;
	[sflag:s26] =	ssyncset.done $0x0  }
.LBB2_2:
0x78: {  	s15 =	sadd.s32 s12, s24  }
0x79: {  	[sflag:s26] =	ssyncadd.s32 $0xFFFFC000;
	s16 =	smov.u32 s13;
	s14 =	sadd.s32 $0x20, s13  }
0x7a: {  	[tilespmem:s29], [sflag:$0x3] =	stream.linear.gather [hbm4b:s15+s4], $0x80, $0x38;
	[tilespmem:$0x1C280] =	vst v63  }
0x7b: {  	p0 =	sne.s32 s13, $0x4C0;
	_ =	swait.ge [sflag:s26], $0x80  }
0x7c: {  	[sflag:s26] =	ssyncset.done $0x0  }
0x7d: {  	s13 =	sadd.s32 s12, s23;
	[sflag:s26] =	ssyncadd.s32 $0xFFFFFF80  }
0x7e: {  	[tilespmem:s31], [sflag:$0x3] =	stream.linear.gather [hbm4b:s13+s4], $0x80, $0x38;
	[tilespmem:$0x1C280] =	vst v63  }
0x7f: {  	_ =	swait.ge [sflag:s26], $0x80  }
0x80: {  	[sflag:s26] =	ssyncset.done $0x0  }
0x81: {  	[sflag:s26] =	ssyncadd.s32 $0xFFFFFF80  }
0x82: {  	[tilespmem:s0], [sflag:$0x2] =	stream.indirect.gather [hbm4b:s5+s29], $0x80, s29, s29, $0xb8;
	[tilespmem:$0x1C280] =	vst v63  }
0x83: {  	_ =	swait.ge [sflag:s3], $0x4000  }
0x84: {  	[sflag:s3] =	ssyncset.done $0x0  }
0x85: {  	[sflag:s3] =	ssyncadd.s32 $0xFFFFC000  }
0x86: {  	[spmem:s2] =	stream.indirect.scatter.add.f32 [tilespmem:s25], [sflag:$0x3], $0x80, s30, s29, $0xb8;
	[tilespmem:$0x1C280] =	vst v63  }
0x87: {  	_ =	swait.ge [sflag:s26], $0x4000  }
0x88: {  	[sflag:s26] =	ssyncset.done $0x0  }
0x89: {  	s13 =	sadd.s32 s12, s22;
	[sflag:s26] =	ssyncadd.s32 $0xFFFFC000  }
0x8a: {  	[tilespmem:s4], [sflag:$0x3] =	stream.linear.gather [hbm4b:s13+s4], $0x80, $0x38;
	[tilespmem:$0x1C280] =	vst v63  }
0x8b: {  	_ =	swait.ge [sflag:s26], $0x80  }
0x8c: {  	[sflag:s26] =	ssyncset.done $0x0  }
0x8d: {  	s13 =	sadd.s32 s12, s21;
	s12 =	smov.u32 s16;
	[sflag:s26] =	ssyncadd.s32 $0xFFFFFF80  }
0x8e: {  	[tilespmem:s30], [sflag:$0x3] =	stream.linear.gather [hbm4b:s13+s4], $0x80, $0x38;
	[tilespmem:$0x1C280] =	vst v63  }
0x8f: {  	_ =	swait.ge [sflag:s26], $0x80  }
0x90: {  	[sflag:s26] =	ssyncset.done $0x0  }
0x91: {  	[sflag:s26] =	ssyncadd.s32 $0xFFFFFF80  }
0x92: {  	[tilespmem:s25], [sflag:$0x1] =	stream.indirect.gather [hbm4b:s5+s29], $0x80, s4, s29, $0xb8;
	[tilespmem:$0x1C280] =	vst v63  }
0x93: {  	_ =	swait.ge [sflag:s1], $0x4000  }
.Ltmp0:
0x94: {  	[sflag:s1] =	ssyncset.done $0x0;
	(pc) =	sbr.rel @p0 .LBB2_2-.Ltmp0, $4  }
0x95: {  	[sflag:s1] =	ssyncadd.s32 $0xFFFFC000  }
0x96: {  	[spmem:s2] =	stream.indirect.scatter.add.f32 [tilespmem:s0], [sflag:$0x3], $0x80, s31, s29, $0xb8;
	[tilespmem:$0x1C280] =	vst v63  }
0x97: {  	_ =	swait.ge [sflag:s26], $0x4000  }
0x98: {  	s13 =	smov.u32 s14;
	[sflag:s26] =	ssyncset.done $0x0  }
0x99: {  	s13 =	sadd.s32 s12, s24;
	[sflag:s26] =	ssyncadd.s32 $0xFFFFC000  }
0x9a: {  	[tilespmem:s29], [sflag:$0x3] =	stream.linear.gather [hbm4b:s13+s4], $0x80, $0x38;
	[tilespmem:$0x1C280] =	vst v63  }
0x9b: {  	_ =	swait.ge [sflag:s26], $0x80  }
0x9c: {  	[sflag:s26] =	ssyncset.done $0x0  }
0x9d: {  	s14 =	sadd.s32 s12, s23;
	[sflag:s26] =	ssyncadd.s32 $0xFFFFFF80  }
0x9e: {  	[tilespmem:s31], [sflag:$0x3] =	stream.linear.gather [hbm4b:s14+s4], $0x80, $0x38;
	[tilespmem:$0x1C280] =	vst v63  }
0x9f: {  	_ =	swait.ge [sflag:s26], $0x80  }
0xa0: {  	[sflag:s26] =	ssyncset.done $0x0  }
0xa1: {  	[sflag:s26] =	ssyncadd.s32 $0xFFFFFF80  }
0xa2: {  	[tilespmem:s0], [sflag:$0x2] =	stream.indirect.gather [hbm4b:s5+s29], $0x80, s29, s29, $0xb8;
	[tilespmem:$0x1C280] =	vst v63  }
0xa3: {  	_ =	swait.ge [sflag:s3], $0x4000  }
0xa4: {  	[sflag:s3] =	ssyncset.done $0x0  }
0xa5: {  	[sflag:s3] =	ssyncadd.s32 $0xFFFFC000  }
0xa6: {  	[spmem:s2] =	stream.indirect.scatter.add.f32 [tilespmem:s25], [sflag:$0x3], $0x80, s30, s29, $0xb8;
	[tilespmem:$0x1C280] =	vst v63  }
0xa7: {  	_ =	swait.ge [sflag:s26], $0x4000  }
0xa8: {  	[sflag:s26] =	ssyncset.done $0x0  }
0xa9: {  	s15 =	sadd.s32 s12, s22;
	[sflag:s26] =	ssyncadd.s32 $0xFFFFC000  }
0xaa: {  	[tilespmem:s4], [sflag:$0x3] =	stream.linear.gather [hbm4b:s15+s4], $0x80, $0x38;
	[tilespmem:$0x1C280] =	vst v63  }
0xab: {  	_ =	swait.ge [sflag:s26], $0x80  }
0xac: {  	[sflag:s26] =	ssyncset.done $0x0  }
0xad: {  	s16 =	sadd.s32 s12, s21;
	[sflag:s26] =	ssyncadd.s32 $0xFFFFFF80  }
0xae: {  	[tilespmem:s30], [sflag:$0x3] =	stream.linear.gather [hbm4b:s16+s4], $0x80, $0x38;
	[tilespmem:$0x1C280] =	vst v63  }
0xaf: {  	_ =	swait.ge [sflag:s26], $0x80  }
0xb0: {  	[sflag:s26] =	ssyncset.done $0x0  }
0xb1: {  	[sflag:s26] =	ssyncadd.s32 $0xFFFFFF80  }
0xb2: {  	[tilespmem:s25], [sflag:$0x1] =	stream.indirect.gather [hbm4b:s5+s29], $0x80, s4, s29, $0xb8;
	[tilespmem:$0x1C280] =	vst v63  }
0xb3: {  	_ =	swait.ge [sflag:s1], $0x4000  }
0xb4: {  	[sflag:s1] =	ssyncset.done $0x0  }
0xb5: {  	[sflag:s1] =	ssyncadd.s32 $0xFFFFC000  }
0xb6: {  	[spmem:s2] =	stream.indirect.scatter.add.f32 [tilespmem:s0], [sflag:$0x3], $0x80, s31, s29, $0xb8;
	[tilespmem:$0x1C280] =	vst v63  }
0xb7: {  	_ =	swait.ge [sflag:s26], $0x4000  }
0xb8: {  	[sflag:s26] =	ssyncset.done $0x0  }
0xb9: {  	[sflag:s26] =	ssyncadd.s32 $0xFFFFC000  }
0xba: {  	[tilespmem:s29], [sflag:$0x3] =	stream.linear.gather [hbm4b:s19+s4], $0x80, $0x38;
	[tilespmem:$0x1C280] =	vst v63  }
0xbb: {  	_ =	swait.ge [sflag:s26], $0x80  }
0xbc: {  	[sflag:s26] =	ssyncset.done $0x0  }
0xbd: {  	[sflag:s26] =	ssyncadd.s32 $0xFFFFFF80  }
0xbe: {  	[tilespmem:s31], [sflag:$0x3] =	stream.linear.gather [hbm4b:s20+s4], $0x80, $0x38;
	[tilespmem:$0x1C280] =	vst v63  }
0xbf: {  	_ =	swait.ge [sflag:s26], $0x80  }
0xc0: {  	[sflag:s26] =	ssyncset.done $0x0  }
0xc1: {  	[sflag:s26] =	ssyncadd.s32 $0xFFFFFF80  }
0xc2: {  	[tilespmem:s0], [sflag:$0x2] =	stream.indirect.gather [hbm4b:s5+s29], $0x80, s29, s29, $0xb8;
	[tilespmem:$0x1C280] =	vst v63  }
0xc3: {  	_ =	swait.ge [sflag:s3], $0x4000  }
0xc4: {  	[sflag:s3] =	ssyncset.done $0x0  }
0xc5: {  	[sflag:s3] =	ssyncadd.s32 $0xFFFFC000  }
0xc6: {  	[spmem:s2] =	stream.indirect.scatter.add.f32 [tilespmem:s25], [sflag:$0x3], $0x80, s30, s29, $0xb8;
	[tilespmem:$0x1C280] =	vst v63  }
0xc7: {  	_ =	swait.ge [sflag:s26], $0x4000  }
0xc8: {  	[sflag:s26] =	ssyncset.done $0x0  }
0xc9: {  	[sflag:s26] =	ssyncadd.s32 $0xFFFFC000  }
0xca: {  	_ =	swait.ge [sflag:s1], $0x4000  }
0xcb: {  	[sflag:s1] =	ssyncset.done $0x0  }
0xcc: {  	[sflag:s1] =	ssyncadd.s32 $0xFFFFC000  }
0xcd: {  	[spmem:s2] =	stream.indirect.scatter.add.f32 [tilespmem:s0], [sflag:$0x3], $0x80, s31, s29, $0xb8;
	[tilespmem:$0x1C280] =	vst v63  }
0xce: {  	_ =	swait.ge [sflag:s26], $0x4000  }
0xcf: {  	[sflag:s26] =	ssyncset.done $0x0  }
0xd0: {  	[sflag:s26] =	ssyncadd.s32 $0xFFFFC000  }
0xd1: {  	[bflag:$0x0] =	sbarrier.arrive $0xFFFF  }
0xd2: {  	[tilespmem:s28], [sflag:$0x3] =	stream.linear.gather [hbm4b:s6+s4], $0x80, $0x38;
	[tilespmem:$0x1C280] =	vst v63  }
0xd3: {  	_ =	swait.ge [sflag:s26], $0x80  }
0xd4: {  	[sflag:s26] =	ssyncset.done $0x0  }
0xd5: {  	[sflag:s26] =	ssyncadd.s32 $0xFFFFFF80  }
0xd6: {  	[tilespmem:s25], [sflag:$0x3] =	stream.indirect.gather [spmem:s2], $0x80, s28, s29, $0xb8;
	[tilespmem:$0x1C280] =	vst v63  }
0xd7: {  	_ =	swait.ge [sflag:s26], $0x4000  }
0xd8: {  	[sflag:s26] =	ssyncset.done $0x0  }
0xd9: {  	s13 =	rddreg [dreg:$0x7];
	[sflag:s26] =	ssyncadd.s32 $0xFFFFC000  }
0xda: {  	[hbm4b:s13+s4] =	stream.linear.scatter [tilespmem:s25], [sflag:$0x3], $0x4000, $0x38;
	[tilespmem:$0x1C280] =	vst v63  }
0xdb: {  	_ =	swait.ge [sflag:s26], $0x4000  }
0xdc: {  	[sflag:s26] =	ssyncset.done $0x0  }
0xdd: {  	[sflag:s26] =	ssyncadd.s32 $0xFFFFC000  }
0xde: {  	[tilespmem:s28], [sflag:$0x3] =	stream.linear.gather [hbm4b:s7+s4], $0x80, $0x38;
	[tilespmem:$0x1C280] =	vst v63  }
0xdf: {  	_ =	swait.ge [sflag:s26], $0x80  }
0xe0: {  	[sflag:s26] =	ssyncset.done $0x0  }
0xe1: {  	[sflag:s26] =	ssyncadd.s32 $0xFFFFFF80  }
0xe2: {  	[tilespmem:s25], [sflag:$0x3] =	stream.indirect.gather [spmem:s2], $0x80, s28, s29, $0xb8;
	[tilespmem:$0x1C280] =	vst v63  }
0xe3: {  	_ =	swait.ge [sflag:s26], $0x4000  }
0xe4: {  	[sflag:s26] =	ssyncset.done $0x0  }
0xe5: {  	s14 =	rddreg [dreg:$0x8];
	[sflag:s26] =	ssyncadd.s32 $0xFFFFC000  }
0xe6: {  	[hbm4b:s14+s4] =	stream.linear.scatter [tilespmem:s25], [sflag:$0x3], $0x4000, $0x38;
	[tilespmem:$0x1C280] =	vst v63  }
0xe7: {  	_ =	swait.ge [sflag:s26], $0x4000  }
0xe8: {  	[sflag:s26] =	ssyncset.done $0x0  }
0xe9: {  	[sflag:s26] =	ssyncadd.s32 $0xFFFFC000  }
0xea: {  	[tilespmem:s28], [sflag:$0x3] =	stream.linear.gather [hbm4b:s8+s4], $0x80, $0x38;
	[tilespmem:$0x1C280] =	vst v63  }
0xeb: {  	_ =	swait.ge [sflag:s26], $0x80  }
0xec: {  	[sflag:s26] =	ssyncset.done $0x0  }
0xed: {  	[sflag:s26] =	ssyncadd.s32 $0xFFFFFF80  }
0xee: {  	[tilespmem:s25], [sflag:$0x3] =	stream.indirect.gather [spmem:s2], $0x80, s28, s29, $0xb8;
	[tilespmem:$0x1C280] =	vst v63  }
0xef: {  	_ =	swait.ge [sflag:s26], $0x4000  }
0xf0: {  	[sflag:s26] =	ssyncset.done $0x0  }
0xf1: {  	s15 =	rddreg [dreg:$0x9];
	[sflag:s26] =	ssyncadd.s32 $0xFFFFC000  }
0xf2: {  	[hbm4b:s15+s4] =	stream.linear.scatter [tilespmem:s25], [sflag:$0x3], $0x4000, $0x38;
	[tilespmem:$0x1C280] =	vst v63  }
0xf3: {  	_ =	swait.ge [sflag:s26], $0x4000  }
0xf4: {  	[sflag:s26] =	ssyncset.done $0x0  }
0xf5: {  	[sflag:s26] =	ssyncadd.s32 $0xFFFFC000  }
0xf6: {  	[tilespmem:s28], [sflag:$0x3] =	stream.linear.gather [hbm4b:s9+s4], $0x80, $0x38;
	[tilespmem:$0x1C280] =	vst v63  }
0xf7: {  	_ =	swait.ge [sflag:s26], $0x80  }
0xf8: {  	[sflag:s26] =	ssyncset.done $0x0  }
0xf9: {  	[sflag:s26] =	ssyncadd.s32 $0xFFFFFF80  }
0xfa: {  	[tilespmem:s25], [sflag:$0x3] =	stream.indirect.gather [spmem:s2], $0x80, s28, s29, $0xb8;
	[tilespmem:$0x1C280] =	vst v63  }
0xfb: {  	_ =	swait.ge [sflag:s26], $0x4000  }
0xfc: {  	[sflag:s26] =	ssyncset.done $0x0  }
0xfd: {  	s16 =	rddreg [dreg:$0xa];
	[sflag:s26] =	ssyncadd.s32 $0xFFFFC000  }
0xfe: {  	[hbm4b:s16+s4] =	stream.linear.scatter [tilespmem:s25], [sflag:$0x3], $0x4000, $0x38;
	[tilespmem:$0x1C280] =	vst v63  }
0xff: {  	_ =	swait.ge [sflag:s26], $0x4000  }
0x100: {  	[sflag:s26] =	ssyncset.done $0x0  }
0x101: {  	[sflag:s26] =	ssyncadd.s32 $0xFFFFC000  }
0x102: {  	[tilespmem:s28], [sflag:$0x3] =	stream.linear.gather [hbm4b:s10+s4], $0x80, $0x38;
	[tilespmem:$0x1C280] =	vst v63  }
0x103: {  	_ =	swait.ge [sflag:s26], $0x80  }
0x104: {  	[sflag:s26] =	ssyncset.done $0x0  }
0x105: {  	[sflag:s26] =	ssyncadd.s32 $0xFFFFFF80  }
0x106: {  	[tilespmem:s25], [sflag:$0x3] =	stream.indirect.gather [spmem:s2], $0x80, s28, s29, $0xb8;
	[tilespmem:$0x1C280] =	vst v63  }
0x107: {  	s11 =	sadd.s32 $0x1, s11;
	_ =	swait.ge [sflag:s26], $0x4000  }
0x108: {  	p0 =	sne.s32 s11, s18;
	[sflag:s26] =	ssyncset.done $0x0  }
.Ltmp1:
0x109: {  	[sflag:s26] =	ssyncadd.s32 $0xFFFFC000;
	(pc) =	sbr.rel @p0 .LBB2_1-.Ltmp1, $4  }
0x10a: {  	[hbm4b:s17+s4] =	stream.linear.scatter [tilespmem:s25], [sflag:$0x3], $0x4000, $0x38;
	[tilespmem:$0x1C280] =	vst v63  }
0x10b: {  	_ =	swait.ge [sflag:s26], $0x4000  }
0x10c: {  	[sflag:s26] =	ssyncset.done $0x0  }
0x10d: {  	[sflag:s26] =	ssyncadd.s32 $0xFFFFC000  }
0x10e: {  	_ =	sfence.sel $0x180000  }
0x10f: {  	[bflag:$0x0] =	sbarrier.arrive $0xFFFF  }
0x110: {  	_ =	strace $0x9000004A  }
0x111: {  	s0 =	stileid.u32;
	[bflag:$0x2] =	sbarrier.arrive $0xFFFF  }
0x112: {  	p0 =	sne.s32 s0, $0x0;
	s0 =	rddreg [dreg:$0x4]  }
0x113: {  	s0 =	sadd.s32 @!p0 $0x100000, s0  }
0x114: {  	[sflag:s0] =	ssyncadd.tile.s32 @!p0 $0x1;
	_ =	shalt  }
.Lfunc_end2:
_tile_overlayer_lowered:
.L_overlay_start_2:
0x115: {  	(tag) =	ssettag $0x2  }
0x116: {  	s0 =	rddreg [dreg:$0x0];
	s2 =	stileid.u32  }
0x117: {  	s1 =	rddreg [dreg:$0x1];
	p0 =	sne.s32 s2, $0x0  }
0x118: {  	s3 =	rddreg [dreg:$0x2];
	[bflag:$0x3] =	sbarrier.arrive $0xFFFF;
	s2 =	simm.s32 @!p0 $0x1C03  }
0x119: {  	[timem:s3], [sflag:s2] =	dma.local @!p0 [hbm:s0], s1  }
0x11a: {  	s0 =	simm.s32 @!p0 $0x3  }
0x11b: {  	_ =	swait.ge @!p0 [sflag:s0], s1  }
0x11c: {  	s1 =	ssub.s32 @!p0 $0x0, s1;
	[sflag:s0] =	ssyncset.done @!p0 $0x0  }
0x11d: {  	[sflag:s0] =	ssyncadd.s32 @!p0 s1  }
0x11e: {  	[bflag:$0x3] =	sbarrier.arrive $0xFFFF  }
0x11f: {  	_ =	shalt  }

// kernel: kernel.16.cloned.1.call-start
scs
__scs_entry_jumppad:
0x0: {  	(pc) =	sbr.rel $0x88, $3  }
0x1: {  	(tag) =	ssettag $0x0;
	lr =	simm.s32 $0x1  }
0x2: {  	[smem:$0x3F95] =	sst lr;
	_ =	strace $0xD0000000  }
0x3: {  	_ = 	snop  }
0x4: {  	_ = 	snop  }
0x5: {  	_ = 	snop  }
0x6: {  	_ = 	snop  }
0x7: {  	_ = 	snop  }
__scs_overlays_trampoline_lowered:
0x8: {  	[smem:$0x3FA4] =	sst s0  }
0x9: {  	[smem:$0x3FA5] =	sst s1  }
0xa: {  	[smem:$0x3FA6] =	sst s2  }
0xb: {  	[smem:$0x3FA7] =	sst s3  }
0xc: {  	[smem:$0x3FA8] =	sst s4  }
0xd: {  	[smem:$0x3FA9] =	sst s5  }
0xe: {  	[smem:$0x3FAA] =	sst s6  }
0xf: {  	[smem:$0x3FAB] =	sst s7  }
0x10: {  	[smem:$0x3FAC] =	sst s8  }
0x11: {  	[smem:$0x3FAD] =	sst s9;
	s0 =	simm.s32 @!p0 $0x0  }
0x12: {  	s1 =	sld [smem:$0x3F93];
	s0 =	simm.s32 @p0 $0x1  }
0x13: {  	[smem:$0x3FAE] =	sst s0;
	s0 =	simm.s32 @!p1 $0x0  }
0x14: {  	s2 =	sld [smem:$0x3F92];
	s0 =	simm.s32 @p1 $0x1  }
0x15: {  	[smem:$0x3FAF] =	sst s0;
	s0 =	simm.s32 @!p2 $0x0  }
0x16: {  	s3 =	sld [smem:$0x3FDB];
	s0 =	simm.s32 @p2 $0x1  }
0x17: {  	s4 =	simm.s32 $0x1BF5;
	[smem:$0x3FB1] =	sst s0  }
0x18: {  	s0 =	sld [smem:$0x3F94];
	_ =	swait.ge [sflag:s4], $0x0  }
0x19: {  	s7 =	sld [smem:$0x3F95]  }
0x1a: {  	s8 =	sadd.s32 $0xFFFFE003, lr  }
0x1b: {  	s9 =	sadd.s32 $0xFFFFFEF7, lr;
	s5 =	simm.s32 $0xFFFFFFFF;
	p2 =	slt.u32 s8, $0xFFFFF086  }
0x1c: {  	p1 =	slt.u32 s9, $0xF7A;
	s5 =	simm.s32 @!p2 $0x0  }
0x1d: {  	s5 =	simm.s32 @p1 $0x1;
	p0 =	seq.s32 s7, s2  }
0x1e: {  	s7 =	smul.u32 @!p0 $0xF7A, s2;
	p2 =	seq.s32 @!p0 s5, $0x0  }
0x1f: {  	s9 =	smul.u32 $0xF7A, s1;
	s8 =	simm.s32 @!p0 $0x1BF5;
	p2 =	por !p2, p0  }
0x20: {  	[sflag:s8] =	ssyncset.s32 @!p0 $0xFFFFF086;
	s6 =	sadd.s32 @!p0 s3, s7;
	s7 =	simm.s32 @!p0 $0x108  }
0x21: {  	s3 =	sadd.s32 s3, s9;
	s6 =	sadd.s32 @!p0 $0x88, s6;
	s7 =	simm.s32 @p2 $0x1082  }
0x22: {  	[simem:s7], [sflag:s8] =	dma.local @!p0 [hbm:s6], $0xF7A  }
0x23: {  	s9 =	sor.u32 $0xD0000000, s2;
	s6 =	simm.s32 $0x108;
	_ =	swait.ge @!p0 [sflag:s8], $0x0  }
0x24: {  	s3 =	sadd.s32 $0x88, s3;
	s6 =	simm.s32 @!p1 $0x1082;
	[sflag:s4] =	ssyncset.s32 $0xFFFFF086  }
0x25: {  	[simem:s6], [sflag:s4] =	dma.local [hbm:s3], $0xF7A  }
0x26: {  	[smem:$0x3F95] =	sst s1;
	(tag) =	ssettag s2;
	_ =	strace s9  }
0x27: {  	s1 =	sld [smem:$0x3FA5]  }
0x28: {  	s2 =	sld [smem:$0x3FA6]  }
0x29: {  	s4 =	sld [smem:$0x3FA8]  }
0x2a: {  	p0 =	seq.s32 s5, $0x0;
	s5 =	sld [smem:$0x3FA9]  }
0x2b: {  	s6 =	sld [smem:$0x3FAA]  }
0x2c: {  	s7 =	sld [smem:$0x3FAB]  }
0x2d: {  	s3 =	simm.s32 $0x108;
	s8 =	sld [smem:$0x3FAC]  }
0x2e: {  	s3 =	simm.s32 @!p0 $0x1082;
	s9 =	sld [smem:$0x3FAD]  }
0x2f: {  	lr =	sadd.s32 s0, s3;
	s0 =	sld [smem:$0x3FA4]  }
0x30: {  	s3 =	sld [smem:$0x3FA7]  }
0x31: {  	[smem:$0x3FB0] =	sst s10  }
0x32: {  	s10 =	sld [smem:$0x3FAE];
	_ =	sdelay $0x3  }
0x33: {  	p0 =	seq.s32 s10, $0x1;
	s10 =	sld [smem:$0x3FB0];
	_ =	sdelay $0x3  }
0x34: {  	[smem:$0x3FB0] =	sst s10  }
0x35: {  	s10 =	sld [smem:$0x3FAF];
	_ =	sdelay $0x3  }
0x36: {  	p1 =	seq.s32 s10, $0x1;
	s10 =	sld [smem:$0x3FB0];
	_ =	sdelay $0x3  }
0x37: {  	[smem:$0x3FB0] =	sst s10  }
0x38: {  	s10 =	sld [smem:$0x3FB1]  }
0x39: {  	_ = 	snop;
	(pc) =	sbr.ind lr, $3  }
0x3a: {  	_ = 	snop  }
0x3b: {  	_ = 	snop  }
0x3c: {  	p2 =	seq.s32 s10, $0x1;
	s10 =	sld [smem:$0x3FB0]  }
0x3d: {  	_ =	shalt  }
0x3e: {  	_ =	shalt  }
0x3f: {  	_ =	shalt  }
0x40: {  	_ =	shalt  }
0x41: {  	_ =	shalt  }
0x42: {  	_ =	shalt  }
0x43: {  	_ =	shalt  }
0x44: {  	_ =	shalt  }
0x45: {  	_ =	shalt  }
0x46: {  	_ =	shalt  }
0x47: {  	_ =	shalt  }
0x48: {  	_ =	shalt  }
0x49: {  	_ =	shalt  }
0x4a: {  	_ =	shalt  }
0x4b: {  	_ =	shalt  }
0x4c: {  	_ =	shalt  }
0x4d: {  	_ =	shalt  }
0x4e: {  	_ =	shalt  }
0x4f: {  	_ =	shalt  }
0x50: {  	_ =	shalt  }
0x51: {  	_ =	shalt  }
0x52: {  	_ =	shalt  }
0x53: {  	_ =	shalt  }
0x54: {  	_ =	shalt  }
0x55: {  	_ =	shalt  }
0x56: {  	_ =	shalt  }
0x57: {  	_ =	shalt  }
0x58: {  	_ =	shalt  }
0x59: {  	_ =	shalt  }
0x5a: {  	_ =	shalt  }
0x5b: {  	_ =	shalt  }
0x5c: {  	_ =	shalt  }
0x5d: {  	_ =	shalt  }
0x5e: {  	_ =	shalt  }
0x5f: {  	_ =	shalt  }
0x60: {  	_ =	shalt  }
0x61: {  	_ =	shalt  }
0x62: {  	_ =	shalt  }
0x63: {  	_ =	shalt  }
0x64: {  	_ =	shalt  }
0x65: {  	_ =	shalt  }
0x66: {  	_ =	shalt  }
0x67: {  	_ =	shalt  }
0x68: {  	_ =	shalt  }
0x69: {  	_ =	shalt  }
0x6a: {  	_ =	shalt  }
0x6b: {  	_ =	shalt  }
0x6c: {  	_ =	shalt  }
0x6d: {  	_ =	shalt  }
0x6e: {  	_ =	shalt  }
0x6f: {  	_ =	shalt  }
0x70: {  	_ =	shalt  }
0x71: {  	_ =	shalt  }
0x72: {  	_ =	shalt  }
0x73: {  	_ =	shalt  }
0x74: {  	_ =	shalt  }
0x75: {  	_ =	shalt  }
0x76: {  	_ =	shalt  }
0x77: {  	_ =	shalt  }
0x78: {  	_ =	shalt  }
0x79: {  	_ =	shalt  }
0x7a: {  	_ =	shalt  }
0x7b: {  	_ =	shalt  }
0x7c: {  	_ =	shalt  }
0x7d: {  	_ =	shalt  }
0x7e: {  	_ =	shalt  }
0x7f: {  	_ =	shalt  }
0x80: {  	_ =	shalt  }
0x81: {  	_ =	shalt  }
0x82: {  	_ =	shalt  }
0x83: {  	_ =	shalt  }
0x84: {  	_ =	shalt  }
0x85: {  	_ =	shalt  }
0x86: {  	_ =	shalt  }
0x87: {  	_ =	shalt  }
.Lfunc_end0:
.L_simem_size_0:
called_computation.2_lowered:
.L_overlay_start_0:
0x88: {  	s2 =	sld [smem:$0x3FD9]  }
0x89: {  	s3 =	sld [smem:$0x3FFE];
	_ =	sdelay $0x1  }
0x8a: {  	s1 =	srdreg.scid  }
0x8b: {  	s0 =	sand.u32 $0x1, s1  }
0x8c: {  	s14 =	sshll.u32 s0, $0xA;
	s2 =	sadd.s32 s3, s2  }
0x8d: {  	s2 =	sadd.s32 s2, s14  }
0x8e: {  	[smem:$0x3FBC] =	sst s2  }
0x8f: {  	_ = 	snop  }
0x90: {  	s2 =	sld [smem:$0x3FD0];
	_ =	sdelay $0x2  }
0x91: {  	s15 =	simm.s32 $0xA;
	s4 =	simm.s32 $0x10  }
0x92: {  	[smem:s4], [sflag:s15] =	dma.local [hbm:s2], $0x1  }
0x93: {  	_ =	swait.eq [sflag:s15], $0x1  }
0x94: {  	[sflag:s15] =	ssyncset.done $0x0  }
0x95: {  	s16 =	sld [smem:$0x10];
	[sflag:s15] =	ssyncadd.s32 $0xFFFFFFFF  }
0x96: {  	s17 =	sld [smem:$0x11];
	(tm) =	ssettm $0x1  }
0x97: {  	s18 =	sld [smem:$0x3FFB];
	_ =	sdelay $0x3  }
0x98: {  	_ =	strace s18  }
0x99: {  	s4 =	sld [smem:$0x3FFC];
	_ =	sdelay $0x3  }
0x9a: {  	_ =	strace s4  }
0x9b: {  	s4 =	sld [smem:$0x3FFD];
	_ =	sdelay $0x3  }
0x9c: {  	_ =	strace s4  }
0x9d: {  	_ =	strace $0x8FFFFFFF  }
0x9e: {  	s19 =	sld [smem:$0x3FDB];
	_ =	sdelay $0x1  }
0x9f: {  	s5 =	simm.s32 $_scs_section_size  }
0xa0: {  	s6 =	simm.s32 $_size__tile_overlayer_lowered;
	s7 =	simm.s32 $_tile_overlayer_lowered  }
0xa1: {  	s22 =	simm.s32 $0x1BFF;
	s21 =	sshll.u32 s7, $0x1;
	s4 =	sadd.s32 s5, s19  }
0xa2: {  	s8 =	simm.s32 $0x0;
	s20 =	sshll.u32 s6, $0x1;
	s6 =	sadd.s32 s21, s4  }
0xa3: {  	[timem:s8], [sflag:s22] =	dma.local [hbm:s6], s20  }
0xa4: {  	_ =	swait.ge [sflag:s22], s20  }
0xa5: {  	s5 =	ssub.s32 $0x0, s20;
	[sflag:s22] =	ssyncset.done $0x0  }
0xa6: {  	[sflag:s22] =	ssyncadd.s32 s5;
	_ =	sdelay $0x1  }
0xa7: {  	s23 =	simm.s32 $0x1B8B  }
0xa8: {  	_ =	swait.ge [sflag:s23], $0x1  }
0xa9: {  	[sflag:s23] =	ssyncset.done $0x0  }
0xaa: {  	s25 =	simm.s32 $0x1B8E;
	s24 =	sld [smem:$0x3FFE];
	[sflag:s23] =	ssyncadd.s32 $0xFFFFFFFF  }
0xab: {  	s26 =	simm.s32 $execute0_lowered;
	[smem:$0x3FD2] =	sst s25  }
0xac: {  	s6 =	sshll.u32 s26, $0x1;
	_ =	strace $0x8000004C;
	[dreg:$0x1] =	wrdreg $0xFFFFFFFF  }
0xad: {  	s28 =	simm.s32 $_size_execute0_lowered;
	s4 =	sadd.s32 s4, s6;
	[dreg:$0x0] =	wrdreg $0x0  }
0xae: {  	s6 =	sshll.u32 s28, $0x1;
	[dreg:$0x2] =	wrdreg s4  }
0xaf: {  	[dreg:$0x3] =	wrdreg s6  }
0xb0: {  	[dreg:$0x4] =	wrdreg $0xC0  }
0xb1: {  	_ =	task [dreg:s8], $0x5FFFF  }
0xb2: {  	[dreg:$0x1] =	wrdreg $0xFFFFFFFF  }
0xb3: {  	[dreg:$0x0] =	wrdreg $0x60  }
0xb4: {  	[dreg:$0x2] =	wrdreg s24  }
0xb5: {  	[dreg:$0x3] =	wrdreg s16  }
0xb6: {  	[dreg:$0x4] =	wrdreg s17  }
0xb7: {  	[dreg:$0x5] =	wrdreg $0x82800  }
0xb8: {  	[dreg:$0x6] =	wrdreg $0x9  }
0xb9: {  	_ =	task.clear_ibuf [dreg:s8], $0x7FFFF;
	_ =	strace $0x9000004C  }
0xba: {  	s29 =	simm.s32 $0x9;
	_ =	strace $0x8000004E  }
0xbb: {  	_ =	swait.ge [sflag:s29], $0x1  }
0xbc: {  	[sflag:s29] =	ssyncadd.s32 $0xFFFFFFFF  }
0xbd: {  	_ =	strace $0x9000004E  }
0xbe: {  	_ =	sfence  }
0xbf: {  	s30 =	sld [smem:$0x0];
	_ =	sdelay $0x2  }
0xc0: {  	s31 =	sshll.u32 s1, $0xD;
	s1 =	sshrl.u32 s1, $0x2  }
0xc1: {  	s3 =	sand.u32 $0x4000, s31;
	s1 =	sadd.s32 s1, s30  }
0xc2: {  	s0 =	sor.u32 s3, s0;
	s1 =	sshll.u32 s1, $0x11  }
0xc3: {  	s0 =	sor.u32 s1, s0  }
0xc4: {  	s0 =	sadd.s32 $0x8F2B, s0  }
0xc5: {  	[sflag:s0] =	ssyncadd.remote.s32 $0x1  }
0xc6: {  	_ =	sfence.sel $0xFFFF  }
0xc7: {  	[dreg:$0x0] =	wrdreg $0xFFFFFFFF;
	(pc) =	sbr.abs _section_cstart, $3  }
0xc8: {  	[dreg:$0x1] =	wrdreg $0xFFFFFFFF  }
0xc9: {  	_ =	task.clear_ibuf [dreg:s8], $0x2FFFF;
	_ =	strace $0x9FFFFFFF  }
0xca: {  	(tm) =	ssettm $0x7FFFFFFF  }
0xcb: {  	_ =	shalt  }
tec
execute0_lowered:
.L_overlay_start_1:
0x0: {  	(tag) =	ssettag $0x1  }
0x1: {  	s1 =	rddreg [dreg:$0x0]  }
0x2: {  	s0 =	rddreg [dreg:$0x1]  }
0x3: {  	s2 =	rddreg [dreg:$0x3];
	s4 =	simm.s32 $0x0;
	s3 =	srdreg.scid  }
0x4: {  	s22 =	stileid.u32;
	s28 =	simm.s32 $0x200;
	s29 =	simm.s32 $0x80  }
0x5: {  	s30 =	simm.s32 $0x100;
	s31 =	simm.s32 $0x180;
	[smem:$0x7FF] =	sst s4  }
0x6: {  	s5 =	sadd.s32 $0x19200, s1;
	s3 =	sand.u32 $0x1, s3;
	s9 =	smul.u32 $0x280, s22  }
0x7: {  	s11 =	sadd.s32 $0xF200, s1;
	s10 =	sadd.s32 $0x4C00, s1;
	s23 =	smul.u32 $0x14000, s22  }
0x8: {  	s1 =	sadd.s32 $0x41200, s1;
	_ =	strace $0x8000004D;
	s19 =	smul.u32 $0x140000, s3  }
0x9: {  	s6 =	ssub.s32 $0x2, s3;
	s21 =	sshll.u32 s3, $0x4;
	s3 =	smul.u32 $0x28000, s3  }
0xa: {  	s7 =	sshrl.u32 s6, $0x1;
	s8 =	sshrl.u32 s9, $0x3;
	s13 =	sadd.s32 $0x80, s9  }
0xb: {  	s14 =	sadd.s32 $0x100, s9;
	s16 =	sor.u32 s22, s21;
	s18 =	sadd.s32 $0x200, s9  }
0xc: {  	s12 =	ssub.s32 s6, s7;
	s6 =	sadd.s32 s10, s8;
	s20 =	sshrl.u32 s13, $0x3  }
0xd: {  	s15 =	sshrl.u32 s14, $0x3;
	s16 =	smul.u32 $0x2800, s16;
	s13 =	sshll.u32 s13, $0x7  }
0xe: {  	s14 =	sshll.u32 s14, $0x7;
	s7 =	sadd.s32 s10, s20;
	s8 =	sadd.s32 s10, s15  }
0xf: {  	s15 =	sadd.s32 $0x180, s9;
	s20 =	sshrl.u32 s18, $0x3;
	s13 =	sadd.s32 s19, s13  }
0x10: {  	s14 =	sadd.s32 s19, s14;
	s17 =	sshrl.u32 s15, $0x3;
	s21 =	sshrl.u32 s16, $0x3  }
0x11: {  	s16 =	sadd.s32 s23, s19;
	s13 =	sshrl.u32 s13, $0x3;
	s26 =	sshrl.u32 s14, $0x3  }
0x12: {  	s9 =	sadd.s32 s10, s17;
	s10 =	sadd.s32 s10, s20;
	s24 =	sadd.s32 s0, s21  }
0x13: {  	s25 =	sadd.s32 s11, s21;
	s16 =	sshrl.u32 s16, $0x3;
	[dreg:$0x5] =	wrdreg s24  }
0x14: {  	s13 =	sadd.s32 s1, s13;
	s17 =	sshll.u32 s18, $0x7;
	[dreg:$0x6] =	wrdreg s25  }
0x15: {  	s23 =	sadd.s32 $0x4F0, s21;
	s16 =	sadd.s32 s1, s16;
	[dreg:$0x8] =	wrdreg s13  }
0x16: {  	s13 =	sadd.s32 s1, s26;
	[dreg:$0x7] =	wrdreg s16;
	s16 =	sshll.u32 s15, $0x7  }
0x17: {  	s18 =	sadd.s32 s19, s17;
	[dreg:$0x9] =	wrdreg s13;
	s14 =	sadd.s32 s19, s16  }
0x18: {  	s19 =	smul.u32 $0x2800, s22;
	s22 =	sshrl.u32 s18, $0x3;
	s14 =	sshrl.u32 s14, $0x3  }
0x19: {  	s18 =	smax.u32 s12, $0x1;
	s17 =	sadd.s32 s1, s22;
	s20 =	sadd.s32 s1, s14  }
0x1a: {  	s3 =	sadd.s32 s19, s3;
	s19 =	sadd.s32 s0, s23;
	s1 =	simm.s32 $0x2  }
0x1b: {  	[dreg:$0xa] =	wrdreg s20;
	s24 =	sor.u32 $0x100, s3;
	s3 =	sor.u32 $0x80, s3  }
0x1c: {  	s20 =	sadd.s32 s11, s23;
	s25 =	sshrl.u32 s24, $0x3;
	s26 =	sshrl.u32 s3, $0x3  }
0x1d: {  	s3 =	simm.s32 $0x1;
	s21 =	sadd.s32 s25, s11;
	s22 =	sadd.s32 s25, s0  }
0x1e: {  	s23 =	sadd.s32 s26, s11;
	s24 =	sadd.s32 s26, s0;
	s25 =	simm.s32 $0x280  }
0x1f: {  	s26 =	simm.s32 $0x3;
	s0 =	simm.s32 $0x4280;
	s11 =	simm.s32 $0x0  }
.LBB2_1:
0x20: {  	s12 =	rddreg [dreg:$0x2]  }
0x21: {  	[tilespmem:s25], [sflag:$0x3] =	stream.linear.gather [hbm4b:s12+s4], $0x4000, $0x38;
	[tilespmem:$0x1C280] =	vst v63  }
0x22: {  	_ =	swait.ge [sflag:s26], $0x4000  }
0x23: {  	[sflag:s26] =	ssyncset.done $0x0  }
0x24: {  	[sflag:s26] =	ssyncadd.s32 $0xFFFFC000  }
0x25: {  	[tilespmem:s28], [sflag:$0x3] =	stream.linear.gather [hbm4b:s6+s4], $0x80, $0x38;
	[tilespmem:$0x1C280] =	vst v63  }
0x26: {  	_ =	swait.ge [sflag:s26], $0x80  }
0x27: {  	[sflag:s26] =	ssyncset.done $0x0  }
0x28: {  	[sflag:s26] =	ssyncadd.s32 $0xFFFFFF80  }
0x29: {  	[spmem:s2] =	stream.indirect.scatter [tilespmem:s25], [sflag:$0x3], $0x80, s28, s29, $0xb8;
	[tilespmem:$0x1C280] =	vst v63  }
0x2a: {  	_ =	swait.ge [sflag:s26], $0x4000  }
0x2b: {  	[sflag:s26] =	ssyncset.done $0x0  }
0x2c: {  	[sflag:s26] =	ssyncadd.s32 $0xFFFFC000  }
0x2d: {  	[tilespmem:s28], [sflag:$0x3] =	stream.linear.gather [hbm4b:s7+s4], $0x80, $0x38;
	[tilespmem:$0x1C280] =	vst v63  }
0x2e: {  	_ =	swait.ge [sflag:s26], $0x80  }
0x2f: {  	[sflag:s26] =	ssyncset.done $0x0  }
0x30: {  	[sflag:s26] =	ssyncadd.s32 $0xFFFFFF80  }
0x31: {  	[spmem:s2] =	stream.indirect.scatter [tilespmem:s25], [sflag:$0x3], $0x80, s28, s29, $0xb8;
	[tilespmem:$0x1C280] =	vst v63  }
0x32: {  	_ =	swait.ge [sflag:s26], $0x4000  }
0x33: {  	[sflag:s26] =	ssyncset.done $0x0  }
0x34: {  	[sflag:s26] =	ssyncadd.s32 $0xFFFFC000  }
0x35: {  	[tilespmem:s28], [sflag:$0x3] =	stream.linear.gather [hbm4b:s8+s4], $0x80, $0x38;
	[tilespmem:$0x1C280] =	vst v63  }
0x36: {  	_ =	swait.ge [sflag:s26], $0x80  }
0x37: {  	[sflag:s26] =	ssyncset.done $0x0  }
0x38: {  	[sflag:s26] =	ssyncadd.s32 $0xFFFFFF80  }
0x39: {  	[spmem:s2] =	stream.indirect.scatter [tilespmem:s25], [sflag:$0x3], $0x80, s28, s29, $0xb8;
	[tilespmem:$0x1C280] =	vst v63  }
0x3a: {  	_ =	swait.ge [sflag:s26], $0x4000  }
0x3b: {  	[sflag:s26] =	ssyncset.done $0x0  }
0x3c: {  	[sflag:s26] =	ssyncadd.s32 $0xFFFFC000  }
0x3d: {  	[tilespmem:s28], [sflag:$0x3] =	stream.linear.gather [hbm4b:s9+s4], $0x80, $0x38;
	[tilespmem:$0x1C280] =	vst v63  }
0x3e: {  	_ =	swait.ge [sflag:s26], $0x80  }
0x3f: {  	[sflag:s26] =	ssyncset.done $0x0  }
0x40: {  	[sflag:s26] =	ssyncadd.s32 $0xFFFFFF80  }
0x41: {  	[spmem:s2] =	stream.indirect.scatter [tilespmem:s25], [sflag:$0x3], $0x80, s28, s29, $0xb8;
	[tilespmem:$0x1C280] =	vst v63  }
0x42: {  	_ =	swait.ge [sflag:s26], $0x4000  }
0x43: {  	[sflag:s26] =	ssyncset.done $0x0  }
0x44: {  	[sflag:s26] =	ssyncadd.s32 $0xFFFFC000  }
0x45: {  	[tilespmem:s28], [sflag:$0x3] =	stream.linear.gather [hbm4b:s10+s4], $0x80, $0x38;
	[tilespmem:$0x1C280] =	vst v63  }
0x46: {  	_ =	swait.ge [sflag:s26], $0x80  }
0x47: {  	[sflag:s26] =	ssyncset.done $0x0  }
0x48: {  	[sflag:s26] =	ssyncadd.s32 $0xFFFFFF80  }
0x49: {  	[spmem:s2] =	stream.indirect.scatter [tilespmem:s25], [sflag:$0x3], $0x80, s28, s29, $0xb8;
	[tilespmem:$0x1C280] =	vst v63  }
0x4a: {  	_ =	swait.ge [sflag:s26], $0x4000  }
0x4b: {  	[sflag:s26] =	ssyncset.done $0x0  }
0x4c: {  	[sflag:s26] =	ssyncadd.s32 $0xFFFFC000  }
0x4d: {  	[bflag:$0x0] =	sbarrier.arrive $0xFFFF  }
0x4e: {  	s15 =	rddreg [dreg:$0x5]  }
0x4f: {  	[tilespmem:s4], [sflag:$0x3] =	stream.linear.gather [hbm4b:s15+s4], $0x80, $0x38;
	[tilespmem:$0x1C280] =	vst v63  }
0x50: {  	_ =	swait.ge [sflag:s26], $0x80  }
0x51: {  	[sflag:s26] =	ssyncset.done $0x0  }
0x52: {  	s16 =	rddreg [dreg:$0x6];
	[sflag:s26] =	ssyncadd.s32 $0xFFFFFF80  }
0x53: {  	[tilespmem:s30], [sflag:$0x3] =	stream.linear.gather [hbm4b:s16+s4], $0x80, $0x38;
	[tilespmem:$0x1C280] =	vst v63  }
0x54: {  	_ =	swait.ge [sflag:s26], $0x80  }
0x55: {  	[sflag:s26] =	ssyncset.done $0x0  }
0x56: {  	[sflag:s26] =	ssyncadd.s32 $0xFFFFFF80  }
0x57: {  	[tilespmem:s25], [sflag:$0x1] =	stream.indirect.gather [hbm4b:s5+s29], $0x80, s4, s29, $0xb8;
	[tilespmem:$0x1C280] =	vst v63  }
0x58: {  	s13 =	sadd.s32 $0x0, s24  }
0x59: {  	[tilespmem:s29], [sflag:$0x3] =	stream.linear.gather [hbm4b:s13+s4], $0x80, $0x38;
	[tilespmem:$0x1C280] =	vst v63  }
0x5a: {  	_ =	swait.ge [sflag:s26], $0x80  }
0x5b: {  	[sflag:s26] =	ssyncset.done $0x0  }
0x5c: {  	s14 =	sadd.s32 $0x0, s23;
	[sflag:s26] =	ssyncadd.s32 $0xFFFFFF80  }
0x5d: {  	[tilespmem:s31], [sflag:$0x3] =	stream.linear.gather [hbm4b:s14+s4], $0x80, $0x38;
	[tilespmem:$0x1C280] =	vst v63  }
0x5e: {  	_ =	swait.ge [sflag:s26], $0x80  }
0x5f: {  	[sflag:s26] =	ssyncset.done $0x0  }
0x60: {  	[sflag:s26] =	ssyncadd.s32 $0xFFFFFF80  }
0x61: {  	[tilespmem:s0], [sflag:$0x2] =	stream.indirect.gather [hbm4b:s5+s29], $0x80, s29, s29, $0xb8;
	[tilespmem:$0x1C280] =	vst v63  }
0x62: {  	_ =	swait.ge [sflag:s3], $0x4000  }
0x63: {  	[sflag:s3] =	ssyncset.done $0x0  }
0x64: {  	[sflag:s3] =	ssyncadd.s32 $0xFFFFC000  }
0x65: {  	[spmem:s2] =	stream.indirect.scatter.add.f32 [tilespmem:s25], [sflag:$0x3], $0x80, s30, s29, $0xb8;
	[tilespmem:$0x1C280] =	vst v63  }
0x66: {  	_ =	swait.ge [sflag:s26], $0x4000  }
0x67: {  	[sflag:s26] =	ssyncset.done $0x0  }
0x68: {  	s15 =	sadd.s32 $0x0, s22;
	[sflag:s26] =	ssyncadd.s32 $0xFFFFC000  }
0x69: {  	[tilespmem:s4], [sflag:$0x3] =	stream.linear.gather [hbm4b:s15+s4], $0x80, $0x38;
	[tilespmem:$0x1C280] =	vst v63  }
0x6a: {  	_ =	swait.ge [sflag:s26], $0x80  }
0x6b: {  	[sflag:s26] =	ssyncset.done $0x0  }
0x6c: {  	s16 =	sadd.s32 $0x0, s21;
	[sflag:s26] =	ssyncadd.s32 $0xFFFFFF80  }
0x6d: {  	[tilespmem:s30], [sflag:$0x3] =	stream.linear.gather [hbm4b:s16+s4], $0x80, $0x38;
	[tilespmem:$0x1C280] =	vst v63  }
0x6e: {  	_ =	swait.ge [sflag:s26], $0x80  }
0x6f: {  	[sflag:s26] =	ssyncset.done $0x0  }
0x70: {  	[sflag:s26] =	ssyncadd.s32 $0xFFFFFF80  }
0x71: {  	[tilespmem:s25], [sflag:$0x1] =	stream.indirect.gather [hbm4b:s5+s29], $0x80, s4, s29, $0xb8;
	[tilespmem:$0x1C280] =	vst v63  }
0x72: {  	_ =	swait.ge [sflag:s1], $0x4000  }
0x73: {  	[sflag:s1] =	ssyncset.done $0x0  }
0x74: {  	[sflag:s1] =	ssyncadd.s32 $0xFFFFC000  }
0x75: {  	[spmem:s2] =	stream.indirect.scatter.add.f32 [tilespmem:s0], [sflag:$0x3], $0x80, s31, s29, $0xb8;
	[tilespmem:$0x1C280] =	vst v63  }
0x76: {  	_ =	swait.ge [sflag:s26], $0x4000  }
0x77: {  	s12 =	simm.s32 $0x20;
	s13 =	simm.s32 $0x40;
	[sflag:s26] =	ssyncset.done $0x0  }
.LBB2_2:
0x78: {  	s15 =	sadd.s32 s12, s24  }
0x79: {  	[sflag:s26] =	ssyncadd.s32 $0xFFFFC000;
	s16 =	smov.u32 s13;
	s14 =	sadd.s32 $0x20, s13  }
0x7a: {  	[tilespmem:s29], [sflag:$0x3] =	stream.linear.gather [hbm4b:s15+s4], $0x80, $0x38;
	[tilespmem:$0x1C280] =	vst v63  }
0x7b: {  	p0 =	sne.s32 s13, $0x4C0;
	_ =	swait.ge [sflag:s26], $0x80  }
0x7c: {  	[sflag:s26] =	ssyncset.done $0x0  }
0x7d: {  	s13 =	sadd.s32 s12, s23;
	[sflag:s26] =	ssyncadd.s32 $0xFFFFFF80  }
0x7e: {  	[tilespmem:s31], [sflag:$0x3] =	stream.linear.gather [hbm4b:s13+s4], $0x80, $0x38;
	[tilespmem:$0x1C280] =	vst v63  }
0x7f: {  	_ =	swait.ge [sflag:s26], $0x80  }
0x80: {  	[sflag:s26] =	ssyncset.done $0x0  }
0x81: {  	[sflag:s26] =	ssyncadd.s32 $0xFFFFFF80  }
0x82: {  	[tilespmem:s0], [sflag:$0x2] =	stream.indirect.gather [hbm4b:s5+s29], $0x80, s29, s29, $0xb8;
	[tilespmem:$0x1C280] =	vst v63  }
0x83: {  	_ =	swait.ge [sflag:s3], $0x4000  }
0x84: {  	[sflag:s3] =	ssyncset.done $0x0  }
0x85: {  	[sflag:s3] =	ssyncadd.s32 $0xFFFFC000  }
0x86: {  	[spmem:s2] =	stream.indirect.scatter.add.f32 [tilespmem:s25], [sflag:$0x3], $0x80, s30, s29, $0xb8;
	[tilespmem:$0x1C280] =	vst v63  }
0x87: {  	_ =	swait.ge [sflag:s26], $0x4000  }
0x88: {  	[sflag:s26] =	ssyncset.done $0x0  }
0x89: {  	s13 =	sadd.s32 s12, s22;
	[sflag:s26] =	ssyncadd.s32 $0xFFFFC000  }
0x8a: {  	[tilespmem:s4], [sflag:$0x3] =	stream.linear.gather [hbm4b:s13+s4], $0x80, $0x38;
	[tilespmem:$0x1C280] =	vst v63  }
0x8b: {  	_ =	swait.ge [sflag:s26], $0x80  }
0x8c: {  	[sflag:s26] =	ssyncset.done $0x0  }
0x8d: {  	s13 =	sadd.s32 s12, s21;
	s12 =	smov.u32 s16;
	[sflag:s26] =	ssyncadd.s32 $0xFFFFFF80  }
0x8e: {  	[tilespmem:s30], [sflag:$0x3] =	stream.linear.gather [hbm4b:s13+s4], $0x80, $0x38;
	[tilespmem:$0x1C280] =	vst v63  }
0x8f: {  	_ =	swait.ge [sflag:s26], $0x80  }
0x90: {  	[sflag:s26] =	ssyncset.done $0x0  }
0x91: {  	[sflag:s26] =	ssyncadd.s32 $0xFFFFFF80  }
0x92: {  	[tilespmem:s25], [sflag:$0x1] =	stream.indirect.gather [hbm4b:s5+s29], $0x80, s4, s29, $0xb8;
	[tilespmem:$0x1C280] =	vst v63  }
0x93: {  	_ =	swait.ge [sflag:s1], $0x4000  }
.Ltmp0:
0x94: {  	[sflag:s1] =	ssyncset.done $0x0;
	(pc) =	sbr.rel @p0 .LBB2_2-.Ltmp0, $4  }
0x95: {  	[sflag:s1] =	ssyncadd.s32 $0xFFFFC000  }
0x96: {  	[spmem:s2] =	stream.indirect.scatter.add.f32 [tilespmem:s0], [sflag:$0x3], $0x80, s31, s29, $0xb8;
	[tilespmem:$0x1C280] =	vst v63  }
0x97: {  	_ =	swait.ge [sflag:s26], $0x4000  }
0x98: {  	s13 =	smov.u32 s14;
	[sflag:s26] =	ssyncset.done $0x0  }
0x99: {  	s13 =	sadd.s32 s12, s24;
	[sflag:s26] =	ssyncadd.s32 $0xFFFFC000  }
0x9a: {  	[tilespmem:s29], [sflag:$0x3] =	stream.linear.gather [hbm4b:s13+s4], $0x80, $0x38;
	[tilespmem:$0x1C280] =	vst v63  }
0x9b: {  	_ =	swait.ge [sflag:s26], $0x80  }
0x9c: {  	[sflag:s26] =	ssyncset.done $0x0  }
0x9d: {  	s14 =	sadd.s32 s12, s23;
	[sflag:s26] =	ssyncadd.s32 $0xFFFFFF80  }
0x9e: {  	[tilespmem:s31], [sflag:$0x3] =	stream.linear.gather [hbm4b:s14+s4], $0x80, $0x38;
	[tilespmem:$0x1C280] =	vst v63  }
0x9f: {  	_ =	swait.ge [sflag:s26], $0x80  }
0xa0: {  	[sflag:s26] =	ssyncset.done $0x0  }
0xa1: {  	[sflag:s26] =	ssyncadd.s32 $0xFFFFFF80  }
0xa2: {  	[tilespmem:s0], [sflag:$0x2] =	stream.indirect.gather [hbm4b:s5+s29], $0x80, s29, s29, $0xb8;
	[tilespmem:$0x1C280] =	vst v63  }
0xa3: {  	_ =	swait.ge [sflag:s3], $0x4000  }
0xa4: {  	[sflag:s3] =	ssyncset.done $0x0  }
0xa5: {  	[sflag:s3] =	ssyncadd.s32 $0xFFFFC000  }
0xa6: {  	[spmem:s2] =	stream.indirect.scatter.add.f32 [tilespmem:s25], [sflag:$0x3], $0x80, s30, s29, $0xb8;
	[tilespmem:$0x1C280] =	vst v63  }
0xa7: {  	_ =	swait.ge [sflag:s26], $0x4000  }
0xa8: {  	[sflag:s26] =	ssyncset.done $0x0  }
0xa9: {  	s15 =	sadd.s32 s12, s22;
	[sflag:s26] =	ssyncadd.s32 $0xFFFFC000  }
0xaa: {  	[tilespmem:s4], [sflag:$0x3] =	stream.linear.gather [hbm4b:s15+s4], $0x80, $0x38;
	[tilespmem:$0x1C280] =	vst v63  }
0xab: {  	_ =	swait.ge [sflag:s26], $0x80  }
0xac: {  	[sflag:s26] =	ssyncset.done $0x0  }
0xad: {  	s16 =	sadd.s32 s12, s21;
	[sflag:s26] =	ssyncadd.s32 $0xFFFFFF80  }
0xae: {  	[tilespmem:s30], [sflag:$0x3] =	stream.linear.gather [hbm4b:s16+s4], $0x80, $0x38;
	[tilespmem:$0x1C280] =	vst v63  }
0xaf: {  	_ =	swait.ge [sflag:s26], $0x80  }
0xb0: {  	[sflag:s26] =	ssyncset.done $0x0  }
0xb1: {  	[sflag:s26] =	ssyncadd.s32 $0xFFFFFF80  }
0xb2: {  	[tilespmem:s25], [sflag:$0x1] =	stream.indirect.gather [hbm4b:s5+s29], $0x80, s4, s29, $0xb8;
	[tilespmem:$0x1C280] =	vst v63  }
0xb3: {  	_ =	swait.ge [sflag:s1], $0x4000  }
0xb4: {  	[sflag:s1] =	ssyncset.done $0x0  }
0xb5: {  	[sflag:s1] =	ssyncadd.s32 $0xFFFFC000  }
0xb6: {  	[spmem:s2] =	stream.indirect.scatter.add.f32 [tilespmem:s0], [sflag:$0x3], $0x80, s31, s29, $0xb8;
	[tilespmem:$0x1C280] =	vst v63  }
0xb7: {  	_ =	swait.ge [sflag:s26], $0x4000  }
0xb8: {  	[sflag:s26] =	ssyncset.done $0x0  }
0xb9: {  	[sflag:s26] =	ssyncadd.s32 $0xFFFFC000  }
0xba: {  	[tilespmem:s29], [sflag:$0x3] =	stream.linear.gather [hbm4b:s19+s4], $0x80, $0x38;
	[tilespmem:$0x1C280] =	vst v63  }
0xbb: {  	_ =	swait.ge [sflag:s26], $0x80  }
0xbc: {  	[sflag:s26] =	ssyncset.done $0x0  }
0xbd: {  	[sflag:s26] =	ssyncadd.s32 $0xFFFFFF80  }
0xbe: {  	[tilespmem:s31], [sflag:$0x3] =	stream.linear.gather [hbm4b:s20+s4], $0x80, $0x38;
	[tilespmem:$0x1C280] =	vst v63  }
0xbf: {  	_ =	swait.ge [sflag:s26], $0x80  }
0xc0: {  	[sflag:s26] =	ssyncset.done $0x0  }
0xc1: {  	[sflag:s26] =	ssyncadd.s32 $0xFFFFFF80  }
0xc2: {  	[tilespmem:s0], [sflag:$0x2] =	stream.indirect.gather [hbm4b:s5+s29], $0x80, s29, s29, $0xb8;
	[tilespmem:$0x1C280] =	vst v63  }
0xc3: {  	_ =	swait.ge [sflag:s3], $0x4000  }
0xc4: {  	[sflag:s3] =	ssyncset.done $0x0  }
0xc5: {  	[sflag:s3] =	ssyncadd.s32 $0xFFFFC000  }
0xc6: {  	[spmem:s2] =	stream.indirect.scatter.add.f32 [tilespmem:s25], [sflag:$0x3], $0x80, s30, s29, $0xb8;
	[tilespmem:$0x1C280] =	vst v63  }
0xc7: {  	_ =	swait.ge [sflag:s26], $0x4000  }
0xc8: {  	[sflag:s26] =	ssyncset.done $0x0  }
0xc9: {  	[sflag:s26] =	ssyncadd.s32 $0xFFFFC000  }
0xca: {  	_ =	swait.ge [sflag:s1], $0x4000  }
0xcb: {  	[sflag:s1] =	ssyncset.done $0x0  }
0xcc: {  	[sflag:s1] =	ssyncadd.s32 $0xFFFFC000  }
0xcd: {  	[spmem:s2] =	stream.indirect.scatter.add.f32 [tilespmem:s0], [sflag:$0x3], $0x80, s31, s29, $0xb8;
	[tilespmem:$0x1C280] =	vst v63  }
0xce: {  	_ =	swait.ge [sflag:s26], $0x4000  }
0xcf: {  	[sflag:s26] =	ssyncset.done $0x0  }
0xd0: {  	[sflag:s26] =	ssyncadd.s32 $0xFFFFC000  }
0xd1: {  	[bflag:$0x0] =	sbarrier.arrive $0xFFFF  }
0xd2: {  	[tilespmem:s28], [sflag:$0x3] =	stream.linear.gather [hbm4b:s6+s4], $0x80, $0x38;
	[tilespmem:$0x1C280] =	vst v63  }
0xd3: {  	_ =	swait.ge [sflag:s26], $0x80  }
0xd4: {  	[sflag:s26] =	ssyncset.done $0x0  }
0xd5: {  	[sflag:s26] =	ssyncadd.s32 $0xFFFFFF80  }
0xd6: {  	[tilespmem:s25], [sflag:$0x3] =	stream.indirect.gather [spmem:s2], $0x80, s28, s29, $0xb8;
	[tilespmem:$0x1C280] =	vst v63  }
0xd7: {  	_ =	swait.ge [sflag:s26], $0x4000  }
0xd8: {  	[sflag:s26] =	ssyncset.done $0x0  }
0xd9: {  	s13 =	rddreg [dreg:$0x7];
	[sflag:s26] =	ssyncadd.s32 $0xFFFFC000  }
0xda: {  	[hbm4b:s13+s4] =	stream.linear.scatter [tilespmem:s25], [sflag:$0x3], $0x4000, $0x38;
	[tilespmem:$0x1C280] =	vst v63  }
0xdb: {  	_ =	swait.ge [sflag:s26], $0x4000  }
0xdc: {  	[sflag:s26] =	ssyncset.done $0x0  }
0xdd: {  	[sflag:s26] =	ssyncadd.s32 $0xFFFFC000  }
0xde: {  	[tilespmem:s28], [sflag:$0x3] =	stream.linear.gather [hbm4b:s7+s4], $0x80, $0x38;
	[tilespmem:$0x1C280] =	vst v63  }
0xdf: {  	_ =	swait.ge [sflag:s26], $0x80  }
0xe0: {  	[sflag:s26] =	ssyncset.done $0x0  }
0xe1: {  	[sflag:s26] =	ssyncadd.s32 $0xFFFFFF80  }
0xe2: {  	[tilespmem:s25], [sflag:$0x3] =	stream.indirect.gather [spmem:s2], $0x80, s28, s29, $0xb8;
	[tilespmem:$0x1C280] =	vst v63  }
0xe3: {  	_ =	swait.ge [sflag:s26], $0x4000  }
0xe4: {  	[sflag:s26] =	ssyncset.done $0x0  }
0xe5: {  	s14 =	rddreg [dreg:$0x8];
	[sflag:s26] =	ssyncadd.s32 $0xFFFFC000  }
0xe6: {  	[hbm4b:s14+s4] =	stream.linear.scatter [tilespmem:s25], [sflag:$0x3], $0x4000, $0x38;
	[tilespmem:$0x1C280] =	vst v63  }
0xe7: {  	_ =	swait.ge [sflag:s26], $0x4000  }
0xe8: {  	[sflag:s26] =	ssyncset.done $0x0  }
0xe9: {  	[sflag:s26] =	ssyncadd.s32 $0xFFFFC000  }
0xea: {  	[tilespmem:s28], [sflag:$0x3] =	stream.linear.gather [hbm4b:s8+s4], $0x80, $0x38;
	[tilespmem:$0x1C280] =	vst v63  }
0xeb: {  	_ =	swait.ge [sflag:s26], $0x80  }
0xec: {  	[sflag:s26] =	ssyncset.done $0x0  }
0xed: {  	[sflag:s26] =	ssyncadd.s32 $0xFFFFFF80  }
0xee: {  	[tilespmem:s25], [sflag:$0x3] =	stream.indirect.gather [spmem:s2], $0x80, s28, s29, $0xb8;
	[tilespmem:$0x1C280] =	vst v63  }
0xef: {  	_ =	swait.ge [sflag:s26], $0x4000  }
0xf0: {  	[sflag:s26] =	ssyncset.done $0x0  }
0xf1: {  	s15 =	rddreg [dreg:$0x9];
	[sflag:s26] =	ssyncadd.s32 $0xFFFFC000  }
0xf2: {  	[hbm4b:s15+s4] =	stream.linear.scatter [tilespmem:s25], [sflag:$0x3], $0x4000, $0x38;
	[tilespmem:$0x1C280] =	vst v63  }
0xf3: {  	_ =	swait.ge [sflag:s26], $0x4000  }
0xf4: {  	[sflag:s26] =	ssyncset.done $0x0  }
0xf5: {  	[sflag:s26] =	ssyncadd.s32 $0xFFFFC000  }
0xf6: {  	[tilespmem:s28], [sflag:$0x3] =	stream.linear.gather [hbm4b:s9+s4], $0x80, $0x38;
	[tilespmem:$0x1C280] =	vst v63  }
0xf7: {  	_ =	swait.ge [sflag:s26], $0x80  }
0xf8: {  	[sflag:s26] =	ssyncset.done $0x0  }
0xf9: {  	[sflag:s26] =	ssyncadd.s32 $0xFFFFFF80  }
0xfa: {  	[tilespmem:s25], [sflag:$0x3] =	stream.indirect.gather [spmem:s2], $0x80, s28, s29, $0xb8;
	[tilespmem:$0x1C280] =	vst v63  }
0xfb: {  	_ =	swait.ge [sflag:s26], $0x4000  }
0xfc: {  	[sflag:s26] =	ssyncset.done $0x0  }
0xfd: {  	s16 =	rddreg [dreg:$0xa];
	[sflag:s26] =	ssyncadd.s32 $0xFFFFC000  }
0xfe: {  	[hbm4b:s16+s4] =	stream.linear.scatter [tilespmem:s25], [sflag:$0x3], $0x4000, $0x38;
	[tilespmem:$0x1C280] =	vst v63  }
0xff: {  	_ =	swait.ge [sflag:s26], $0x4000  }
0x100: {  	[sflag:s26] =	ssyncset.done $0x0  }
0x101: {  	[sflag:s26] =	ssyncadd.s32 $0xFFFFC000  }
0x102: {  	[tilespmem:s28], [sflag:$0x3] =	stream.linear.gather [hbm4b:s10+s4], $0x80, $0x38;
	[tilespmem:$0x1C280] =	vst v63  }
0x103: {  	_ =	swait.ge [sflag:s26], $0x80  }
0x104: {  	[sflag:s26] =	ssyncset.done $0x0  }
0x105: {  	[sflag:s26] =	ssyncadd.s32 $0xFFFFFF80  }
0x106: {  	[tilespmem:s25], [sflag:$0x3] =	stream.indirect.gather [spmem:s2], $0x80, s28, s29, $0xb8;
	[tilespmem:$0x1C280] =	vst v63  }
0x107: {  	s11 =	sadd.s32 $0x1, s11;
	_ =	swait.ge [sflag:s26], $0x4000  }
0x108: {  	p0 =	sne.s32 s11, s18;
	[sflag:s26] =	ssyncset.done $0x0  }
.Ltmp1:
0x109: {  	[sflag:s26] =	ssyncadd.s32 $0xFFFFC000;
	(pc) =	sbr.rel @p0 .LBB2_1-.Ltmp1, $4  }
0x10a: {  	[hbm4b:s17+s4] =	stream.linear.scatter [tilespmem:s25], [sflag:$0x3], $0x4000, $0x38;
	[tilespmem:$0x1C280] =	vst v63  }
0x10b: {  	_ =	swait.ge [sflag:s26], $0x4000  }
0x10c: {  	[sflag:s26] =	ssyncset.done $0x0  }
0x10d: {  	[sflag:s26] =	ssyncadd.s32 $0xFFFFC000  }
0x10e: {  	_ =	sfence.sel $0x180000  }
0x10f: {  	[bflag:$0x0] =	sbarrier.arrive $0xFFFF  }
0x110: {  	_ =	strace $0x9000004D  }
0x111: {  	s0 =	stileid.u32;
	[bflag:$0x2] =	sbarrier.arrive $0xFFFF  }
0x112: {  	p0 =	sne.s32 s0, $0x0;
	s0 =	rddreg [dreg:$0x4]  }
0x113: {  	s0 =	sadd.s32 @!p0 $0x100000, s0  }
0x114: {  	[sflag:s0] =	ssyncadd.tile.s32 @!p0 $0x1;
	_ =	shalt  }
.Lfunc_end2:
_tile_overlayer_lowered:
.L_overlay_start_2:
0x115: {  	(tag) =	ssettag $0x2  }
0x116: {  	s0 =	rddreg [dreg:$0x0];
	s2 =	stileid.u32  }
0x117: {  	s1 =	rddreg [dreg:$0x1];
	p0 =	sne.s32 s2, $0x0  }
0x118: {  	s3 =	rddreg [dreg:$0x2];
	[bflag:$0x3] =	sbarrier.arrive $0xFFFF;
	s2 =	simm.s32 @!p0 $0x1C03  }
0x119: {  	[timem:s3], [sflag:s2] =	dma.local @!p0 [hbm:s0], s1  }
0x11a: {  	s0 =	simm.s32 @!p0 $0x3  }
0x11b: {  	_ =	swait.ge @!p0 [sflag:s0], s1  }
0x11c: {  	s1 =	ssub.s32 @!p0 $0x0, s1;
	[sflag:s0] =	ssyncset.done @!p0 $0x0  }
0x11d: {  	[sflag:s0] =	ssyncadd.s32 @!p0 s1  }
0x11e: {  	[bflag:$0x3] =	sbarrier.arrive $0xFFFF  }
0x11f: {  	_ =	shalt  }

// kernel: kernel.19.cloned.1.call-start
scs
__scs_entry_jumppad:
0x0: {  	(pc) =	sbr.rel $0x88, $3  }
0x1: {  	(tag) =	ssettag $0x0;
	lr =	simm.s32 $0x1  }
0x2: {  	[smem:$0x3F95] =	sst lr;
	_ =	strace $0xD0000000  }
0x3: {  	_ = 	snop  }
0x4: {  	_ = 	snop  }
0x5: {  	_ = 	snop  }
0x6: {  	_ = 	snop  }
0x7: {  	_ = 	snop  }
__scs_overlays_trampoline_lowered:
0x8: {  	[smem:$0x3FA4] =	sst s0  }
0x9: {  	[smem:$0x3FA5] =	sst s1  }
0xa: {  	[smem:$0x3FA6] =	sst s2  }
0xb: {  	[smem:$0x3FA7] =	sst s3  }
0xc: {  	[smem:$0x3FA8] =	sst s4  }
0xd: {  	[smem:$0x3FA9] =	sst s5  }
0xe: {  	[smem:$0x3FAA] =	sst s6  }
0xf: {  	[smem:$0x3FAB] =	sst s7  }
0x10: {  	[smem:$0x3FAC] =	sst s8  }
0x11: {  	[smem:$0x3FAD] =	sst s9;
	s0 =	simm.s32 @!p0 $0x0  }
0x12: {  	s1 =	sld [smem:$0x3F93];
	s0 =	simm.s32 @p0 $0x1  }
0x13: {  	[smem:$0x3FAE] =	sst s0;
	s0 =	simm.s32 @!p1 $0x0  }
0x14: {  	s2 =	sld [smem:$0x3F92];
	s0 =	simm.s32 @p1 $0x1  }
0x15: {  	[smem:$0x3FAF] =	sst s0;
	s0 =	simm.s32 @!p2 $0x0  }
0x16: {  	s3 =	sld [smem:$0x3FDB];
	s0 =	simm.s32 @p2 $0x1  }
0x17: {  	s4 =	simm.s32 $0x1BF5;
	[smem:$0x3FB1] =	sst s0  }
0x18: {  	s0 =	sld [smem:$0x3F94];
	_ =	swait.ge [sflag:s4], $0x0  }
0x19: {  	s7 =	sld [smem:$0x3F95]  }
0x1a: {  	s8 =	sadd.s32 $0xFFFFE003, lr  }
0x1b: {  	s9 =	sadd.s32 $0xFFFFFEF7, lr;
	s5 =	simm.s32 $0xFFFFFFFF;
	p2 =	slt.u32 s8, $0xFFFFF086  }
0x1c: {  	p1 =	slt.u32 s9, $0xF7A;
	s5 =	simm.s32 @!p2 $0x0  }
0x1d: {  	s5 =	simm.s32 @p1 $0x1;
	p0 =	seq.s32 s7, s2  }
0x1e: {  	s7 =	smul.u32 @!p0 $0xF7A, s2;
	p2 =	seq.s32 @!p0 s5, $0x0  }
0x1f: {  	s9 =	smul.u32 $0xF7A, s1;
	s8 =	simm.s32 @!p0 $0x1BF5;
	p2 =	por !p2, p0  }
0x20: {  	[sflag:s8] =	ssyncset.s32 @!p0 $0xFFFFF086;
	s6 =	sadd.s32 @!p0 s3, s7;
	s7 =	simm.s32 @!p0 $0x108  }
0x21: {  	s3 =	sadd.s32 s3, s9;
	s6 =	sadd.s32 @!p0 $0x88, s6;
	s7 =	simm.s32 @p2 $0x1082  }
0x22: {  	[simem:s7], [sflag:s8] =	dma.local @!p0 [hbm:s6], $0xF7A  }
0x23: {  	s9 =	sor.u32 $0xD0000000, s2;
	s6 =	simm.s32 $0x108;
	_ =	swait.ge @!p0 [sflag:s8], $0x0  }
0x24: {  	s3 =	sadd.s32 $0x88, s3;
	s6 =	simm.s32 @!p1 $0x1082;
	[sflag:s4] =	ssyncset.s32 $0xFFFFF086  }
0x25: {  	[simem:s6], [sflag:s4] =	dma.local [hbm:s3], $0xF7A  }
0x26: {  	[smem:$0x3F95] =	sst s1;
	(tag) =	ssettag s2;
	_ =	strace s9  }
0x27: {  	s1 =	sld [smem:$0x3FA5]  }
0x28: {  	s2 =	sld [smem:$0x3FA6]  }
0x29: {  	s4 =	sld [smem:$0x3FA8]  }
0x2a: {  	p0 =	seq.s32 s5, $0x0;
	s5 =	sld [smem:$0x3FA9]  }
0x2b: {  	s6 =	sld [smem:$0x3FAA]  }
0x2c: {  	s7 =	sld [smem:$0x3FAB]  }
0x2d: {  	s3 =	simm.s32 $0x108;
	s8 =	sld [smem:$0x3FAC]  }
0x2e: {  	s3 =	simm.s32 @!p0 $0x1082;
	s9 =	sld [smem:$0x3FAD]  }
0x2f: {  	lr =	sadd.s32 s0, s3;
	s0 =	sld [smem:$0x3FA4]  }
0x30: {  	s3 =	sld [smem:$0x3FA7]  }
0x31: {  	[smem:$0x3FB0] =	sst s10  }
0x32: {  	s10 =	sld [smem:$0x3FAE];
	_ =	sdelay $0x3  }
0x33: {  	p0 =	seq.s32 s10, $0x1;
	s10 =	sld [smem:$0x3FB0];
	_ =	sdelay $0x3  }
0x34: {  	[smem:$0x3FB0] =	sst s10  }
0x35: {  	s10 =	sld [smem:$0x3FAF];
	_ =	sdelay $0x3  }
0x36: {  	p1 =	seq.s32 s10, $0x1;
	s10 =	sld [smem:$0x3FB0];
	_ =	sdelay $0x3  }
0x37: {  	[smem:$0x3FB0] =	sst s10  }
0x38: {  	s10 =	sld [smem:$0x3FB1]  }
0x39: {  	_ = 	snop;
	(pc) =	sbr.ind lr, $3  }
0x3a: {  	_ = 	snop  }
0x3b: {  	_ = 	snop  }
0x3c: {  	p2 =	seq.s32 s10, $0x1;
	s10 =	sld [smem:$0x3FB0]  }
0x3d: {  	_ =	shalt  }
0x3e: {  	_ =	shalt  }
0x3f: {  	_ =	shalt  }
0x40: {  	_ =	shalt  }
0x41: {  	_ =	shalt  }
0x42: {  	_ =	shalt  }
0x43: {  	_ =	shalt  }
0x44: {  	_ =	shalt  }
0x45: {  	_ =	shalt  }
0x46: {  	_ =	shalt  }
0x47: {  	_ =	shalt  }
0x48: {  	_ =	shalt  }
0x49: {  	_ =	shalt  }
0x4a: {  	_ =	shalt  }
0x4b: {  	_ =	shalt  }
0x4c: {  	_ =	shalt  }
0x4d: {  	_ =	shalt  }
0x4e: {  	_ =	shalt  }
0x4f: {  	_ =	shalt  }
0x50: {  	_ =	shalt  }
0x51: {  	_ =	shalt  }
0x52: {  	_ =	shalt  }
0x53: {  	_ =	shalt  }
0x54: {  	_ =	shalt  }
0x55: {  	_ =	shalt  }
0x56: {  	_ =	shalt  }
0x57: {  	_ =	shalt  }
0x58: {  	_ =	shalt  }
0x59: {  	_ =	shalt  }
0x5a: {  	_ =	shalt  }
0x5b: {  	_ =	shalt  }
0x5c: {  	_ =	shalt  }
0x5d: {  	_ =	shalt  }
0x5e: {  	_ =	shalt  }
0x5f: {  	_ =	shalt  }
0x60: {  	_ =	shalt  }
0x61: {  	_ =	shalt  }
0x62: {  	_ =	shalt  }
0x63: {  	_ =	shalt  }
0x64: {  	_ =	shalt  }
0x65: {  	_ =	shalt  }
0x66: {  	_ =	shalt  }
0x67: {  	_ =	shalt  }
0x68: {  	_ =	shalt  }
0x69: {  	_ =	shalt  }
0x6a: {  	_ =	shalt  }
0x6b: {  	_ =	shalt  }
0x6c: {  	_ =	shalt  }
0x6d: {  	_ =	shalt  }
0x6e: {  	_ =	shalt  }
0x6f: {  	_ =	shalt  }
0x70: {  	_ =	shalt  }
0x71: {  	_ =	shalt  }
0x72: {  	_ =	shalt  }
0x73: {  	_ =	shalt  }
0x74: {  	_ =	shalt  }
0x75: {  	_ =	shalt  }
0x76: {  	_ =	shalt  }
0x77: {  	_ =	shalt  }
0x78: {  	_ =	shalt  }
0x79: {  	_ =	shalt  }
0x7a: {  	_ =	shalt  }
0x7b: {  	_ =	shalt  }
0x7c: {  	_ =	shalt  }
0x7d: {  	_ =	shalt  }
0x7e: {  	_ =	shalt  }
0x7f: {  	_ =	shalt  }
0x80: {  	_ =	shalt  }
0x81: {  	_ =	shalt  }
0x82: {  	_ =	shalt  }
0x83: {  	_ =	shalt  }
0x84: {  	_ =	shalt  }
0x85: {  	_ =	shalt  }
0x86: {  	_ =	shalt  }
0x87: {  	_ =	shalt  }
.Lfunc_end0:
.L_simem_size_0:
called_computation.3_lowered:
.L_overlay_start_0:
0x88: {  	s2 =	sld [smem:$0x3FD9]  }
0x89: {  	s3 =	sld [smem:$0x3FFE];
	_ =	sdelay $0x1  }
0x8a: {  	s1 =	srdreg.scid  }
0x8b: {  	s0 =	sand.u32 $0x1, s1  }
0x8c: {  	s14 =	sshll.u32 s0, $0xA;
	s2 =	sadd.s32 s3, s2  }
0x8d: {  	s2 =	sadd.s32 s2, s14  }
0x8e: {  	[smem:$0x3FBC] =	sst s2  }
0x8f: {  	_ = 	snop  }
0x90: {  	s2 =	sld [smem:$0x3FD0];
	_ =	sdelay $0x2  }
0x91: {  	s15 =	simm.s32 $0xA;
	s4 =	simm.s32 $0x10  }
0x92: {  	[smem:s4], [sflag:s15] =	dma.local [hbm:s2], $0x1  }
0x93: {  	_ =	swait.eq [sflag:s15], $0x1  }
0x94: {  	[sflag:s15] =	ssyncset.done $0x0  }
0x95: {  	s16 =	sld [smem:$0x10];
	[sflag:s15] =	ssyncadd.s32 $0xFFFFFFFF  }
0x96: {  	s17 =	sld [smem:$0x11];
	(tm) =	ssettm $0x1  }
0x97: {  	s18 =	sld [smem:$0x3FFB];
	_ =	sdelay $0x3  }
0x98: {  	_ =	strace s18  }
0x99: {  	s4 =	sld [smem:$0x3FFC];
	_ =	sdelay $0x3  }
0x9a: {  	_ =	strace s4  }
0x9b: {  	s4 =	sld [smem:$0x3FFD];
	_ =	sdelay $0x3  }
0x9c: {  	_ =	strace s4  }
0x9d: {  	_ =	strace $0x8FFFFFFF  }
0x9e: {  	s19 =	sld [smem:$0x3FDB];
	_ =	sdelay $0x1  }
0x9f: {  	s5 =	simm.s32 $_scs_section_size  }
0xa0: {  	s6 =	simm.s32 $_size__tile_overlayer_lowered;
	s7 =	simm.s32 $_tile_overlayer_lowered  }
0xa1: {  	s22 =	simm.s32 $0x1BFF;
	s21 =	sshll.u32 s7, $0x1;
	s4 =	sadd.s32 s5, s19  }
0xa2: {  	s8 =	simm.s32 $0x0;
	s20 =	sshll.u32 s6, $0x1;
	s6 =	sadd.s32 s21, s4  }
0xa3: {  	[timem:s8], [sflag:s22] =	dma.local [hbm:s6], s20  }
0xa4: {  	_ =	swait.ge [sflag:s22], s20  }
0xa5: {  	s5 =	ssub.s32 $0x0, s20;
	[sflag:s22] =	ssyncset.done $0x0  }
0xa6: {  	[sflag:s22] =	ssyncadd.s32 s5;
	_ =	sdelay $0x1  }
0xa7: {  	s23 =	simm.s32 $0x1B8B  }
0xa8: {  	_ =	swait.ge [sflag:s23], $0x1  }
0xa9: {  	[sflag:s23] =	ssyncset.done $0x0  }
0xaa: {  	s25 =	simm.s32 $0x1B8E;
	s24 =	sld [smem:$0x3FFE];
	[sflag:s23] =	ssyncadd.s32 $0xFFFFFFFF  }
0xab: {  	s26 =	simm.s32 $execute0_lowered;
	[smem:$0x3FD2] =	sst s25  }
0xac: {  	s6 =	sshll.u32 s26, $0x1;
	_ =	strace $0x8000004F;
	[dreg:$0x1] =	wrdreg $0xFFFFFFFF  }
0xad: {  	s28 =	simm.s32 $_size_execute0_lowered;
	s4 =	sadd.s32 s4, s6;
	[dreg:$0x0] =	wrdreg $0x0  }
0xae: {  	s6 =	sshll.u32 s28, $0x1;
	[dreg:$0x2] =	wrdreg s4  }
0xaf: {  	[dreg:$0x3] =	wrdreg s6  }
0xb0: {  	[dreg:$0x4] =	wrdreg $0xC0  }
0xb1: {  	_ =	task [dreg:s8], $0x5FFFF  }
0xb2: {  	[dreg:$0x1] =	wrdreg $0xFFFFFFFF  }
0xb3: {  	[dreg:$0x0] =	wrdreg $0x60  }
0xb4: {  	[dreg:$0x2] =	wrdreg s24  }
0xb5: {  	[dreg:$0x3] =	wrdreg s16  }
0xb6: {  	[dreg:$0x4] =	wrdreg s17  }
0xb7: {  	[dreg:$0x5] =	wrdreg $0x82800  }
0xb8: {  	[dreg:$0x6] =	wrdreg $0x9  }
0xb9: {  	_ =	task.clear_ibuf [dreg:s8], $0x7FFFF;
	_ =	strace $0x9000004F  }
0xba: {  	s29 =	simm.s32 $0x9;
	_ =	strace $0x80000051  }
0xbb: {  	_ =	swait.ge [sflag:s29], $0x1  }
0xbc: {  	[sflag:s29] =	ssyncadd.s32 $0xFFFFFFFF  }
0xbd: {  	_ =	strace $0x90000051  }
0xbe: {  	_ =	sfence  }
0xbf: {  	s30 =	sld [smem:$0x0];
	_ =	sdelay $0x2  }
0xc0: {  	s31 =	sshll.u32 s1, $0xD;
	s1 =	sshrl.u32 s1, $0x2  }
0xc1: {  	s3 =	sand.u32 $0x4000, s31;
	s1 =	sadd.s32 s1, s30  }
0xc2: {  	s0 =	sor.u32 s3, s0;
	s1 =	sshll.u32 s1, $0x11  }
0xc3: {  	s0 =	sor.u32 s1, s0  }
0xc4: {  	s0 =	sadd.s32 $0x8F2B, s0  }
0xc5: {  	[sflag:s0] =	ssyncadd.remote.s32 $0x1  }
0xc6: {  	_ =	sfence.sel $0xFFFF  }
0xc7: {  	[dreg:$0x0] =	wrdreg $0xFFFFFFFF;
	(pc) =	sbr.abs _section_cstart, $3  }
0xc8: {  	[dreg:$0x1] =	wrdreg $0xFFFFFFFF  }
0xc9: {  	_ =	task.clear_ibuf [dreg:s8], $0x2FFFF;
	_ =	strace $0x9FFFFFFF  }
0xca: {  	(tm) =	ssettm $0x7FFFFFFF  }
0xcb: {  	_ =	shalt  }
tec
execute0_lowered:
.L_overlay_start_1:
0x0: {  	(tag) =	ssettag $0x1  }
0x1: {  	s1 =	rddreg [dreg:$0x0]  }
0x2: {  	s0 =	rddreg [dreg:$0x1]  }
0x3: {  	s2 =	rddreg [dreg:$0x3];
	s4 =	simm.s32 $0x0;
	s3 =	srdreg.scid  }
0x4: {  	s22 =	stileid.u32;
	s28 =	simm.s32 $0x200;
	s29 =	simm.s32 $0x80  }
0x5: {  	s30 =	simm.s32 $0x100;
	s31 =	simm.s32 $0x180;
	[smem:$0x7FF] =	sst s4  }
0x6: {  	s5 =	sadd.s32 $0x19200, s1;
	s3 =	sand.u32 $0x1, s3;
	s9 =	smul.u32 $0x280, s22  }
0x7: {  	s11 =	sadd.s32 $0xF200, s1;
	s10 =	sadd.s32 $0x4C00, s1;
	s23 =	smul.u32 $0x14000, s22  }
0x8: {  	s1 =	sadd.s32 $0x41200, s1;
	_ =	strace $0x80000050;
	s19 =	smul.u32 $0x140000, s3  }
0x9: {  	s6 =	ssub.s32 $0x2, s3;
	s21 =	sshll.u32 s3, $0x4;
	s3 =	smul.u32 $0x28000, s3  }
0xa: {  	s7 =	sshrl.u32 s6, $0x1;
	s8 =	sshrl.u32 s9, $0x3;
	s13 =	sadd.s32 $0x80, s9  }
0xb: {  	s14 =	sadd.s32 $0x100, s9;
	s16 =	sor.u32 s22, s21;
	s18 =	sadd.s32 $0x200, s9  }
0xc: {  	s12 =	ssub.s32 s6, s7;
	s6 =	sadd.s32 s10, s8;
	s20 =	sshrl.u32 s13, $0x3  }
0xd: {  	s15 =	sshrl.u32 s14, $0x3;
	s16 =	smul.u32 $0x2800, s16;
	s13 =	sshll.u32 s13, $0x7  }
0xe: {  	s14 =	sshll.u32 s14, $0x7;
	s7 =	sadd.s32 s10, s20;
	s8 =	sadd.s32 s10, s15  }
0xf: {  	s15 =	sadd.s32 $0x180, s9;
	s20 =	sshrl.u32 s18, $0x3;
	s13 =	sadd.s32 s19, s13  }
0x10: {  	s14 =	sadd.s32 s19, s14;
	s17 =	sshrl.u32 s15, $0x3;
	s21 =	sshrl.u32 s16, $0x3  }
0x11: {  	s16 =	sadd.s32 s23, s19;
	s13 =	sshrl.u32 s13, $0x3;
	s26 =	sshrl.u32 s14, $0x3  }
0x12: {  	s9 =	sadd.s32 s10, s17;
	s10 =	sadd.s32 s10, s20;
	s24 =	sadd.s32 s0, s21  }
0x13: {  	s25 =	sadd.s32 s11, s21;
	s16 =	sshrl.u32 s16, $0x3;
	[dreg:$0x5] =	wrdreg s24  }
0x14: {  	s13 =	sadd.s32 s1, s13;
	s17 =	sshll.u32 s18, $0x7;
	[dreg:$0x6] =	wrdreg s25  }
0x15: {  	s23 =	sadd.s32 $0x4F0, s21;
	s16 =	sadd.s32 s1, s16;
	[dreg:$0x8] =	wrdreg s13  }
0x16: {  	s13 =	sadd.s32 s1, s26;
	[dreg:$0x7] =	wrdreg s16;
	s16 =	sshll.u32 s15, $0x7  }
0x17: {  	s18 =	sadd.s32 s19, s17;
	[dreg:$0x9] =	wrdreg s13;
	s14 =	sadd.s32 s19, s16  }
0x18: {  	s19 =	smul.u32 $0x2800, s22;
	s22 =	sshrl.u32 s18, $0x3;
	s14 =	sshrl.u32 s14, $0x3  }
0x19: {  	s18 =	smax.u32 s12, $0x1;
	s17 =	sadd.s32 s1, s22;
	s20 =	sadd.s32 s1, s14  }
0x1a: {  	s3 =	sadd.s32 s19, s3;
	s19 =	sadd.s32 s0, s23;
	s1 =	simm.s32 $0x2  }
0x1b: {  	[dreg:$0xa] =	wrdreg s20;
	s24 =	sor.u32 $0x100, s3;
	s3 =	sor.u32 $0x80, s3  }
0x1c: {  	s20 =	sadd.s32 s11, s23;
	s25 =	sshrl.u32 s24, $0x3;
	s26 =	sshrl.u32 s3, $0x3  }
0x1d: {  	s3 =	simm.s32 $0x1;
	s21 =	sadd.s32 s25, s11;
	s22 =	sadd.s32 s25, s0  }
0x1e: {  	s23 =	sadd.s32 s26, s11;
	s24 =	sadd.s32 s26, s0;
	s25 =	simm.s32 $0x280  }
0x1f: {  	s26 =	simm.s32 $0x3;
	s0 =	simm.s32 $0x4280;
	s11 =	simm.s32 $0x0  }
.LBB2_1:
0x20: {  	s12 =	rddreg [dreg:$0x2]  }
0x21: {  	[tilespmem:s25], [sflag:$0x3] =	stream.linear.gather [hbm4b:s12+s4], $0x4000, $0x38;
	[tilespmem:$0x1C280] =	vst v63  }
0x22: {  	_ =	swait.ge [sflag:s26], $0x4000  }
0x23: {  	[sflag:s26] =	ssyncset.done $0x0  }
0x24: {  	[sflag:s26] =	ssyncadd.s32 $0xFFFFC000  }
0x25: {  	[tilespmem:s28], [sflag:$0x3] =	stream.linear.gather [hbm4b:s6+s4], $0x80, $0x38;
	[tilespmem:$0x1C280] =	vst v63  }
0x26: {  	_ =	swait.ge [sflag:s26], $0x80  }
0x27: {  	[sflag:s26] =	ssyncset.done $0x0  }
0x28: {  	[sflag:s26] =	ssyncadd.s32 $0xFFFFFF80  }
0x29: {  	[spmem:s2] =	stream.indirect.scatter [tilespmem:s25], [sflag:$0x3], $0x80, s28, s29, $0xb8;
	[tilespmem:$0x1C280] =	vst v63  }
0x2a: {  	_ =	swait.ge [sflag:s26], $0x4000  }
0x2b: {  	[sflag:s26] =	ssyncset.done $0x0  }
0x2c: {  	[sflag:s26] =	ssyncadd.s32 $0xFFFFC000  }
0x2d: {  	[tilespmem:s28], [sflag:$0x3] =	stream.linear.gather [hbm4b:s7+s4], $0x80, $0x38;
	[tilespmem:$0x1C280] =	vst v63  }
0x2e: {  	_ =	swait.ge [sflag:s26], $0x80  }
0x2f: {  	[sflag:s26] =	ssyncset.done $0x0  }
0x30: {  	[sflag:s26] =	ssyncadd.s32 $0xFFFFFF80  }
0x31: {  	[spmem:s2] =	stream.indirect.scatter [tilespmem:s25], [sflag:$0x3], $0x80, s28, s29, $0xb8;
	[tilespmem:$0x1C280] =	vst v63  }
0x32: {  	_ =	swait.ge [sflag:s26], $0x4000  }
0x33: {  	[sflag:s26] =	ssyncset.done $0x0  }
0x34: {  	[sflag:s26] =	ssyncadd.s32 $0xFFFFC000  }
0x35: {  	[tilespmem:s28], [sflag:$0x3] =	stream.linear.gather [hbm4b:s8+s4], $0x80, $0x38;
	[tilespmem:$0x1C280] =	vst v63  }
0x36: {  	_ =	swait.ge [sflag:s26], $0x80  }
0x37: {  	[sflag:s26] =	ssyncset.done $0x0  }
0x38: {  	[sflag:s26] =	ssyncadd.s32 $0xFFFFFF80  }
0x39: {  	[spmem:s2] =	stream.indirect.scatter [tilespmem:s25], [sflag:$0x3], $0x80, s28, s29, $0xb8;
	[tilespmem:$0x1C280] =	vst v63  }
0x3a: {  	_ =	swait.ge [sflag:s26], $0x4000  }
0x3b: {  	[sflag:s26] =	ssyncset.done $0x0  }
0x3c: {  	[sflag:s26] =	ssyncadd.s32 $0xFFFFC000  }
0x3d: {  	[tilespmem:s28], [sflag:$0x3] =	stream.linear.gather [hbm4b:s9+s4], $0x80, $0x38;
	[tilespmem:$0x1C280] =	vst v63  }
0x3e: {  	_ =	swait.ge [sflag:s26], $0x80  }
0x3f: {  	[sflag:s26] =	ssyncset.done $0x0  }
0x40: {  	[sflag:s26] =	ssyncadd.s32 $0xFFFFFF80  }
0x41: {  	[spmem:s2] =	stream.indirect.scatter [tilespmem:s25], [sflag:$0x3], $0x80, s28, s29, $0xb8;
	[tilespmem:$0x1C280] =	vst v63  }
0x42: {  	_ =	swait.ge [sflag:s26], $0x4000  }
0x43: {  	[sflag:s26] =	ssyncset.done $0x0  }
0x44: {  	[sflag:s26] =	ssyncadd.s32 $0xFFFFC000  }
0x45: {  	[tilespmem:s28], [sflag:$0x3] =	stream.linear.gather [hbm4b:s10+s4], $0x80, $0x38;
	[tilespmem:$0x1C280] =	vst v63  }
0x46: {  	_ =	swait.ge [sflag:s26], $0x80  }
0x47: {  	[sflag:s26] =	ssyncset.done $0x0  }
0x48: {  	[sflag:s26] =	ssyncadd.s32 $0xFFFFFF80  }
0x49: {  	[spmem:s2] =	stream.indirect.scatter [tilespmem:s25], [sflag:$0x3], $0x80, s28, s29, $0xb8;
	[tilespmem:$0x1C280] =	vst v63  }
0x4a: {  	_ =	swait.ge [sflag:s26], $0x4000  }
0x4b: {  	[sflag:s26] =	ssyncset.done $0x0  }
0x4c: {  	[sflag:s26] =	ssyncadd.s32 $0xFFFFC000  }
0x4d: {  	[bflag:$0x0] =	sbarrier.arrive $0xFFFF  }
0x4e: {  	s15 =	rddreg [dreg:$0x5]  }
0x4f: {  	[tilespmem:s4], [sflag:$0x3] =	stream.linear.gather [hbm4b:s15+s4], $0x80, $0x38;
	[tilespmem:$0x1C280] =	vst v63  }
0x50: {  	_ =	swait.ge [sflag:s26], $0x80  }
0x51: {  	[sflag:s26] =	ssyncset.done $0x0  }
0x52: {  	s16 =	rddreg [dreg:$0x6];
	[sflag:s26] =	ssyncadd.s32 $0xFFFFFF80  }
0x53: {  	[tilespmem:s30], [sflag:$0x3] =	stream.linear.gather [hbm4b:s16+s4], $0x80, $0x38;
	[tilespmem:$0x1C280] =	vst v63  }
0x54: {  	_ =	swait.ge [sflag:s26], $0x80  }
0x55: {  	[sflag:s26] =	ssyncset.done $0x0  }
0x56: {  	[sflag:s26] =	ssyncadd.s32 $0xFFFFFF80  }
0x57: {  	[tilespmem:s25], [sflag:$0x1] =	stream.indirect.gather [hbm4b:s5+s29], $0x80, s4, s29, $0xb8;
	[tilespmem:$0x1C280] =	vst v63  }
0x58: {  	s13 =	sadd.s32 $0x0, s24  }
0x59: {  	[tilespmem:s29], [sflag:$0x3] =	stream.linear.gather [hbm4b:s13+s4], $0x80, $0x38;
	[tilespmem:$0x1C280] =	vst v63  }
0x5a: {  	_ =	swait.ge [sflag:s26], $0x80  }
0x5b: {  	[sflag:s26] =	ssyncset.done $0x0  }
0x5c: {  	s14 =	sadd.s32 $0x0, s23;
	[sflag:s26] =	ssyncadd.s32 $0xFFFFFF80  }
0x5d: {  	[tilespmem:s31], [sflag:$0x3] =	stream.linear.gather [hbm4b:s14+s4], $0x80, $0x38;
	[tilespmem:$0x1C280] =	vst v63  }
0x5e: {  	_ =	swait.ge [sflag:s26], $0x80  }
0x5f: {  	[sflag:s26] =	ssyncset.done $0x0  }
0x60: {  	[sflag:s26] =	ssyncadd.s32 $0xFFFFFF80  }
0x61: {  	[tilespmem:s0], [sflag:$0x2] =	stream.indirect.gather [hbm4b:s5+s29], $0x80, s29, s29, $0xb8;
	[tilespmem:$0x1C280] =	vst v63  }
0x62: {  	_ =	swait.ge [sflag:s3], $0x4000  }
0x63: {  	[sflag:s3] =	ssyncset.done $0x0  }
0x64: {  	[sflag:s3] =	ssyncadd.s32 $0xFFFFC000  }
0x65: {  	[spmem:s2] =	stream.indirect.scatter.add.f32 [tilespmem:s25], [sflag:$0x3], $0x80, s30, s29, $0xb8;
	[tilespmem:$0x1C280] =	vst v63  }
0x66: {  	_ =	swait.ge [sflag:s26], $0x4000  }
0x67: {  	[sflag:s26] =	ssyncset.done $0x0  }
0x68: {  	s15 =	sadd.s32 $0x0, s22;
	[sflag:s26] =	ssyncadd.s32 $0xFFFFC000  }
0x69: {  	[tilespmem:s4], [sflag:$0x3] =	stream.linear.gather [hbm4b:s15+s4], $0x80, $0x38;
	[tilespmem:$0x1C280] =	vst v63  }
0x6a: {  	_ =	swait.ge [sflag:s26], $0x80  }
0x6b: {  	[sflag:s26] =	ssyncset.done $0x0  }
0x6c: {  	s16 =	sadd.s32 $0x0, s21;
	[sflag:s26] =	ssyncadd.s32 $0xFFFFFF80  }
0x6d: {  	[tilespmem:s30], [sflag:$0x3] =	stream.linear.gather [hbm4b:s16+s4], $0x80, $0x38;
	[tilespmem:$0x1C280] =	vst v63  }
0x6e: {  	_ =	swait.ge [sflag:s26], $0x80  }
0x6f: {  	[sflag:s26] =	ssyncset.done $0x0  }
0x70: {  	[sflag:s26] =	ssyncadd.s32 $0xFFFFFF80  }
0x71: {  	[tilespmem:s25], [sflag:$0x1] =	stream.indirect.gather [hbm4b:s5+s29], $0x80, s4, s29, $0xb8;
	[tilespmem:$0x1C280] =	vst v63  }
0x72: {  	_ =	swait.ge [sflag:s1], $0x4000  }
0x73: {  	[sflag:s1] =	ssyncset.done $0x0  }
0x74: {  	[sflag:s1] =	ssyncadd.s32 $0xFFFFC000  }
0x75: {  	[spmem:s2] =	stream.indirect.scatter.add.f32 [tilespmem:s0], [sflag:$0x3], $0x80, s31, s29, $0xb8;
	[tilespmem:$0x1C280] =	vst v63  }
0x76: {  	_ =	swait.ge [sflag:s26], $0x4000  }
0x77: {  	s12 =	simm.s32 $0x20;
	s13 =	simm.s32 $0x40;
	[sflag:s26] =	ssyncset.done $0x0  }
.LBB2_2:
0x78: {  	s15 =	sadd.s32 s12, s24  }
0x79: {  	[sflag:s26] =	ssyncadd.s32 $0xFFFFC000;
	s16 =	smov.u32 s13;
	s14 =	sadd.s32 $0x20, s13  }
0x7a: {  	[tilespmem:s29], [sflag:$0x3] =	stream.linear.gather [hbm4b:s15+s4], $0x80, $0x38;
	[tilespmem:$0x1C280] =	vst v63  }
0x7b: {  	p0 =	sne.s32 s13, $0x4C0;
	_ =	swait.ge [sflag:s26], $0x80  }
0x7c: {  	[sflag:s26] =	ssyncset.done $0x0  }
0x7d: {  	s13 =	sadd.s32 s12, s23;
	[sflag:s26] =	ssyncadd.s32 $0xFFFFFF80  }
0x7e: {  	[tilespmem:s31], [sflag:$0x3] =	stream.linear.gather [hbm4b:s13+s4], $0x80, $0x38;
	[tilespmem:$0x1C280] =	vst v63  }
0x7f: {  	_ =	swait.ge [sflag:s26], $0x80  }
0x80: {  	[sflag:s26] =	ssyncset.done $0x0  }
0x81: {  	[sflag:s26] =	ssyncadd.s32 $0xFFFFFF80  }
0x82: {  	[tilespmem:s0], [sflag:$0x2] =	stream.indirect.gather [hbm4b:s5+s29], $0x80, s29, s29, $0xb8;
	[tilespmem:$0x1C280] =	vst v63  }
0x83: {  	_ =	swait.ge [sflag:s3], $0x4000  }
0x84: {  	[sflag:s3] =	ssyncset.done $0x0  }
0x85: {  	[sflag:s3] =	ssyncadd.s32 $0xFFFFC000  }
0x86: {  	[spmem:s2] =	stream.indirect.scatter.add.f32 [tilespmem:s25], [sflag:$0x3], $0x80, s30, s29, $0xb8;
	[tilespmem:$0x1C280] =	vst v63  }
0x87: {  	_ =	swait.ge [sflag:s26], $0x4000  }
0x88: {  	[sflag:s26] =	ssyncset.done $0x0  }
0x89: {  	s13 =	sadd.s32 s12, s22;
	[sflag:s26] =	ssyncadd.s32 $0xFFFFC000  }
0x8a: {  	[tilespmem:s4], [sflag:$0x3] =	stream.linear.gather [hbm4b:s13+s4], $0x80, $0x38;
	[tilespmem:$0x1C280] =	vst v63  }
0x8b: {  	_ =	swait.ge [sflag:s26], $0x80  }
0x8c: {  	[sflag:s26] =	ssyncset.done $0x0  }
0x8d: {  	s13 =	sadd.s32 s12, s21;
	s12 =	smov.u32 s16;
	[sflag:s26] =	ssyncadd.s32 $0xFFFFFF80  }
0x8e: {  	[tilespmem:s30], [sflag:$0x3] =	stream.linear.gather [hbm4b:s13+s4], $0x80, $0x38;
	[tilespmem:$0x1C280] =	vst v63  }
0x8f: {  	_ =	swait.ge [sflag:s26], $0x80  }
0x90: {  	[sflag:s26] =	ssyncset.done $0x0  }
0x91: {  	[sflag:s26] =	ssyncadd.s32 $0xFFFFFF80  }
0x92: {  	[tilespmem:s25], [sflag:$0x1] =	stream.indirect.gather [hbm4b:s5+s29], $0x80, s4, s29, $0xb8;
	[tilespmem:$0x1C280] =	vst v63  }
0x93: {  	_ =	swait.ge [sflag:s1], $0x4000  }
.Ltmp0:
0x94: {  	[sflag:s1] =	ssyncset.done $0x0;
	(pc) =	sbr.rel @p0 .LBB2_2-.Ltmp0, $4  }
0x95: {  	[sflag:s1] =	ssyncadd.s32 $0xFFFFC000  }
0x96: {  	[spmem:s2] =	stream.indirect.scatter.add.f32 [tilespmem:s0], [sflag:$0x3], $0x80, s31, s29, $0xb8;
	[tilespmem:$0x1C280] =	vst v63  }
0x97: {  	_ =	swait.ge [sflag:s26], $0x4000  }
0x98: {  	s13 =	smov.u32 s14;
	[sflag:s26] =	ssyncset.done $0x0  }
0x99: {  	s13 =	sadd.s32 s12, s24;
	[sflag:s26] =	ssyncadd.s32 $0xFFFFC000  }
0x9a: {  	[tilespmem:s29], [sflag:$0x3] =	stream.linear.gather [hbm4b:s13+s4], $0x80, $0x38;
	[tilespmem:$0x1C280] =	vst v63  }
0x9b: {  	_ =	swait.ge [sflag:s26], $0x80  }
0x9c: {  	[sflag:s26] =	ssyncset.done $0x0  }
0x9d: {  	s14 =	sadd.s32 s12, s23;
	[sflag:s26] =	ssyncadd.s32 $0xFFFFFF80  }
0x9e: {  	[tilespmem:s31], [sflag:$0x3] =	stream.linear.gather [hbm4b:s14+s4], $0x80, $0x38;
	[tilespmem:$0x1C280] =	vst v63  }
0x9f: {  	_ =	swait.ge [sflag:s26], $0x80  }
0xa0: {  	[sflag:s26] =	ssyncset.done $0x0  }
0xa1: {  	[sflag:s26] =	ssyncadd.s32 $0xFFFFFF80  }
0xa2: {  	[tilespmem:s0], [sflag:$0x2] =	stream.indirect.gather [hbm4b:s5+s29], $0x80, s29, s29, $0xb8;
	[tilespmem:$0x1C280] =	vst v63  }
0xa3: {  	_ =	swait.ge [sflag:s3], $0x4000  }
0xa4: {  	[sflag:s3] =	ssyncset.done $0x0  }
0xa5: {  	[sflag:s3] =	ssyncadd.s32 $0xFFFFC000  }
0xa6: {  	[spmem:s2] =	stream.indirect.scatter.add.f32 [tilespmem:s25], [sflag:$0x3], $0x80, s30, s29, $0xb8;
	[tilespmem:$0x1C280] =	vst v63  }
0xa7: {  	_ =	swait.ge [sflag:s26], $0x4000  }
0xa8: {  	[sflag:s26] =	ssyncset.done $0x0  }
0xa9: {  	s15 =	sadd.s32 s12, s22;
	[sflag:s26] =	ssyncadd.s32 $0xFFFFC000  }
0xaa: {  	[tilespmem:s4], [sflag:$0x3] =	stream.linear.gather [hbm4b:s15+s4], $0x80, $0x38;
	[tilespmem:$0x1C280] =	vst v63  }
0xab: {  	_ =	swait.ge [sflag:s26], $0x80  }
0xac: {  	[sflag:s26] =	ssyncset.done $0x0  }
0xad: {  	s16 =	sadd.s32 s12, s21;
	[sflag:s26] =	ssyncadd.s32 $0xFFFFFF80  }
0xae: {  	[tilespmem:s30], [sflag:$0x3] =	stream.linear.gather [hbm4b:s16+s4], $0x80, $0x38;
	[tilespmem:$0x1C280] =	vst v63  }
0xaf: {  	_ =	swait.ge [sflag:s26], $0x80  }
0xb0: {  	[sflag:s26] =	ssyncset.done $0x0  }
0xb1: {  	[sflag:s26] =	ssyncadd.s32 $0xFFFFFF80  }
0xb2: {  	[tilespmem:s25], [sflag:$0x1] =	stream.indirect.gather [hbm4b:s5+s29], $0x80, s4, s29, $0xb8;
	[tilespmem:$0x1C280] =	vst v63  }
0xb3: {  	_ =	swait.ge [sflag:s1], $0x4000  }
0xb4: {  	[sflag:s1] =	ssyncset.done $0x0  }
0xb5: {  	[sflag:s1] =	ssyncadd.s32 $0xFFFFC000  }
0xb6: {  	[spmem:s2] =	stream.indirect.scatter.add.f32 [tilespmem:s0], [sflag:$0x3], $0x80, s31, s29, $0xb8;
	[tilespmem:$0x1C280] =	vst v63  }
0xb7: {  	_ =	swait.ge [sflag:s26], $0x4000  }
0xb8: {  	[sflag:s26] =	ssyncset.done $0x0  }
0xb9: {  	[sflag:s26] =	ssyncadd.s32 $0xFFFFC000  }
0xba: {  	[tilespmem:s29], [sflag:$0x3] =	stream.linear.gather [hbm4b:s19+s4], $0x80, $0x38;
	[tilespmem:$0x1C280] =	vst v63  }
0xbb: {  	_ =	swait.ge [sflag:s26], $0x80  }
0xbc: {  	[sflag:s26] =	ssyncset.done $0x0  }
0xbd: {  	[sflag:s26] =	ssyncadd.s32 $0xFFFFFF80  }
0xbe: {  	[tilespmem:s31], [sflag:$0x3] =	stream.linear.gather [hbm4b:s20+s4], $0x80, $0x38;
	[tilespmem:$0x1C280] =	vst v63  }
0xbf: {  	_ =	swait.ge [sflag:s26], $0x80  }
0xc0: {  	[sflag:s26] =	ssyncset.done $0x0  }
0xc1: {  	[sflag:s26] =	ssyncadd.s32 $0xFFFFFF80  }
0xc2: {  	[tilespmem:s0], [sflag:$0x2] =	stream.indirect.gather [hbm4b:s5+s29], $0x80, s29, s29, $0xb8;
	[tilespmem:$0x1C280] =	vst v63  }
0xc3: {  	_ =	swait.ge [sflag:s3], $0x4000  }
0xc4: {  	[sflag:s3] =	ssyncset.done $0x0  }
0xc5: {  	[sflag:s3] =	ssyncadd.s32 $0xFFFFC000  }
0xc6: {  	[spmem:s2] =	stream.indirect.scatter.add.f32 [tilespmem:s25], [sflag:$0x3], $0x80, s30, s29, $0xb8;
	[tilespmem:$0x1C280] =	vst v63  }
0xc7: {  	_ =	swait.ge [sflag:s26], $0x4000  }
0xc8: {  	[sflag:s26] =	ssyncset.done $0x0  }
0xc9: {  	[sflag:s26] =	ssyncadd.s32 $0xFFFFC000  }
0xca: {  	_ =	swait.ge [sflag:s1], $0x4000  }
0xcb: {  	[sflag:s1] =	ssyncset.done $0x0  }
0xcc: {  	[sflag:s1] =	ssyncadd.s32 $0xFFFFC000  }
0xcd: {  	[spmem:s2] =	stream.indirect.scatter.add.f32 [tilespmem:s0], [sflag:$0x3], $0x80, s31, s29, $0xb8;
	[tilespmem:$0x1C280] =	vst v63  }
0xce: {  	_ =	swait.ge [sflag:s26], $0x4000  }
0xcf: {  	[sflag:s26] =	ssyncset.done $0x0  }
0xd0: {  	[sflag:s26] =	ssyncadd.s32 $0xFFFFC000  }
0xd1: {  	[bflag:$0x0] =	sbarrier.arrive $0xFFFF  }
0xd2: {  	[tilespmem:s28], [sflag:$0x3] =	stream.linear.gather [hbm4b:s6+s4], $0x80, $0x38;
	[tilespmem:$0x1C280] =	vst v63  }
0xd3: {  	_ =	swait.ge [sflag:s26], $0x80  }
0xd4: {  	[sflag:s26] =	ssyncset.done $0x0  }
0xd5: {  	[sflag:s26] =	ssyncadd.s32 $0xFFFFFF80  }
0xd6: {  	[tilespmem:s25], [sflag:$0x3] =	stream.indirect.gather [spmem:s2], $0x80, s28, s29, $0xb8;
	[tilespmem:$0x1C280] =	vst v63  }
0xd7: {  	_ =	swait.ge [sflag:s26], $0x4000  }
0xd8: {  	[sflag:s26] =	ssyncset.done $0x0  }
0xd9: {  	s13 =	rddreg [dreg:$0x7];
	[sflag:s26] =	ssyncadd.s32 $0xFFFFC000  }
0xda: {  	[hbm4b:s13+s4] =	stream.linear.scatter [tilespmem:s25], [sflag:$0x3], $0x4000, $0x38;
	[tilespmem:$0x1C280] =	vst v63  }
0xdb: {  	_ =	swait.ge [sflag:s26], $0x4000  }
0xdc: {  	[sflag:s26] =	ssyncset.done $0x0  }
0xdd: {  	[sflag:s26] =	ssyncadd.s32 $0xFFFFC000  }
0xde: {  	[tilespmem:s28], [sflag:$0x3] =	stream.linear.gather [hbm4b:s7+s4], $0x80, $0x38;
	[tilespmem:$0x1C280] =	vst v63  }
0xdf: {  	_ =	swait.ge [sflag:s26], $0x80  }
0xe0: {  	[sflag:s26] =	ssyncset.done $0x0  }
0xe1: {  	[sflag:s26] =	ssyncadd.s32 $0xFFFFFF80  }
0xe2: {  	[tilespmem:s25], [sflag:$0x3] =	stream.indirect.gather [spmem:s2], $0x80, s28, s29, $0xb8;
	[tilespmem:$0x1C280] =	vst v63  }
0xe3: {  	_ =	swait.ge [sflag:s26], $0x4000  }
0xe4: {  	[sflag:s26] =	ssyncset.done $0x0  }
0xe5: {  	s14 =	rddreg [dreg:$0x8];
	[sflag:s26] =	ssyncadd.s32 $0xFFFFC000  }
0xe6: {  	[hbm4b:s14+s4] =	stream.linear.scatter [tilespmem:s25], [sflag:$0x3], $0x4000, $0x38;
	[tilespmem:$0x1C280] =	vst v63  }
0xe7: {  	_ =	swait.ge [sflag:s26], $0x4000  }
0xe8: {  	[sflag:s26] =	ssyncset.done $0x0  }
0xe9: {  	[sflag:s26] =	ssyncadd.s32 $0xFFFFC000  }
0xea: {  	[tilespmem:s28], [sflag:$0x3] =	stream.linear.gather [hbm4b:s8+s4], $0x80, $0x38;
	[tilespmem:$0x1C280] =	vst v63  }
0xeb: {  	_ =	swait.ge [sflag:s26], $0x80  }
0xec: {  	[sflag:s26] =	ssyncset.done $0x0  }
0xed: {  	[sflag:s26] =	ssyncadd.s32 $0xFFFFFF80  }
0xee: {  	[tilespmem:s25], [sflag:$0x3] =	stream.indirect.gather [spmem:s2], $0x80, s28, s29, $0xb8;
	[tilespmem:$0x1C280] =	vst v63  }
0xef: {  	_ =	swait.ge [sflag:s26], $0x4000  }
0xf0: {  	[sflag:s26] =	ssyncset.done $0x0  }
0xf1: {  	s15 =	rddreg [dreg:$0x9];
	[sflag:s26] =	ssyncadd.s32 $0xFFFFC000  }
0xf2: {  	[hbm4b:s15+s4] =	stream.linear.scatter [tilespmem:s25], [sflag:$0x3], $0x4000, $0x38;
	[tilespmem:$0x1C280] =	vst v63  }
0xf3: {  	_ =	swait.ge [sflag:s26], $0x4000  }
0xf4: {  	[sflag:s26] =	ssyncset.done $0x0  }
0xf5: {  	[sflag:s26] =	ssyncadd.s32 $0xFFFFC000  }
0xf6: {  	[tilespmem:s28], [sflag:$0x3] =	stream.linear.gather [hbm4b:s9+s4], $0x80, $0x38;
	[tilespmem:$0x1C280] =	vst v63  }
0xf7: {  	_ =	swait.ge [sflag:s26], $0x80  }
0xf8: {  	[sflag:s26] =	ssyncset.done $0x0  }
0xf9: {  	[sflag:s26] =	ssyncadd.s32 $0xFFFFFF80  }
0xfa: {  	[tilespmem:s25], [sflag:$0x3] =	stream.indirect.gather [spmem:s2], $0x80, s28, s29, $0xb8;
	[tilespmem:$0x1C280] =	vst v63  }
0xfb: {  	_ =	swait.ge [sflag:s26], $0x4000  }
0xfc: {  	[sflag:s26] =	ssyncset.done $0x0  }
0xfd: {  	s16 =	rddreg [dreg:$0xa];
	[sflag:s26] =	ssyncadd.s32 $0xFFFFC000  }
0xfe: {  	[hbm4b:s16+s4] =	stream.linear.scatter [tilespmem:s25], [sflag:$0x3], $0x4000, $0x38;
	[tilespmem:$0x1C280] =	vst v63  }
0xff: {  	_ =	swait.ge [sflag:s26], $0x4000  }
0x100: {  	[sflag:s26] =	ssyncset.done $0x0  }
0x101: {  	[sflag:s26] =	ssyncadd.s32 $0xFFFFC000  }
0x102: {  	[tilespmem:s28], [sflag:$0x3] =	stream.linear.gather [hbm4b:s10+s4], $0x80, $0x38;
	[tilespmem:$0x1C280] =	vst v63  }
0x103: {  	_ =	swait.ge [sflag:s26], $0x80  }
0x104: {  	[sflag:s26] =	ssyncset.done $0x0  }
0x105: {  	[sflag:s26] =	ssyncadd.s32 $0xFFFFFF80  }
0x106: {  	[tilespmem:s25], [sflag:$0x3] =	stream.indirect.gather [spmem:s2], $0x80, s28, s29, $0xb8;
	[tilespmem:$0x1C280] =	vst v63  }
0x107: {  	s11 =	sadd.s32 $0x1, s11;
	_ =	swait.ge [sflag:s26], $0x4000  }
0x108: {  	p0 =	sne.s32 s11, s18;
	[sflag:s26] =	ssyncset.done $0x0  }
.Ltmp1:
0x109: {  	[sflag:s26] =	ssyncadd.s32 $0xFFFFC000;
	(pc) =	sbr.rel @p0 .LBB2_1-.Ltmp1, $4  }
0x10a: {  	[hbm4b:s17+s4] =	stream.linear.scatter [tilespmem:s25], [sflag:$0x3], $0x4000, $0x38;
	[tilespmem:$0x1C280] =	vst v63  }
0x10b: {  	_ =	swait.ge [sflag:s26], $0x4000  }
0x10c: {  	[sflag:s26] =	ssyncset.done $0x0  }
0x10d: {  	[sflag:s26] =	ssyncadd.s32 $0xFFFFC000  }
0x10e: {  	_ =	sfence.sel $0x180000  }
0x10f: {  	[bflag:$0x0] =	sbarrier.arrive $0xFFFF  }
0x110: {  	_ =	strace $0x90000050  }
0x111: {  	s0 =	stileid.u32;
	[bflag:$0x2] =	sbarrier.arrive $0xFFFF  }
0x112: {  	p0 =	sne.s32 s0, $0x0;
	s0 =	rddreg [dreg:$0x4]  }
0x113: {  	s0 =	sadd.s32 @!p0 $0x100000, s0  }
0x114: {  	[sflag:s0] =	ssyncadd.tile.s32 @!p0 $0x1;
	_ =	shalt  }
.Lfunc_end2:
_tile_overlayer_lowered:
.L_overlay_start_2:
0x115: {  	(tag) =	ssettag $0x2  }
0x116: {  	s0 =	rddreg [dreg:$0x0];
	s2 =	stileid.u32  }
0x117: {  	s1 =	rddreg [dreg:$0x1];
	p0 =	sne.s32 s2, $0x0  }
0x118: {  	s3 =	rddreg [dreg:$0x2];
	[bflag:$0x3] =	sbarrier.arrive $0xFFFF;
	s2 =	simm.s32 @!p0 $0x1C03  }
0x119: {  	[timem:s3], [sflag:s2] =	dma.local @!p0 [hbm:s0], s1  }
0x11a: {  	s0 =	simm.s32 @!p0 $0x3  }
0x11b: {  	_ =	swait.ge @!p0 [sflag:s0], s1  }
0x11c: {  	s1 =	ssub.s32 @!p0 $0x0, s1;
	[sflag:s0] =	ssyncset.done @!p0 $0x0  }
0x11d: {  	[sflag:s0] =	ssyncadd.s32 @!p0 s1  }
0x11e: {  	[bflag:$0x3] =	sbarrier.arrive $0xFFFF  }
0x11f: {  	_ =	shalt  }

</sc_bundles>
